<compile_context>
chip_gen: v7x
topology: tpu7x:2x2x1
jax: 0.10.2.dev20260603
libtpu: 0.0.44.dev20260713+nightly
codegen_flags: <defaults>
</compile_context>

<pallas_src>
import jax
import jax.numpy as jnp
from jax import lax
from jax.experimental import pallas as pl
from jax.experimental.pallas import tpu as pltpu
from jax.experimental.pallas import tpu_sc as plsc

RAD = 2
KP = 4096
H = 512
W = 512
B = 8
NW = 32
KPW = (B * KP) // NW
NCHUNK = KPW // 16



def _mp5_cols(x):
    h, w = x.shape
    pad = jnp.full((h, 2), -jnp.inf, x.dtype)
    c = jnp.concatenate([pad, x, pad], axis=1)
    m = c[:, 0:w]
    for i in range(1, 5):
        m = jnp.maximum(m, c[:, i:i + w])
    return m


def _mp5_rows(x):
    h, w = x.shape
    pad = jnp.full((2, w), -jnp.inf, x.dtype)
    c = jnp.concatenate([pad, x, pad], axis=0)
    m = c[0:h]
    for i in range(1, 5):
        m = jnp.maximum(m, c[i:i + h])
    return m


def _mp5(x):
    return _mp5_rows(_mp5_cols(x))


def _nms_body(s_ref, out_ref):
    s = s_ref[0]
    maxm = s == _mp5(s)
    for _ in range(2):
        supp = _mp5(jnp.where(maxm, 1.0, 0.0)) > 0.0
        ss = jnp.where(supp, 0.0, s)
        newm = ss == _mp5(ss)
        maxm = maxm | (newm & (~supp))
    nms = jnp.where(maxm, s, 0.0)
    ri = lax.broadcasted_iota(jnp.int32, (H, W), 0)
    ci = lax.broadcasted_iota(jnp.int32, (H, W), 1)
    interior = (ri >= RAD) & (ri < H - RAD) & (ci >= RAD) & (ci < W - RAD)
    out_ref[0] = jnp.where(interior, nms, 0.0)


def _nms_pallas(s3):
    return pl.pallas_call(
        _nms_body,
        grid=(B,),
        in_specs=[pl.BlockSpec((1, H, W), lambda b: (b, 0, 0))],
        out_specs=pl.BlockSpec((1, H, W), lambda b: (b, 0, 0)),
        out_shape=jax.ShapeDtypeStruct((B, H, W), jnp.float32),
    )(s3)



def _floor_i32(v):
    i = v.astype(jnp.int32)
    return jnp.where(v < i.astype(jnp.float32), i - 1, i)


def _refine_body(idx_hbm, img_hbm, kx_hbm, ky_hbm, dp_hbm, ks_hbm,
                 idxk_v, gi_v, patch_v, bidx_v, bval_v,
                 kx_v, ky_v, dp_v, ks_v, px_v, py_v, sem):
    wid = lax.axis_index("s") * 2 + lax.axis_index("c")
    base = wid * KPW
    img_b = base // KP
    ibase = img_b * (H * W)

    pltpu.sync_copy(idx_hbm.at[pl.ds(base, KPW)], idxk_v)

    def p1(i, _):
        fidx = idxk_v[pl.ds(i * 16, 16)]
        y = lax.shift_right_logical(fidx, 9)
        x = jnp.bitwise_and(fidx, W - 1)
        for p in range(25):
            dy = p // 5 - RAD
            dx = p % 5 - RAD
            yy = y + dy
            xx = x + dx
            valid = (yy >= 0) & (yy < H) & (xx >= 0) & (xx < W)
            yc = jnp.clip(yy, 0, H - 1)
            xc = jnp.clip(xx, 0, W - 1)
            gi = jnp.where(valid, ibase + yc * W + xc, ibase)
            gi_v[pl.ds(p * KPW + i * 16, 16)] = gi
        return 0

    lax.fori_loop(0, NCHUNK, p1, 0)
    pltpu.async_copy(img_hbm.at[gi_v], patch_v, sem).wait()

    def p2(i, _):
        fidx = idxk_v[pl.ds(i * 16, 16)]
        y = lax.shift_right_logical(fidx, 9)
        x = jnp.bitwise_and(fidx, W - 1)
        vals = []
        for p in range(25):
            dy = p // 5 - RAD
            dx = p % 5 - RAD
            yy = y + dy
            xx = x + dx
            valid = (yy >= 0) & (yy < H) & (xx >= 0) & (xx < W)
            v = patch_v[pl.ds(p * KPW + i * 16, 16)]
            vals.append(jnp.where(valid, v, 0.0))
        m = vals[0]
        for p in range(1, 25):
            m = jnp.maximum(m, vals[p])
        s = jnp.zeros((16,), jnp.float32)
        sx = jnp.zeros((16,), jnp.float32)
        sy = jnp.zeros((16,), jnp.float32)
        sq = jnp.zeros((16,), jnp.float32)
        for p in range(25):
            hx = float(p % 5 - RAD)
            hy = float(p // 5 - RAD)
            e = jnp.exp((vals[p] - m) / 0.1)
            s = s + e
            sx = sx + e * hx
            sy = sy + e * hy
            sq = sq + e * (hx * hx + hy * hy)
        xr = sx / s
        yr = sy / s
        dp_v[pl.ds(i * 16, 16)] = (sq / s - (xr * xr + yr * yr)) * 0.25
        xf = x.astype(jnp.float32)
        yf = y.astype(jnp.float32)
        kx = (xf + xr) / (W - 1) * 2.0 - 1.0
        ky = (yf + yr) / (H - 1) * 2.0 - 1.0
        kx_v[pl.ds(i * 16, 16)] = kx
        ky_v[pl.ds(i * 16, 16)] = ky
        px = (kx + 1.0) / 2.0 * (W - 1)
        py = (ky + 1.0) / 2.0 * (H - 1)
        px_v[pl.ds(i * 16, 16)] = px
        py_v[pl.ds(i * 16, 16)] = py
        x0 = _floor_i32(px)
        y0 = _floor_i32(py)
        x0c = jnp.clip(x0, 0, W - 1)
        x1c = jnp.clip(x0 + 1, 0, W - 1)
        y0c = jnp.clip(y0, 0, H - 1)
        y1c = jnp.clip(y0 + 1, 0, H - 1)
        bidx_v[pl.ds(0 * KPW + i * 16, 16)] = ibase + y0c * W + x0c
        bidx_v[pl.ds(1 * KPW + i * 16, 16)] = ibase + y1c * W + x0c
        bidx_v[pl.ds(2 * KPW + i * 16, 16)] = ibase + y0c * W + x1c
        bidx_v[pl.ds(3 * KPW + i * 16, 16)] = ibase + y1c * W + x1c
        return 0

    lax.fori_loop(0, NCHUNK, p2, 0)
    pltpu.async_copy(img_hbm.at[bidx_v], bval_v, sem).wait()

    def p3(i, _):
        px = px_v[pl.ds(i * 16, 16)]
        py = py_v[pl.ds(i * 16, 16)]
        x0f = _floor_i32(px).astype(jnp.float32)
        y0f = _floor_i32(py).astype(jnp.float32)
        wx1 = px - x0f
        wx0 = (x0f + 1.0) - px
        wy1 = py - y0f
        wy0 = (y0f + 1.0) - py
        va = bval_v[pl.ds(0 * KPW + i * 16, 16)]
        vb = bval_v[pl.ds(1 * KPW + i * 16, 16)]
        vc = bval_v[pl.ds(2 * KPW + i * 16, 16)]
        vd = bval_v[pl.ds(3 * KPW + i * 16, 16)]
        ks_v[pl.ds(i * 16, 16)] = (wx0 * wy0 * va + wx0 * wy1 * vb
                                   + wx1 * wy0 * vc + wx1 * wy1 * vd)
        return 0

    lax.fori_loop(0, NCHUNK, p3, 0)

    pltpu.sync_copy(kx_v, kx_hbm.at[pl.ds(base, KPW)])
    pltpu.sync_copy(ky_v, ky_hbm.at[pl.ds(base, KPW)])
    pltpu.sync_copy(dp_v, dp_hbm.at[pl.ds(base, KPW)])
    pltpu.sync_copy(ks_v, ks_hbm.at[pl.ds(base, KPW)])


def _refine_sc(idx_flat, img_flat):
    mesh = plsc.VectorSubcoreMesh(core_axis_name="c", subcore_axis_name="s")
    f32 = jnp.float32
    i32 = jnp.int32
    out_t = [jax.ShapeDtypeStruct((B * KP,), f32) for _ in range(4)]
    scratch = [
        pltpu.VMEM((KPW,), i32),
        pltpu.VMEM((25 * KPW,), i32),
        pltpu.VMEM((25 * KPW,), f32),
        pltpu.VMEM((4 * KPW,), i32),
        pltpu.VMEM((4 * KPW,), f32),
        pltpu.VMEM((KPW,), f32),
        pltpu.VMEM((KPW,), f32),
        pltpu.VMEM((KPW,), f32),
        pltpu.VMEM((KPW,), f32),
        pltpu.VMEM((KPW,), f32),
        pltpu.VMEM((KPW,), f32),
        pltpu.SemaphoreType.DMA,
    ]
    fn = pl.kernel(_refine_body, out_type=out_t, mesh=mesh,
                   scratch_types=scratch)
    return fn(idx_flat, img_flat)



CH = (H * W) // 4
NV = CH // 16
NB = 1024
NBV = NB // 16
WASTE = NW * KP


def _vex(vec, lane):
    sel = lax.iota(jnp.int32, 16) == lane
    return jnp.max(jnp.where(sel, vec, jnp.int32(-2147483648)))


def _sel_body(keys_hbm, candb_hbm, candi_hbm,
              key_v, hist_v, tmp_v, gh_v, cnt_v, cnt4_v, ckey_v, cidx_v,
              didx_v, shist, scnt):
    c = lax.axis_index("c")
    s = lax.axis_index("s")
    b = c * 4 + s // 4
    q = s % 4
    bi = s // 4
    w = c * 16 + s
    pltpu.sync_copy(keys_hbm.at[pl.ds(b * (H * W) + q * CH, CH)], key_v)

    zeros16 = jnp.zeros((16,), jnp.int32)
    ones16 = jnp.ones((16,), jnp.int32)
    lanes = lax.iota(jnp.int32, 16)

    prefix = jnp.int32(0)
    n_above = jnp.int32(0)
    target = jnp.int32(KP)
    for lvl in range(3):
        shift = 20 - 10 * lvl

        def clr(i, _):
            hist_v[pl.ds(i * 16, 16)] = zeros16
            return 0

        lax.fori_loop(0, NBV, clr, 0)

        if lvl == 0:
            def hst(i, _):
                for u in range(2):
                    k16 = key_v[pl.ds((i * 2 + u) * 16, 16)]
                    bins = lax.shift_right_logical(k16, 20)
                    plsc.addupdate_scatter(hist_v, [bins], ones16)
                return 0
        else:
            pref = prefix
            sh = shift

            def hst(i, _):
                for u in range(2):
                    k16 = key_v[pl.ds((i * 2 + u) * 16, 16)]
                    msk = lax.shift_right_logical(k16, sh + 10) == pref
                    bins = jnp.bitwise_and(lax.shift_right_logical(k16, sh),
                                           NB - 1)
                    plsc.addupdate_scatter(hist_v, [bins], ones16, mask=msk)
                return 0

        lax.fori_loop(0, NV // 2, hst, 0)
        plsc.subcore_barrier()
        pltpu.sync_copy(hist_v, shist.at[pl.ds(s * NB, NB)])
        plsc.subcore_barrier()

        def clrg(i, _):
            gh_v[pl.ds(i * 16, 16)] = zeros16
            return 0

        lax.fori_loop(0, NBV, clrg, 0)
        for j in range(4):
            pltpu.sync_copy(shist.at[pl.ds((bi * 4 + j) * NB, NB)], tmp_v)

            def acc(i, _):
                gh_v[pl.ds(i * 16, 16)] = (
                    gh_v[pl.ds(i * 16, 16)] + tmp_v[pl.ds(i * 16, 16)])
                return 0

            lax.fori_loop(0, NBV, acc, 0)

        def scan(i, car):
            run, beta, ngt, found = car
            basev = (NBV - 1 - i) * 16
            chunk = gh_v[pl.ds(basev, 16)]
            rev = lax.rev(chunk, (0,))
            tot = run + plsc.cumsum(rev)
            hit = (tot >= target) & (found == 0)
            npos = jnp.max(plsc.all_reduce_population_count(hit))
            ffs = jnp.max(plsc.all_reduce_ffs(hit))
            new_beta = basev + 15 - ffs
            new_ngt = _vex(tot, ffs) - _vex(rev, ffs)
            got = (npos > 0) & (found == 0)
            beta = jnp.where(got, new_beta, beta)
            ngt = jnp.where(got, new_ngt, ngt)
            found = jnp.where(got, jnp.int32(1), found)
            run = run + jnp.sum(chunk)
            return run, beta, ngt, found

        _, beta_l, ngt_l, _ = lax.fori_loop(
            0, NBV, scan,
            (jnp.int32(0), jnp.int32(0), jnp.int32(0), jnp.int32(0)))
        def lcl(i, car):
            la, le = car
            chunk = hist_v[pl.ds(i * 16, 16)]
            binidx = i * 16 + lanes
            la = la + jnp.sum(jnp.where(binidx > beta_l, chunk, 0))
            le = le + jnp.sum(jnp.where(binidx == beta_l, chunk, 0))
            return la, le

        la_l, le_l = lax.fori_loop(0, NBV, lcl,
                                   (jnp.int32(0), jnp.int32(0)))
        gt_w = la_l if lvl == 0 else gt_w + la_l
        eq_w = le_l
        prefix = jnp.bitwise_or(lax.shift_left(prefix, 10), beta_l)
        n_above = n_above + ngt_l
        target = target - ngt_l

    T = prefix
    cnt_v[...] = jnp.where(lanes == 0, gt_w,
                           jnp.where(lanes == 1, eq_w, 0))
    plsc.subcore_barrier()
    pltpu.sync_copy(cnt_v, scnt.at[pl.ds(s * 16, 16)])
    plsc.subcore_barrier()
    pltpu.sync_copy(scnt.at[pl.ds(bi * 64, 64)], cnt4_v)
    gt_pre = jnp.int32(0)
    eq_pre = jnp.int32(0)
    n_gt_tot = jnp.int32(0)
    for j in range(4):
        row = cnt4_v[pl.ds(j * 16, 16)]
        gj = _vex(row, jnp.int32(0))
        ej = _vex(row, jnp.int32(1))
        gt_pre = gt_pre + jnp.where(jnp.int32(j) < q, gj, 0)
        eq_pre = eq_pre + jnp.where(jnp.int32(j) < q, ej, 0)
        n_gt_tot = n_gt_tot + gj
    m = jnp.int32(KP) - n_gt_tot
    keep_eq = jnp.clip(m - eq_pre, 0, eq_w)
    out_off = gt_pre + jnp.minimum(eq_pre, m)

    def cmp_(i, car):
        o, eqr = car
        k16 = key_v[pl.ds(i * 16, 16)]
        gt = k16 > T
        eq = k16 == T
        eqc = plsc.cumsum(eq.astype(jnp.int32))
        keep = eq & ((eqr + eqc) <= keep_eq)
        sel = gt | keep
        fidx = q * CH + i * 16 + lanes
        plsc.store_compressed(ckey_v.at[pl.ds(o, 16)], k16, mask=sel)
        plsc.store_compressed(cidx_v.at[pl.ds(o, 16)], fidx, mask=sel)
        o = o + jnp.max(plsc.all_reduce_population_count(sel))
        eqr = eqr + jnp.max(plsc.all_reduce_population_count(eq))
        return o, eqr

    cnt_w, _ = lax.fori_loop(0, NV, cmp_, (jnp.int32(0), jnp.int32(0)))

    def mkd(i, _):
        pos = i * 16 + lanes
        real = pos < cnt_w
        dst = jnp.where(real, b * KP + out_off + pos,
                        B * KP + w * KP + pos)
        didx_v[pl.ds(i * 16, 16)] = dst
        return 0

    lax.fori_loop(0, KP // 16, mkd, 0)
    pltpu.sync_copy(ckey_v.at[pl.ds(0, KP)], candb_hbm.at[didx_v])
    pltpu.sync_copy(cidx_v.at[pl.ds(0, KP)], candi_hbm.at[didx_v])


def _select_sc(keys_flat):
    mesh = plsc.VectorSubcoreMesh(core_axis_name="c", subcore_axis_name="s")
    i32 = jnp.int32
    out_t = [jax.ShapeDtypeStruct((B * KP + WASTE,), i32) for _ in range(2)]
    scratch = [
        pltpu.VMEM((CH,), i32),
        pltpu.VMEM((NB,), i32),
        pltpu.VMEM((NB,), i32),
        pltpu.VMEM((NB,), i32),
        pltpu.VMEM((16,), i32),
        pltpu.VMEM((64,), i32),
        pltpu.VMEM((KP + 16,), i32),
        pltpu.VMEM((KP + 16,), i32),
        pltpu.VMEM((KP,), i32),
        pltpu.VMEM_SHARED((16 * NB,), i32),
        pltpu.VMEM_SHARED((256,), i32),
    ]
    fn = pl.kernel(_sel_body, out_type=out_t, mesh=mesh,
                   scratch_types=scratch,
                   compiler_params=pltpu.CompilerParams(
                       needs_layout_passes=False))
    return fn(keys_flat)



@jax.jit
def kernel(scores_map):
    s3 = scores_map[:, 0]
    nms = _nms_pallas(s3)
    keys_flat = lax.bitcast_convert_type(nms, jnp.int32).reshape(-1)
    candb, candi = _select_sc(keys_flat)
    cand_vals = lax.bitcast_convert_type(candb[:B * KP].reshape(B, KP),
                                         jnp.float32)
    cand_idx = candi[:B * KP].reshape(B, KP)
    _, order = lax.top_k(cand_vals, KP)
    idx = jnp.take_along_axis(cand_idx, order, axis=-1)
    idx_flat = idx.reshape(-1).astype(jnp.int32)
    img_flat = s3.reshape(-1)
    kx, ky, dp, ks = _refine_sc(idx_flat, img_flat)
    kpts = jnp.stack([kx, ky], axis=-1).reshape(B, KP, 2)
    disp = dp.reshape(B, KP)
    kptscores = ks.reshape(B, KP)
    return kpts, disp, kptscores

# --- scband reference (transcript-rebuilt; emitter-appended) ---
"""Pipeline reference for scband-dkd-12816182411600 (READ-ONLY COPY).

The authoritative reference and input builder live on the scoring server;
editing this copy changes nothing except your own understanding.
"""

import jax, jax.numpy as jnp
import numpy as np

RADIUS = 2
TOP_K = 4096
TEMP = 0.1


def _max_pool(x, r):
    k = 2 * r + 1
    return jax.lax.reduce_window(x, -jnp.inf, jax.lax.max, (1, 1, k, k), (1, 1, 1, 1), ((0, 0), (0, 0), (r, r), (r, r)))


def _simple_nms(scores, r):
    zeros = jnp.zeros_like(scores)
    max_mask = scores == _max_pool(scores, r)
    for _ in range(2):
        supp_mask = _max_pool(max_mask.astype(scores.dtype), r) > 0
        supp_scores = jnp.where(supp_mask, zeros, scores)
        new_max = supp_scores == _max_pool(supp_scores, r)
        max_mask = max_mask | (new_max & (~supp_mask))
    return jnp.where(max_mask, scores, zeros)


def _hw_grid(r):
    ks = 2 * r + 1
    x = np.linspace(-r, r, ks)
    gi, gj = np.meshgrid(x, x, indexing='ij')
    return jnp.asarray(np.stack([gi, gj]).reshape(2, -1).T[:, [1, 0]], dtype=jnp.float32)


def _bilinear(img, xs, ys):
    H, W = img.shape
    x0 = jnp.floor(xs); y0 = jnp.floor(ys)
    x1 = x0 + 1.0; y1 = y0 + 1.0
    wa = (x1 - xs) * (y1 - ys)
    wb = (x1 - xs) * (ys - y0)
    wc = (xs - x0) * (y1 - ys)
    wd = (xs - x0) * (ys - y0)
    def g(yi, xi):
        yi = jnp.clip(yi.astype(jnp.int32), 0, H - 1)
        xi = jnp.clip(xi.astype(jnp.int32), 0, W - 1)
        return img[yi, xi]
    return wa * g(y0, x0) + wb * g(y1, x0) + wc * g(y0, x1) + wd * g(y1, x1)


def setup_inputs(seed: int = 0) -> dict:
    key = jax.random.key(seed)
    scores_map = jax.random.uniform(key, (8, 1, 512, 512), dtype=jnp.float32)
    return {"scores_map": scores_map}


def reference(scores_map):
    b, c, h, w = scores_map.shape
    r = RADIUS
    ks = 2 * r + 1
    scores_nograd = jax.lax.stop_gradient(scores_map)
    nms = _simple_nms(scores_nograd, r)
    nms = nms.at[:, :, :r, :].set(0.0)
    nms = nms.at[:, :, :, :r].set(0.0)
    nms = nms.at[:, :, -r:, :].set(0.0)
    nms = nms.at[:, :, :, -r:].set(0.0)
    flat = nms.reshape(b, -1)
    _, idx = jax.lax.top_k(flat, TOP_K)
    ys = idx // w
    xs = idx % w
    # unfold-equivalent: gather (2r+1)x(2r+1) zero-padded patches at keypoint locations
    padded = jnp.pad(scores_map[:, 0], ((0, 0), (r, r), (r, r)))
    def get_patch(img, y, x):
        return jax.lax.dynamic_slice(img, (y, x), (ks, ks)).reshape(-1)
    patches = jax.vmap(lambda img, yv, xv: jax.vmap(get_patch, (None, 0, 0))(img, yv, xv))(padded, ys, xs)  # (B,K,ks*ks)
    hw = _hw_grid(r)  # (ks*ks, 2) in (x, y) order
    max_v = jax.lax.stop_gradient(jnp.max(patches, axis=-1, keepdims=True))
    x_exp = jnp.exp((patches - max_v) / TEMP)
    s = jnp.sum(x_exp, axis=-1)
    xy_res = jnp.einsum('bkp,pd->bkd', x_exp, hw) / s[..., None]
    dist2 = jnp.sum(((hw[None, None, :, :] - xy_res[:, :, None, :]) / r) ** 2, axis=-1)
    disp = jnp.sum(x_exp * dist2, axis=-1) / s
    nms_xy = jnp.stack([xs, ys], axis=-1).astype(jnp.float32)
    wh = jnp.array([w - 1, h - 1], dtype=jnp.float32)
    kpts = (nms_xy + xy_res) / wh * 2.0 - 1.0
    # grid_sample (bilinear, align_corners=True)
    px = (kpts[..., 0] + 1.0) / 2.0 * (w - 1)
    py = (kpts[..., 1] + 1.0) / 2.0 * (h - 1)
    kptscores = jax.vmap(_bilinear)(scores_map[:, 0], px, py)
    return kpts, disp, kptscores

if __name__ == "__main__":
    import jax
    _d = setup_inputs()
    print(jax.jit(kernel)(*tuple(_d.values())))

</pallas_src>

<mosaic_0001>
#map = affine_map<(d0, d1) -> (0)>
module attributes {stable_mosaic.version = 14 : i64} {
  func.func @_refine_body(%arg0: i32, %arg1: i32, %arg2: memref<32768xi32, #tpu.memory_space<hbm>>, %arg3: memref<2097152xf32, #tpu.memory_space<hbm>>, %arg4: memref<32768xf32, #tpu.memory_space<hbm>>, %arg5: memref<32768xf32, #tpu.memory_space<hbm>>, %arg6: memref<32768xf32, #tpu.memory_space<hbm>>, %arg7: memref<32768xf32, #tpu.memory_space<hbm>>, %arg8: memref<1024xi32, #tpu.memory_space<vmem>>, %arg9: memref<25600xi32, #tpu.memory_space<vmem>>, %arg10: memref<25600xf32, #tpu.memory_space<vmem>>, %arg11: memref<4096xi32, #tpu.memory_space<vmem>>, %arg12: memref<4096xf32, #tpu.memory_space<vmem>>, %arg13: memref<1024xf32, #tpu.memory_space<vmem>>, %arg14: memref<1024xf32, #tpu.memory_space<vmem>>, %arg15: memref<1024xf32, #tpu.memory_space<vmem>>, %arg16: memref<1024xf32, #tpu.memory_space<vmem>>, %arg17: memref<1024xf32, #tpu.memory_space<vmem>>, %arg18: memref<1024xf32, #tpu.memory_space<vmem>>, %arg19: memref<!tpu.dma_semaphore, #tpu.memory_space<semaphore_mem>>) attributes {dimension_semantics = [#tpu.dimension_semantics<core_parallel>, #tpu.dimension_semantics<subcore_parallel>], iteration_bounds = array<i64: 2, 16>, scalar_prefetch = 0 : i64, scratch_operands = 12 : i64, tpu.core_type = #tpu.core_type<sc_vector_subcore>, window_params = [{transform_indices = #map}, {transform_indices = #map}, {transform_indices = #map}, {transform_indices = #map}, {transform_indices = #map}, {transform_indices = #map}]} {
    %mul3A = arith.constant 2 : i32
    %mul3A_0 = arith.muli %arg1, %mul3A : i32
    %add3A = arith.addi %mul3A_0, %arg0 : i32
    %mul3A_1 = arith.constant 1024 : i32
    %mul3A_2 = arith.muli %add3A, %mul3A_1 : i32
    %jit3A = arith.constant 4096 : i32
    %div3A = arith.divsi %mul3A_2, %jit3A : i32
    %sign3A = arith.constant 0 : i32
    %sign3A_3 = arith.cmpi sgt, %mul3A_2, %sign3A : i32
    %sign3A_4 = arith.extui %sign3A_3 : i1 to i32
    %sign3A_5 = arith.constant 0 : i32
    %sign3A_6 = arith.cmpi slt, %mul3A_2, %sign3A_5 : i32
    %sign3A_7 = arith.extui %sign3A_6 : i1 to i32
    %sign3A_8 = arith.subi %sign3A_4, %sign3A_7 : i32
    %sign3A_9 = arith.constant 0 : i32
    %sign3A_10 = arith.cmpi sgt, %jit3A, %sign3A_9 : i32
    %sign3A_11 = arith.extui %sign3A_10 : i1 to i32
    %sign3A_12 = arith.constant 0 : i32
    %sign3A_13 = arith.cmpi slt, %jit3A, %sign3A_12 : i32
    %sign3A_14 = arith.extui %sign3A_13 : i1 to i32
    %sign3A_15 = arith.subi %sign3A_11, %sign3A_14 : i32
    %ne3A = arith.cmpi ne, %sign3A_8, %sign3A_15 : i32
    %rem3A = arith.remsi %mul3A_2, %jit3A : i32
    %ne3A_16 = arith.constant 0 : i32
    %ne3A_17 = arith.cmpi ne, %rem3A, %ne3A_16 : i32
    %and3A = arith.andi %ne3A, %ne3A_17 : i1
    %sub3A = arith.constant 1 : i32
    %sub3A_18 = arith.subi %div3A, %sub3A : i32
    %select_n3A = arith.select %and3A, %sub3A_18, %div3A : i32
    %mul3A_19 = arith.constant 262144 : i32
    %mul3A_20 = arith.muli %select_n3A, %mul3A_19 : i32
    "tpu.region"() ({
      %run_scoped3A = tpu.sem_alloc : memref<!tpu.dma_semaphore, #tpu.memory_space<semaphore_mem>>
      %dma_start3A_47 = tpu.memref_slice %arg2[%mul3A_2] : memref<32768xi32, #tpu.memory_space<hbm>> -> memref<1024xi32, #tpu.memory_space<hbm>>
      %dma_start3A_48 = tpu.memref_slice %arg2[%mul3A_2] : memref<32768xi32, #tpu.memory_space<hbm>> -> memref<1024xi32, #tpu.memory_space<hbm>>
      tpu.enqueue_dma source(%dma_start3A_48 : memref<1024xi32, #tpu.memory_space<hbm>>) target(%arg8 : memref<1024xi32, #tpu.memory_space<vmem>>) target_semaphore(%run_scoped3A : memref<!tpu.dma_semaphore, #tpu.memory_space<semaphore_mem>>)
      %dma_wait3A_49 = tpu.memref_slice %arg2[%mul3A_2] : memref<32768xi32, #tpu.memory_space<hbm>> -> memref<1024xi32, #tpu.memory_space<hbm>>
      %dma_wait3A_50 = tpu.memref_slice %arg2[%mul3A_2] : memref<32768xi32, #tpu.memory_space<hbm>> -> memref<1024xi32, #tpu.memory_space<hbm>>
      tpu.wait_dma2 semaphore(%run_scoped3A : memref<!tpu.dma_semaphore, #tpu.memory_space<semaphore_mem>>) src(%dma_wait3A_50 : memref<1024xi32, #tpu.memory_space<hbm>>) dst(%arg8 : memref<1024xi32, #tpu.memory_space<vmem>>)
      tpu.yield
    }) : () -> ()
    %scan3A = arith.constant 0 : i32
    %scan3A_21 = arith.constant 0 : i32
    %scan3A_22 = arith.constant 64 : i32
    %scan3A_23 = arith.addi %scan3A_21, %scan3A_22 : i32
    %scan3A_24 = arith.constant 1 : i32
    %scan3A_25 = scf.for %scan3A_47 = %scan3A_21 to %scan3A_23 step %scan3A_24 iter_args(%scan3A_48 = %scan3A) -> (i32)  : i32 {
      %mul3A_49 = arith.constant 16 : i32
      %mul3A_50 = arith.muli %scan3A_47, %mul3A_49 : i32
      %get3A = arith.index_cast %mul3A_50 : i32 to index
      %get3A_51 = tpu.vector_load %arg8[%get3A] {strides = array<i32>} : memref<1024xi32, #tpu.memory_space<vmem>>, vector<16xi32>,
      %shift_right_logical3A = arith.constant 9 : i32
      %shift_right_logical3A_52 = vector.broadcast %shift_right_logical3A : i32 to vector<16xi32>
      %shift_right_logical3A_53 = arith.shrui %get3A_51, %shift_right_logical3A_52 : vector<16xi32>
      %and3A_54 = arith.constant 511 : i32
      %and3A_55 = vector.broadcast %and3A_54 : i32 to vector<16xi32>
      %and3A_56 = arith.andi %get3A_51, %and3A_55 : vector<16xi32>
      %add3A_57 = arith.constant -2 : i32
      %add3A_58 = vector.broadcast %add3A_57 : i32 to vector<16xi32>
      %add3A_59 = arith.addi %shift_right_logical3A_53, %add3A_58 : vector<16xi32>
      %add3A_60 = arith.constant -2 : i32
      %add3A_61 = vector.broadcast %add3A_60 : i32 to vector<16xi32>
      %add3A_62 = arith.addi %and3A_56, %add3A_61 : vector<16xi32>
      %ge3A = arith.constant 0 : i32
      %ge3A_63 = vector.broadcast %ge3A : i32 to vector<16xi32>
      %ge3A_64 = arith.cmpi sge, %add3A_59, %ge3A_63 : vector<16xi32>
      %lt3A = arith.constant 512 : i32
      %lt3A_65 = vector.broadcast %lt3A : i32 to vector<16xi32>
      %lt3A_66 = arith.cmpi slt, %add3A_59, %lt3A_65 : vector<16xi32>
      %and3A_67 = arith.andi %ge3A_64, %lt3A_66 : vector<16xi1>
      %ge3A_68 = arith.constant 0 : i32
      %ge3A_69 = vector.broadcast %ge3A_68 : i32 to vector<16xi32>
      %ge3A_70 = arith.cmpi sge, %add3A_62, %ge3A_69 : vector<16xi32>
      %and3A_71 = arith.andi %and3A_67, %ge3A_70 : vector<16xi1>
      %lt3A_72 = arith.constant 512 : i32
      %lt3A_73 = vector.broadcast %lt3A_72 : i32 to vector<16xi32>
      %lt3A_74 = arith.cmpi slt, %add3A_62, %lt3A_73 : vector<16xi32>
      %and3A_75 = arith.andi %and3A_71, %lt3A_74 : vector<16xi1>
      %jit3A_76 = arith.constant 0 : i32
      %jit3A_77 = arith.constant 511 : i32
      %max3A = vector.broadcast %jit3A_76 : i32 to vector<16xi32>
      %max3A_78 = arith.maxsi %max3A, %add3A_59 : vector<16xi32>
      %min3A = vector.broadcast %jit3A_77 : i32 to vector<16xi32>
      %min3A_79 = arith.minsi %min3A, %max3A_78 : vector<16xi32>
      %jit3A_80 = arith.constant 0 : i32
      %jit3A_81 = arith.constant 511 : i32
      %max3A_82 = vector.broadcast %jit3A_80 : i32 to vector<16xi32>
      %max3A_83 = arith.maxsi %max3A_82, %add3A_62 : vector<16xi32>
      %min3A_84 = vector.broadcast %jit3A_81 : i32 to vector<16xi32>
      %min3A_85 = arith.minsi %min3A_84, %max3A_83 : vector<16xi32>
      %mul3A_86 = arith.constant 512 : i32
      %mul3A_87 = vector.broadcast %mul3A_86 : i32 to vector<16xi32>
      %mul3A_88 = arith.muli %min3A_79, %mul3A_87 : vector<16xi32>
      %add3A_89 = vector.broadcast %mul3A_20 : i32 to vector<16xi32>
      %add3A_90 = arith.addi %add3A_89, %mul3A_88 : vector<16xi32>
      %add3A_91 = arith.addi %add3A_90, %min3A_85 : vector<16xi32>
      %broadcast_in_dim3A = vector.broadcast %mul3A_20 : i32 to vector<16xi32>
      %select_n3A_92 = arith.select %and3A_75, %add3A_91, %broadcast_in_dim3A : vector<16xi1>, vector<16xi32>
      %mul3A_93 = arith.constant 16 : i32
      %mul3A_94 = arith.muli %scan3A_47, %mul3A_93 : i32
      %add3A_95 = arith.constant 0 : i32
      %add3A_96 = arith.addi %add3A_95, %mul3A_94 : i32
      %swap3A = arith.index_cast %add3A_96 : i32 to index
      %swap3A_97 = tpu.vector_load %arg9[%swap3A] {strides = array<i32>} : memref<25600xi32, #tpu.memory_space<vmem>>, vector<16xi32>,
      %swap3A_98 = vector.shape_cast %swap3A_97 : vector<16xi32> to vector<16xi32>
      %swap3A_99 = vector.shape_cast %select_n3A_92 : vector<16xi32> to vector<16xi32>
      tpu.vector_store %arg9[%swap3A], %swap3A_99 {strides = array<i32>} : memref<25600xi32, #tpu.memory_space<vmem>>, vector<16xi32>,
      %add3A_100 = arith.constant -2 : i32
      %add3A_101 = vector.broadcast %add3A_100 : i32 to vector<16xi32>
      %add3A_102 = arith.addi %shift_right_logical3A_53, %add3A_101 : vector<16xi32>
      %add3A_103 = arith.constant -1 : i32
      %add3A_104 = vector.broadcast %add3A_103 : i32 to vector<16xi32>
      %add3A_105 = arith.addi %and3A_56, %add3A_104 : vector<16xi32>
      %ge3A_106 = arith.constant 0 : i32
      %ge3A_107 = vector.broadcast %ge3A_106 : i32 to vector<16xi32>
      %ge3A_108 = arith.cmpi sge, %add3A_102, %ge3A_107 : vector<16xi32>
      %lt3A_109 = arith.constant 512 : i32
      %lt3A_110 = vector.broadcast %lt3A_109 : i32 to vector<16xi32>
      %lt3A_111 = arith.cmpi slt, %add3A_102, %lt3A_110 : vector<16xi32>
      %and3A_112 = arith.andi %ge3A_108, %lt3A_111 : vector<16xi1>
      %ge3A_113 = arith.constant 0 : i32
      %ge3A_114 = vector.broadcast %ge3A_113 : i32 to vector<16xi32>
      %ge3A_115 = arith.cmpi sge, %add3A_105, %ge3A_114 : vector<16xi32>
      %and3A_116 = arith.andi %and3A_112, %ge3A_115 : vector<16xi1>
      %lt3A_117 = arith.constant 512 : i32
      %lt3A_118 = vector.broadcast %lt3A_117 : i32 to vector<16xi32>
      %lt3A_119 = arith.cmpi slt, %add3A_105, %lt3A_118 : vector<16xi32>
      %and3A_120 = arith.andi %and3A_116, %lt3A_119 : vector<16xi1>
      %jit3A_121 = arith.constant 0 : i32
      %jit3A_122 = arith.constant 511 : i32
      %max3A_123 = vector.broadcast %jit3A_121 : i32 to vector<16xi32>
      %max3A_124 = arith.maxsi %max3A_123, %add3A_102 : vector<16xi32>
      %min3A_125 = vector.broadcast %jit3A_122 : i32 to vector<16xi32>
      %min3A_126 = arith.minsi %min3A_125, %max3A_124 : vector<16xi32>
      %jit3A_127 = arith.constant 0 : i32
      %jit3A_128 = arith.constant 511 : i32
      %max3A_129 = vector.broadcast %jit3A_127 : i32 to vector<16xi32>
      %max3A_130 = arith.maxsi %max3A_129, %add3A_105 : vector<16xi32>
      %min3A_131 = vector.broadcast %jit3A_128 : i32 to vector<16xi32>
      %min3A_132 = arith.minsi %min3A_131, %max3A_130 : vector<16xi32>
      %mul3A_133 = arith.constant 512 : i32
      %mul3A_134 = vector.broadcast %mul3A_133 : i32 to vector<16xi32>
      %mul3A_135 = arith.muli %min3A_126, %mul3A_134 : vector<16xi32>
      %add3A_136 = vector.broadcast %mul3A_20 : i32 to vector<16xi32>
      %add3A_137 = arith.addi %add3A_136, %mul3A_135 : vector<16xi32>
      %add3A_138 = arith.addi %add3A_137, %min3A_132 : vector<16xi32>
      %broadcast_in_dim3A_139 = vector.broadcast %mul3A_20 : i32 to vector<16xi32>
      %select_n3A_140 = arith.select %and3A_120, %add3A_138, %broadcast_in_dim3A_139 : vector<16xi1>, vector<16xi32>
      %mul3A_141 = arith.constant 16 : i32
      %mul3A_142 = arith.muli %scan3A_47, %mul3A_141 : i32
      %add3A_143 = arith.constant 1024 : i32
      %add3A_144 = arith.addi %add3A_143, %mul3A_142 : i32
      %swap3A_145 = arith.index_cast %add3A_144 : i32 to index
      %swap3A_146 = tpu.vector_load %arg9[%swap3A_145] {strides = array<i32>} : memref<25600xi32, #tpu.memory_space<vmem>>, vector<16xi32>,
      %swap3A_147 = vector.shape_cast %swap3A_146 : vector<16xi32> to vector<16xi32>
      %swap3A_148 = vector.shape_cast %select_n3A_140 : vector<16xi32> to vector<16xi32>
      tpu.vector_store %arg9[%swap3A_145], %swap3A_148 {strides = array<i32>} : memref<25600xi32, #tpu.memory_space<vmem>>, vector<16xi32>,
      %add3A_149 = arith.constant -2 : i32
      %add3A_150 = vector.broadcast %add3A_149 : i32 to vector<16xi32>
      %add3A_151 = arith.addi %shift_right_logical3A_53, %add3A_150 : vector<16xi32>
      %add3A_152 = arith.constant 0 : i32
      %add3A_153 = vector.broadcast %add3A_152 : i32 to vector<16xi32>
      %add3A_154 = arith.addi %and3A_56, %add3A_153 : vector<16xi32>
      %ge3A_155 = arith.constant 0 : i32
      %ge3A_156 = vector.broadcast %ge3A_155 : i32 to vector<16xi32>
      %ge3A_157 = arith.cmpi sge, %add3A_151, %ge3A_156 : vector<16xi32>
      %lt3A_158 = arith.constant 512 : i32
      %lt3A_159 = vector.broadcast %lt3A_158 : i32 to vector<16xi32>
      %lt3A_160 = arith.cmpi slt, %add3A_151, %lt3A_159 : vector<16xi32>
      %and3A_161 = arith.andi %ge3A_157, %lt3A_160 : vector<16xi1>
      %ge3A_162 = arith.constant 0 : i32
      %ge3A_163 = vector.broadcast %ge3A_162 : i32 to vector<16xi32>
      %ge3A_164 = arith.cmpi sge, %add3A_154, %ge3A_163 : vector<16xi32>
      %and3A_165 = arith.andi %and3A_161, %ge3A_164 : vector<16xi1>
      %lt3A_166 = arith.constant 512 : i32
      %lt3A_167 = vector.broadcast %lt3A_166 : i32 to vector<16xi32>
      %lt3A_168 = arith.cmpi slt, %add3A_154, %lt3A_167 : vector<16xi32>
      %and3A_169 = arith.andi %and3A_165, %lt3A_168 : vector<16xi1>
      %jit3A_170 = arith.constant 0 : i32
      %jit3A_171 = arith.constant 511 : i32
      %max3A_172 = vector.broadcast %jit3A_170 : i32 to vector<16xi32>
      %max3A_173 = arith.maxsi %max3A_172, %add3A_151 : vector<16xi32>
      %min3A_174 = vector.broadcast %jit3A_171 : i32 to vector<16xi32>
      %min3A_175 = arith.minsi %min3A_174, %max3A_173 : vector<16xi32>
      %jit3A_176 = arith.constant 0 : i32
      %jit3A_177 = arith.constant 511 : i32
      %max3A_178 = vector.broadcast %jit3A_176 : i32 to vector<16xi32>
      %max3A_179 = arith.maxsi %max3A_178, %add3A_154 : vector<16xi32>
      %min3A_180 = vector.broadcast %jit3A_177 : i32 to vector<16xi32>
      %min3A_181 = arith.minsi %min3A_180, %max3A_179 : vector<16xi32>
      %mul3A_182 = arith.constant 512 : i32
      %mul3A_183 = vector.broadcast %mul3A_182 : i32 to vector<16xi32>
      %mul3A_184 = arith.muli %min3A_175, %mul3A_183 : vector<16xi32>
      %add3A_185 = vector.broadcast %mul3A_20 : i32 to vector<16xi32>
      %add3A_186 = arith.addi %add3A_185, %mul3A_184 : vector<16xi32>
      %add3A_187 = arith.addi %add3A_186, %min3A_181 : vector<16xi32>
      %broadcast_in_dim3A_188 = vector.broadcast %mul3A_20 : i32 to vector<16xi32>
      %select_n3A_189 = arith.select %and3A_169, %add3A_187, %broadcast_in_dim3A_188 : vector<16xi1>, vector<16xi32>
      %mul3A_190 = arith.constant 16 : i32
      %mul3A_191 = arith.muli %scan3A_47, %mul3A_190 : i32
      %add3A_192 = arith.constant 2048 : i32
      %add3A_193 = arith.addi %add3A_192, %mul3A_191 : i32
      %swap3A_194 = arith.index_cast %add3A_193 : i32 to index
      %swap3A_195 = tpu.vector_load %arg9[%swap3A_194] {strides = array<i32>} : memref<25600xi32, #tpu.memory_space<vmem>>, vector<16xi32>,
      %swap3A_196 = vector.shape_cast %swap3A_195 : vector<16xi32> to vector<16xi32>
      %swap3A_197 = vector.shape_cast %select_n3A_189 : vector<16xi32> to vector<16xi32>
      tpu.vector_store %arg9[%swap3A_194], %swap3A_197 {strides = array<i32>} : memref<25600xi32, #tpu.memory_space<vmem>>, vector<16xi32>,
      %add3A_198 = arith.constant -2 : i32
      %add3A_199 = vector.broadcast %add3A_198 : i32 to vector<16xi32>
      %add3A_200 = arith.addi %shift_right_logical3A_53, %add3A_199 : vector<16xi32>
      %add3A_201 = arith.constant 1 : i32
      %add3A_202 = vector.broadcast %add3A_201 : i32 to vector<16xi32>
      %add3A_203 = arith.addi %and3A_56, %add3A_202 : vector<16xi32>
      %ge3A_204 = arith.constant 0 : i32
      %ge3A_205 = vector.broadcast %ge3A_204 : i32 to vector<16xi32>
      %ge3A_206 = arith.cmpi sge, %add3A_200, %ge3A_205 : vector<16xi32>
      %lt3A_207 = arith.constant 512 : i32
      %lt3A_208 = vector.broadcast %lt3A_207 : i32 to vector<16xi32>
      %lt3A_209 = arith.cmpi slt, %add3A_200, %lt3A_208 : vector<16xi32>
      %and3A_210 = arith.andi %ge3A_206, %lt3A_209 : vector<16xi1>
      %ge3A_211 = arith.constant 0 : i32
      %ge3A_212 = vector.broadcast %ge3A_211 : i32 to vector<16xi32>
      %ge3A_213 = arith.cmpi sge, %add3A_203, %ge3A_212 : vector<16xi32>
      %and3A_214 = arith.andi %and3A_210, %ge3A_213 : vector<16xi1>
      %lt3A_215 = arith.constant 512 : i32
      %lt3A_216 = vector.broadcast %lt3A_215 : i32 to vector<16xi32>
      %lt3A_217 = arith.cmpi slt, %add3A_203, %lt3A_216 : vector<16xi32>
      %and3A_218 = arith.andi %and3A_214, %lt3A_217 : vector<16xi1>
      %jit3A_219 = arith.constant 0 : i32
      %jit3A_220 = arith.constant 511 : i32
      %max3A_221 = vector.broadcast %jit3A_219 : i32 to vector<16xi32>
      %max3A_222 = arith.maxsi %max3A_221, %add3A_200 : vector<16xi32>
      %min3A_223 = vector.broadcast %jit3A_220 : i32 to vector<16xi32>
      %min3A_224 = arith.minsi %min3A_223, %max3A_222 : vector<16xi32>
      %jit3A_225 = arith.constant 0 : i32
      %jit3A_226 = arith.constant 511 : i32
      %max3A_227 = vector.broadcast %jit3A_225 : i32 to vector<16xi32>
      %max3A_228 = arith.maxsi %max3A_227, %add3A_203 : vector<16xi32>
      %min3A_229 = vector.broadcast %jit3A_226 : i32 to vector<16xi32>
      %min3A_230 = arith.minsi %min3A_229, %max3A_228 : vector<16xi32>
      %mul3A_231 = arith.constant 512 : i32
      %mul3A_232 = vector.broadcast %mul3A_231 : i32 to vector<16xi32>
      %mul3A_233 = arith.muli %min3A_224, %mul3A_232 : vector<16xi32>
      %add3A_234 = vector.broadcast %mul3A_20 : i32 to vector<16xi32>
      %add3A_235 = arith.addi %add3A_234, %mul3A_233 : vector<16xi32>
      %add3A_236 = arith.addi %add3A_235, %min3A_230 : vector<16xi32>
      %broadcast_in_dim3A_237 = vector.broadcast %mul3A_20 : i32 to vector<16xi32>
      %select_n3A_238 = arith.select %and3A_218, %add3A_236, %broadcast_in_dim3A_237 : vector<16xi1>, vector<16xi32>
      %mul3A_239 = arith.constant 16 : i32
      %mul3A_240 = arith.muli %scan3A_47, %mul3A_239 : i32
      %add3A_241 = arith.constant 3072 : i32
      %add3A_242 = arith.addi %add3A_241, %mul3A_240 : i32
      %swap3A_243 = arith.index_cast %add3A_242 : i32 to index
      %swap3A_244 = tpu.vector_load %arg9[%swap3A_243] {strides = array<i32>} : memref<25600xi32, #tpu.memory_space<vmem>>, vector<16xi32>,
      %swap3A_245 = vector.shape_cast %swap3A_244 : vector<16xi32> to vector<16xi32>
      %swap3A_246 = vector.shape_cast %select_n3A_238 : vector<16xi32> to vector<16xi32>
      tpu.vector_store %arg9[%swap3A_243], %swap3A_246 {strides = array<i32>} : memref<25600xi32, #tpu.memory_space<vmem>>, vector<16xi32>,
      %add3A_247 = arith.constant -2 : i32
      %add3A_248 = vector.broadcast %add3A_247 : i32 to vector<16xi32>
      %add3A_249 = arith.addi %shift_right_logical3A_53, %add3A_248 : vector<16xi32>
      %add3A_250 = arith.constant 2 : i32
      %add3A_251 = vector.broadcast %add3A_250 : i32 to vector<16xi32>
      %add3A_252 = arith.addi %and3A_56, %add3A_251 : vector<16xi32>
      %ge3A_253 = arith.constant 0 : i32
      %ge3A_254 = vector.broadcast %ge3A_253 : i32 to vector<16xi32>
      %ge3A_255 = arith.cmpi sge, %add3A_249, %ge3A_254 : vector<16xi32>
      %lt3A_256 = arith.constant 512 : i32
      %lt3A_257 = vector.broadcast %lt3A_256 : i32 to vector<16xi32>
      %lt3A_258 = arith.cmpi slt, %add3A_249, %lt3A_257 : vector<16xi32>
      %and3A_259 = arith.andi %ge3A_255, %lt3A_258 : vector<16xi1>
      %ge3A_260 = arith.constant 0 : i32
      %ge3A_261 = vector.broadcast %ge3A_260 : i32 to vector<16xi32>
      %ge3A_262 = arith.cmpi sge, %add3A_252, %ge3A_261 : vector<16xi32>
      %and3A_263 = arith.andi %and3A_259, %ge3A_262 : vector<16xi1>
      %lt3A_264 = arith.constant 512 : i32
      %lt3A_265 = vector.broadcast %lt3A_264 : i32 to vector<16xi32>
      %lt3A_266 = arith.cmpi slt, %add3A_252, %lt3A_265 : vector<16xi32>
      %and3A_267 = arith.andi %and3A_263, %lt3A_266 : vector<16xi1>
      %jit3A_268 = arith.constant 0 : i32
      %jit3A_269 = arith.constant 511 : i32
      %max3A_270 = vector.broadcast %jit3A_268 : i32 to vector<16xi32>
      %max3A_271 = arith.maxsi %max3A_270, %add3A_249 : vector<16xi32>
      %min3A_272 = vector.broadcast %jit3A_269 : i32 to vector<16xi32>
      %min3A_273 = arith.minsi %min3A_272, %max3A_271 : vector<16xi32>
      %jit3A_274 = arith.constant 0 : i32
      %jit3A_275 = arith.constant 511 : i32
      %max3A_276 = vector.broadcast %jit3A_274 : i32 to vector<16xi32>
      %max3A_277 = arith.maxsi %max3A_276, %add3A_252 : vector<16xi32>
      %min3A_278 = vector.broadcast %jit3A_275 : i32 to vector<16xi32>
      %min3A_279 = arith.minsi %min3A_278, %max3A_277 : vector<16xi32>
      %mul3A_280 = arith.constant 512 : i32
      %mul3A_281 = vector.broadcast %mul3A_280 : i32 to vector<16xi32>
      %mul3A_282 = arith.muli %min3A_273, %mul3A_281 : vector<16xi32>
      %add3A_283 = vector.broadcast %mul3A_20 : i32 to vector<16xi32>
      %add3A_284 = arith.addi %add3A_283, %mul3A_282 : vector<16xi32>
      %add3A_285 = arith.addi %add3A_284, %min3A_279 : vector<16xi32>
      %broadcast_in_dim3A_286 = vector.broadcast %mul3A_20 : i32 to vector<16xi32>
      %select_n3A_287 = arith.select %and3A_267, %add3A_285, %broadcast_in_dim3A_286 : vector<16xi1>, vector<16xi32>
      %mul3A_288 = arith.constant 16 : i32
      %mul3A_289 = arith.muli %scan3A_47, %mul3A_288 : i32
      %add3A_290 = arith.constant 4096 : i32
      %add3A_291 = arith.addi %add3A_290, %mul3A_289 : i32
      %swap3A_292 = arith.index_cast %add3A_291 : i32 to index
      %swap3A_293 = tpu.vector_load %arg9[%swap3A_292] {strides = array<i32>} : memref<25600xi32, #tpu.memory_space<vmem>>, vector<16xi32>,
      %swap3A_294 = vector.shape_cast %swap3A_293 : vector<16xi32> to vector<16xi32>
      %swap3A_295 = vector.shape_cast %select_n3A_287 : vector<16xi32> to vector<16xi32>
      tpu.vector_store %arg9[%swap3A_292], %swap3A_295 {strides = array<i32>} : memref<25600xi32, #tpu.memory_space<vmem>>, vector<16xi32>,
      %add3A_296 = arith.constant -1 : i32
      %add3A_297 = vector.broadcast %add3A_296 : i32 to vector<16xi32>
      %add3A_298 = arith.addi %shift_right_logical3A_53, %add3A_297 : vector<16xi32>
      %add3A_299 = arith.constant -2 : i32
      %add3A_300 = vector.broadcast %add3A_299 : i32 to vector<16xi32>
      %add3A_301 = arith.addi %and3A_56, %add3A_300 : vector<16xi32>
      %ge3A_302 = arith.constant 0 : i32
      %ge3A_303 = vector.broadcast %ge3A_302 : i32 to vector<16xi32>
      %ge3A_304 = arith.cmpi sge, %add3A_298, %ge3A_303 : vector<16xi32>
      %lt3A_305 = arith.constant 512 : i32
      %lt3A_306 = vector.broadcast %lt3A_305 : i32 to vector<16xi32>
      %lt3A_307 = arith.cmpi slt, %add3A_298, %lt3A_306 : vector<16xi32>
      %and3A_308 = arith.andi %ge3A_304, %lt3A_307 : vector<16xi1>
      %ge3A_309 = arith.constant 0 : i32
      %ge3A_310 = vector.broadcast %ge3A_309 : i32 to vector<16xi32>
      %ge3A_311 = arith.cmpi sge, %add3A_301, %ge3A_310 : vector<16xi32>
      %and3A_312 = arith.andi %and3A_308, %ge3A_311 : vector<16xi1>
      %lt3A_313 = arith.constant 512 : i32
      %lt3A_314 = vector.broadcast %lt3A_313 : i32 to vector<16xi32>
      %lt3A_315 = arith.cmpi slt, %add3A_301, %lt3A_314 : vector<16xi32>
      %and3A_316 = arith.andi %and3A_312, %lt3A_315 : vector<16xi1>
      %jit3A_317 = arith.constant 0 : i32
      %jit3A_318 = arith.constant 511 : i32
      %max3A_319 = vector.broadcast %jit3A_317 : i32 to vector<16xi32>
      %max3A_320 = arith.maxsi %max3A_319, %add3A_298 : vector<16xi32>
      %min3A_321 = vector.broadcast %jit3A_318 : i32 to vector<16xi32>
      %min3A_322 = arith.minsi %min3A_321, %max3A_320 : vector<16xi32>
      %jit3A_323 = arith.constant 0 : i32
      %jit3A_324 = arith.constant 511 : i32
      %max3A_325 = vector.broadcast %jit3A_323 : i32 to vector<16xi32>
      %max3A_326 = arith.maxsi %max3A_325, %add3A_301 : vector<16xi32>
      %min3A_327 = vector.broadcast %jit3A_324 : i32 to vector<16xi32>
      %min3A_328 = arith.minsi %min3A_327, %max3A_326 : vector<16xi32>
      %mul3A_329 = arith.constant 512 : i32
      %mul3A_330 = vector.broadcast %mul3A_329 : i32 to vector<16xi32>
      %mul3A_331 = arith.muli %min3A_322, %mul3A_330 : vector<16xi32>
      %add3A_332 = vector.broadcast %mul3A_20 : i32 to vector<16xi32>
      %add3A_333 = arith.addi %add3A_332, %mul3A_331 : vector<16xi32>
      %add3A_334 = arith.addi %add3A_333, %min3A_328 : vector<16xi32>
      %broadcast_in_dim3A_335 = vector.broadcast %mul3A_20 : i32 to vector<16xi32>
      %select_n3A_336 = arith.select %and3A_316, %add3A_334, %broadcast_in_dim3A_335 : vector<16xi1>, vector<16xi32>
      %mul3A_337 = arith.constant 16 : i32
      %mul3A_338 = arith.muli %scan3A_47, %mul3A_337 : i32
      %add3A_339 = arith.constant 5120 : i32
      %add3A_340 = arith.addi %add3A_339, %mul3A_338 : i32
      %swap3A_341 = arith.index_cast %add3A_340 : i32 to index
      %swap3A_342 = tpu.vector_load %arg9[%swap3A_341] {strides = array<i32>} : memref<25600xi32, #tpu.memory_space<vmem>>, vector<16xi32>,
      %swap3A_343 = vector.shape_cast %swap3A_342 : vector<16xi32> to vector<16xi32>
      %swap3A_344 = vector.shape_cast %select_n3A_336 : vector<16xi32> to vector<16xi32>
      tpu.vector_store %arg9[%swap3A_341], %swap3A_344 {strides = array<i32>} : memref<25600xi32, #tpu.memory_space<vmem>>, vector<16xi32>,
      %add3A_345 = arith.constant -1 : i32
      %add3A_346 = vector.broadcast %add3A_345 : i32 to vector<16xi32>
      %add3A_347 = arith.addi %shift_right_logical3A_53, %add3A_346 : vector<16xi32>
      %add3A_348 = arith.constant -1 : i32
      %add3A_349 = vector.broadcast %add3A_348 : i32 to vector<16xi32>
      %add3A_350 = arith.addi %and3A_56, %add3A_349 : vector<16xi32>
      %ge3A_351 = arith.constant 0 : i32
      %ge3A_352 = vector.broadcast %ge3A_351 : i32 to vector<16xi32>
      %ge3A_353 = arith.cmpi sge, %add3A_347, %ge3A_352 : vector<16xi32>
      %lt3A_354 = arith.constant 512 : i32
      %lt3A_355 = vector.broadcast %lt3A_354 : i32 to vector<16xi32>
      %lt3A_356 = arith.cmpi slt, %add3A_347, %lt3A_355 : vector<16xi32>
      %and3A_357 = arith.andi %ge3A_353, %lt3A_356 : vector<16xi1>
      %ge3A_358 = arith.constant 0 : i32
      %ge3A_359 = vector.broadcast %ge3A_358 : i32 to vector<16xi32>
      %ge3A_360 = arith.cmpi sge, %add3A_350, %ge3A_359 : vector<16xi32>
      %and3A_361 = arith.andi %and3A_357, %ge3A_360 : vector<16xi1>
      %lt3A_362 = arith.constant 512 : i32
      %lt3A_363 = vector.broadcast %lt3A_362 : i32 to vector<16xi32>
      %lt3A_364 = arith.cmpi slt, %add3A_350, %lt3A_363 : vector<16xi32>
      %and3A_365 = arith.andi %and3A_361, %lt3A_364 : vector<16xi1>
      %jit3A_366 = arith.constant 0 : i32
      %jit3A_367 = arith.constant 511 : i32
      %max3A_368 = vector.broadcast %jit3A_366 : i32 to vector<16xi32>
      %max3A_369 = arith.maxsi %max3A_368, %add3A_347 : vector<16xi32>
      %min3A_370 = vector.broadcast %jit3A_367 : i32 to vector<16xi32>
      %min3A_371 = arith.minsi %min3A_370, %max3A_369 : vector<16xi32>
      %jit3A_372 = arith.constant 0 : i32
      %jit3A_373 = arith.constant 511 : i32
      %max3A_374 = vector.broadcast %jit3A_372 : i32 to vector<16xi32>
      %max3A_375 = arith.maxsi %max3A_374, %add3A_350 : vector<16xi32>
      %min3A_376 = vector.broadcast %jit3A_373 : i32 to vector<16xi32>
      %min3A_377 = arith.minsi %min3A_376, %max3A_375 : vector<16xi32>
      %mul3A_378 = arith.constant 512 : i32
      %mul3A_379 = vector.broadcast %mul3A_378 : i32 to vector<16xi32>
      %mul3A_380 = arith.muli %min3A_371, %mul3A_379 : vector<16xi32>
      %add3A_381 = vector.broadcast %mul3A_20 : i32 to vector<16xi32>
      %add3A_382 = arith.addi %add3A_381, %mul3A_380 : vector<16xi32>
      %add3A_383 = arith.addi %add3A_382, %min3A_377 : vector<16xi32>
      %broadcast_in_dim3A_384 = vector.broadcast %mul3A_20 : i32 to vector<16xi32>
      %select_n3A_385 = arith.select %and3A_365, %add3A_383, %broadcast_in_dim3A_384 : vector<16xi1>, vector<16xi32>
      %mul3A_386 = arith.constant 16 : i32
      %mul3A_387 = arith.muli %scan3A_47, %mul3A_386 : i32
      %add3A_388 = arith.constant 6144 : i32
      %add3A_389 = arith.addi %add3A_388, %mul3A_387 : i32
      %swap3A_390 = arith.index_cast %add3A_389 : i32 to index
      %swap3A_391 = tpu.vector_load %arg9[%swap3A_390] {strides = array<i32>} : memref<25600xi32, #tpu.memory_space<vmem>>, vector<16xi32>,
      %swap3A_392 = vector.shape_cast %swap3A_391 : vector<16xi32> to vector<16xi32>
      %swap3A_393 = vector.shape_cast %select_n3A_385 : vector<16xi32> to vector<16xi32>
      tpu.vector_store %arg9[%swap3A_390], %swap3A_393 {strides = array<i32>} : memref<25600xi32, #tpu.memory_space<vmem>>, vector<16xi32>,
      %add3A_394 = arith.constant -1 : i32
      %add3A_395 = vector.broadcast %add3A_394 : i32 to vector<16xi32>
      %add3A_396 = arith.addi %shift_right_logical3A_53, %add3A_395 : vector<16xi32>
      %add3A_397 = arith.constant 0 : i32
      %add3A_398 = vector.broadcast %add3A_397 : i32 to vector<16xi32>
      %add3A_399 = arith.addi %and3A_56, %add3A_398 : vector<16xi32>
      %ge3A_400 = arith.constant 0 : i32
      %ge3A_401 = vector.broadcast %ge3A_400 : i32 to vector<16xi32>
      %ge3A_402 = arith.cmpi sge, %add3A_396, %ge3A_401 : vector<16xi32>
      %lt3A_403 = arith.constant 512 : i32
      %lt3A_404 = vector.broadcast %lt3A_403 : i32 to vector<16xi32>
      %lt3A_405 = arith.cmpi slt, %add3A_396, %lt3A_404 : vector<16xi32>
      %and3A_406 = arith.andi %ge3A_402, %lt3A_405 : vector<16xi1>
      %ge3A_407 = arith.constant 0 : i32
      %ge3A_408 = vector.broadcast %ge3A_407 : i32 to vector<16xi32>
      %ge3A_409 = arith.cmpi sge, %add3A_399, %ge3A_408 : vector<16xi32>
      %and3A_410 = arith.andi %and3A_406, %ge3A_409 : vector<16xi1>
      %lt3A_411 = arith.constant 512 : i32
      %lt3A_412 = vector.broadcast %lt3A_411 : i32 to vector<16xi32>
      %lt3A_413 = arith.cmpi slt, %add3A_399, %lt3A_412 : vector<16xi32>
      %and3A_414 = arith.andi %and3A_410, %lt3A_413 : vector<16xi1>
      %jit3A_415 = arith.constant 0 : i32
      %jit3A_416 = arith.constant 511 : i32
      %max3A_417 = vector.broadcast %jit3A_415 : i32 to vector<16xi32>
      %max3A_418 = arith.maxsi %max3A_417, %add3A_396 : vector<16xi32>
      %min3A_419 = vector.broadcast %jit3A_416 : i32 to vector<16xi32>
      %min3A_420 = arith.minsi %min3A_419, %max3A_418 : vector<16xi32>
      %jit3A_421 = arith.constant 0 : i32
      %jit3A_422 = arith.constant 511 : i32
      %max3A_423 = vector.broadcast %jit3A_421 : i32 to vector<16xi32>
      %max3A_424 = arith.maxsi %max3A_423, %add3A_399 : vector<16xi32>
      %min3A_425 = vector.broadcast %jit3A_422 : i32 to vector<16xi32>
      %min3A_426 = arith.minsi %min3A_425, %max3A_424 : vector<16xi32>
      %mul3A_427 = arith.constant 512 : i32
      %mul3A_428 = vector.broadcast %mul3A_427 : i32 to vector<16xi32>
      %mul3A_429 = arith.muli %min3A_420, %mul3A_428 : vector<16xi32>
      %add3A_430 = vector.broadcast %mul3A_20 : i32 to vector<16xi32>
      %add3A_431 = arith.addi %add3A_430, %mul3A_429 : vector<16xi32>
      %add3A_432 = arith.addi %add3A_431, %min3A_426 : vector<16xi32>
      %broadcast_in_dim3A_433 = vector.broadcast %mul3A_20 : i32 to vector<16xi32>
      %select_n3A_434 = arith.select %and3A_414, %add3A_432, %broadcast_in_dim3A_433 : vector<16xi1>, vector<16xi32>
      %mul3A_435 = arith.constant 16 : i32
      %mul3A_436 = arith.muli %scan3A_47, %mul3A_435 : i32
      %add3A_437 = arith.constant 7168 : i32
      %add3A_438 = arith.addi %add3A_437, %mul3A_436 : i32
      %swap3A_439 = arith.index_cast %add3A_438 : i32 to index
      %swap3A_440 = tpu.vector_load %arg9[%swap3A_439] {strides = array<i32>} : memref<25600xi32, #tpu.memory_space<vmem>>, vector<16xi32>,
      %swap3A_441 = vector.shape_cast %swap3A_440 : vector<16xi32> to vector<16xi32>
      %swap3A_442 = vector.shape_cast %select_n3A_434 : vector<16xi32> to vector<16xi32>
      tpu.vector_store %arg9[%swap3A_439], %swap3A_442 {strides = array<i32>} : memref<25600xi32, #tpu.memory_space<vmem>>, vector<16xi32>,
      %add3A_443 = arith.constant -1 : i32
      %add3A_444 = vector.broadcast %add3A_443 : i32 to vector<16xi32>
      %add3A_445 = arith.addi %shift_right_logical3A_53, %add3A_444 : vector<16xi32>
      %add3A_446 = arith.constant 1 : i32
      %add3A_447 = vector.broadcast %add3A_446 : i32 to vector<16xi32>
      %add3A_448 = arith.addi %and3A_56, %add3A_447 : vector<16xi32>
      %ge3A_449 = arith.constant 0 : i32
      %ge3A_450 = vector.broadcast %ge3A_449 : i32 to vector<16xi32>
      %ge3A_451 = arith.cmpi sge, %add3A_445, %ge3A_450 : vector<16xi32>
      %lt3A_452 = arith.constant 512 : i32
      %lt3A_453 = vector.broadcast %lt3A_452 : i32 to vector<16xi32>
      %lt3A_454 = arith.cmpi slt, %add3A_445, %lt3A_453 : vector<16xi32>
      %and3A_455 = arith.andi %ge3A_451, %lt3A_454 : vector<16xi1>
      %ge3A_456 = arith.constant 0 : i32
      %ge3A_457 = vector.broadcast %ge3A_456 : i32 to vector<16xi32>
      %ge3A_458 = arith.cmpi sge, %add3A_448, %ge3A_457 : vector<16xi32>
      %and3A_459 = arith.andi %and3A_455, %ge3A_458 : vector<16xi1>
      %lt3A_460 = arith.constant 512 : i32
      %lt3A_461 = vector.broadcast %lt3A_460 : i32 to vector<16xi32>
      %lt3A_462 = arith.cmpi slt, %add3A_448, %lt3A_461 : vector<16xi32>
      %and3A_463 = arith.andi %and3A_459, %lt3A_462 : vector<16xi1>
      %jit3A_464 = arith.constant 0 : i32
      %jit3A_465 = arith.constant 511 : i32
      %max3A_466 = vector.broadcast %jit3A_464 : i32 to vector<16xi32>
      %max3A_467 = arith.maxsi %max3A_466, %add3A_445 : vector<16xi32>
      %min3A_468 = vector.broadcast %jit3A_465 : i32 to vector<16xi32>
      %min3A_469 = arith.minsi %min3A_468, %max3A_467 : vector<16xi32>
      %jit3A_470 = arith.constant 0 : i32
      %jit3A_471 = arith.constant 511 : i32
      %max3A_472 = vector.broadcast %jit3A_470 : i32 to vector<16xi32>
      %max3A_473 = arith.maxsi %max3A_472, %add3A_448 : vector<16xi32>
      %min3A_474 = vector.broadcast %jit3A_471 : i32 to vector<16xi32>
      %min3A_475 = arith.minsi %min3A_474, %max3A_473 : vector<16xi32>
      %mul3A_476 = arith.constant 512 : i32
      %mul3A_477 = vector.broadcast %mul3A_476 : i32 to vector<16xi32>
      %mul3A_478 = arith.muli %min3A_469, %mul3A_477 : vector<16xi32>
      %add3A_479 = vector.broadcast %mul3A_20 : i32 to vector<16xi32>
      %add3A_480 = arith.addi %add3A_479, %mul3A_478 : vector<16xi32>
      %add3A_481 = arith.addi %add3A_480, %min3A_475 : vector<16xi32>
      %broadcast_in_dim3A_482 = vector.broadcast %mul3A_20 : i32 to vector<16xi32>
      %select_n3A_483 = arith.select %and3A_463, %add3A_481, %broadcast_in_dim3A_482 : vector<16xi1>, vector<16xi32>
      %mul3A_484 = arith.constant 16 : i32
      %mul3A_485 = arith.muli %scan3A_47, %mul3A_484 : i32
      %add3A_486 = arith.constant 8192 : i32
      %add3A_487 = arith.addi %add3A_486, %mul3A_485 : i32
      %swap3A_488 = arith.index_cast %add3A_487 : i32 to index
      %swap3A_489 = tpu.vector_load %arg9[%swap3A_488] {strides = array<i32>} : memref<25600xi32, #tpu.memory_space<vmem>>, vector<16xi32>,
      %swap3A_490 = vector.shape_cast %swap3A_489 : vector<16xi32> to vector<16xi32>
      %swap3A_491 = vector.shape_cast %select_n3A_483 : vector<16xi32> to vector<16xi32>
      tpu.vector_store %arg9[%swap3A_488], %swap3A_491 {strides = array<i32>} : memref<25600xi32, #tpu.memory_space<vmem>>, vector<16xi32>,
      %add3A_492 = arith.constant -1 : i32
      %add3A_493 = vector.broadcast %add3A_492 : i32 to vector<16xi32>
      %add3A_494 = arith.addi %shift_right_logical3A_53, %add3A_493 : vector<16xi32>
      %add3A_495 = arith.constant 2 : i32
      %add3A_496 = vector.broadcast %add3A_495 : i32 to vector<16xi32>
      %add3A_497 = arith.addi %and3A_56, %add3A_496 : vector<16xi32>
      %ge3A_498 = arith.constant 0 : i32
      %ge3A_499 = vector.broadcast %ge3A_498 : i32 to vector<16xi32>
      %ge3A_500 = arith.cmpi sge, %add3A_494, %ge3A_499 : vector<16xi32>
      %lt3A_501 = arith.constant 512 : i32
      %lt3A_502 = vector.broadcast %lt3A_501 : i32 to vector<16xi32>
      %lt3A_503 = arith.cmpi slt, %add3A_494, %lt3A_502 : vector<16xi32>
      %and3A_504 = arith.andi %ge3A_500, %lt3A_503 : vector<16xi1>
      %ge3A_505 = arith.constant 0 : i32
      %ge3A_506 = vector.broadcast %ge3A_505 : i32 to vector<16xi32>
      %ge3A_507 = arith.cmpi sge, %add3A_497, %ge3A_506 : vector<16xi32>
      %and3A_508 = arith.andi %and3A_504, %ge3A_507 : vector<16xi1>
      %lt3A_509 = arith.constant 512 : i32
      %lt3A_510 = vector.broadcast %lt3A_509 : i32 to vector<16xi32>
      %lt3A_511 = arith.cmpi slt, %add3A_497, %lt3A_510 : vector<16xi32>
      %and3A_512 = arith.andi %and3A_508, %lt3A_511 : vector<16xi1>
      %jit3A_513 = arith.constant 0 : i32
      %jit3A_514 = arith.constant 511 : i32
      %max3A_515 = vector.broadcast %jit3A_513 : i32 to vector<16xi32>
      %max3A_516 = arith.maxsi %max3A_515, %add3A_494 : vector<16xi32>
      %min3A_517 = vector.broadcast %jit3A_514 : i32 to vector<16xi32>
      %min3A_518 = arith.minsi %min3A_517, %max3A_516 : vector<16xi32>
      %jit3A_519 = arith.constant 0 : i32
      %jit3A_520 = arith.constant 511 : i32
      %max3A_521 = vector.broadcast %jit3A_519 : i32 to vector<16xi32>
      %max3A_522 = arith.maxsi %max3A_521, %add3A_497 : vector<16xi32>
      %min3A_523 = vector.broadcast %jit3A_520 : i32 to vector<16xi32>
      %min3A_524 = arith.minsi %min3A_523, %max3A_522 : vector<16xi32>
      %mul3A_525 = arith.constant 512 : i32
      %mul3A_526 = vector.broadcast %mul3A_525 : i32 to vector<16xi32>
      %mul3A_527 = arith.muli %min3A_518, %mul3A_526 : vector<16xi32>
      %add3A_528 = vector.broadcast %mul3A_20 : i32 to vector<16xi32>
      %add3A_529 = arith.addi %add3A_528, %mul3A_527 : vector<16xi32>
      %add3A_530 = arith.addi %add3A_529, %min3A_524 : vector<16xi32>
      %broadcast_in_dim3A_531 = vector.broadcast %mul3A_20 : i32 to vector<16xi32>
      %select_n3A_532 = arith.select %and3A_512, %add3A_530, %broadcast_in_dim3A_531 : vector<16xi1>, vector<16xi32>
      %mul3A_533 = arith.constant 16 : i32
      %mul3A_534 = arith.muli %scan3A_47, %mul3A_533 : i32
      %add3A_535 = arith.constant 9216 : i32
      %add3A_536 = arith.addi %add3A_535, %mul3A_534 : i32
      %swap3A_537 = arith.index_cast %add3A_536 : i32 to index
      %swap3A_538 = tpu.vector_load %arg9[%swap3A_537] {strides = array<i32>} : memref<25600xi32, #tpu.memory_space<vmem>>, vector<16xi32>,
      %swap3A_539 = vector.shape_cast %swap3A_538 : vector<16xi32> to vector<16xi32>
      %swap3A_540 = vector.shape_cast %select_n3A_532 : vector<16xi32> to vector<16xi32>
      tpu.vector_store %arg9[%swap3A_537], %swap3A_540 {strides = array<i32>} : memref<25600xi32, #tpu.memory_space<vmem>>, vector<16xi32>,
      %add3A_541 = arith.constant 0 : i32
      %add3A_542 = vector.broadcast %add3A_541 : i32 to vector<16xi32>
      %add3A_543 = arith.addi %shift_right_logical3A_53, %add3A_542 : vector<16xi32>
      %add3A_544 = arith.constant -2 : i32
      %add3A_545 = vector.broadcast %add3A_544 : i32 to vector<16xi32>
      %add3A_546 = arith.addi %and3A_56, %add3A_545 : vector<16xi32>
      %ge3A_547 = arith.constant 0 : i32
      %ge3A_548 = vector.broadcast %ge3A_547 : i32 to vector<16xi32>
      %ge3A_549 = arith.cmpi sge, %add3A_543, %ge3A_548 : vector<16xi32>
      %lt3A_550 = arith.constant 512 : i32
      %lt3A_551 = vector.broadcast %lt3A_550 : i32 to vector<16xi32>
      %lt3A_552 = arith.cmpi slt, %add3A_543, %lt3A_551 : vector<16xi32>
      %and3A_553 = arith.andi %ge3A_549, %lt3A_552 : vector<16xi1>
      %ge3A_554 = arith.constant 0 : i32
      %ge3A_555 = vector.broadcast %ge3A_554 : i32 to vector<16xi32>
      %ge3A_556 = arith.cmpi sge, %add3A_546, %ge3A_555 : vector<16xi32>
      %and3A_557 = arith.andi %and3A_553, %ge3A_556 : vector<16xi1>
      %lt3A_558 = arith.constant 512 : i32
      %lt3A_559 = vector.broadcast %lt3A_558 : i32 to vector<16xi32>
      %lt3A_560 = arith.cmpi slt, %add3A_546, %lt3A_559 : vector<16xi32>
      %and3A_561 = arith.andi %and3A_557, %lt3A_560 : vector<16xi1>
      %jit3A_562 = arith.constant 0 : i32
      %jit3A_563 = arith.constant 511 : i32
      %max3A_564 = vector.broadcast %jit3A_562 : i32 to vector<16xi32>
      %max3A_565 = arith.maxsi %max3A_564, %add3A_543 : vector<16xi32>
      %min3A_566 = vector.broadcast %jit3A_563 : i32 to vector<16xi32>
      %min3A_567 = arith.minsi %min3A_566, %max3A_565 : vector<16xi32>
      %jit3A_568 = arith.constant 0 : i32
      %jit3A_569 = arith.constant 511 : i32
      %max3A_570 = vector.broadcast %jit3A_568 : i32 to vector<16xi32>
      %max3A_571 = arith.maxsi %max3A_570, %add3A_546 : vector<16xi32>
      %min3A_572 = vector.broadcast %jit3A_569 : i32 to vector<16xi32>
      %min3A_573 = arith.minsi %min3A_572, %max3A_571 : vector<16xi32>
      %mul3A_574 = arith.constant 512 : i32
      %mul3A_575 = vector.broadcast %mul3A_574 : i32 to vector<16xi32>
      %mul3A_576 = arith.muli %min3A_567, %mul3A_575 : vector<16xi32>
      %add3A_577 = vector.broadcast %mul3A_20 : i32 to vector<16xi32>
      %add3A_578 = arith.addi %add3A_577, %mul3A_576 : vector<16xi32>
      %add3A_579 = arith.addi %add3A_578, %min3A_573 : vector<16xi32>
      %broadcast_in_dim3A_580 = vector.broadcast %mul3A_20 : i32 to vector<16xi32>
      %select_n3A_581 = arith.select %and3A_561, %add3A_579, %broadcast_in_dim3A_580 : vector<16xi1>, vector<16xi32>
      %mul3A_582 = arith.constant 16 : i32
      %mul3A_583 = arith.muli %scan3A_47, %mul3A_582 : i32
      %add3A_584 = arith.constant 10240 : i32
      %add3A_585 = arith.addi %add3A_584, %mul3A_583 : i32
      %swap3A_586 = arith.index_cast %add3A_585 : i32 to index
      %swap3A_587 = tpu.vector_load %arg9[%swap3A_586] {strides = array<i32>} : memref<25600xi32, #tpu.memory_space<vmem>>, vector<16xi32>,
      %swap3A_588 = vector.shape_cast %swap3A_587 : vector<16xi32> to vector<16xi32>
      %swap3A_589 = vector.shape_cast %select_n3A_581 : vector<16xi32> to vector<16xi32>
      tpu.vector_store %arg9[%swap3A_586], %swap3A_589 {strides = array<i32>} : memref<25600xi32, #tpu.memory_space<vmem>>, vector<16xi32>,
      %add3A_590 = arith.constant 0 : i32
      %add3A_591 = vector.broadcast %add3A_590 : i32 to vector<16xi32>
      %add3A_592 = arith.addi %shift_right_logical3A_53, %add3A_591 : vector<16xi32>
      %add3A_593 = arith.constant -1 : i32
      %add3A_594 = vector.broadcast %add3A_593 : i32 to vector<16xi32>
      %add3A_595 = arith.addi %and3A_56, %add3A_594 : vector<16xi32>
      %ge3A_596 = arith.constant 0 : i32
      %ge3A_597 = vector.broadcast %ge3A_596 : i32 to vector<16xi32>
      %ge3A_598 = arith.cmpi sge, %add3A_592, %ge3A_597 : vector<16xi32>
      %lt3A_599 = arith.constant 512 : i32
      %lt3A_600 = vector.broadcast %lt3A_599 : i32 to vector<16xi32>
      %lt3A_601 = arith.cmpi slt, %add3A_592, %lt3A_600 : vector<16xi32>
      %and3A_602 = arith.andi %ge3A_598, %lt3A_601 : vector<16xi1>
      %ge3A_603 = arith.constant 0 : i32
      %ge3A_604 = vector.broadcast %ge3A_603 : i32 to vector<16xi32>
      %ge3A_605 = arith.cmpi sge, %add3A_595, %ge3A_604 : vector<16xi32>
      %and3A_606 = arith.andi %and3A_602, %ge3A_605 : vector<16xi1>
      %lt3A_607 = arith.constant 512 : i32
      %lt3A_608 = vector.broadcast %lt3A_607 : i32 to vector<16xi32>
      %lt3A_609 = arith.cmpi slt, %add3A_595, %lt3A_608 : vector<16xi32>
      %and3A_610 = arith.andi %and3A_606, %lt3A_609 : vector<16xi1>
      %jit3A_611 = arith.constant 0 : i32
      %jit3A_612 = arith.constant 511 : i32
      %max3A_613 = vector.broadcast %jit3A_611 : i32 to vector<16xi32>
      %max3A_614 = arith.maxsi %max3A_613, %add3A_592 : vector<16xi32>
      %min3A_615 = vector.broadcast %jit3A_612 : i32 to vector<16xi32>
      %min3A_616 = arith.minsi %min3A_615, %max3A_614 : vector<16xi32>
      %jit3A_617 = arith.constant 0 : i32
      %jit3A_618 = arith.constant 511 : i32
      %max3A_619 = vector.broadcast %jit3A_617 : i32 to vector<16xi32>
      %max3A_620 = arith.maxsi %max3A_619, %add3A_595 : vector<16xi32>
      %min3A_621 = vector.broadcast %jit3A_618 : i32 to vector<16xi32>
      %min3A_622 = arith.minsi %min3A_621, %max3A_620 : vector<16xi32>
      %mul3A_623 = arith.constant 512 : i32
      %mul3A_624 = vector.broadcast %mul3A_623 : i32 to vector<16xi32>
      %mul3A_625 = arith.muli %min3A_616, %mul3A_624 : vector<16xi32>
      %add3A_626 = vector.broadcast %mul3A_20 : i32 to vector<16xi32>
      %add3A_627 = arith.addi %add3A_626, %mul3A_625 : vector<16xi32>
      %add3A_628 = arith.addi %add3A_627, %min3A_622 : vector<16xi32>
      %broadcast_in_dim3A_629 = vector.broadcast %mul3A_20 : i32 to vector<16xi32>
      %select_n3A_630 = arith.select %and3A_610, %add3A_628, %broadcast_in_dim3A_629 : vector<16xi1>, vector<16xi32>
      %mul3A_631 = arith.constant 16 : i32
      %mul3A_632 = arith.muli %scan3A_47, %mul3A_631 : i32
      %add3A_633 = arith.constant 11264 : i32
      %add3A_634 = arith.addi %add3A_633, %mul3A_632 : i32
      %swap3A_635 = arith.index_cast %add3A_634 : i32 to index
      %swap3A_636 = tpu.vector_load %arg9[%swap3A_635] {strides = array<i32>} : memref<25600xi32, #tpu.memory_space<vmem>>, vector<16xi32>,
      %swap3A_637 = vector.shape_cast %swap3A_636 : vector<16xi32> to vector<16xi32>
      %swap3A_638 = vector.shape_cast %select_n3A_630 : vector<16xi32> to vector<16xi32>
      tpu.vector_store %arg9[%swap3A_635], %swap3A_638 {strides = array<i32>} : memref<25600xi32, #tpu.memory_space<vmem>>, vector<16xi32>,
      %add3A_639 = arith.constant 0 : i32
      %add3A_640 = vector.broadcast %add3A_639 : i32 to vector<16xi32>
      %add3A_641 = arith.addi %shift_right_logical3A_53, %add3A_640 : vector<16xi32>
      %add3A_642 = arith.constant 0 : i32
      %add3A_643 = vector.broadcast %add3A_642 : i32 to vector<16xi32>
      %add3A_644 = arith.addi %and3A_56, %add3A_643 : vector<16xi32>
      %ge3A_645 = arith.constant 0 : i32
      %ge3A_646 = vector.broadcast %ge3A_645 : i32 to vector<16xi32>
      %ge3A_647 = arith.cmpi sge, %add3A_641, %ge3A_646 : vector<16xi32>
      %lt3A_648 = arith.constant 512 : i32
      %lt3A_649 = vector.broadcast %lt3A_648 : i32 to vector<16xi32>
      %lt3A_650 = arith.cmpi slt, %add3A_641, %lt3A_649 : vector<16xi32>
      %and3A_651 = arith.andi %ge3A_647, %lt3A_650 : vector<16xi1>
      %ge3A_652 = arith.constant 0 : i32
      %ge3A_653 = vector.broadcast %ge3A_652 : i32 to vector<16xi32>
      %ge3A_654 = arith.cmpi sge, %add3A_644, %ge3A_653 : vector<16xi32>
      %and3A_655 = arith.andi %and3A_651, %ge3A_654 : vector<16xi1>
      %lt3A_656 = arith.constant 512 : i32
      %lt3A_657 = vector.broadcast %lt3A_656 : i32 to vector<16xi32>
      %lt3A_658 = arith.cmpi slt, %add3A_644, %lt3A_657 : vector<16xi32>
      %and3A_659 = arith.andi %and3A_655, %lt3A_658 : vector<16xi1>
      %jit3A_660 = arith.constant 0 : i32
      %jit3A_661 = arith.constant 511 : i32
      %max3A_662 = vector.broadcast %jit3A_660 : i32 to vector<16xi32>
      %max3A_663 = arith.maxsi %max3A_662, %add3A_641 : vector<16xi32>
      %min3A_664 = vector.broadcast %jit3A_661 : i32 to vector<16xi32>
      %min3A_665 = arith.minsi %min3A_664, %max3A_663 : vector<16xi32>
      %jit3A_666 = arith.constant 0 : i32
      %jit3A_667 = arith.constant 511 : i32
      %max3A_668 = vector.broadcast %jit3A_666 : i32 to vector<16xi32>
      %max3A_669 = arith.maxsi %max3A_668, %add3A_644 : vector<16xi32>
      %min3A_670 = vector.broadcast %jit3A_667 : i32 to vector<16xi32>
      %min3A_671 = arith.minsi %min3A_670, %max3A_669 : vector<16xi32>
      %mul3A_672 = arith.constant 512 : i32
      %mul3A_673 = vector.broadcast %mul3A_672 : i32 to vector<16xi32>
      %mul3A_674 = arith.muli %min3A_665, %mul3A_673 : vector<16xi32>
      %add3A_675 = vector.broadcast %mul3A_20 : i32 to vector<16xi32>
      %add3A_676 = arith.addi %add3A_675, %mul3A_674 : vector<16xi32>
      %add3A_677 = arith.addi %add3A_676, %min3A_671 : vector<16xi32>
      %broadcast_in_dim3A_678 = vector.broadcast %mul3A_20 : i32 to vector<16xi32>
      %select_n3A_679 = arith.select %and3A_659, %add3A_677, %broadcast_in_dim3A_678 : vector<16xi1>, vector<16xi32>
      %mul3A_680 = arith.constant 16 : i32
      %mul3A_681 = arith.muli %scan3A_47, %mul3A_680 : i32
      %add3A_682 = arith.constant 12288 : i32
      %add3A_683 = arith.addi %add3A_682, %mul3A_681 : i32
      %swap3A_684 = arith.index_cast %add3A_683 : i32 to index
      %swap3A_685 = tpu.vector_load %arg9[%swap3A_684] {strides = array<i32>} : memref<25600xi32, #tpu.memory_space<vmem>>, vector<16xi32>,
      %swap3A_686 = vector.shape_cast %swap3A_685 : vector<16xi32> to vector<16xi32>
      %swap3A_687 = vector.shape_cast %select_n3A_679 : vector<16xi32> to vector<16xi32>
      tpu.vector_store %arg9[%swap3A_684], %swap3A_687 {strides = array<i32>} : memref<25600xi32, #tpu.memory_space<vmem>>, vector<16xi32>,
      %add3A_688 = arith.constant 0 : i32
      %add3A_689 = vector.broadcast %add3A_688 : i32 to vector<16xi32>
      %add3A_690 = arith.addi %shift_right_logical3A_53, %add3A_689 : vector<16xi32>
      %add3A_691 = arith.constant 1 : i32
      %add3A_692 = vector.broadcast %add3A_691 : i32 to vector<16xi32>
      %add3A_693 = arith.addi %and3A_56, %add3A_692 : vector<16xi32>
      %ge3A_694 = arith.constant 0 : i32
      %ge3A_695 = vector.broadcast %ge3A_694 : i32 to vector<16xi32>
      %ge3A_696 = arith.cmpi sge, %add3A_690, %ge3A_695 : vector<16xi32>
      %lt3A_697 = arith.constant 512 : i32
      %lt3A_698 = vector.broadcast %lt3A_697 : i32 to vector<16xi32>
      %lt3A_699 = arith.cmpi slt, %add3A_690, %lt3A_698 : vector<16xi32>
      %and3A_700 = arith.andi %ge3A_696, %lt3A_699 : vector<16xi1>
      %ge3A_701 = arith.constant 0 : i32
      %ge3A_702 = vector.broadcast %ge3A_701 : i32 to vector<16xi32>
      %ge3A_703 = arith.cmpi sge, %add3A_693, %ge3A_702 : vector<16xi32>
      %and3A_704 = arith.andi %and3A_700, %ge3A_703 : vector<16xi1>
      %lt3A_705 = arith.constant 512 : i32
      %lt3A_706 = vector.broadcast %lt3A_705 : i32 to vector<16xi32>
      %lt3A_707 = arith.cmpi slt, %add3A_693, %lt3A_706 : vector<16xi32>
      %and3A_708 = arith.andi %and3A_704, %lt3A_707 : vector<16xi1>
      %jit3A_709 = arith.constant 0 : i32
      %jit3A_710 = arith.constant 511 : i32
      %max3A_711 = vector.broadcast %jit3A_709 : i32 to vector<16xi32>
      %max3A_712 = arith.maxsi %max3A_711, %add3A_690 : vector<16xi32>
      %min3A_713 = vector.broadcast %jit3A_710 : i32 to vector<16xi32>
      %min3A_714 = arith.minsi %min3A_713, %max3A_712 : vector<16xi32>
      %jit3A_715 = arith.constant 0 : i32
      %jit3A_716 = arith.constant 511 : i32
      %max3A_717 = vector.broadcast %jit3A_715 : i32 to vector<16xi32>
      %max3A_718 = arith.maxsi %max3A_717, %add3A_693 : vector<16xi32>
      %min3A_719 = vector.broadcast %jit3A_716 : i32 to vector<16xi32>
      %min3A_720 = arith.minsi %min3A_719, %max3A_718 : vector<16xi32>
      %mul3A_721 = arith.constant 512 : i32
      %mul3A_722 = vector.broadcast %mul3A_721 : i32 to vector<16xi32>
      %mul3A_723 = arith.muli %min3A_714, %mul3A_722 : vector<16xi32>
      %add3A_724 = vector.broadcast %mul3A_20 : i32 to vector<16xi32>
      %add3A_725 = arith.addi %add3A_724, %mul3A_723 : vector<16xi32>
      %add3A_726 = arith.addi %add3A_725, %min3A_720 : vector<16xi32>
      %broadcast_in_dim3A_727 = vector.broadcast %mul3A_20 : i32 to vector<16xi32>
      %select_n3A_728 = arith.select %and3A_708, %add3A_726, %broadcast_in_dim3A_727 : vector<16xi1>, vector<16xi32>
      %mul3A_729 = arith.constant 16 : i32
      %mul3A_730 = arith.muli %scan3A_47, %mul3A_729 : i32
      %add3A_731 = arith.constant 13312 : i32
      %add3A_732 = arith.addi %add3A_731, %mul3A_730 : i32
      %swap3A_733 = arith.index_cast %add3A_732 : i32 to index
      %swap3A_734 = tpu.vector_load %arg9[%swap3A_733] {strides = array<i32>} : memref<25600xi32, #tpu.memory_space<vmem>>, vector<16xi32>,
      %swap3A_735 = vector.shape_cast %swap3A_734 : vector<16xi32> to vector<16xi32>
      %swap3A_736 = vector.shape_cast %select_n3A_728 : vector<16xi32> to vector<16xi32>
      tpu.vector_store %arg9[%swap3A_733], %swap3A_736 {strides = array<i32>} : memref<25600xi32, #tpu.memory_space<vmem>>, vector<16xi32>,
      %add3A_737 = arith.constant 0 : i32
      %add3A_738 = vector.broadcast %add3A_737 : i32 to vector<16xi32>
      %add3A_739 = arith.addi %shift_right_logical3A_53, %add3A_738 : vector<16xi32>
      %add3A_740 = arith.constant 2 : i32
      %add3A_741 = vector.broadcast %add3A_740 : i32 to vector<16xi32>
      %add3A_742 = arith.addi %and3A_56, %add3A_741 : vector<16xi32>
      %ge3A_743 = arith.constant 0 : i32
      %ge3A_744 = vector.broadcast %ge3A_743 : i32 to vector<16xi32>
      %ge3A_745 = arith.cmpi sge, %add3A_739, %ge3A_744 : vector<16xi32>
      %lt3A_746 = arith.constant 512 : i32
      %lt3A_747 = vector.broadcast %lt3A_746 : i32 to vector<16xi32>
      %lt3A_748 = arith.cmpi slt, %add3A_739, %lt3A_747 : vector<16xi32>
      %and3A_749 = arith.andi %ge3A_745, %lt3A_748 : vector<16xi1>
      %ge3A_750 = arith.constant 0 : i32
      %ge3A_751 = vector.broadcast %ge3A_750 : i32 to vector<16xi32>
      %ge3A_752 = arith.cmpi sge, %add3A_742, %ge3A_751 : vector<16xi32>
      %and3A_753 = arith.andi %and3A_749, %ge3A_752 : vector<16xi1>
      %lt3A_754 = arith.constant 512 : i32
      %lt3A_755 = vector.broadcast %lt3A_754 : i32 to vector<16xi32>
      %lt3A_756 = arith.cmpi slt, %add3A_742, %lt3A_755 : vector<16xi32>
      %and3A_757 = arith.andi %and3A_753, %lt3A_756 : vector<16xi1>
      %jit3A_758 = arith.constant 0 : i32
      %jit3A_759 = arith.constant 511 : i32
      %max3A_760 = vector.broadcast %jit3A_758 : i32 to vector<16xi32>
      %max3A_761 = arith.maxsi %max3A_760, %add3A_739 : vector<16xi32>
      %min3A_762 = vector.broadcast %jit3A_759 : i32 to vector<16xi32>
      %min3A_763 = arith.minsi %min3A_762, %max3A_761 : vector<16xi32>
      %jit3A_764 = arith.constant 0 : i32
      %jit3A_765 = arith.constant 511 : i32
      %max3A_766 = vector.broadcast %jit3A_764 : i32 to vector<16xi32>
      %max3A_767 = arith.maxsi %max3A_766, %add3A_742 : vector<16xi32>
      %min3A_768 = vector.broadcast %jit3A_765 : i32 to vector<16xi32>
      %min3A_769 = arith.minsi %min3A_768, %max3A_767 : vector<16xi32>
      %mul3A_770 = arith.constant 512 : i32
      %mul3A_771 = vector.broadcast %mul3A_770 : i32 to vector<16xi32>
      %mul3A_772 = arith.muli %min3A_763, %mul3A_771 : vector<16xi32>
      %add3A_773 = vector.broadcast %mul3A_20 : i32 to vector<16xi32>
      %add3A_774 = arith.addi %add3A_773, %mul3A_772 : vector<16xi32>
      %add3A_775 = arith.addi %add3A_774, %min3A_769 : vector<16xi32>
      %broadcast_in_dim3A_776 = vector.broadcast %mul3A_20 : i32 to vector<16xi32>
      %select_n3A_777 = arith.select %and3A_757, %add3A_775, %broadcast_in_dim3A_776 : vector<16xi1>, vector<16xi32>
      %mul3A_778 = arith.constant 16 : i32
      %mul3A_779 = arith.muli %scan3A_47, %mul3A_778 : i32
      %add3A_780 = arith.constant 14336 : i32
      %add3A_781 = arith.addi %add3A_780, %mul3A_779 : i32
      %swap3A_782 = arith.index_cast %add3A_781 : i32 to index
      %swap3A_783 = tpu.vector_load %arg9[%swap3A_782] {strides = array<i32>} : memref<25600xi32, #tpu.memory_space<vmem>>, vector<16xi32>,
      %swap3A_784 = vector.shape_cast %swap3A_783 : vector<16xi32> to vector<16xi32>
      %swap3A_785 = vector.shape_cast %select_n3A_777 : vector<16xi32> to vector<16xi32>
      tpu.vector_store %arg9[%swap3A_782], %swap3A_785 {strides = array<i32>} : memref<25600xi32, #tpu.memory_space<vmem>>, vector<16xi32>,
      %add3A_786 = arith.constant 1 : i32
      %add3A_787 = vector.broadcast %add3A_786 : i32 to vector<16xi32>
      %add3A_788 = arith.addi %shift_right_logical3A_53, %add3A_787 : vector<16xi32>
      %add3A_789 = arith.constant -2 : i32
      %add3A_790 = vector.broadcast %add3A_789 : i32 to vector<16xi32>
      %add3A_791 = arith.addi %and3A_56, %add3A_790 : vector<16xi32>
      %ge3A_792 = arith.constant 0 : i32
      %ge3A_793 = vector.broadcast %ge3A_792 : i32 to vector<16xi32>
      %ge3A_794 = arith.cmpi sge, %add3A_788, %ge3A_793 : vector<16xi32>
      %lt3A_795 = arith.constant 512 : i32
      %lt3A_796 = vector.broadcast %lt3A_795 : i32 to vector<16xi32>
      %lt3A_797 = arith.cmpi slt, %add3A_788, %lt3A_796 : vector<16xi32>
      %and3A_798 = arith.andi %ge3A_794, %lt3A_797 : vector<16xi1>
      %ge3A_799 = arith.constant 0 : i32
      %ge3A_800 = vector.broadcast %ge3A_799 : i32 to vector<16xi32>
      %ge3A_801 = arith.cmpi sge, %add3A_791, %ge3A_800 : vector<16xi32>
      %and3A_802 = arith.andi %and3A_798, %ge3A_801 : vector<16xi1>
      %lt3A_803 = arith.constant 512 : i32
      %lt3A_804 = vector.broadcast %lt3A_803 : i32 to vector<16xi32>
      %lt3A_805 = arith.cmpi slt, %add3A_791, %lt3A_804 : vector<16xi32>
      %and3A_806 = arith.andi %and3A_802, %lt3A_805 : vector<16xi1>
      %jit3A_807 = arith.constant 0 : i32
      %jit3A_808 = arith.constant 511 : i32
      %max3A_809 = vector.broadcast %jit3A_807 : i32 to vector<16xi32>
      %max3A_810 = arith.maxsi %max3A_809, %add3A_788 : vector<16xi32>
      %min3A_811 = vector.broadcast %jit3A_808 : i32 to vector<16xi32>
      %min3A_812 = arith.minsi %min3A_811, %max3A_810 : vector<16xi32>
      %jit3A_813 = arith.constant 0 : i32
      %jit3A_814 = arith.constant 511 : i32
      %max3A_815 = vector.broadcast %jit3A_813 : i32 to vector<16xi32>
      %max3A_816 = arith.maxsi %max3A_815, %add3A_791 : vector<16xi32>
      %min3A_817 = vector.broadcast %jit3A_814 : i32 to vector<16xi32>
      %min3A_818 = arith.minsi %min3A_817, %max3A_816 : vector<16xi32>
      %mul3A_819 = arith.constant 512 : i32
      %mul3A_820 = vector.broadcast %mul3A_819 : i32 to vector<16xi32>
      %mul3A_821 = arith.muli %min3A_812, %mul3A_820 : vector<16xi32>
      %add3A_822 = vector.broadcast %mul3A_20 : i32 to vector<16xi32>
      %add3A_823 = arith.addi %add3A_822, %mul3A_821 : vector<16xi32>
      %add3A_824 = arith.addi %add3A_823, %min3A_818 : vector<16xi32>
      %broadcast_in_dim3A_825 = vector.broadcast %mul3A_20 : i32 to vector<16xi32>
      %select_n3A_826 = arith.select %and3A_806, %add3A_824, %broadcast_in_dim3A_825 : vector<16xi1>, vector<16xi32>
      %mul3A_827 = arith.constant 16 : i32
      %mul3A_828 = arith.muli %scan3A_47, %mul3A_827 : i32
      %add3A_829 = arith.constant 15360 : i32
      %add3A_830 = arith.addi %add3A_829, %mul3A_828 : i32
      %swap3A_831 = arith.index_cast %add3A_830 : i32 to index
      %swap3A_832 = tpu.vector_load %arg9[%swap3A_831] {strides = array<i32>} : memref<25600xi32, #tpu.memory_space<vmem>>, vector<16xi32>,
      %swap3A_833 = vector.shape_cast %swap3A_832 : vector<16xi32> to vector<16xi32>
      %swap3A_834 = vector.shape_cast %select_n3A_826 : vector<16xi32> to vector<16xi32>
      tpu.vector_store %arg9[%swap3A_831], %swap3A_834 {strides = array<i32>} : memref<25600xi32, #tpu.memory_space<vmem>>, vector<16xi32>,
      %add3A_835 = arith.constant 1 : i32
      %add3A_836 = vector.broadcast %add3A_835 : i32 to vector<16xi32>
      %add3A_837 = arith.addi %shift_right_logical3A_53, %add3A_836 : vector<16xi32>
      %add3A_838 = arith.constant -1 : i32
      %add3A_839 = vector.broadcast %add3A_838 : i32 to vector<16xi32>
      %add3A_840 = arith.addi %and3A_56, %add3A_839 : vector<16xi32>
      %ge3A_841 = arith.constant 0 : i32
      %ge3A_842 = vector.broadcast %ge3A_841 : i32 to vector<16xi32>
      %ge3A_843 = arith.cmpi sge, %add3A_837, %ge3A_842 : vector<16xi32>
      %lt3A_844 = arith.constant 512 : i32
      %lt3A_845 = vector.broadcast %lt3A_844 : i32 to vector<16xi32>
      %lt3A_846 = arith.cmpi slt, %add3A_837, %lt3A_845 : vector<16xi32>
      %and3A_847 = arith.andi %ge3A_843, %lt3A_846 : vector<16xi1>
      %ge3A_848 = arith.constant 0 : i32
      %ge3A_849 = vector.broadcast %ge3A_848 : i32 to vector<16xi32>
      %ge3A_850 = arith.cmpi sge, %add3A_840, %ge3A_849 : vector<16xi32>
      %and3A_851 = arith.andi %and3A_847, %ge3A_850 : vector<16xi1>
      %lt3A_852 = arith.constant 512 : i32
      %lt3A_853 = vector.broadcast %lt3A_852 : i32 to vector<16xi32>
      %lt3A_854 = arith.cmpi slt, %add3A_840, %lt3A_853 : vector<16xi32>
      %and3A_855 = arith.andi %and3A_851, %lt3A_854 : vector<16xi1>
      %jit3A_856 = arith.constant 0 : i32
      %jit3A_857 = arith.constant 511 : i32
      %max3A_858 = vector.broadcast %jit3A_856 : i32 to vector<16xi32>
      %max3A_859 = arith.maxsi %max3A_858, %add3A_837 : vector<16xi32>
      %min3A_860 = vector.broadcast %jit3A_857 : i32 to vector<16xi32>
      %min3A_861 = arith.minsi %min3A_860, %max3A_859 : vector<16xi32>
      %jit3A_862 = arith.constant 0 : i32
      %jit3A_863 = arith.constant 511 : i32
      %max3A_864 = vector.broadcast %jit3A_862 : i32 to vector<16xi32>
      %max3A_865 = arith.maxsi %max3A_864, %add3A_840 : vector<16xi32>
      %min3A_866 = vector.broadcast %jit3A_863 : i32 to vector<16xi32>
      %min3A_867 = arith.minsi %min3A_866, %max3A_865 : vector<16xi32>
      %mul3A_868 = arith.constant 512 : i32
      %mul3A_869 = vector.broadcast %mul3A_868 : i32 to vector<16xi32>
      %mul3A_870 = arith.muli %min3A_861, %mul3A_869 : vector<16xi32>
      %add3A_871 = vector.broadcast %mul3A_20 : i32 to vector<16xi32>
      %add3A_872 = arith.addi %add3A_871, %mul3A_870 : vector<16xi32>
      %add3A_873 = arith.addi %add3A_872, %min3A_867 : vector<16xi32>
      %broadcast_in_dim3A_874 = vector.broadcast %mul3A_20 : i32 to vector<16xi32>
      %select_n3A_875 = arith.select %and3A_855, %add3A_873, %broadcast_in_dim3A_874 : vector<16xi1>, vector<16xi32>
      %mul3A_876 = arith.constant 16 : i32
      %mul3A_877 = arith.muli %scan3A_47, %mul3A_876 : i32
      %add3A_878 = arith.constant 16384 : i32
      %add3A_879 = arith.addi %add3A_878, %mul3A_877 : i32
      %swap3A_880 = arith.index_cast %add3A_879 : i32 to index
      %swap3A_881 = tpu.vector_load %arg9[%swap3A_880] {strides = array<i32>} : memref<25600xi32, #tpu.memory_space<vmem>>, vector<16xi32>,
      %swap3A_882 = vector.shape_cast %swap3A_881 : vector<16xi32> to vector<16xi32>
      %swap3A_883 = vector.shape_cast %select_n3A_875 : vector<16xi32> to vector<16xi32>
      tpu.vector_store %arg9[%swap3A_880], %swap3A_883 {strides = array<i32>} : memref<25600xi32, #tpu.memory_space<vmem>>, vector<16xi32>,
      %add3A_884 = arith.constant 1 : i32
      %add3A_885 = vector.broadcast %add3A_884 : i32 to vector<16xi32>
      %add3A_886 = arith.addi %shift_right_logical3A_53, %add3A_885 : vector<16xi32>
      %add3A_887 = arith.constant 0 : i32
      %add3A_888 = vector.broadcast %add3A_887 : i32 to vector<16xi32>
      %add3A_889 = arith.addi %and3A_56, %add3A_888 : vector<16xi32>
      %ge3A_890 = arith.constant 0 : i32
      %ge3A_891 = vector.broadcast %ge3A_890 : i32 to vector<16xi32>
      %ge3A_892 = arith.cmpi sge, %add3A_886, %ge3A_891 : vector<16xi32>
      %lt3A_893 = arith.constant 512 : i32
      %lt3A_894 = vector.broadcast %lt3A_893 : i32 to vector<16xi32>
      %lt3A_895 = arith.cmpi slt, %add3A_886, %lt3A_894 : vector<16xi32>
      %and3A_896 = arith.andi %ge3A_892, %lt3A_895 : vector<16xi1>
      %ge3A_897 = arith.constant 0 : i32
      %ge3A_898 = vector.broadcast %ge3A_897 : i32 to vector<16xi32>
      %ge3A_899 = arith.cmpi sge, %add3A_889, %ge3A_898 : vector<16xi32>
      %and3A_900 = arith.andi %and3A_896, %ge3A_899 : vector<16xi1>
      %lt3A_901 = arith.constant 512 : i32
      %lt3A_902 = vector.broadcast %lt3A_901 : i32 to vector<16xi32>
      %lt3A_903 = arith.cmpi slt, %add3A_889, %lt3A_902 : vector<16xi32>
      %and3A_904 = arith.andi %and3A_900, %lt3A_903 : vector<16xi1>
      %jit3A_905 = arith.constant 0 : i32
      %jit3A_906 = arith.constant 511 : i32
      %max3A_907 = vector.broadcast %jit3A_905 : i32 to vector<16xi32>
      %max3A_908 = arith.maxsi %max3A_907, %add3A_886 : vector<16xi32>
      %min3A_909 = vector.broadcast %jit3A_906 : i32 to vector<16xi32>
      %min3A_910 = arith.minsi %min3A_909, %max3A_908 : vector<16xi32>
      %jit3A_911 = arith.constant 0 : i32
      %jit3A_912 = arith.constant 511 : i32
      %max3A_913 = vector.broadcast %jit3A_911 : i32 to vector<16xi32>
      %max3A_914 = arith.maxsi %max3A_913, %add3A_889 : vector<16xi32>
      %min3A_915 = vector.broadcast %jit3A_912 : i32 to vector<16xi32>
      %min3A_916 = arith.minsi %min3A_915, %max3A_914 : vector<16xi32>
      %mul3A_917 = arith.constant 512 : i32
      %mul3A_918 = vector.broadcast %mul3A_917 : i32 to vector<16xi32>
      %mul3A_919 = arith.muli %min3A_910, %mul3A_918 : vector<16xi32>
      %add3A_920 = vector.broadcast %mul3A_20 : i32 to vector<16xi32>
      %add3A_921 = arith.addi %add3A_920, %mul3A_919 : vector<16xi32>
      %add3A_922 = arith.addi %add3A_921, %min3A_916 : vector<16xi32>
      %broadcast_in_dim3A_923 = vector.broadcast %mul3A_20 : i32 to vector<16xi32>
      %select_n3A_924 = arith.select %and3A_904, %add3A_922, %broadcast_in_dim3A_923 : vector<16xi1>, vector<16xi32>
      %mul3A_925 = arith.constant 16 : i32
      %mul3A_926 = arith.muli %scan3A_47, %mul3A_925 : i32
      %add3A_927 = arith.constant 17408 : i32
      %add3A_928 = arith.addi %add3A_927, %mul3A_926 : i32
      %swap3A_929 = arith.index_cast %add3A_928 : i32 to index
      %swap3A_930 = tpu.vector_load %arg9[%swap3A_929] {strides = array<i32>} : memref<25600xi32, #tpu.memory_space<vmem>>, vector<16xi32>,
      %swap3A_931 = vector.shape_cast %swap3A_930 : vector<16xi32> to vector<16xi32>
      %swap3A_932 = vector.shape_cast %select_n3A_924 : vector<16xi32> to vector<16xi32>
      tpu.vector_store %arg9[%swap3A_929], %swap3A_932 {strides = array<i32>} : memref<25600xi32, #tpu.memory_space<vmem>>, vector<16xi32>,
      %add3A_933 = arith.constant 1 : i32
      %add3A_934 = vector.broadcast %add3A_933 : i32 to vector<16xi32>
      %add3A_935 = arith.addi %shift_right_logical3A_53, %add3A_934 : vector<16xi32>
      %add3A_936 = arith.constant 1 : i32
      %add3A_937 = vector.broadcast %add3A_936 : i32 to vector<16xi32>
      %add3A_938 = arith.addi %and3A_56, %add3A_937 : vector<16xi32>
      %ge3A_939 = arith.constant 0 : i32
      %ge3A_940 = vector.broadcast %ge3A_939 : i32 to vector<16xi32>
      %ge3A_941 = arith.cmpi sge, %add3A_935, %ge3A_940 : vector<16xi32>
      %lt3A_942 = arith.constant 512 : i32
      %lt3A_943 = vector.broadcast %lt3A_942 : i32 to vector<16xi32>
      %lt3A_944 = arith.cmpi slt, %add3A_935, %lt3A_943 : vector<16xi32>
      %and3A_945 = arith.andi %ge3A_941, %lt3A_944 : vector<16xi1>
      %ge3A_946 = arith.constant 0 : i32
      %ge3A_947 = vector.broadcast %ge3A_946 : i32 to vector<16xi32>
      %ge3A_948 = arith.cmpi sge, %add3A_938, %ge3A_947 : vector<16xi32>
      %and3A_949 = arith.andi %and3A_945, %ge3A_948 : vector<16xi1>
      %lt3A_950 = arith.constant 512 : i32
      %lt3A_951 = vector.broadcast %lt3A_950 : i32 to vector<16xi32>
      %lt3A_952 = arith.cmpi slt, %add3A_938, %lt3A_951 : vector<16xi32>
      %and3A_953 = arith.andi %and3A_949, %lt3A_952 : vector<16xi1>
      %jit3A_954 = arith.constant 0 : i32
      %jit3A_955 = arith.constant 511 : i32
      %max3A_956 = vector.broadcast %jit3A_954 : i32 to vector<16xi32>
      %max3A_957 = arith.maxsi %max3A_956, %add3A_935 : vector<16xi32>
      %min3A_958 = vector.broadcast %jit3A_955 : i32 to vector<16xi32>
      %min3A_959 = arith.minsi %min3A_958, %max3A_957 : vector<16xi32>
      %jit3A_960 = arith.constant 0 : i32
      %jit3A_961 = arith.constant 511 : i32
      %max3A_962 = vector.broadcast %jit3A_960 : i32 to vector<16xi32>
      %max3A_963 = arith.maxsi %max3A_962, %add3A_938 : vector<16xi32>
      %min3A_964 = vector.broadcast %jit3A_961 : i32 to vector<16xi32>
      %min3A_965 = arith.minsi %min3A_964, %max3A_963 : vector<16xi32>
      %mul3A_966 = arith.constant 512 : i32
      %mul3A_967 = vector.broadcast %mul3A_966 : i32 to vector<16xi32>
      %mul3A_968 = arith.muli %min3A_959, %mul3A_967 : vector<16xi32>
      %add3A_969 = vector.broadcast %mul3A_20 : i32 to vector<16xi32>
      %add3A_970 = arith.addi %add3A_969, %mul3A_968 : vector<16xi32>
      %add3A_971 = arith.addi %add3A_970, %min3A_965 : vector<16xi32>
      %broadcast_in_dim3A_972 = vector.broadcast %mul3A_20 : i32 to vector<16xi32>
      %select_n3A_973 = arith.select %and3A_953, %add3A_971, %broadcast_in_dim3A_972 : vector<16xi1>, vector<16xi32>
      %mul3A_974 = arith.constant 16 : i32
      %mul3A_975 = arith.muli %scan3A_47, %mul3A_974 : i32
      %add3A_976 = arith.constant 18432 : i32
      %add3A_977 = arith.addi %add3A_976, %mul3A_975 : i32
      %swap3A_978 = arith.index_cast %add3A_977 : i32 to index
      %swap3A_979 = tpu.vector_load %arg9[%swap3A_978] {strides = array<i32>} : memref<25600xi32, #tpu.memory_space<vmem>>, vector<16xi32>,
      %swap3A_980 = vector.shape_cast %swap3A_979 : vector<16xi32> to vector<16xi32>
      %swap3A_981 = vector.shape_cast %select_n3A_973 : vector<16xi32> to vector<16xi32>
      tpu.vector_store %arg9[%swap3A_978], %swap3A_981 {strides = array<i32>} : memref<25600xi32, #tpu.memory_space<vmem>>, vector<16xi32>,
      %add3A_982 = arith.constant 1 : i32
      %add3A_983 = vector.broadcast %add3A_982 : i32 to vector<16xi32>
      %add3A_984 = arith.addi %shift_right_logical3A_53, %add3A_983 : vector<16xi32>
      %add3A_985 = arith.constant 2 : i32
      %add3A_986 = vector.broadcast %add3A_985 : i32 to vector<16xi32>
      %add3A_987 = arith.addi %and3A_56, %add3A_986 : vector<16xi32>
      %ge3A_988 = arith.constant 0 : i32
      %ge3A_989 = vector.broadcast %ge3A_988 : i32 to vector<16xi32>
      %ge3A_990 = arith.cmpi sge, %add3A_984, %ge3A_989 : vector<16xi32>
      %lt3A_991 = arith.constant 512 : i32
      %lt3A_992 = vector.broadcast %lt3A_991 : i32 to vector<16xi32>
      %lt3A_993 = arith.cmpi slt, %add3A_984, %lt3A_992 : vector<16xi32>
      %and3A_994 = arith.andi %ge3A_990, %lt3A_993 : vector<16xi1>
      %ge3A_995 = arith.constant 0 : i32
      %ge3A_996 = vector.broadcast %ge3A_995 : i32 to vector<16xi32>
      %ge3A_997 = arith.cmpi sge, %add3A_987, %ge3A_996 : vector<16xi32>
      %and3A_998 = arith.andi %and3A_994, %ge3A_997 : vector<16xi1>
      %lt3A_999 = arith.constant 512 : i32
      %lt3A_1000 = vector.broadcast %lt3A_999 : i32 to vector<16xi32>
      %lt3A_1001 = arith.cmpi slt, %add3A_987, %lt3A_1000 : vector<16xi32>
      %and3A_1002 = arith.andi %and3A_998, %lt3A_1001 : vector<16xi1>
      %jit3A_1003 = arith.constant 0 : i32
      %jit3A_1004 = arith.constant 511 : i32
      %max3A_1005 = vector.broadcast %jit3A_1003 : i32 to vector<16xi32>
      %max3A_1006 = arith.maxsi %max3A_1005, %add3A_984 : vector<16xi32>
      %min3A_1007 = vector.broadcast %jit3A_1004 : i32 to vector<16xi32>
      %min3A_1008 = arith.minsi %min3A_1007, %max3A_1006 : vector<16xi32>
      %jit3A_1009 = arith.constant 0 : i32
      %jit3A_1010 = arith.constant 511 : i32
      %max3A_1011 = vector.broadcast %jit3A_1009 : i32 to vector<16xi32>
      %max3A_1012 = arith.maxsi %max3A_1011, %add3A_987 : vector<16xi32>
      %min3A_1013 = vector.broadcast %jit3A_1010 : i32 to vector<16xi32>
      %min3A_1014 = arith.minsi %min3A_1013, %max3A_1012 : vector<16xi32>
      %mul3A_1015 = arith.constant 512 : i32
      %mul3A_1016 = vector.broadcast %mul3A_1015 : i32 to vector<16xi32>
      %mul3A_1017 = arith.muli %min3A_1008, %mul3A_1016 : vector<16xi32>
      %add3A_1018 = vector.broadcast %mul3A_20 : i32 to vector<16xi32>
      %add3A_1019 = arith.addi %add3A_1018, %mul3A_1017 : vector<16xi32>
      %add3A_1020 = arith.addi %add3A_1019, %min3A_1014 : vector<16xi32>
      %broadcast_in_dim3A_1021 = vector.broadcast %mul3A_20 : i32 to vector<16xi32>
      %select_n3A_1022 = arith.select %and3A_1002, %add3A_1020, %broadcast_in_dim3A_1021 : vector<16xi1>, vector<16xi32>
      %mul3A_1023 = arith.constant 16 : i32
      %mul3A_1024 = arith.muli %scan3A_47, %mul3A_1023 : i32
      %add3A_1025 = arith.constant 19456 : i32
      %add3A_1026 = arith.addi %add3A_1025, %mul3A_1024 : i32
      %swap3A_1027 = arith.index_cast %add3A_1026 : i32 to index
      %swap3A_1028 = tpu.vector_load %arg9[%swap3A_1027] {strides = array<i32>} : memref<25600xi32, #tpu.memory_space<vmem>>, vector<16xi32>,
      %swap3A_1029 = vector.shape_cast %swap3A_1028 : vector<16xi32> to vector<16xi32>
      %swap3A_1030 = vector.shape_cast %select_n3A_1022 : vector<16xi32> to vector<16xi32>
      tpu.vector_store %arg9[%swap3A_1027], %swap3A_1030 {strides = array<i32>} : memref<25600xi32, #tpu.memory_space<vmem>>, vector<16xi32>,
      %add3A_1031 = arith.constant 2 : i32
      %add3A_1032 = vector.broadcast %add3A_1031 : i32 to vector<16xi32>
      %add3A_1033 = arith.addi %shift_right_logical3A_53, %add3A_1032 : vector<16xi32>
      %add3A_1034 = arith.constant -2 : i32
      %add3A_1035 = vector.broadcast %add3A_1034 : i32 to vector<16xi32>
      %add3A_1036 = arith.addi %and3A_56, %add3A_1035 : vector<16xi32>
      %ge3A_1037 = arith.constant 0 : i32
      %ge3A_1038 = vector.broadcast %ge3A_1037 : i32 to vector<16xi32>
      %ge3A_1039 = arith.cmpi sge, %add3A_1033, %ge3A_1038 : vector<16xi32>
      %lt3A_1040 = arith.constant 512 : i32
      %lt3A_1041 = vector.broadcast %lt3A_1040 : i32 to vector<16xi32>
      %lt3A_1042 = arith.cmpi slt, %add3A_1033, %lt3A_1041 : vector<16xi32>
      %and3A_1043 = arith.andi %ge3A_1039, %lt3A_1042 : vector<16xi1>
      %ge3A_1044 = arith.constant 0 : i32
      %ge3A_1045 = vector.broadcast %ge3A_1044 : i32 to vector<16xi32>
      %ge3A_1046 = arith.cmpi sge, %add3A_1036, %ge3A_1045 : vector<16xi32>
      %and3A_1047 = arith.andi %and3A_1043, %ge3A_1046 : vector<16xi1>
      %lt3A_1048 = arith.constant 512 : i32
      %lt3A_1049 = vector.broadcast %lt3A_1048 : i32 to vector<16xi32>
      %lt3A_1050 = arith.cmpi slt, %add3A_1036, %lt3A_1049 : vector<16xi32>
      %and3A_1051 = arith.andi %and3A_1047, %lt3A_1050 : vector<16xi1>
      %jit3A_1052 = arith.constant 0 : i32
      %jit3A_1053 = arith.constant 511 : i32
      %max3A_1054 = vector.broadcast %jit3A_1052 : i32 to vector<16xi32>
      %max3A_1055 = arith.maxsi %max3A_1054, %add3A_1033 : vector<16xi32>
      %min3A_1056 = vector.broadcast %jit3A_1053 : i32 to vector<16xi32>
      %min3A_1057 = arith.minsi %min3A_1056, %max3A_1055 : vector<16xi32>
      %jit3A_1058 = arith.constant 0 : i32
      %jit3A_1059 = arith.constant 511 : i32
      %max3A_1060 = vector.broadcast %jit3A_1058 : i32 to vector<16xi32>
      %max3A_1061 = arith.maxsi %max3A_1060, %add3A_1036 : vector<16xi32>
      %min3A_1062 = vector.broadcast %jit3A_1059 : i32 to vector<16xi32>
      %min3A_1063 = arith.minsi %min3A_1062, %max3A_1061 : vector<16xi32>
      %mul3A_1064 = arith.constant 512 : i32
      %mul3A_1065 = vector.broadcast %mul3A_1064 : i32 to vector<16xi32>
      %mul3A_1066 = arith.muli %min3A_1057, %mul3A_1065 : vector<16xi32>
      %add3A_1067 = vector.broadcast %mul3A_20 : i32 to vector<16xi32>
      %add3A_1068 = arith.addi %add3A_1067, %mul3A_1066 : vector<16xi32>
      %add3A_1069 = arith.addi %add3A_1068, %min3A_1063 : vector<16xi32>
      %broadcast_in_dim3A_1070 = vector.broadcast %mul3A_20 : i32 to vector<16xi32>
      %select_n3A_1071 = arith.select %and3A_1051, %add3A_1069, %broadcast_in_dim3A_1070 : vector<16xi1>, vector<16xi32>
      %mul3A_1072 = arith.constant 16 : i32
      %mul3A_1073 = arith.muli %scan3A_47, %mul3A_1072 : i32
      %add3A_1074 = arith.constant 20480 : i32
      %add3A_1075 = arith.addi %add3A_1074, %mul3A_1073 : i32
      %swap3A_1076 = arith.index_cast %add3A_1075 : i32 to index
      %swap3A_1077 = tpu.vector_load %arg9[%swap3A_1076] {strides = array<i32>} : memref<25600xi32, #tpu.memory_space<vmem>>, vector<16xi32>,
      %swap3A_1078 = vector.shape_cast %swap3A_1077 : vector<16xi32> to vector<16xi32>
      %swap3A_1079 = vector.shape_cast %select_n3A_1071 : vector<16xi32> to vector<16xi32>
      tpu.vector_store %arg9[%swap3A_1076], %swap3A_1079 {strides = array<i32>} : memref<25600xi32, #tpu.memory_space<vmem>>, vector<16xi32>,
      %add3A_1080 = arith.constant 2 : i32
      %add3A_1081 = vector.broadcast %add3A_1080 : i32 to vector<16xi32>
      %add3A_1082 = arith.addi %shift_right_logical3A_53, %add3A_1081 : vector<16xi32>
      %add3A_1083 = arith.constant -1 : i32
      %add3A_1084 = vector.broadcast %add3A_1083 : i32 to vector<16xi32>
      %add3A_1085 = arith.addi %and3A_56, %add3A_1084 : vector<16xi32>
      %ge3A_1086 = arith.constant 0 : i32
      %ge3A_1087 = vector.broadcast %ge3A_1086 : i32 to vector<16xi32>
      %ge3A_1088 = arith.cmpi sge, %add3A_1082, %ge3A_1087 : vector<16xi32>
      %lt3A_1089 = arith.constant 512 : i32
      %lt3A_1090 = vector.broadcast %lt3A_1089 : i32 to vector<16xi32>
      %lt3A_1091 = arith.cmpi slt, %add3A_1082, %lt3A_1090 : vector<16xi32>
      %and3A_1092 = arith.andi %ge3A_1088, %lt3A_1091 : vector<16xi1>
      %ge3A_1093 = arith.constant 0 : i32
      %ge3A_1094 = vector.broadcast %ge3A_1093 : i32 to vector<16xi32>
      %ge3A_1095 = arith.cmpi sge, %add3A_1085, %ge3A_1094 : vector<16xi32>
      %and3A_1096 = arith.andi %and3A_1092, %ge3A_1095 : vector<16xi1>
      %lt3A_1097 = arith.constant 512 : i32
      %lt3A_1098 = vector.broadcast %lt3A_1097 : i32 to vector<16xi32>
      %lt3A_1099 = arith.cmpi slt, %add3A_1085, %lt3A_1098 : vector<16xi32>
      %and3A_1100 = arith.andi %and3A_1096, %lt3A_1099 : vector<16xi1>
      %jit3A_1101 = arith.constant 0 : i32
      %jit3A_1102 = arith.constant 511 : i32
      %max3A_1103 = vector.broadcast %jit3A_1101 : i32 to vector<16xi32>
      %max3A_1104 = arith.maxsi %max3A_1103, %add3A_1082 : vector<16xi32>
      %min3A_1105 = vector.broadcast %jit3A_1102 : i32 to vector<16xi32>
      %min3A_1106 = arith.minsi %min3A_1105, %max3A_1104 : vector<16xi32>
      %jit3A_1107 = arith.constant 0 : i32
      %jit3A_1108 = arith.constant 511 : i32
      %max3A_1109 = vector.broadcast %jit3A_1107 : i32 to vector<16xi32>
      %max3A_1110 = arith.maxsi %max3A_1109, %add3A_1085 : vector<16xi32>
      %min3A_1111 = vector.broadcast %jit3A_1108 : i32 to vector<16xi32>
      %min3A_1112 = arith.minsi %min3A_1111, %max3A_1110 : vector<16xi32>
      %mul3A_1113 = arith.constant 512 : i32
      %mul3A_1114 = vector.broadcast %mul3A_1113 : i32 to vector<16xi32>
      %mul3A_1115 = arith.muli %min3A_1106, %mul3A_1114 : vector<16xi32>
      %add3A_1116 = vector.broadcast %mul3A_20 : i32 to vector<16xi32>
      %add3A_1117 = arith.addi %add3A_1116, %mul3A_1115 : vector<16xi32>
      %add3A_1118 = arith.addi %add3A_1117, %min3A_1112 : vector<16xi32>
      %broadcast_in_dim3A_1119 = vector.broadcast %mul3A_20 : i32 to vector<16xi32>
      %select_n3A_1120 = arith.select %and3A_1100, %add3A_1118, %broadcast_in_dim3A_1119 : vector<16xi1>, vector<16xi32>
      %mul3A_1121 = arith.constant 16 : i32
      %mul3A_1122 = arith.muli %scan3A_47, %mul3A_1121 : i32
      %add3A_1123 = arith.constant 21504 : i32
      %add3A_1124 = arith.addi %add3A_1123, %mul3A_1122 : i32
      %swap3A_1125 = arith.index_cast %add3A_1124 : i32 to index
      %swap3A_1126 = tpu.vector_load %arg9[%swap3A_1125] {strides = array<i32>} : memref<25600xi32, #tpu.memory_space<vmem>>, vector<16xi32>,
      %swap3A_1127 = vector.shape_cast %swap3A_1126 : vector<16xi32> to vector<16xi32>
      %swap3A_1128 = vector.shape_cast %select_n3A_1120 : vector<16xi32> to vector<16xi32>
      tpu.vector_store %arg9[%swap3A_1125], %swap3A_1128 {strides = array<i32>} : memref<25600xi32, #tpu.memory_space<vmem>>, vector<16xi32>,
      %add3A_1129 = arith.constant 2 : i32
      %add3A_1130 = vector.broadcast %add3A_1129 : i32 to vector<16xi32>
      %add3A_1131 = arith.addi %shift_right_logical3A_53, %add3A_1130 : vector<16xi32>
      %add3A_1132 = arith.constant 0 : i32
      %add3A_1133 = vector.broadcast %add3A_1132 : i32 to vector<16xi32>
      %add3A_1134 = arith.addi %and3A_56, %add3A_1133 : vector<16xi32>
      %ge3A_1135 = arith.constant 0 : i32
      %ge3A_1136 = vector.broadcast %ge3A_1135 : i32 to vector<16xi32>
      %ge3A_1137 = arith.cmpi sge, %add3A_1131, %ge3A_1136 : vector<16xi32>
      %lt3A_1138 = arith.constant 512 : i32
      %lt3A_1139 = vector.broadcast %lt3A_1138 : i32 to vector<16xi32>
      %lt3A_1140 = arith.cmpi slt, %add3A_1131, %lt3A_1139 : vector<16xi32>
      %and3A_1141 = arith.andi %ge3A_1137, %lt3A_1140 : vector<16xi1>
      %ge3A_1142 = arith.constant 0 : i32
      %ge3A_1143 = vector.broadcast %ge3A_1142 : i32 to vector<16xi32>
      %ge3A_1144 = arith.cmpi sge, %add3A_1134, %ge3A_1143 : vector<16xi32>
      %and3A_1145 = arith.andi %and3A_1141, %ge3A_1144 : vector<16xi1>
      %lt3A_1146 = arith.constant 512 : i32
      %lt3A_1147 = vector.broadcast %lt3A_1146 : i32 to vector<16xi32>
      %lt3A_1148 = arith.cmpi slt, %add3A_1134, %lt3A_1147 : vector<16xi32>
      %and3A_1149 = arith.andi %and3A_1145, %lt3A_1148 : vector<16xi1>
      %jit3A_1150 = arith.constant 0 : i32
      %jit3A_1151 = arith.constant 511 : i32
      %max3A_1152 = vector.broadcast %jit3A_1150 : i32 to vector<16xi32>
      %max3A_1153 = arith.maxsi %max3A_1152, %add3A_1131 : vector<16xi32>
      %min3A_1154 = vector.broadcast %jit3A_1151 : i32 to vector<16xi32>
      %min3A_1155 = arith.minsi %min3A_1154, %max3A_1153 : vector<16xi32>
      %jit3A_1156 = arith.constant 0 : i32
      %jit3A_1157 = arith.constant 511 : i32
      %max3A_1158 = vector.broadcast %jit3A_1156 : i32 to vector<16xi32>
      %max3A_1159 = arith.maxsi %max3A_1158, %add3A_1134 : vector<16xi32>
      %min3A_1160 = vector.broadcast %jit3A_1157 : i32 to vector<16xi32>
      %min3A_1161 = arith.minsi %min3A_1160, %max3A_1159 : vector<16xi32>
      %mul3A_1162 = arith.constant 512 : i32
      %mul3A_1163 = vector.broadcast %mul3A_1162 : i32 to vector<16xi32>
      %mul3A_1164 = arith.muli %min3A_1155, %mul3A_1163 : vector<16xi32>
      %add3A_1165 = vector.broadcast %mul3A_20 : i32 to vector<16xi32>
      %add3A_1166 = arith.addi %add3A_1165, %mul3A_1164 : vector<16xi32>
      %add3A_1167 = arith.addi %add3A_1166, %min3A_1161 : vector<16xi32>
      %broadcast_in_dim3A_1168 = vector.broadcast %mul3A_20 : i32 to vector<16xi32>
      %select_n3A_1169 = arith.select %and3A_1149, %add3A_1167, %broadcast_in_dim3A_1168 : vector<16xi1>, vector<16xi32>
      %mul3A_1170 = arith.constant 16 : i32
      %mul3A_1171 = arith.muli %scan3A_47, %mul3A_1170 : i32
      %add3A_1172 = arith.constant 22528 : i32
      %add3A_1173 = arith.addi %add3A_1172, %mul3A_1171 : i32
      %swap3A_1174 = arith.index_cast %add3A_1173 : i32 to index
      %swap3A_1175 = tpu.vector_load %arg9[%swap3A_1174] {strides = array<i32>} : memref<25600xi32, #tpu.memory_space<vmem>>, vector<16xi32>,
      %swap3A_1176 = vector.shape_cast %swap3A_1175 : vector<16xi32> to vector<16xi32>
      %swap3A_1177 = vector.shape_cast %select_n3A_1169 : vector<16xi32> to vector<16xi32>
      tpu.vector_store %arg9[%swap3A_1174], %swap3A_1177 {strides = array<i32>} : memref<25600xi32, #tpu.memory_space<vmem>>, vector<16xi32>,
      %add3A_1178 = arith.constant 2 : i32
      %add3A_1179 = vector.broadcast %add3A_1178 : i32 to vector<16xi32>
      %add3A_1180 = arith.addi %shift_right_logical3A_53, %add3A_1179 : vector<16xi32>
      %add3A_1181 = arith.constant 1 : i32
      %add3A_1182 = vector.broadcast %add3A_1181 : i32 to vector<16xi32>
      %add3A_1183 = arith.addi %and3A_56, %add3A_1182 : vector<16xi32>
      %ge3A_1184 = arith.constant 0 : i32
      %ge3A_1185 = vector.broadcast %ge3A_1184 : i32 to vector<16xi32>
      %ge3A_1186 = arith.cmpi sge, %add3A_1180, %ge3A_1185 : vector<16xi32>
      %lt3A_1187 = arith.constant 512 : i32
      %lt3A_1188 = vector.broadcast %lt3A_1187 : i32 to vector<16xi32>
      %lt3A_1189 = arith.cmpi slt, %add3A_1180, %lt3A_1188 : vector<16xi32>
      %and3A_1190 = arith.andi %ge3A_1186, %lt3A_1189 : vector<16xi1>
      %ge3A_1191 = arith.constant 0 : i32
      %ge3A_1192 = vector.broadcast %ge3A_1191 : i32 to vector<16xi32>
      %ge3A_1193 = arith.cmpi sge, %add3A_1183, %ge3A_1192 : vector<16xi32>
      %and3A_1194 = arith.andi %and3A_1190, %ge3A_1193 : vector<16xi1>
      %lt3A_1195 = arith.constant 512 : i32
      %lt3A_1196 = vector.broadcast %lt3A_1195 : i32 to vector<16xi32>
      %lt3A_1197 = arith.cmpi slt, %add3A_1183, %lt3A_1196 : vector<16xi32>
      %and3A_1198 = arith.andi %and3A_1194, %lt3A_1197 : vector<16xi1>
      %jit3A_1199 = arith.constant 0 : i32
      %jit3A_1200 = arith.constant 511 : i32
      %max3A_1201 = vector.broadcast %jit3A_1199 : i32 to vector<16xi32>
      %max3A_1202 = arith.maxsi %max3A_1201, %add3A_1180 : vector<16xi32>
      %min3A_1203 = vector.broadcast %jit3A_1200 : i32 to vector<16xi32>
      %min3A_1204 = arith.minsi %min3A_1203, %max3A_1202 : vector<16xi32>
      %jit3A_1205 = arith.constant 0 : i32
      %jit3A_1206 = arith.constant 511 : i32
      %max3A_1207 = vector.broadcast %jit3A_1205 : i32 to vector<16xi32>
      %max3A_1208 = arith.maxsi %max3A_1207, %add3A_1183 : vector<16xi32>
      %min3A_1209 = vector.broadcast %jit3A_1206 : i32 to vector<16xi32>
      %min3A_1210 = arith.minsi %min3A_1209, %max3A_1208 : vector<16xi32>
      %mul3A_1211 = arith.constant 512 : i32
      %mul3A_1212 = vector.broadcast %mul3A_1211 : i32 to vector<16xi32>
      %mul3A_1213 = arith.muli %min3A_1204, %mul3A_1212 : vector<16xi32>
      %add3A_1214 = vector.broadcast %mul3A_20 : i32 to vector<16xi32>
      %add3A_1215 = arith.addi %add3A_1214, %mul3A_1213 : vector<16xi32>
      %add3A_1216 = arith.addi %add3A_1215, %min3A_1210 : vector<16xi32>
      %broadcast_in_dim3A_1217 = vector.broadcast %mul3A_20 : i32 to vector<16xi32>
      %select_n3A_1218 = arith.select %and3A_1198, %add3A_1216, %broadcast_in_dim3A_1217 : vector<16xi1>, vector<16xi32>
      %mul3A_1219 = arith.constant 16 : i32
      %mul3A_1220 = arith.muli %scan3A_47, %mul3A_1219 : i32
      %add3A_1221 = arith.constant 23552 : i32
      %add3A_1222 = arith.addi %add3A_1221, %mul3A_1220 : i32
      %swap3A_1223 = arith.index_cast %add3A_1222 : i32 to index
      %swap3A_1224 = tpu.vector_load %arg9[%swap3A_1223] {strides = array<i32>} : memref<25600xi32, #tpu.memory_space<vmem>>, vector<16xi32>,
      %swap3A_1225 = vector.shape_cast %swap3A_1224 : vector<16xi32> to vector<16xi32>
      %swap3A_1226 = vector.shape_cast %select_n3A_1218 : vector<16xi32> to vector<16xi32>
      tpu.vector_store %arg9[%swap3A_1223], %swap3A_1226 {strides = array<i32>} : memref<25600xi32, #tpu.memory_space<vmem>>, vector<16xi32>,
      %add3A_1227 = arith.constant 2 : i32
      %add3A_1228 = vector.broadcast %add3A_1227 : i32 to vector<16xi32>
      %add3A_1229 = arith.addi %shift_right_logical3A_53, %add3A_1228 : vector<16xi32>
      %add3A_1230 = arith.constant 2 : i32
      %add3A_1231 = vector.broadcast %add3A_1230 : i32 to vector<16xi32>
      %add3A_1232 = arith.addi %and3A_56, %add3A_1231 : vector<16xi32>
      %ge3A_1233 = arith.constant 0 : i32
      %ge3A_1234 = vector.broadcast %ge3A_1233 : i32 to vector<16xi32>
      %ge3A_1235 = arith.cmpi sge, %add3A_1229, %ge3A_1234 : vector<16xi32>
      %lt3A_1236 = arith.constant 512 : i32
      %lt3A_1237 = vector.broadcast %lt3A_1236 : i32 to vector<16xi32>
      %lt3A_1238 = arith.cmpi slt, %add3A_1229, %lt3A_1237 : vector<16xi32>
      %and3A_1239 = arith.andi %ge3A_1235, %lt3A_1238 : vector<16xi1>
      %ge3A_1240 = arith.constant 0 : i32
      %ge3A_1241 = vector.broadcast %ge3A_1240 : i32 to vector<16xi32>
      %ge3A_1242 = arith.cmpi sge, %add3A_1232, %ge3A_1241 : vector<16xi32>
      %and3A_1243 = arith.andi %and3A_1239, %ge3A_1242 : vector<16xi1>
      %lt3A_1244 = arith.constant 512 : i32
      %lt3A_1245 = vector.broadcast %lt3A_1244 : i32 to vector<16xi32>
      %lt3A_1246 = arith.cmpi slt, %add3A_1232, %lt3A_1245 : vector<16xi32>
      %and3A_1247 = arith.andi %and3A_1243, %lt3A_1246 : vector<16xi1>
      %jit3A_1248 = arith.constant 0 : i32
      %jit3A_1249 = arith.constant 511 : i32
      %max3A_1250 = vector.broadcast %jit3A_1248 : i32 to vector<16xi32>
      %max3A_1251 = arith.maxsi %max3A_1250, %add3A_1229 : vector<16xi32>
      %min3A_1252 = vector.broadcast %jit3A_1249 : i32 to vector<16xi32>
      %min3A_1253 = arith.minsi %min3A_1252, %max3A_1251 : vector<16xi32>
      %jit3A_1254 = arith.constant 0 : i32
      %jit3A_1255 = arith.constant 511 : i32
      %max3A_1256 = vector.broadcast %jit3A_1254 : i32 to vector<16xi32>
      %max3A_1257 = arith.maxsi %max3A_1256, %add3A_1232 : vector<16xi32>
      %min3A_1258 = vector.broadcast %jit3A_1255 : i32 to vector<16xi32>
      %min3A_1259 = arith.minsi %min3A_1258, %max3A_1257 : vector<16xi32>
      %mul3A_1260 = arith.constant 512 : i32
      %mul3A_1261 = vector.broadcast %mul3A_1260 : i32 to vector<16xi32>
      %mul3A_1262 = arith.muli %min3A_1253, %mul3A_1261 : vector<16xi32>
      %add3A_1263 = vector.broadcast %mul3A_20 : i32 to vector<16xi32>
      %add3A_1264 = arith.addi %add3A_1263, %mul3A_1262 : vector<16xi32>
      %add3A_1265 = arith.addi %add3A_1264, %min3A_1259 : vector<16xi32>
      %broadcast_in_dim3A_1266 = vector.broadcast %mul3A_20 : i32 to vector<16xi32>
      %select_n3A_1267 = arith.select %and3A_1247, %add3A_1265, %broadcast_in_dim3A_1266 : vector<16xi1>, vector<16xi32>
      %mul3A_1268 = arith.constant 16 : i32
      %mul3A_1269 = arith.muli %scan3A_47, %mul3A_1268 : i32
      %add3A_1270 = arith.constant 24576 : i32
      %add3A_1271 = arith.addi %add3A_1270, %mul3A_1269 : i32
      %swap3A_1272 = arith.index_cast %add3A_1271 : i32 to index
      %swap3A_1273 = tpu.vector_load %arg9[%swap3A_1272] {strides = array<i32>} : memref<25600xi32, #tpu.memory_space<vmem>>, vector<16xi32>,
      %swap3A_1274 = vector.shape_cast %swap3A_1273 : vector<16xi32> to vector<16xi32>
      %swap3A_1275 = vector.shape_cast %select_n3A_1267 : vector<16xi32> to vector<16xi32>
      tpu.vector_store %arg9[%swap3A_1272], %swap3A_1275 {strides = array<i32>} : memref<25600xi32, #tpu.memory_space<vmem>>, vector<16xi32>,
      %scan3A_1276 = arith.constant 0 : i32
      scf.yield %scan3A_1276 : i32
    }
    %scan3A_26 = arith.constant 64 : i32
    %dma_start3A = arith.constant 0 : i32
    %dma_start3A_27 = tpu.memref_slice %arg3[%dma_start3A] : memref<2097152xf32, #tpu.memory_space<hbm>> -> memref<2097152xf32, #tpu.memory_space<hbm>>
    tpu.enqueue_indirect_dma source(%dma_start3A_27 : memref<2097152xf32, #tpu.memory_space<hbm>>) target(%arg10 : memref<25600xf32, #tpu.memory_space<vmem>>) offsets(%arg9 : memref<25600xi32, #tpu.memory_space<vmem>>) semaphore(%arg19 : memref<!tpu.dma_semaphore, #tpu.memory_space<semaphore_mem>>)
    %dma_wait3A = arith.constant 0 : i32
    %dma_wait3A_28 = tpu.memref_slice %arg3[%dma_wait3A] : memref<2097152xf32, #tpu.memory_space<hbm>> -> memref<2097152xf32, #tpu.memory_space<hbm>>
    tpu.wait_indirect_dma semaphore(%arg19 : memref<!tpu.dma_semaphore, #tpu.memory_space<semaphore_mem>>) src(%dma_wait3A_28 : memref<2097152xf32, #tpu.memory_space<hbm>>) dst(%arg10 : memref<25600xf32, #tpu.memory_space<vmem>>)
    %scan3A_29 = arith.constant 0 : i32
    %scan3A_30 = arith.constant 0 : i32
    %scan3A_31 = arith.constant 64 : i32
    %scan3A_32 = arith.addi %scan3A_30, %scan3A_31 : i32
    %scan3A_33 = arith.constant 1 : i32
    %scan3A_34 = scf.for %scan3A_47 = %scan3A_30 to %scan3A_32 step %scan3A_33 iter_args(%scan3A_48 = %scan3A_29) -> (i32)  : i32 {
      %mul3A_49 = arith.constant 16 : i32
      %mul3A_50 = arith.muli %scan3A_47, %mul3A_49 : i32
      %get3A = arith.index_cast %mul3A_50 : i32 to index
      %get3A_51 = tpu.vector_load %arg8[%get3A] {strides = array<i32>} : memref<1024xi32, #tpu.memory_space<vmem>>, vector<16xi32>,
      %shift_right_logical3A = arith.constant 9 : i32
      %shift_right_logical3A_52 = vector.broadcast %shift_right_logical3A : i32 to vector<16xi32>
      %shift_right_logical3A_53 = arith.shrui %get3A_51, %shift_right_logical3A_52 : vector<16xi32>
      %and3A_54 = arith.constant 511 : i32
      %and3A_55 = vector.broadcast %and3A_54 : i32 to vector<16xi32>
      %and3A_56 = arith.andi %get3A_51, %and3A_55 : vector<16xi32>
      %add3A_57 = arith.constant -2 : i32
      %add3A_58 = vector.broadcast %add3A_57 : i32 to vector<16xi32>
      %add3A_59 = arith.addi %shift_right_logical3A_53, %add3A_58 : vector<16xi32>
      %add3A_60 = arith.constant -2 : i32
      %add3A_61 = vector.broadcast %add3A_60 : i32 to vector<16xi32>
      %add3A_62 = arith.addi %and3A_56, %add3A_61 : vector<16xi32>
      %ge3A = arith.constant 0 : i32
      %ge3A_63 = vector.broadcast %ge3A : i32 to vector<16xi32>
      %ge3A_64 = arith.cmpi sge, %add3A_59, %ge3A_63 : vector<16xi32>
      %lt3A = arith.constant 512 : i32
      %lt3A_65 = vector.broadcast %lt3A : i32 to vector<16xi32>
      %lt3A_66 = arith.cmpi slt, %add3A_59, %lt3A_65 : vector<16xi32>
      %and3A_67 = arith.andi %ge3A_64, %lt3A_66 : vector<16xi1>
      %ge3A_68 = arith.constant 0 : i32
      %ge3A_69 = vector.broadcast %ge3A_68 : i32 to vector<16xi32>
      %ge3A_70 = arith.cmpi sge, %add3A_62, %ge3A_69 : vector<16xi32>
      %and3A_71 = arith.andi %and3A_67, %ge3A_70 : vector<16xi1>
      %lt3A_72 = arith.constant 512 : i32
      %lt3A_73 = vector.broadcast %lt3A_72 : i32 to vector<16xi32>
      %lt3A_74 = arith.cmpi slt, %add3A_62, %lt3A_73 : vector<16xi32>
      %and3A_75 = arith.andi %and3A_71, %lt3A_74 : vector<16xi1>
      %mul3A_76 = arith.constant 16 : i32
      %mul3A_77 = arith.muli %scan3A_47, %mul3A_76 : i32
      %add3A_78 = arith.constant 0 : i32
      %add3A_79 = arith.addi %add3A_78, %mul3A_77 : i32
      %get3A_80 = arith.index_cast %add3A_79 : i32 to index
      %get3A_81 = tpu.vector_load %arg10[%get3A_80] {strides = array<i32>} : memref<25600xf32, #tpu.memory_space<vmem>>, vector<16xf32>,
      %get3A_82 = vector.shape_cast %get3A_81 : vector<16xf32> to vector<16xf32>
      %jit3A_83 = arith.constant 0.000000e+00 : f32
      %broadcast_in_dim3A = vector.broadcast %jit3A_83 : f32 to vector<16xf32>
      %select_n3A_84 = arith.select %and3A_75, %get3A_82, %broadcast_in_dim3A : vector<16xi1>, vector<16xf32>
      %add3A_85 = arith.constant -2 : i32
      %add3A_86 = vector.broadcast %add3A_85 : i32 to vector<16xi32>
      %add3A_87 = arith.addi %shift_right_logical3A_53, %add3A_86 : vector<16xi32>
      %add3A_88 = arith.constant -1 : i32
      %add3A_89 = vector.broadcast %add3A_88 : i32 to vector<16xi32>
      %add3A_90 = arith.addi %and3A_56, %add3A_89 : vector<16xi32>
      %ge3A_91 = arith.constant 0 : i32
      %ge3A_92 = vector.broadcast %ge3A_91 : i32 to vector<16xi32>
      %ge3A_93 = arith.cmpi sge, %add3A_87, %ge3A_92 : vector<16xi32>
      %lt3A_94 = arith.constant 512 : i32
      %lt3A_95 = vector.broadcast %lt3A_94 : i32 to vector<16xi32>
      %lt3A_96 = arith.cmpi slt, %add3A_87, %lt3A_95 : vector<16xi32>
      %and3A_97 = arith.andi %ge3A_93, %lt3A_96 : vector<16xi1>
      %ge3A_98 = arith.constant 0 : i32
      %ge3A_99 = vector.broadcast %ge3A_98 : i32 to vector<16xi32>
      %ge3A_100 = arith.cmpi sge, %add3A_90, %ge3A_99 : vector<16xi32>
      %and3A_101 = arith.andi %and3A_97, %ge3A_100 : vector<16xi1>
      %lt3A_102 = arith.constant 512 : i32
      %lt3A_103 = vector.broadcast %lt3A_102 : i32 to vector<16xi32>
      %lt3A_104 = arith.cmpi slt, %add3A_90, %lt3A_103 : vector<16xi32>
      %and3A_105 = arith.andi %and3A_101, %lt3A_104 : vector<16xi1>
      %mul3A_106 = arith.constant 16 : i32
      %mul3A_107 = arith.muli %scan3A_47, %mul3A_106 : i32
      %add3A_108 = arith.constant 1024 : i32
      %add3A_109 = arith.addi %add3A_108, %mul3A_107 : i32
      %get3A_110 = arith.index_cast %add3A_109 : i32 to index
      %get3A_111 = tpu.vector_load %arg10[%get3A_110] {strides = array<i32>} : memref<25600xf32, #tpu.memory_space<vmem>>, vector<16xf32>,
      %get3A_112 = vector.shape_cast %get3A_111 : vector<16xf32> to vector<16xf32>
      %jit3A_113 = arith.constant 0.000000e+00 : f32
      %broadcast_in_dim3A_114 = vector.broadcast %jit3A_113 : f32 to vector<16xf32>
      %select_n3A_115 = arith.select %and3A_105, %get3A_112, %broadcast_in_dim3A_114 : vector<16xi1>, vector<16xf32>
      %add3A_116 = arith.constant -2 : i32
      %add3A_117 = vector.broadcast %add3A_116 : i32 to vector<16xi32>
      %add3A_118 = arith.addi %shift_right_logical3A_53, %add3A_117 : vector<16xi32>
      %add3A_119 = arith.constant 0 : i32
      %add3A_120 = vector.broadcast %add3A_119 : i32 to vector<16xi32>
      %add3A_121 = arith.addi %and3A_56, %add3A_120 : vector<16xi32>
      %ge3A_122 = arith.constant 0 : i32
      %ge3A_123 = vector.broadcast %ge3A_122 : i32 to vector<16xi32>
      %ge3A_124 = arith.cmpi sge, %add3A_118, %ge3A_123 : vector<16xi32>
      %lt3A_125 = arith.constant 512 : i32
      %lt3A_126 = vector.broadcast %lt3A_125 : i32 to vector<16xi32>
      %lt3A_127 = arith.cmpi slt, %add3A_118, %lt3A_126 : vector<16xi32>
      %and3A_128 = arith.andi %ge3A_124, %lt3A_127 : vector<16xi1>
      %ge3A_129 = arith.constant 0 : i32
      %ge3A_130 = vector.broadcast %ge3A_129 : i32 to vector<16xi32>
      %ge3A_131 = arith.cmpi sge, %add3A_121, %ge3A_130 : vector<16xi32>
      %and3A_132 = arith.andi %and3A_128, %ge3A_131 : vector<16xi1>
      %lt3A_133 = arith.constant 512 : i32
      %lt3A_134 = vector.broadcast %lt3A_133 : i32 to vector<16xi32>
      %lt3A_135 = arith.cmpi slt, %add3A_121, %lt3A_134 : vector<16xi32>
      %and3A_136 = arith.andi %and3A_132, %lt3A_135 : vector<16xi1>
      %mul3A_137 = arith.constant 16 : i32
      %mul3A_138 = arith.muli %scan3A_47, %mul3A_137 : i32
      %add3A_139 = arith.constant 2048 : i32
      %add3A_140 = arith.addi %add3A_139, %mul3A_138 : i32
      %get3A_141 = arith.index_cast %add3A_140 : i32 to index
      %get3A_142 = tpu.vector_load %arg10[%get3A_141] {strides = array<i32>} : memref<25600xf32, #tpu.memory_space<vmem>>, vector<16xf32>,
      %get3A_143 = vector.shape_cast %get3A_142 : vector<16xf32> to vector<16xf32>
      %jit3A_144 = arith.constant 0.000000e+00 : f32
      %broadcast_in_dim3A_145 = vector.broadcast %jit3A_144 : f32 to vector<16xf32>
      %select_n3A_146 = arith.select %and3A_136, %get3A_143, %broadcast_in_dim3A_145 : vector<16xi1>, vector<16xf32>
      %add3A_147 = arith.constant -2 : i32
      %add3A_148 = vector.broadcast %add3A_147 : i32 to vector<16xi32>
      %add3A_149 = arith.addi %shift_right_logical3A_53, %add3A_148 : vector<16xi32>
      %add3A_150 = arith.constant 1 : i32
      %add3A_151 = vector.broadcast %add3A_150 : i32 to vector<16xi32>
      %add3A_152 = arith.addi %and3A_56, %add3A_151 : vector<16xi32>
      %ge3A_153 = arith.constant 0 : i32
      %ge3A_154 = vector.broadcast %ge3A_153 : i32 to vector<16xi32>
      %ge3A_155 = arith.cmpi sge, %add3A_149, %ge3A_154 : vector<16xi32>
      %lt3A_156 = arith.constant 512 : i32
      %lt3A_157 = vector.broadcast %lt3A_156 : i32 to vector<16xi32>
      %lt3A_158 = arith.cmpi slt, %add3A_149, %lt3A_157 : vector<16xi32>
      %and3A_159 = arith.andi %ge3A_155, %lt3A_158 : vector<16xi1>
      %ge3A_160 = arith.constant 0 : i32
      %ge3A_161 = vector.broadcast %ge3A_160 : i32 to vector<16xi32>
      %ge3A_162 = arith.cmpi sge, %add3A_152, %ge3A_161 : vector<16xi32>
      %and3A_163 = arith.andi %and3A_159, %ge3A_162 : vector<16xi1>
      %lt3A_164 = arith.constant 512 : i32
      %lt3A_165 = vector.broadcast %lt3A_164 : i32 to vector<16xi32>
      %lt3A_166 = arith.cmpi slt, %add3A_152, %lt3A_165 : vector<16xi32>
      %and3A_167 = arith.andi %and3A_163, %lt3A_166 : vector<16xi1>
      %mul3A_168 = arith.constant 16 : i32
      %mul3A_169 = arith.muli %scan3A_47, %mul3A_168 : i32
      %add3A_170 = arith.constant 3072 : i32
      %add3A_171 = arith.addi %add3A_170, %mul3A_169 : i32
      %get3A_172 = arith.index_cast %add3A_171 : i32 to index
      %get3A_173 = tpu.vector_load %arg10[%get3A_172] {strides = array<i32>} : memref<25600xf32, #tpu.memory_space<vmem>>, vector<16xf32>,
      %get3A_174 = vector.shape_cast %get3A_173 : vector<16xf32> to vector<16xf32>
      %jit3A_175 = arith.constant 0.000000e+00 : f32
      %broadcast_in_dim3A_176 = vector.broadcast %jit3A_175 : f32 to vector<16xf32>
      %select_n3A_177 = arith.select %and3A_167, %get3A_174, %broadcast_in_dim3A_176 : vector<16xi1>, vector<16xf32>
      %add3A_178 = arith.constant -2 : i32
      %add3A_179 = vector.broadcast %add3A_178 : i32 to vector<16xi32>
      %add3A_180 = arith.addi %shift_right_logical3A_53, %add3A_179 : vector<16xi32>
      %add3A_181 = arith.constant 2 : i32
      %add3A_182 = vector.broadcast %add3A_181 : i32 to vector<16xi32>
      %add3A_183 = arith.addi %and3A_56, %add3A_182 : vector<16xi32>
      %ge3A_184 = arith.constant 0 : i32
      %ge3A_185 = vector.broadcast %ge3A_184 : i32 to vector<16xi32>
      %ge3A_186 = arith.cmpi sge, %add3A_180, %ge3A_185 : vector<16xi32>
      %lt3A_187 = arith.constant 512 : i32
      %lt3A_188 = vector.broadcast %lt3A_187 : i32 to vector<16xi32>
      %lt3A_189 = arith.cmpi slt, %add3A_180, %lt3A_188 : vector<16xi32>
      %and3A_190 = arith.andi %ge3A_186, %lt3A_189 : vector<16xi1>
      %ge3A_191 = arith.constant 0 : i32
      %ge3A_192 = vector.broadcast %ge3A_191 : i32 to vector<16xi32>
      %ge3A_193 = arith.cmpi sge, %add3A_183, %ge3A_192 : vector<16xi32>
      %and3A_194 = arith.andi %and3A_190, %ge3A_193 : vector<16xi1>
      %lt3A_195 = arith.constant 512 : i32
      %lt3A_196 = vector.broadcast %lt3A_195 : i32 to vector<16xi32>
      %lt3A_197 = arith.cmpi slt, %add3A_183, %lt3A_196 : vector<16xi32>
      %and3A_198 = arith.andi %and3A_194, %lt3A_197 : vector<16xi1>
      %mul3A_199 = arith.constant 16 : i32
      %mul3A_200 = arith.muli %scan3A_47, %mul3A_199 : i32
      %add3A_201 = arith.constant 4096 : i32
      %add3A_202 = arith.addi %add3A_201, %mul3A_200 : i32
      %get3A_203 = arith.index_cast %add3A_202 : i32 to index
      %get3A_204 = tpu.vector_load %arg10[%get3A_203] {strides = array<i32>} : memref<25600xf32, #tpu.memory_space<vmem>>, vector<16xf32>,
      %get3A_205 = vector.shape_cast %get3A_204 : vector<16xf32> to vector<16xf32>
      %jit3A_206 = arith.constant 0.000000e+00 : f32
      %broadcast_in_dim3A_207 = vector.broadcast %jit3A_206 : f32 to vector<16xf32>
      %select_n3A_208 = arith.select %and3A_198, %get3A_205, %broadcast_in_dim3A_207 : vector<16xi1>, vector<16xf32>
      %add3A_209 = arith.constant -1 : i32
      %add3A_210 = vector.broadcast %add3A_209 : i32 to vector<16xi32>
      %add3A_211 = arith.addi %shift_right_logical3A_53, %add3A_210 : vector<16xi32>
      %add3A_212 = arith.constant -2 : i32
      %add3A_213 = vector.broadcast %add3A_212 : i32 to vector<16xi32>
      %add3A_214 = arith.addi %and3A_56, %add3A_213 : vector<16xi32>
      %ge3A_215 = arith.constant 0 : i32
      %ge3A_216 = vector.broadcast %ge3A_215 : i32 to vector<16xi32>
      %ge3A_217 = arith.cmpi sge, %add3A_211, %ge3A_216 : vector<16xi32>
      %lt3A_218 = arith.constant 512 : i32
      %lt3A_219 = vector.broadcast %lt3A_218 : i32 to vector<16xi32>
      %lt3A_220 = arith.cmpi slt, %add3A_211, %lt3A_219 : vector<16xi32>
      %and3A_221 = arith.andi %ge3A_217, %lt3A_220 : vector<16xi1>
      %ge3A_222 = arith.constant 0 : i32
      %ge3A_223 = vector.broadcast %ge3A_222 : i32 to vector<16xi32>
      %ge3A_224 = arith.cmpi sge, %add3A_214, %ge3A_223 : vector<16xi32>
      %and3A_225 = arith.andi %and3A_221, %ge3A_224 : vector<16xi1>
      %lt3A_226 = arith.constant 512 : i32
      %lt3A_227 = vector.broadcast %lt3A_226 : i32 to vector<16xi32>
      %lt3A_228 = arith.cmpi slt, %add3A_214, %lt3A_227 : vector<16xi32>
      %and3A_229 = arith.andi %and3A_225, %lt3A_228 : vector<16xi1>
      %mul3A_230 = arith.constant 16 : i32
      %mul3A_231 = arith.muli %scan3A_47, %mul3A_230 : i32
      %add3A_232 = arith.constant 5120 : i32
      %add3A_233 = arith.addi %add3A_232, %mul3A_231 : i32
      %get3A_234 = arith.index_cast %add3A_233 : i32 to index
      %get3A_235 = tpu.vector_load %arg10[%get3A_234] {strides = array<i32>} : memref<25600xf32, #tpu.memory_space<vmem>>, vector<16xf32>,
      %get3A_236 = vector.shape_cast %get3A_235 : vector<16xf32> to vector<16xf32>
      %jit3A_237 = arith.constant 0.000000e+00 : f32
      %broadcast_in_dim3A_238 = vector.broadcast %jit3A_237 : f32 to vector<16xf32>
      %select_n3A_239 = arith.select %and3A_229, %get3A_236, %broadcast_in_dim3A_238 : vector<16xi1>, vector<16xf32>
      %add3A_240 = arith.constant -1 : i32
      %add3A_241 = vector.broadcast %add3A_240 : i32 to vector<16xi32>
      %add3A_242 = arith.addi %shift_right_logical3A_53, %add3A_241 : vector<16xi32>
      %add3A_243 = arith.constant -1 : i32
      %add3A_244 = vector.broadcast %add3A_243 : i32 to vector<16xi32>
      %add3A_245 = arith.addi %and3A_56, %add3A_244 : vector<16xi32>
      %ge3A_246 = arith.constant 0 : i32
      %ge3A_247 = vector.broadcast %ge3A_246 : i32 to vector<16xi32>
      %ge3A_248 = arith.cmpi sge, %add3A_242, %ge3A_247 : vector<16xi32>
      %lt3A_249 = arith.constant 512 : i32
      %lt3A_250 = vector.broadcast %lt3A_249 : i32 to vector<16xi32>
      %lt3A_251 = arith.cmpi slt, %add3A_242, %lt3A_250 : vector<16xi32>
      %and3A_252 = arith.andi %ge3A_248, %lt3A_251 : vector<16xi1>
      %ge3A_253 = arith.constant 0 : i32
      %ge3A_254 = vector.broadcast %ge3A_253 : i32 to vector<16xi32>
      %ge3A_255 = arith.cmpi sge, %add3A_245, %ge3A_254 : vector<16xi32>
      %and3A_256 = arith.andi %and3A_252, %ge3A_255 : vector<16xi1>
      %lt3A_257 = arith.constant 512 : i32
      %lt3A_258 = vector.broadcast %lt3A_257 : i32 to vector<16xi32>
      %lt3A_259 = arith.cmpi slt, %add3A_245, %lt3A_258 : vector<16xi32>
      %and3A_260 = arith.andi %and3A_256, %lt3A_259 : vector<16xi1>
      %mul3A_261 = arith.constant 16 : i32
      %mul3A_262 = arith.muli %scan3A_47, %mul3A_261 : i32
      %add3A_263 = arith.constant 6144 : i32
      %add3A_264 = arith.addi %add3A_263, %mul3A_262 : i32
      %get3A_265 = arith.index_cast %add3A_264 : i32 to index
      %get3A_266 = tpu.vector_load %arg10[%get3A_265] {strides = array<i32>} : memref<25600xf32, #tpu.memory_space<vmem>>, vector<16xf32>,
      %get3A_267 = vector.shape_cast %get3A_266 : vector<16xf32> to vector<16xf32>
      %jit3A_268 = arith.constant 0.000000e+00 : f32
      %broadcast_in_dim3A_269 = vector.broadcast %jit3A_268 : f32 to vector<16xf32>
      %select_n3A_270 = arith.select %and3A_260, %get3A_267, %broadcast_in_dim3A_269 : vector<16xi1>, vector<16xf32>
      %add3A_271 = arith.constant -1 : i32
      %add3A_272 = vector.broadcast %add3A_271 : i32 to vector<16xi32>
      %add3A_273 = arith.addi %shift_right_logical3A_53, %add3A_272 : vector<16xi32>
      %add3A_274 = arith.constant 0 : i32
      %add3A_275 = vector.broadcast %add3A_274 : i32 to vector<16xi32>
      %add3A_276 = arith.addi %and3A_56, %add3A_275 : vector<16xi32>
      %ge3A_277 = arith.constant 0 : i32
      %ge3A_278 = vector.broadcast %ge3A_277 : i32 to vector<16xi32>
      %ge3A_279 = arith.cmpi sge, %add3A_273, %ge3A_278 : vector<16xi32>
      %lt3A_280 = arith.constant 512 : i32
      %lt3A_281 = vector.broadcast %lt3A_280 : i32 to vector<16xi32>
      %lt3A_282 = arith.cmpi slt, %add3A_273, %lt3A_281 : vector<16xi32>
      %and3A_283 = arith.andi %ge3A_279, %lt3A_282 : vector<16xi1>
      %ge3A_284 = arith.constant 0 : i32
      %ge3A_285 = vector.broadcast %ge3A_284 : i32 to vector<16xi32>
      %ge3A_286 = arith.cmpi sge, %add3A_276, %ge3A_285 : vector<16xi32>
      %and3A_287 = arith.andi %and3A_283, %ge3A_286 : vector<16xi1>
      %lt3A_288 = arith.constant 512 : i32
      %lt3A_289 = vector.broadcast %lt3A_288 : i32 to vector<16xi32>
      %lt3A_290 = arith.cmpi slt, %add3A_276, %lt3A_289 : vector<16xi32>
      %and3A_291 = arith.andi %and3A_287, %lt3A_290 : vector<16xi1>
      %mul3A_292 = arith.constant 16 : i32
      %mul3A_293 = arith.muli %scan3A_47, %mul3A_292 : i32
      %add3A_294 = arith.constant 7168 : i32
      %add3A_295 = arith.addi %add3A_294, %mul3A_293 : i32
      %get3A_296 = arith.index_cast %add3A_295 : i32 to index
      %get3A_297 = tpu.vector_load %arg10[%get3A_296] {strides = array<i32>} : memref<25600xf32, #tpu.memory_space<vmem>>, vector<16xf32>,
      %get3A_298 = vector.shape_cast %get3A_297 : vector<16xf32> to vector<16xf32>
      %jit3A_299 = arith.constant 0.000000e+00 : f32
      %broadcast_in_dim3A_300 = vector.broadcast %jit3A_299 : f32 to vector<16xf32>
      %select_n3A_301 = arith.select %and3A_291, %get3A_298, %broadcast_in_dim3A_300 : vector<16xi1>, vector<16xf32>
      %add3A_302 = arith.constant -1 : i32
      %add3A_303 = vector.broadcast %add3A_302 : i32 to vector<16xi32>
      %add3A_304 = arith.addi %shift_right_logical3A_53, %add3A_303 : vector<16xi32>
      %add3A_305 = arith.constant 1 : i32
      %add3A_306 = vector.broadcast %add3A_305 : i32 to vector<16xi32>
      %add3A_307 = arith.addi %and3A_56, %add3A_306 : vector<16xi32>
      %ge3A_308 = arith.constant 0 : i32
      %ge3A_309 = vector.broadcast %ge3A_308 : i32 to vector<16xi32>
      %ge3A_310 = arith.cmpi sge, %add3A_304, %ge3A_309 : vector<16xi32>
      %lt3A_311 = arith.constant 512 : i32
      %lt3A_312 = vector.broadcast %lt3A_311 : i32 to vector<16xi32>
      %lt3A_313 = arith.cmpi slt, %add3A_304, %lt3A_312 : vector<16xi32>
      %and3A_314 = arith.andi %ge3A_310, %lt3A_313 : vector<16xi1>
      %ge3A_315 = arith.constant 0 : i32
      %ge3A_316 = vector.broadcast %ge3A_315 : i32 to vector<16xi32>
      %ge3A_317 = arith.cmpi sge, %add3A_307, %ge3A_316 : vector<16xi32>
      %and3A_318 = arith.andi %and3A_314, %ge3A_317 : vector<16xi1>
      %lt3A_319 = arith.constant 512 : i32
      %lt3A_320 = vector.broadcast %lt3A_319 : i32 to vector<16xi32>
      %lt3A_321 = arith.cmpi slt, %add3A_307, %lt3A_320 : vector<16xi32>
      %and3A_322 = arith.andi %and3A_318, %lt3A_321 : vector<16xi1>
      %mul3A_323 = arith.constant 16 : i32
      %mul3A_324 = arith.muli %scan3A_47, %mul3A_323 : i32
      %add3A_325 = arith.constant 8192 : i32
      %add3A_326 = arith.addi %add3A_325, %mul3A_324 : i32
      %get3A_327 = arith.index_cast %add3A_326 : i32 to index
      %get3A_328 = tpu.vector_load %arg10[%get3A_327] {strides = array<i32>} : memref<25600xf32, #tpu.memory_space<vmem>>, vector<16xf32>,
      %get3A_329 = vector.shape_cast %get3A_328 : vector<16xf32> to vector<16xf32>
      %jit3A_330 = arith.constant 0.000000e+00 : f32
      %broadcast_in_dim3A_331 = vector.broadcast %jit3A_330 : f32 to vector<16xf32>
      %select_n3A_332 = arith.select %and3A_322, %get3A_329, %broadcast_in_dim3A_331 : vector<16xi1>, vector<16xf32>
      %add3A_333 = arith.constant -1 : i32
      %add3A_334 = vector.broadcast %add3A_333 : i32 to vector<16xi32>
      %add3A_335 = arith.addi %shift_right_logical3A_53, %add3A_334 : vector<16xi32>
      %add3A_336 = arith.constant 2 : i32
      %add3A_337 = vector.broadcast %add3A_336 : i32 to vector<16xi32>
      %add3A_338 = arith.addi %and3A_56, %add3A_337 : vector<16xi32>
      %ge3A_339 = arith.constant 0 : i32
      %ge3A_340 = vector.broadcast %ge3A_339 : i32 to vector<16xi32>
      %ge3A_341 = arith.cmpi sge, %add3A_335, %ge3A_340 : vector<16xi32>
      %lt3A_342 = arith.constant 512 : i32
      %lt3A_343 = vector.broadcast %lt3A_342 : i32 to vector<16xi32>
      %lt3A_344 = arith.cmpi slt, %add3A_335, %lt3A_343 : vector<16xi32>
      %and3A_345 = arith.andi %ge3A_341, %lt3A_344 : vector<16xi1>
      %ge3A_346 = arith.constant 0 : i32
      %ge3A_347 = vector.broadcast %ge3A_346 : i32 to vector<16xi32>
      %ge3A_348 = arith.cmpi sge, %add3A_338, %ge3A_347 : vector<16xi32>
      %and3A_349 = arith.andi %and3A_345, %ge3A_348 : vector<16xi1>
      %lt3A_350 = arith.constant 512 : i32
      %lt3A_351 = vector.broadcast %lt3A_350 : i32 to vector<16xi32>
      %lt3A_352 = arith.cmpi slt, %add3A_338, %lt3A_351 : vector<16xi32>
      %and3A_353 = arith.andi %and3A_349, %lt3A_352 : vector<16xi1>
      %mul3A_354 = arith.constant 16 : i32
      %mul3A_355 = arith.muli %scan3A_47, %mul3A_354 : i32
      %add3A_356 = arith.constant 9216 : i32
      %add3A_357 = arith.addi %add3A_356, %mul3A_355 : i32
      %get3A_358 = arith.index_cast %add3A_357 : i32 to index
      %get3A_359 = tpu.vector_load %arg10[%get3A_358] {strides = array<i32>} : memref<25600xf32, #tpu.memory_space<vmem>>, vector<16xf32>,
      %get3A_360 = vector.shape_cast %get3A_359 : vector<16xf32> to vector<16xf32>
      %jit3A_361 = arith.constant 0.000000e+00 : f32
      %broadcast_in_dim3A_362 = vector.broadcast %jit3A_361 : f32 to vector<16xf32>
      %select_n3A_363 = arith.select %and3A_353, %get3A_360, %broadcast_in_dim3A_362 : vector<16xi1>, vector<16xf32>
      %add3A_364 = arith.constant 0 : i32
      %add3A_365 = vector.broadcast %add3A_364 : i32 to vector<16xi32>
      %add3A_366 = arith.addi %shift_right_logical3A_53, %add3A_365 : vector<16xi32>
      %add3A_367 = arith.constant -2 : i32
      %add3A_368 = vector.broadcast %add3A_367 : i32 to vector<16xi32>
      %add3A_369 = arith.addi %and3A_56, %add3A_368 : vector<16xi32>
      %ge3A_370 = arith.constant 0 : i32
      %ge3A_371 = vector.broadcast %ge3A_370 : i32 to vector<16xi32>
      %ge3A_372 = arith.cmpi sge, %add3A_366, %ge3A_371 : vector<16xi32>
      %lt3A_373 = arith.constant 512 : i32
      %lt3A_374 = vector.broadcast %lt3A_373 : i32 to vector<16xi32>
      %lt3A_375 = arith.cmpi slt, %add3A_366, %lt3A_374 : vector<16xi32>
      %and3A_376 = arith.andi %ge3A_372, %lt3A_375 : vector<16xi1>
      %ge3A_377 = arith.constant 0 : i32
      %ge3A_378 = vector.broadcast %ge3A_377 : i32 to vector<16xi32>
      %ge3A_379 = arith.cmpi sge, %add3A_369, %ge3A_378 : vector<16xi32>
      %and3A_380 = arith.andi %and3A_376, %ge3A_379 : vector<16xi1>
      %lt3A_381 = arith.constant 512 : i32
      %lt3A_382 = vector.broadcast %lt3A_381 : i32 to vector<16xi32>
      %lt3A_383 = arith.cmpi slt, %add3A_369, %lt3A_382 : vector<16xi32>
      %and3A_384 = arith.andi %and3A_380, %lt3A_383 : vector<16xi1>
      %mul3A_385 = arith.constant 16 : i32
      %mul3A_386 = arith.muli %scan3A_47, %mul3A_385 : i32
      %add3A_387 = arith.constant 10240 : i32
      %add3A_388 = arith.addi %add3A_387, %mul3A_386 : i32
      %get3A_389 = arith.index_cast %add3A_388 : i32 to index
      %get3A_390 = tpu.vector_load %arg10[%get3A_389] {strides = array<i32>} : memref<25600xf32, #tpu.memory_space<vmem>>, vector<16xf32>,
      %get3A_391 = vector.shape_cast %get3A_390 : vector<16xf32> to vector<16xf32>
      %jit3A_392 = arith.constant 0.000000e+00 : f32
      %broadcast_in_dim3A_393 = vector.broadcast %jit3A_392 : f32 to vector<16xf32>
      %select_n3A_394 = arith.select %and3A_384, %get3A_391, %broadcast_in_dim3A_393 : vector<16xi1>, vector<16xf32>
      %add3A_395 = arith.constant 0 : i32
      %add3A_396 = vector.broadcast %add3A_395 : i32 to vector<16xi32>
      %add3A_397 = arith.addi %shift_right_logical3A_53, %add3A_396 : vector<16xi32>
      %add3A_398 = arith.constant -1 : i32
      %add3A_399 = vector.broadcast %add3A_398 : i32 to vector<16xi32>
      %add3A_400 = arith.addi %and3A_56, %add3A_399 : vector<16xi32>
      %ge3A_401 = arith.constant 0 : i32
      %ge3A_402 = vector.broadcast %ge3A_401 : i32 to vector<16xi32>
      %ge3A_403 = arith.cmpi sge, %add3A_397, %ge3A_402 : vector<16xi32>
      %lt3A_404 = arith.constant 512 : i32
      %lt3A_405 = vector.broadcast %lt3A_404 : i32 to vector<16xi32>
      %lt3A_406 = arith.cmpi slt, %add3A_397, %lt3A_405 : vector<16xi32>
      %and3A_407 = arith.andi %ge3A_403, %lt3A_406 : vector<16xi1>
      %ge3A_408 = arith.constant 0 : i32
      %ge3A_409 = vector.broadcast %ge3A_408 : i32 to vector<16xi32>
      %ge3A_410 = arith.cmpi sge, %add3A_400, %ge3A_409 : vector<16xi32>
      %and3A_411 = arith.andi %and3A_407, %ge3A_410 : vector<16xi1>
      %lt3A_412 = arith.constant 512 : i32
      %lt3A_413 = vector.broadcast %lt3A_412 : i32 to vector<16xi32>
      %lt3A_414 = arith.cmpi slt, %add3A_400, %lt3A_413 : vector<16xi32>
      %and3A_415 = arith.andi %and3A_411, %lt3A_414 : vector<16xi1>
      %mul3A_416 = arith.constant 16 : i32
      %mul3A_417 = arith.muli %scan3A_47, %mul3A_416 : i32
      %add3A_418 = arith.constant 11264 : i32
      %add3A_419 = arith.addi %add3A_418, %mul3A_417 : i32
      %get3A_420 = arith.index_cast %add3A_419 : i32 to index
      %get3A_421 = tpu.vector_load %arg10[%get3A_420] {strides = array<i32>} : memref<25600xf32, #tpu.memory_space<vmem>>, vector<16xf32>,
      %get3A_422 = vector.shape_cast %get3A_421 : vector<16xf32> to vector<16xf32>
      %jit3A_423 = arith.constant 0.000000e+00 : f32
      %broadcast_in_dim3A_424 = vector.broadcast %jit3A_423 : f32 to vector<16xf32>
      %select_n3A_425 = arith.select %and3A_415, %get3A_422, %broadcast_in_dim3A_424 : vector<16xi1>, vector<16xf32>
      %add3A_426 = arith.constant 0 : i32
      %add3A_427 = vector.broadcast %add3A_426 : i32 to vector<16xi32>
      %add3A_428 = arith.addi %shift_right_logical3A_53, %add3A_427 : vector<16xi32>
      %add3A_429 = arith.constant 0 : i32
      %add3A_430 = vector.broadcast %add3A_429 : i32 to vector<16xi32>
      %add3A_431 = arith.addi %and3A_56, %add3A_430 : vector<16xi32>
      %ge3A_432 = arith.constant 0 : i32
      %ge3A_433 = vector.broadcast %ge3A_432 : i32 to vector<16xi32>
      %ge3A_434 = arith.cmpi sge, %add3A_428, %ge3A_433 : vector<16xi32>
      %lt3A_435 = arith.constant 512 : i32
      %lt3A_436 = vector.broadcast %lt3A_435 : i32 to vector<16xi32>
      %lt3A_437 = arith.cmpi slt, %add3A_428, %lt3A_436 : vector<16xi32>
      %and3A_438 = arith.andi %ge3A_434, %lt3A_437 : vector<16xi1>
      %ge3A_439 = arith.constant 0 : i32
      %ge3A_440 = vector.broadcast %ge3A_439 : i32 to vector<16xi32>
      %ge3A_441 = arith.cmpi sge, %add3A_431, %ge3A_440 : vector<16xi32>
      %and3A_442 = arith.andi %and3A_438, %ge3A_441 : vector<16xi1>
      %lt3A_443 = arith.constant 512 : i32
      %lt3A_444 = vector.broadcast %lt3A_443 : i32 to vector<16xi32>
      %lt3A_445 = arith.cmpi slt, %add3A_431, %lt3A_444 : vector<16xi32>
      %and3A_446 = arith.andi %and3A_442, %lt3A_445 : vector<16xi1>
      %mul3A_447 = arith.constant 16 : i32
      %mul3A_448 = arith.muli %scan3A_47, %mul3A_447 : i32
      %add3A_449 = arith.constant 12288 : i32
      %add3A_450 = arith.addi %add3A_449, %mul3A_448 : i32
      %get3A_451 = arith.index_cast %add3A_450 : i32 to index
      %get3A_452 = tpu.vector_load %arg10[%get3A_451] {strides = array<i32>} : memref<25600xf32, #tpu.memory_space<vmem>>, vector<16xf32>,
      %get3A_453 = vector.shape_cast %get3A_452 : vector<16xf32> to vector<16xf32>
      %jit3A_454 = arith.constant 0.000000e+00 : f32
      %broadcast_in_dim3A_455 = vector.broadcast %jit3A_454 : f32 to vector<16xf32>
      %select_n3A_456 = arith.select %and3A_446, %get3A_453, %broadcast_in_dim3A_455 : vector<16xi1>, vector<16xf32>
      %add3A_457 = arith.constant 0 : i32
      %add3A_458 = vector.broadcast %add3A_457 : i32 to vector<16xi32>
      %add3A_459 = arith.addi %shift_right_logical3A_53, %add3A_458 : vector<16xi32>
      %add3A_460 = arith.constant 1 : i32
      %add3A_461 = vector.broadcast %add3A_460 : i32 to vector<16xi32>
      %add3A_462 = arith.addi %and3A_56, %add3A_461 : vector<16xi32>
      %ge3A_463 = arith.constant 0 : i32
      %ge3A_464 = vector.broadcast %ge3A_463 : i32 to vector<16xi32>
      %ge3A_465 = arith.cmpi sge, %add3A_459, %ge3A_464 : vector<16xi32>
      %lt3A_466 = arith.constant 512 : i32
      %lt3A_467 = vector.broadcast %lt3A_466 : i32 to vector<16xi32>
      %lt3A_468 = arith.cmpi slt, %add3A_459, %lt3A_467 : vector<16xi32>
      %and3A_469 = arith.andi %ge3A_465, %lt3A_468 : vector<16xi1>
      %ge3A_470 = arith.constant 0 : i32
      %ge3A_471 = vector.broadcast %ge3A_470 : i32 to vector<16xi32>
      %ge3A_472 = arith.cmpi sge, %add3A_462, %ge3A_471 : vector<16xi32>
      %and3A_473 = arith.andi %and3A_469, %ge3A_472 : vector<16xi1>
      %lt3A_474 = arith.constant 512 : i32
      %lt3A_475 = vector.broadcast %lt3A_474 : i32 to vector<16xi32>
      %lt3A_476 = arith.cmpi slt, %add3A_462, %lt3A_475 : vector<16xi32>
      %and3A_477 = arith.andi %and3A_473, %lt3A_476 : vector<16xi1>
      %mul3A_478 = arith.constant 16 : i32
      %mul3A_479 = arith.muli %scan3A_47, %mul3A_478 : i32
      %add3A_480 = arith.constant 13312 : i32
      %add3A_481 = arith.addi %add3A_480, %mul3A_479 : i32
      %get3A_482 = arith.index_cast %add3A_481 : i32 to index
      %get3A_483 = tpu.vector_load %arg10[%get3A_482] {strides = array<i32>} : memref<25600xf32, #tpu.memory_space<vmem>>, vector<16xf32>,
      %get3A_484 = vector.shape_cast %get3A_483 : vector<16xf32> to vector<16xf32>
      %jit3A_485 = arith.constant 0.000000e+00 : f32
      %broadcast_in_dim3A_486 = vector.broadcast %jit3A_485 : f32 to vector<16xf32>
      %select_n3A_487 = arith.select %and3A_477, %get3A_484, %broadcast_in_dim3A_486 : vector<16xi1>, vector<16xf32>
      %add3A_488 = arith.constant 0 : i32
      %add3A_489 = vector.broadcast %add3A_488 : i32 to vector<16xi32>
      %add3A_490 = arith.addi %shift_right_logical3A_53, %add3A_489 : vector<16xi32>
      %add3A_491 = arith.constant 2 : i32
      %add3A_492 = vector.broadcast %add3A_491 : i32 to vector<16xi32>
      %add3A_493 = arith.addi %and3A_56, %add3A_492 : vector<16xi32>
      %ge3A_494 = arith.constant 0 : i32
      %ge3A_495 = vector.broadcast %ge3A_494 : i32 to vector<16xi32>
      %ge3A_496 = arith.cmpi sge, %add3A_490, %ge3A_495 : vector<16xi32>
      %lt3A_497 = arith.constant 512 : i32
      %lt3A_498 = vector.broadcast %lt3A_497 : i32 to vector<16xi32>
      %lt3A_499 = arith.cmpi slt, %add3A_490, %lt3A_498 : vector<16xi32>
      %and3A_500 = arith.andi %ge3A_496, %lt3A_499 : vector<16xi1>
      %ge3A_501 = arith.constant 0 : i32
      %ge3A_502 = vector.broadcast %ge3A_501 : i32 to vector<16xi32>
      %ge3A_503 = arith.cmpi sge, %add3A_493, %ge3A_502 : vector<16xi32>
      %and3A_504 = arith.andi %and3A_500, %ge3A_503 : vector<16xi1>
      %lt3A_505 = arith.constant 512 : i32
      %lt3A_506 = vector.broadcast %lt3A_505 : i32 to vector<16xi32>
      %lt3A_507 = arith.cmpi slt, %add3A_493, %lt3A_506 : vector<16xi32>
      %and3A_508 = arith.andi %and3A_504, %lt3A_507 : vector<16xi1>
      %mul3A_509 = arith.constant 16 : i32
      %mul3A_510 = arith.muli %scan3A_47, %mul3A_509 : i32
      %add3A_511 = arith.constant 14336 : i32
      %add3A_512 = arith.addi %add3A_511, %mul3A_510 : i32
      %get3A_513 = arith.index_cast %add3A_512 : i32 to index
      %get3A_514 = tpu.vector_load %arg10[%get3A_513] {strides = array<i32>} : memref<25600xf32, #tpu.memory_space<vmem>>, vector<16xf32>,
      %get3A_515 = vector.shape_cast %get3A_514 : vector<16xf32> to vector<16xf32>
      %jit3A_516 = arith.constant 0.000000e+00 : f32
      %broadcast_in_dim3A_517 = vector.broadcast %jit3A_516 : f32 to vector<16xf32>
      %select_n3A_518 = arith.select %and3A_508, %get3A_515, %broadcast_in_dim3A_517 : vector<16xi1>, vector<16xf32>
      %add3A_519 = arith.constant 1 : i32
      %add3A_520 = vector.broadcast %add3A_519 : i32 to vector<16xi32>
      %add3A_521 = arith.addi %shift_right_logical3A_53, %add3A_520 : vector<16xi32>
      %add3A_522 = arith.constant -2 : i32
      %add3A_523 = vector.broadcast %add3A_522 : i32 to vector<16xi32>
      %add3A_524 = arith.addi %and3A_56, %add3A_523 : vector<16xi32>
      %ge3A_525 = arith.constant 0 : i32
      %ge3A_526 = vector.broadcast %ge3A_525 : i32 to vector<16xi32>
      %ge3A_527 = arith.cmpi sge, %add3A_521, %ge3A_526 : vector<16xi32>
      %lt3A_528 = arith.constant 512 : i32
      %lt3A_529 = vector.broadcast %lt3A_528 : i32 to vector<16xi32>
      %lt3A_530 = arith.cmpi slt, %add3A_521, %lt3A_529 : vector<16xi32>
      %and3A_531 = arith.andi %ge3A_527, %lt3A_530 : vector<16xi1>
      %ge3A_532 = arith.constant 0 : i32
      %ge3A_533 = vector.broadcast %ge3A_532 : i32 to vector<16xi32>
      %ge3A_534 = arith.cmpi sge, %add3A_524, %ge3A_533 : vector<16xi32>
      %and3A_535 = arith.andi %and3A_531, %ge3A_534 : vector<16xi1>
      %lt3A_536 = arith.constant 512 : i32
      %lt3A_537 = vector.broadcast %lt3A_536 : i32 to vector<16xi32>
      %lt3A_538 = arith.cmpi slt, %add3A_524, %lt3A_537 : vector<16xi32>
      %and3A_539 = arith.andi %and3A_535, %lt3A_538 : vector<16xi1>
      %mul3A_540 = arith.constant 16 : i32
      %mul3A_541 = arith.muli %scan3A_47, %mul3A_540 : i32
      %add3A_542 = arith.constant 15360 : i32
      %add3A_543 = arith.addi %add3A_542, %mul3A_541 : i32
      %get3A_544 = arith.index_cast %add3A_543 : i32 to index
      %get3A_545 = tpu.vector_load %arg10[%get3A_544] {strides = array<i32>} : memref<25600xf32, #tpu.memory_space<vmem>>, vector<16xf32>,
      %get3A_546 = vector.shape_cast %get3A_545 : vector<16xf32> to vector<16xf32>
      %jit3A_547 = arith.constant 0.000000e+00 : f32
      %broadcast_in_dim3A_548 = vector.broadcast %jit3A_547 : f32 to vector<16xf32>
      %select_n3A_549 = arith.select %and3A_539, %get3A_546, %broadcast_in_dim3A_548 : vector<16xi1>, vector<16xf32>
      %add3A_550 = arith.constant 1 : i32
      %add3A_551 = vector.broadcast %add3A_550 : i32 to vector<16xi32>
      %add3A_552 = arith.addi %shift_right_logical3A_53, %add3A_551 : vector<16xi32>
      %add3A_553 = arith.constant -1 : i32
      %add3A_554 = vector.broadcast %add3A_553 : i32 to vector<16xi32>
      %add3A_555 = arith.addi %and3A_56, %add3A_554 : vector<16xi32>
      %ge3A_556 = arith.constant 0 : i32
      %ge3A_557 = vector.broadcast %ge3A_556 : i32 to vector<16xi32>
      %ge3A_558 = arith.cmpi sge, %add3A_552, %ge3A_557 : vector<16xi32>
      %lt3A_559 = arith.constant 512 : i32
      %lt3A_560 = vector.broadcast %lt3A_559 : i32 to vector<16xi32>
      %lt3A_561 = arith.cmpi slt, %add3A_552, %lt3A_560 : vector<16xi32>
      %and3A_562 = arith.andi %ge3A_558, %lt3A_561 : vector<16xi1>
      %ge3A_563 = arith.constant 0 : i32
      %ge3A_564 = vector.broadcast %ge3A_563 : i32 to vector<16xi32>
      %ge3A_565 = arith.cmpi sge, %add3A_555, %ge3A_564 : vector<16xi32>
      %and3A_566 = arith.andi %and3A_562, %ge3A_565 : vector<16xi1>
      %lt3A_567 = arith.constant 512 : i32
      %lt3A_568 = vector.broadcast %lt3A_567 : i32 to vector<16xi32>
      %lt3A_569 = arith.cmpi slt, %add3A_555, %lt3A_568 : vector<16xi32>
      %and3A_570 = arith.andi %and3A_566, %lt3A_569 : vector<16xi1>
      %mul3A_571 = arith.constant 16 : i32
      %mul3A_572 = arith.muli %scan3A_47, %mul3A_571 : i32
      %add3A_573 = arith.constant 16384 : i32
      %add3A_574 = arith.addi %add3A_573, %mul3A_572 : i32
      %get3A_575 = arith.index_cast %add3A_574 : i32 to index
      %get3A_576 = tpu.vector_load %arg10[%get3A_575] {strides = array<i32>} : memref<25600xf32, #tpu.memory_space<vmem>>, vector<16xf32>,
      %get3A_577 = vector.shape_cast %get3A_576 : vector<16xf32> to vector<16xf32>
      %jit3A_578 = arith.constant 0.000000e+00 : f32
      %broadcast_in_dim3A_579 = vector.broadcast %jit3A_578 : f32 to vector<16xf32>
      %select_n3A_580 = arith.select %and3A_570, %get3A_577, %broadcast_in_dim3A_579 : vector<16xi1>, vector<16xf32>
      %add3A_581 = arith.constant 1 : i32
      %add3A_582 = vector.broadcast %add3A_581 : i32 to vector<16xi32>
      %add3A_583 = arith.addi %shift_right_logical3A_53, %add3A_582 : vector<16xi32>
      %add3A_584 = arith.constant 0 : i32
      %add3A_585 = vector.broadcast %add3A_584 : i32 to vector<16xi32>
      %add3A_586 = arith.addi %and3A_56, %add3A_585 : vector<16xi32>
      %ge3A_587 = arith.constant 0 : i32
      %ge3A_588 = vector.broadcast %ge3A_587 : i32 to vector<16xi32>
      %ge3A_589 = arith.cmpi sge, %add3A_583, %ge3A_588 : vector<16xi32>
      %lt3A_590 = arith.constant 512 : i32
      %lt3A_591 = vector.broadcast %lt3A_590 : i32 to vector<16xi32>
      %lt3A_592 = arith.cmpi slt, %add3A_583, %lt3A_591 : vector<16xi32>
      %and3A_593 = arith.andi %ge3A_589, %lt3A_592 : vector<16xi1>
      %ge3A_594 = arith.constant 0 : i32
      %ge3A_595 = vector.broadcast %ge3A_594 : i32 to vector<16xi32>
      %ge3A_596 = arith.cmpi sge, %add3A_586, %ge3A_595 : vector<16xi32>
      %and3A_597 = arith.andi %and3A_593, %ge3A_596 : vector<16xi1>
      %lt3A_598 = arith.constant 512 : i32
      %lt3A_599 = vector.broadcast %lt3A_598 : i32 to vector<16xi32>
      %lt3A_600 = arith.cmpi slt, %add3A_586, %lt3A_599 : vector<16xi32>
      %and3A_601 = arith.andi %and3A_597, %lt3A_600 : vector<16xi1>
      %mul3A_602 = arith.constant 16 : i32
      %mul3A_603 = arith.muli %scan3A_47, %mul3A_602 : i32
      %add3A_604 = arith.constant 17408 : i32
      %add3A_605 = arith.addi %add3A_604, %mul3A_603 : i32
      %get3A_606 = arith.index_cast %add3A_605 : i32 to index
      %get3A_607 = tpu.vector_load %arg10[%get3A_606] {strides = array<i32>} : memref<25600xf32, #tpu.memory_space<vmem>>, vector<16xf32>,
      %get3A_608 = vector.shape_cast %get3A_607 : vector<16xf32> to vector<16xf32>
      %jit3A_609 = arith.constant 0.000000e+00 : f32
      %broadcast_in_dim3A_610 = vector.broadcast %jit3A_609 : f32 to vector<16xf32>
      %select_n3A_611 = arith.select %and3A_601, %get3A_608, %broadcast_in_dim3A_610 : vector<16xi1>, vector<16xf32>
      %add3A_612 = arith.constant 1 : i32
      %add3A_613 = vector.broadcast %add3A_612 : i32 to vector<16xi32>
      %add3A_614 = arith.addi %shift_right_logical3A_53, %add3A_613 : vector<16xi32>
      %add3A_615 = arith.constant 1 : i32
      %add3A_616 = vector.broadcast %add3A_615 : i32 to vector<16xi32>
      %add3A_617 = arith.addi %and3A_56, %add3A_616 : vector<16xi32>
      %ge3A_618 = arith.constant 0 : i32
      %ge3A_619 = vector.broadcast %ge3A_618 : i32 to vector<16xi32>
      %ge3A_620 = arith.cmpi sge, %add3A_614, %ge3A_619 : vector<16xi32>
      %lt3A_621 = arith.constant 512 : i32
      %lt3A_622 = vector.broadcast %lt3A_621 : i32 to vector<16xi32>
      %lt3A_623 = arith.cmpi slt, %add3A_614, %lt3A_622 : vector<16xi32>
      %and3A_624 = arith.andi %ge3A_620, %lt3A_623 : vector<16xi1>
      %ge3A_625 = arith.constant 0 : i32
      %ge3A_626 = vector.broadcast %ge3A_625 : i32 to vector<16xi32>
      %ge3A_627 = arith.cmpi sge, %add3A_617, %ge3A_626 : vector<16xi32>
      %and3A_628 = arith.andi %and3A_624, %ge3A_627 : vector<16xi1>
      %lt3A_629 = arith.constant 512 : i32
      %lt3A_630 = vector.broadcast %lt3A_629 : i32 to vector<16xi32>
      %lt3A_631 = arith.cmpi slt, %add3A_617, %lt3A_630 : vector<16xi32>
      %and3A_632 = arith.andi %and3A_628, %lt3A_631 : vector<16xi1>
      %mul3A_633 = arith.constant 16 : i32
      %mul3A_634 = arith.muli %scan3A_47, %mul3A_633 : i32
      %add3A_635 = arith.constant 18432 : i32
      %add3A_636 = arith.addi %add3A_635, %mul3A_634 : i32
      %get3A_637 = arith.index_cast %add3A_636 : i32 to index
      %get3A_638 = tpu.vector_load %arg10[%get3A_637] {strides = array<i32>} : memref<25600xf32, #tpu.memory_space<vmem>>, vector<16xf32>,
      %get3A_639 = vector.shape_cast %get3A_638 : vector<16xf32> to vector<16xf32>
      %jit3A_640 = arith.constant 0.000000e+00 : f32
      %broadcast_in_dim3A_641 = vector.broadcast %jit3A_640 : f32 to vector<16xf32>
      %select_n3A_642 = arith.select %and3A_632, %get3A_639, %broadcast_in_dim3A_641 : vector<16xi1>, vector<16xf32>
      %add3A_643 = arith.constant 1 : i32
      %add3A_644 = vector.broadcast %add3A_643 : i32 to vector<16xi32>
      %add3A_645 = arith.addi %shift_right_logical3A_53, %add3A_644 : vector<16xi32>
      %add3A_646 = arith.constant 2 : i32
      %add3A_647 = vector.broadcast %add3A_646 : i32 to vector<16xi32>
      %add3A_648 = arith.addi %and3A_56, %add3A_647 : vector<16xi32>
      %ge3A_649 = arith.constant 0 : i32
      %ge3A_650 = vector.broadcast %ge3A_649 : i32 to vector<16xi32>
      %ge3A_651 = arith.cmpi sge, %add3A_645, %ge3A_650 : vector<16xi32>
      %lt3A_652 = arith.constant 512 : i32
      %lt3A_653 = vector.broadcast %lt3A_652 : i32 to vector<16xi32>
      %lt3A_654 = arith.cmpi slt, %add3A_645, %lt3A_653 : vector<16xi32>
      %and3A_655 = arith.andi %ge3A_651, %lt3A_654 : vector<16xi1>
      %ge3A_656 = arith.constant 0 : i32
      %ge3A_657 = vector.broadcast %ge3A_656 : i32 to vector<16xi32>
      %ge3A_658 = arith.cmpi sge, %add3A_648, %ge3A_657 : vector<16xi32>
      %and3A_659 = arith.andi %and3A_655, %ge3A_658 : vector<16xi1>
      %lt3A_660 = arith.constant 512 : i32
      %lt3A_661 = vector.broadcast %lt3A_660 : i32 to vector<16xi32>
      %lt3A_662 = arith.cmpi slt, %add3A_648, %lt3A_661 : vector<16xi32>
      %and3A_663 = arith.andi %and3A_659, %lt3A_662 : vector<16xi1>
      %mul3A_664 = arith.constant 16 : i32
      %mul3A_665 = arith.muli %scan3A_47, %mul3A_664 : i32
      %add3A_666 = arith.constant 19456 : i32
      %add3A_667 = arith.addi %add3A_666, %mul3A_665 : i32
      %get3A_668 = arith.index_cast %add3A_667 : i32 to index
      %get3A_669 = tpu.vector_load %arg10[%get3A_668] {strides = array<i32>} : memref<25600xf32, #tpu.memory_space<vmem>>, vector<16xf32>,
      %get3A_670 = vector.shape_cast %get3A_669 : vector<16xf32> to vector<16xf32>
      %jit3A_671 = arith.constant 0.000000e+00 : f32
      %broadcast_in_dim3A_672 = vector.broadcast %jit3A_671 : f32 to vector<16xf32>
      %select_n3A_673 = arith.select %and3A_663, %get3A_670, %broadcast_in_dim3A_672 : vector<16xi1>, vector<16xf32>
      %add3A_674 = arith.constant 2 : i32
      %add3A_675 = vector.broadcast %add3A_674 : i32 to vector<16xi32>
      %add3A_676 = arith.addi %shift_right_logical3A_53, %add3A_675 : vector<16xi32>
      %add3A_677 = arith.constant -2 : i32
      %add3A_678 = vector.broadcast %add3A_677 : i32 to vector<16xi32>
      %add3A_679 = arith.addi %and3A_56, %add3A_678 : vector<16xi32>
      %ge3A_680 = arith.constant 0 : i32
      %ge3A_681 = vector.broadcast %ge3A_680 : i32 to vector<16xi32>
      %ge3A_682 = arith.cmpi sge, %add3A_676, %ge3A_681 : vector<16xi32>
      %lt3A_683 = arith.constant 512 : i32
      %lt3A_684 = vector.broadcast %lt3A_683 : i32 to vector<16xi32>
      %lt3A_685 = arith.cmpi slt, %add3A_676, %lt3A_684 : vector<16xi32>
      %and3A_686 = arith.andi %ge3A_682, %lt3A_685 : vector<16xi1>
      %ge3A_687 = arith.constant 0 : i32
      %ge3A_688 = vector.broadcast %ge3A_687 : i32 to vector<16xi32>
      %ge3A_689 = arith.cmpi sge, %add3A_679, %ge3A_688 : vector<16xi32>
      %and3A_690 = arith.andi %and3A_686, %ge3A_689 : vector<16xi1>
      %lt3A_691 = arith.constant 512 : i32
      %lt3A_692 = vector.broadcast %lt3A_691 : i32 to vector<16xi32>
      %lt3A_693 = arith.cmpi slt, %add3A_679, %lt3A_692 : vector<16xi32>
      %and3A_694 = arith.andi %and3A_690, %lt3A_693 : vector<16xi1>
      %mul3A_695 = arith.constant 16 : i32
      %mul3A_696 = arith.muli %scan3A_47, %mul3A_695 : i32
      %add3A_697 = arith.constant 20480 : i32
      %add3A_698 = arith.addi %add3A_697, %mul3A_696 : i32
      %get3A_699 = arith.index_cast %add3A_698 : i32 to index
      %get3A_700 = tpu.vector_load %arg10[%get3A_699] {strides = array<i32>} : memref<25600xf32, #tpu.memory_space<vmem>>, vector<16xf32>,
      %get3A_701 = vector.shape_cast %get3A_700 : vector<16xf32> to vector<16xf32>
      %jit3A_702 = arith.constant 0.000000e+00 : f32
      %broadcast_in_dim3A_703 = vector.broadcast %jit3A_702 : f32 to vector<16xf32>
      %select_n3A_704 = arith.select %and3A_694, %get3A_701, %broadcast_in_dim3A_703 : vector<16xi1>, vector<16xf32>
      %add3A_705 = arith.constant 2 : i32
      %add3A_706 = vector.broadcast %add3A_705 : i32 to vector<16xi32>
      %add3A_707 = arith.addi %shift_right_logical3A_53, %add3A_706 : vector<16xi32>
      %add3A_708 = arith.constant -1 : i32
      %add3A_709 = vector.broadcast %add3A_708 : i32 to vector<16xi32>
      %add3A_710 = arith.addi %and3A_56, %add3A_709 : vector<16xi32>
      %ge3A_711 = arith.constant 0 : i32
      %ge3A_712 = vector.broadcast %ge3A_711 : i32 to vector<16xi32>
      %ge3A_713 = arith.cmpi sge, %add3A_707, %ge3A_712 : vector<16xi32>
      %lt3A_714 = arith.constant 512 : i32
      %lt3A_715 = vector.broadcast %lt3A_714 : i32 to vector<16xi32>
      %lt3A_716 = arith.cmpi slt, %add3A_707, %lt3A_715 : vector<16xi32>
      %and3A_717 = arith.andi %ge3A_713, %lt3A_716 : vector<16xi1>
      %ge3A_718 = arith.constant 0 : i32
      %ge3A_719 = vector.broadcast %ge3A_718 : i32 to vector<16xi32>
      %ge3A_720 = arith.cmpi sge, %add3A_710, %ge3A_719 : vector<16xi32>
      %and3A_721 = arith.andi %and3A_717, %ge3A_720 : vector<16xi1>
      %lt3A_722 = arith.constant 512 : i32
      %lt3A_723 = vector.broadcast %lt3A_722 : i32 to vector<16xi32>
      %lt3A_724 = arith.cmpi slt, %add3A_710, %lt3A_723 : vector<16xi32>
      %and3A_725 = arith.andi %and3A_721, %lt3A_724 : vector<16xi1>
      %mul3A_726 = arith.constant 16 : i32
      %mul3A_727 = arith.muli %scan3A_47, %mul3A_726 : i32
      %add3A_728 = arith.constant 21504 : i32
      %add3A_729 = arith.addi %add3A_728, %mul3A_727 : i32
      %get3A_730 = arith.index_cast %add3A_729 : i32 to index
      %get3A_731 = tpu.vector_load %arg10[%get3A_730] {strides = array<i32>} : memref<25600xf32, #tpu.memory_space<vmem>>, vector<16xf32>,
      %get3A_732 = vector.shape_cast %get3A_731 : vector<16xf32> to vector<16xf32>
      %jit3A_733 = arith.constant 0.000000e+00 : f32
      %broadcast_in_dim3A_734 = vector.broadcast %jit3A_733 : f32 to vector<16xf32>
      %select_n3A_735 = arith.select %and3A_725, %get3A_732, %broadcast_in_dim3A_734 : vector<16xi1>, vector<16xf32>
      %add3A_736 = arith.constant 2 : i32
      %add3A_737 = vector.broadcast %add3A_736 : i32 to vector<16xi32>
      %add3A_738 = arith.addi %shift_right_logical3A_53, %add3A_737 : vector<16xi32>
      %add3A_739 = arith.constant 0 : i32
      %add3A_740 = vector.broadcast %add3A_739 : i32 to vector<16xi32>
      %add3A_741 = arith.addi %and3A_56, %add3A_740 : vector<16xi32>
      %ge3A_742 = arith.constant 0 : i32
      %ge3A_743 = vector.broadcast %ge3A_742 : i32 to vector<16xi32>
      %ge3A_744 = arith.cmpi sge, %add3A_738, %ge3A_743 : vector<16xi32>
      %lt3A_745 = arith.constant 512 : i32
      %lt3A_746 = vector.broadcast %lt3A_745 : i32 to vector<16xi32>
      %lt3A_747 = arith.cmpi slt, %add3A_738, %lt3A_746 : vector<16xi32>
      %and3A_748 = arith.andi %ge3A_744, %lt3A_747 : vector<16xi1>
      %ge3A_749 = arith.constant 0 : i32
      %ge3A_750 = vector.broadcast %ge3A_749 : i32 to vector<16xi32>
      %ge3A_751 = arith.cmpi sge, %add3A_741, %ge3A_750 : vector<16xi32>
      %and3A_752 = arith.andi %and3A_748, %ge3A_751 : vector<16xi1>
      %lt3A_753 = arith.constant 512 : i32
      %lt3A_754 = vector.broadcast %lt3A_753 : i32 to vector<16xi32>
      %lt3A_755 = arith.cmpi slt, %add3A_741, %lt3A_754 : vector<16xi32>
      %and3A_756 = arith.andi %and3A_752, %lt3A_755 : vector<16xi1>
      %mul3A_757 = arith.constant 16 : i32
      %mul3A_758 = arith.muli %scan3A_47, %mul3A_757 : i32
      %add3A_759 = arith.constant 22528 : i32
      %add3A_760 = arith.addi %add3A_759, %mul3A_758 : i32
      %get3A_761 = arith.index_cast %add3A_760 : i32 to index
      %get3A_762 = tpu.vector_load %arg10[%get3A_761] {strides = array<i32>} : memref<25600xf32, #tpu.memory_space<vmem>>, vector<16xf32>,
      %get3A_763 = vector.shape_cast %get3A_762 : vector<16xf32> to vector<16xf32>
      %jit3A_764 = arith.constant 0.000000e+00 : f32
      %broadcast_in_dim3A_765 = vector.broadcast %jit3A_764 : f32 to vector<16xf32>
      %select_n3A_766 = arith.select %and3A_756, %get3A_763, %broadcast_in_dim3A_765 : vector<16xi1>, vector<16xf32>
      %add3A_767 = arith.constant 2 : i32
      %add3A_768 = vector.broadcast %add3A_767 : i32 to vector<16xi32>
      %add3A_769 = arith.addi %shift_right_logical3A_53, %add3A_768 : vector<16xi32>
      %add3A_770 = arith.constant 1 : i32
      %add3A_771 = vector.broadcast %add3A_770 : i32 to vector<16xi32>
      %add3A_772 = arith.addi %and3A_56, %add3A_771 : vector<16xi32>
      %ge3A_773 = arith.constant 0 : i32
      %ge3A_774 = vector.broadcast %ge3A_773 : i32 to vector<16xi32>
      %ge3A_775 = arith.cmpi sge, %add3A_769, %ge3A_774 : vector<16xi32>
      %lt3A_776 = arith.constant 512 : i32
      %lt3A_777 = vector.broadcast %lt3A_776 : i32 to vector<16xi32>
      %lt3A_778 = arith.cmpi slt, %add3A_769, %lt3A_777 : vector<16xi32>
      %and3A_779 = arith.andi %ge3A_775, %lt3A_778 : vector<16xi1>
      %ge3A_780 = arith.constant 0 : i32
      %ge3A_781 = vector.broadcast %ge3A_780 : i32 to vector<16xi32>
      %ge3A_782 = arith.cmpi sge, %add3A_772, %ge3A_781 : vector<16xi32>
      %and3A_783 = arith.andi %and3A_779, %ge3A_782 : vector<16xi1>
      %lt3A_784 = arith.constant 512 : i32
      %lt3A_785 = vector.broadcast %lt3A_784 : i32 to vector<16xi32>
      %lt3A_786 = arith.cmpi slt, %add3A_772, %lt3A_785 : vector<16xi32>
      %and3A_787 = arith.andi %and3A_783, %lt3A_786 : vector<16xi1>
      %mul3A_788 = arith.constant 16 : i32
      %mul3A_789 = arith.muli %scan3A_47, %mul3A_788 : i32
      %add3A_790 = arith.constant 23552 : i32
      %add3A_791 = arith.addi %add3A_790, %mul3A_789 : i32
      %get3A_792 = arith.index_cast %add3A_791 : i32 to index
      %get3A_793 = tpu.vector_load %arg10[%get3A_792] {strides = array<i32>} : memref<25600xf32, #tpu.memory_space<vmem>>, vector<16xf32>,
      %get3A_794 = vector.shape_cast %get3A_793 : vector<16xf32> to vector<16xf32>
      %jit3A_795 = arith.constant 0.000000e+00 : f32
      %broadcast_in_dim3A_796 = vector.broadcast %jit3A_795 : f32 to vector<16xf32>
      %select_n3A_797 = arith.select %and3A_787, %get3A_794, %broadcast_in_dim3A_796 : vector<16xi1>, vector<16xf32>
      %add3A_798 = arith.constant 2 : i32
      %add3A_799 = vector.broadcast %add3A_798 : i32 to vector<16xi32>
      %add3A_800 = arith.addi %shift_right_logical3A_53, %add3A_799 : vector<16xi32>
      %add3A_801 = arith.constant 2 : i32
      %add3A_802 = vector.broadcast %add3A_801 : i32 to vector<16xi32>
      %add3A_803 = arith.addi %and3A_56, %add3A_802 : vector<16xi32>
      %ge3A_804 = arith.constant 0 : i32
      %ge3A_805 = vector.broadcast %ge3A_804 : i32 to vector<16xi32>
      %ge3A_806 = arith.cmpi sge, %add3A_800, %ge3A_805 : vector<16xi32>
      %lt3A_807 = arith.constant 512 : i32
      %lt3A_808 = vector.broadcast %lt3A_807 : i32 to vector<16xi32>
      %lt3A_809 = arith.cmpi slt, %add3A_800, %lt3A_808 : vector<16xi32>
      %and3A_810 = arith.andi %ge3A_806, %lt3A_809 : vector<16xi1>
      %ge3A_811 = arith.constant 0 : i32
      %ge3A_812 = vector.broadcast %ge3A_811 : i32 to vector<16xi32>
      %ge3A_813 = arith.cmpi sge, %add3A_803, %ge3A_812 : vector<16xi32>
      %and3A_814 = arith.andi %and3A_810, %ge3A_813 : vector<16xi1>
      %lt3A_815 = arith.constant 512 : i32
      %lt3A_816 = vector.broadcast %lt3A_815 : i32 to vector<16xi32>
      %lt3A_817 = arith.cmpi slt, %add3A_803, %lt3A_816 : vector<16xi32>
      %and3A_818 = arith.andi %and3A_814, %lt3A_817 : vector<16xi1>
      %mul3A_819 = arith.constant 16 : i32
      %mul3A_820 = arith.muli %scan3A_47, %mul3A_819 : i32
      %add3A_821 = arith.constant 24576 : i32
      %add3A_822 = arith.addi %add3A_821, %mul3A_820 : i32
      %get3A_823 = arith.index_cast %add3A_822 : i32 to index
      %get3A_824 = tpu.vector_load %arg10[%get3A_823] {strides = array<i32>} : memref<25600xf32, #tpu.memory_space<vmem>>, vector<16xf32>,
      %get3A_825 = vector.shape_cast %get3A_824 : vector<16xf32> to vector<16xf32>
      %jit3A_826 = arith.constant 0.000000e+00 : f32
      %broadcast_in_dim3A_827 = vector.broadcast %jit3A_826 : f32 to vector<16xf32>
      %select_n3A_828 = arith.select %and3A_818, %get3A_825, %broadcast_in_dim3A_827 : vector<16xi1>, vector<16xf32>
      %max3A = arith.maximumf %select_n3A_84, %select_n3A_115 : vector<16xf32>
      %max3A_829 = arith.maximumf %max3A, %select_n3A_146 : vector<16xf32>
      %max3A_830 = arith.maximumf %max3A_829, %select_n3A_177 : vector<16xf32>
      %max3A_831 = arith.maximumf %max3A_830, %select_n3A_208 : vector<16xf32>
      %max3A_832 = arith.maximumf %max3A_831, %select_n3A_239 : vector<16xf32>
      %max3A_833 = arith.maximumf %max3A_832, %select_n3A_270 : vector<16xf32>
      %max3A_834 = arith.maximumf %max3A_833, %select_n3A_301 : vector<16xf32>
      %max3A_835 = arith.maximumf %max3A_834, %select_n3A_332 : vector<16xf32>
      %max3A_836 = arith.maximumf %max3A_835, %select_n3A_363 : vector<16xf32>
      %max3A_837 = arith.maximumf %max3A_836, %select_n3A_394 : vector<16xf32>
      %max3A_838 = arith.maximumf %max3A_837, %select_n3A_425 : vector<16xf32>
      %max3A_839 = arith.maximumf %max3A_838, %select_n3A_456 : vector<16xf32>
      %max3A_840 = arith.maximumf %max3A_839, %select_n3A_487 : vector<16xf32>
      %max3A_841 = arith.maximumf %max3A_840, %select_n3A_518 : vector<16xf32>
      %max3A_842 = arith.maximumf %max3A_841, %select_n3A_549 : vector<16xf32>
      %max3A_843 = arith.maximumf %max3A_842, %select_n3A_580 : vector<16xf32>
      %max3A_844 = arith.maximumf %max3A_843, %select_n3A_611 : vector<16xf32>
      %max3A_845 = arith.maximumf %max3A_844, %select_n3A_642 : vector<16xf32>
      %max3A_846 = arith.maximumf %max3A_845, %select_n3A_673 : vector<16xf32>
      %max3A_847 = arith.maximumf %max3A_846, %select_n3A_704 : vector<16xf32>
      %max3A_848 = arith.maximumf %max3A_847, %select_n3A_735 : vector<16xf32>
      %max3A_849 = arith.maximumf %max3A_848, %select_n3A_766 : vector<16xf32>
      %max3A_850 = arith.maximumf %max3A_849, %select_n3A_797 : vector<16xf32>
      %max3A_851 = arith.maximumf %max3A_850, %select_n3A_828 : vector<16xf32>
      %broadcast_in_dim3A_852 = arith.constant 0.000000e+00 : f32
      %broadcast_in_dim3A_853 = vector.broadcast %broadcast_in_dim3A_852 : f32 to vector<16xf32>
      %broadcast_in_dim3A_854 = arith.constant 0.000000e+00 : f32
      %broadcast_in_dim3A_855 = vector.broadcast %broadcast_in_dim3A_854 : f32 to vector<16xf32>
      %broadcast_in_dim3A_856 = arith.constant 0.000000e+00 : f32
      %broadcast_in_dim3A_857 = vector.broadcast %broadcast_in_dim3A_856 : f32 to vector<16xf32>
      %broadcast_in_dim3A_858 = arith.constant 0.000000e+00 : f32
      %broadcast_in_dim3A_859 = vector.broadcast %broadcast_in_dim3A_858 : f32 to vector<16xf32>
      %sub3A_860 = arith.subf %select_n3A_84, %max3A_851 : vector<16xf32>
      %div3A_861 = arith.constant 1.000000e-01 : f32
      %div3A_862 = vector.broadcast %div3A_861 : f32 to vector<16xf32>
      %div3A_863 = arith.divf %sub3A_860, %div3A_862 : vector<16xf32>
      %exp3A = math.exp %div3A_863 : vector<16xf32>
      %add3A_864 = arith.addf %broadcast_in_dim3A_853, %exp3A : vector<16xf32>
      %mul3A_865 = arith.constant -2.000000e+00 : f32
      %mul3A_866 = vector.broadcast %mul3A_865 : f32 to vector<16xf32>
      %mul3A_867 = arith.mulf %exp3A, %mul3A_866 : vector<16xf32>
      %add3A_868 = arith.addf %broadcast_in_dim3A_855, %mul3A_867 : vector<16xf32>
      %mul3A_869 = arith.constant -2.000000e+00 : f32
      %mul3A_870 = vector.broadcast %mul3A_869 : f32 to vector<16xf32>
      %mul3A_871 = arith.mulf %exp3A, %mul3A_870 : vector<16xf32>
      %add3A_872 = arith.addf %broadcast_in_dim3A_857, %mul3A_871 : vector<16xf32>
      %mul3A_873 = arith.constant 8.000000e+00 : f32
      %mul3A_874 = vector.broadcast %mul3A_873 : f32 to vector<16xf32>
      %mul3A_875 = arith.mulf %exp3A, %mul3A_874 : vector<16xf32>
      %add3A_876 = arith.addf %broadcast_in_dim3A_859, %mul3A_875 : vector<16xf32>
      %sub3A_877 = arith.subf %select_n3A_115, %max3A_851 : vector<16xf32>
      %div3A_878 = arith.constant 1.000000e-01 : f32
      %div3A_879 = vector.broadcast %div3A_878 : f32 to vector<16xf32>
      %div3A_880 = arith.divf %sub3A_877, %div3A_879 : vector<16xf32>
      %exp3A_881 = math.exp %div3A_880 : vector<16xf32>
      %add3A_882 = arith.addf %add3A_864, %exp3A_881 : vector<16xf32>
      %mul3A_883 = arith.constant -1.000000e+00 : f32
      %mul3A_884 = vector.broadcast %mul3A_883 : f32 to vector<16xf32>
      %mul3A_885 = arith.mulf %exp3A_881, %mul3A_884 : vector<16xf32>
      %add3A_886 = arith.addf %add3A_868, %mul3A_885 : vector<16xf32>
      %mul3A_887 = arith.constant -2.000000e+00 : f32
      %mul3A_888 = vector.broadcast %mul3A_887 : f32 to vector<16xf32>
      %mul3A_889 = arith.mulf %exp3A_881, %mul3A_888 : vector<16xf32>
      %add3A_890 = arith.addf %add3A_872, %mul3A_889 : vector<16xf32>
      %mul3A_891 = arith.constant 5.000000e+00 : f32
      %mul3A_892 = vector.broadcast %mul3A_891 : f32 to vector<16xf32>
      %mul3A_893 = arith.mulf %exp3A_881, %mul3A_892 : vector<16xf32>
      %add3A_894 = arith.addf %add3A_876, %mul3A_893 : vector<16xf32>
      %sub3A_895 = arith.subf %select_n3A_146, %max3A_851 : vector<16xf32>
      %div3A_896 = arith.constant 1.000000e-01 : f32
      %div3A_897 = vector.broadcast %div3A_896 : f32 to vector<16xf32>
      %div3A_898 = arith.divf %sub3A_895, %div3A_897 : vector<16xf32>
      %exp3A_899 = math.exp %div3A_898 : vector<16xf32>
      %add3A_900 = arith.addf %add3A_882, %exp3A_899 : vector<16xf32>
      %mul3A_901 = arith.constant 0.000000e+00 : f32
      %mul3A_902 = vector.broadcast %mul3A_901 : f32 to vector<16xf32>
      %mul3A_903 = arith.mulf %exp3A_899, %mul3A_902 : vector<16xf32>
      %add3A_904 = arith.addf %add3A_886, %mul3A_903 : vector<16xf32>
      %mul3A_905 = arith.constant -2.000000e+00 : f32
      %mul3A_906 = vector.broadcast %mul3A_905 : f32 to vector<16xf32>
      %mul3A_907 = arith.mulf %exp3A_899, %mul3A_906 : vector<16xf32>
      %add3A_908 = arith.addf %add3A_890, %mul3A_907 : vector<16xf32>
      %mul3A_909 = arith.constant 4.000000e+00 : f32
      %mul3A_910 = vector.broadcast %mul3A_909 : f32 to vector<16xf32>
      %mul3A_911 = arith.mulf %exp3A_899, %mul3A_910 : vector<16xf32>
      %add3A_912 = arith.addf %add3A_894, %mul3A_911 : vector<16xf32>
      %sub3A_913 = arith.subf %select_n3A_177, %max3A_851 : vector<16xf32>
      %div3A_914 = arith.constant 1.000000e-01 : f32
      %div3A_915 = vector.broadcast %div3A_914 : f32 to vector<16xf32>
      %div3A_916 = arith.divf %sub3A_913, %div3A_915 : vector<16xf32>
      %exp3A_917 = math.exp %div3A_916 : vector<16xf32>
      %add3A_918 = arith.addf %add3A_900, %exp3A_917 : vector<16xf32>
      %mul3A_919 = arith.constant 1.000000e+00 : f32
      %mul3A_920 = vector.broadcast %mul3A_919 : f32 to vector<16xf32>
      %mul3A_921 = arith.mulf %exp3A_917, %mul3A_920 : vector<16xf32>
      %add3A_922 = arith.addf %add3A_904, %mul3A_921 : vector<16xf32>
      %mul3A_923 = arith.constant -2.000000e+00 : f32
      %mul3A_924 = vector.broadcast %mul3A_923 : f32 to vector<16xf32>
      %mul3A_925 = arith.mulf %exp3A_917, %mul3A_924 : vector<16xf32>
      %add3A_926 = arith.addf %add3A_908, %mul3A_925 : vector<16xf32>
      %mul3A_927 = arith.constant 5.000000e+00 : f32
      %mul3A_928 = vector.broadcast %mul3A_927 : f32 to vector<16xf32>
      %mul3A_929 = arith.mulf %exp3A_917, %mul3A_928 : vector<16xf32>
      %add3A_930 = arith.addf %add3A_912, %mul3A_929 : vector<16xf32>
      %sub3A_931 = arith.subf %select_n3A_208, %max3A_851 : vector<16xf32>
      %div3A_932 = arith.constant 1.000000e-01 : f32
      %div3A_933 = vector.broadcast %div3A_932 : f32 to vector<16xf32>
      %div3A_934 = arith.divf %sub3A_931, %div3A_933 : vector<16xf32>
      %exp3A_935 = math.exp %div3A_934 : vector<16xf32>
      %add3A_936 = arith.addf %add3A_918, %exp3A_935 : vector<16xf32>
      %mul3A_937 = arith.constant 2.000000e+00 : f32
      %mul3A_938 = vector.broadcast %mul3A_937 : f32 to vector<16xf32>
      %mul3A_939 = arith.mulf %exp3A_935, %mul3A_938 : vector<16xf32>
      %add3A_940 = arith.addf %add3A_922, %mul3A_939 : vector<16xf32>
      %mul3A_941 = arith.constant -2.000000e+00 : f32
      %mul3A_942 = vector.broadcast %mul3A_941 : f32 to vector<16xf32>
      %mul3A_943 = arith.mulf %exp3A_935, %mul3A_942 : vector<16xf32>
      %add3A_944 = arith.addf %add3A_926, %mul3A_943 : vector<16xf32>
      %mul3A_945 = arith.constant 8.000000e+00 : f32
      %mul3A_946 = vector.broadcast %mul3A_945 : f32 to vector<16xf32>
      %mul3A_947 = arith.mulf %exp3A_935, %mul3A_946 : vector<16xf32>
      %add3A_948 = arith.addf %add3A_930, %mul3A_947 : vector<16xf32>
      %sub3A_949 = arith.subf %select_n3A_239, %max3A_851 : vector<16xf32>
      %div3A_950 = arith.constant 1.000000e-01 : f32
      %div3A_951 = vector.broadcast %div3A_950 : f32 to vector<16xf32>
      %div3A_952 = arith.divf %sub3A_949, %div3A_951 : vector<16xf32>
      %exp3A_953 = math.exp %div3A_952 : vector<16xf32>
      %add3A_954 = arith.addf %add3A_936, %exp3A_953 : vector<16xf32>
      %mul3A_955 = arith.constant -2.000000e+00 : f32
      %mul3A_956 = vector.broadcast %mul3A_955 : f32 to vector<16xf32>
      %mul3A_957 = arith.mulf %exp3A_953, %mul3A_956 : vector<16xf32>
      %add3A_958 = arith.addf %add3A_940, %mul3A_957 : vector<16xf32>
      %mul3A_959 = arith.constant -1.000000e+00 : f32
      %mul3A_960 = vector.broadcast %mul3A_959 : f32 to vector<16xf32>
      %mul3A_961 = arith.mulf %exp3A_953, %mul3A_960 : vector<16xf32>
      %add3A_962 = arith.addf %add3A_944, %mul3A_961 : vector<16xf32>
      %mul3A_963 = arith.constant 5.000000e+00 : f32
      %mul3A_964 = vector.broadcast %mul3A_963 : f32 to vector<16xf32>
      %mul3A_965 = arith.mulf %exp3A_953, %mul3A_964 : vector<16xf32>
      %add3A_966 = arith.addf %add3A_948, %mul3A_965 : vector<16xf32>
      %sub3A_967 = arith.subf %select_n3A_270, %max3A_851 : vector<16xf32>
      %div3A_968 = arith.constant 1.000000e-01 : f32
      %div3A_969 = vector.broadcast %div3A_968 : f32 to vector<16xf32>
      %div3A_970 = arith.divf %sub3A_967, %div3A_969 : vector<16xf32>
      %exp3A_971 = math.exp %div3A_970 : vector<16xf32>
      %add3A_972 = arith.addf %add3A_954, %exp3A_971 : vector<16xf32>
      %mul3A_973 = arith.constant -1.000000e+00 : f32
      %mul3A_974 = vector.broadcast %mul3A_973 : f32 to vector<16xf32>
      %mul3A_975 = arith.mulf %exp3A_971, %mul3A_974 : vector<16xf32>
      %add3A_976 = arith.addf %add3A_958, %mul3A_975 : vector<16xf32>
      %mul3A_977 = arith.constant -1.000000e+00 : f32
      %mul3A_978 = vector.broadcast %mul3A_977 : f32 to vector<16xf32>
      %mul3A_979 = arith.mulf %exp3A_971, %mul3A_978 : vector<16xf32>
      %add3A_980 = arith.addf %add3A_962, %mul3A_979 : vector<16xf32>
      %mul3A_981 = arith.constant 2.000000e+00 : f32
      %mul3A_982 = vector.broadcast %mul3A_981 : f32 to vector<16xf32>
      %mul3A_983 = arith.mulf %exp3A_971, %mul3A_982 : vector<16xf32>
      %add3A_984 = arith.addf %add3A_966, %mul3A_983 : vector<16xf32>
      %sub3A_985 = arith.subf %select_n3A_301, %max3A_851 : vector<16xf32>
      %div3A_986 = arith.constant 1.000000e-01 : f32
      %div3A_987 = vector.broadcast %div3A_986 : f32 to vector<16xf32>
      %div3A_988 = arith.divf %sub3A_985, %div3A_987 : vector<16xf32>
      %exp3A_989 = math.exp %div3A_988 : vector<16xf32>
      %add3A_990 = arith.addf %add3A_972, %exp3A_989 : vector<16xf32>
      %mul3A_991 = arith.constant 0.000000e+00 : f32
      %mul3A_992 = vector.broadcast %mul3A_991 : f32 to vector<16xf32>
      %mul3A_993 = arith.mulf %exp3A_989, %mul3A_992 : vector<16xf32>
      %add3A_994 = arith.addf %add3A_976, %mul3A_993 : vector<16xf32>
      %mul3A_995 = arith.constant -1.000000e+00 : f32
      %mul3A_996 = vector.broadcast %mul3A_995 : f32 to vector<16xf32>
      %mul3A_997 = arith.mulf %exp3A_989, %mul3A_996 : vector<16xf32>
      %add3A_998 = arith.addf %add3A_980, %mul3A_997 : vector<16xf32>
      %mul3A_999 = arith.constant 1.000000e+00 : f32
      %mul3A_1000 = vector.broadcast %mul3A_999 : f32 to vector<16xf32>
      %mul3A_1001 = arith.mulf %exp3A_989, %mul3A_1000 : vector<16xf32>
      %add3A_1002 = arith.addf %add3A_984, %mul3A_1001 : vector<16xf32>
      %sub3A_1003 = arith.subf %select_n3A_332, %max3A_851 : vector<16xf32>
      %div3A_1004 = arith.constant 1.000000e-01 : f32
      %div3A_1005 = vector.broadcast %div3A_1004 : f32 to vector<16xf32>
      %div3A_1006 = arith.divf %sub3A_1003, %div3A_1005 : vector<16xf32>
      %exp3A_1007 = math.exp %div3A_1006 : vector<16xf32>
      %add3A_1008 = arith.addf %add3A_990, %exp3A_1007 : vector<16xf32>
      %mul3A_1009 = arith.constant 1.000000e+00 : f32
      %mul3A_1010 = vector.broadcast %mul3A_1009 : f32 to vector<16xf32>
      %mul3A_1011 = arith.mulf %exp3A_1007, %mul3A_1010 : vector<16xf32>
      %add3A_1012 = arith.addf %add3A_994, %mul3A_1011 : vector<16xf32>
      %mul3A_1013 = arith.constant -1.000000e+00 : f32
      %mul3A_1014 = vector.broadcast %mul3A_1013 : f32 to vector<16xf32>
      %mul3A_1015 = arith.mulf %exp3A_1007, %mul3A_1014 : vector<16xf32>
      %add3A_1016 = arith.addf %add3A_998, %mul3A_1015 : vector<16xf32>
      %mul3A_1017 = arith.constant 2.000000e+00 : f32
      %mul3A_1018 = vector.broadcast %mul3A_1017 : f32 to vector<16xf32>
      %mul3A_1019 = arith.mulf %exp3A_1007, %mul3A_1018 : vector<16xf32>
      %add3A_1020 = arith.addf %add3A_1002, %mul3A_1019 : vector<16xf32>
      %sub3A_1021 = arith.subf %select_n3A_363, %max3A_851 : vector<16xf32>
      %div3A_1022 = arith.constant 1.000000e-01 : f32
      %div3A_1023 = vector.broadcast %div3A_1022 : f32 to vector<16xf32>
      %div3A_1024 = arith.divf %sub3A_1021, %div3A_1023 : vector<16xf32>
      %exp3A_1025 = math.exp %div3A_1024 : vector<16xf32>
      %add3A_1026 = arith.addf %add3A_1008, %exp3A_1025 : vector<16xf32>
      %mul3A_1027 = arith.constant 2.000000e+00 : f32
      %mul3A_1028 = vector.broadcast %mul3A_1027 : f32 to vector<16xf32>
      %mul3A_1029 = arith.mulf %exp3A_1025, %mul3A_1028 : vector<16xf32>
      %add3A_1030 = arith.addf %add3A_1012, %mul3A_1029 : vector<16xf32>
      %mul3A_1031 = arith.constant -1.000000e+00 : f32
      %mul3A_1032 = vector.broadcast %mul3A_1031 : f32 to vector<16xf32>
      %mul3A_1033 = arith.mulf %exp3A_1025, %mul3A_1032 : vector<16xf32>
      %add3A_1034 = arith.addf %add3A_1016, %mul3A_1033 : vector<16xf32>
      %mul3A_1035 = arith.constant 5.000000e+00 : f32
      %mul3A_1036 = vector.broadcast %mul3A_1035 : f32 to vector<16xf32>
      %mul3A_1037 = arith.mulf %exp3A_1025, %mul3A_1036 : vector<16xf32>
      %add3A_1038 = arith.addf %add3A_1020, %mul3A_1037 : vector<16xf32>
      %sub3A_1039 = arith.subf %select_n3A_394, %max3A_851 : vector<16xf32>
      %div3A_1040 = arith.constant 1.000000e-01 : f32
      %div3A_1041 = vector.broadcast %div3A_1040 : f32 to vector<16xf32>
      %div3A_1042 = arith.divf %sub3A_1039, %div3A_1041 : vector<16xf32>
      %exp3A_1043 = math.exp %div3A_1042 : vector<16xf32>
      %add3A_1044 = arith.addf %add3A_1026, %exp3A_1043 : vector<16xf32>
      %mul3A_1045 = arith.constant -2.000000e+00 : f32
      %mul3A_1046 = vector.broadcast %mul3A_1045 : f32 to vector<16xf32>
      %mul3A_1047 = arith.mulf %exp3A_1043, %mul3A_1046 : vector<16xf32>
      %add3A_1048 = arith.addf %add3A_1030, %mul3A_1047 : vector<16xf32>
      %mul3A_1049 = arith.constant 0.000000e+00 : f32
      %mul3A_1050 = vector.broadcast %mul3A_1049 : f32 to vector<16xf32>
      %mul3A_1051 = arith.mulf %exp3A_1043, %mul3A_1050 : vector<16xf32>
      %add3A_1052 = arith.addf %add3A_1034, %mul3A_1051 : vector<16xf32>
      %mul3A_1053 = arith.constant 4.000000e+00 : f32
      %mul3A_1054 = vector.broadcast %mul3A_1053 : f32 to vector<16xf32>
      %mul3A_1055 = arith.mulf %exp3A_1043, %mul3A_1054 : vector<16xf32>
      %add3A_1056 = arith.addf %add3A_1038, %mul3A_1055 : vector<16xf32>
      %sub3A_1057 = arith.subf %select_n3A_425, %max3A_851 : vector<16xf32>
      %div3A_1058 = arith.constant 1.000000e-01 : f32
      %div3A_1059 = vector.broadcast %div3A_1058 : f32 to vector<16xf32>
      %div3A_1060 = arith.divf %sub3A_1057, %div3A_1059 : vector<16xf32>
      %exp3A_1061 = math.exp %div3A_1060 : vector<16xf32>
      %add3A_1062 = arith.addf %add3A_1044, %exp3A_1061 : vector<16xf32>
      %mul3A_1063 = arith.constant -1.000000e+00 : f32
      %mul3A_1064 = vector.broadcast %mul3A_1063 : f32 to vector<16xf32>
      %mul3A_1065 = arith.mulf %exp3A_1061, %mul3A_1064 : vector<16xf32>
      %add3A_1066 = arith.addf %add3A_1048, %mul3A_1065 : vector<16xf32>
      %mul3A_1067 = arith.constant 0.000000e+00 : f32
      %mul3A_1068 = vector.broadcast %mul3A_1067 : f32 to vector<16xf32>
      %mul3A_1069 = arith.mulf %exp3A_1061, %mul3A_1068 : vector<16xf32>
      %add3A_1070 = arith.addf %add3A_1052, %mul3A_1069 : vector<16xf32>
      %mul3A_1071 = arith.constant 1.000000e+00 : f32
      %mul3A_1072 = vector.broadcast %mul3A_1071 : f32 to vector<16xf32>
      %mul3A_1073 = arith.mulf %exp3A_1061, %mul3A_1072 : vector<16xf32>
      %add3A_1074 = arith.addf %add3A_1056, %mul3A_1073 : vector<16xf32>
      %sub3A_1075 = arith.subf %select_n3A_456, %max3A_851 : vector<16xf32>
      %div3A_1076 = arith.constant 1.000000e-01 : f32
      %div3A_1077 = vector.broadcast %div3A_1076 : f32 to vector<16xf32>
      %div3A_1078 = arith.divf %sub3A_1075, %div3A_1077 : vector<16xf32>
      %exp3A_1079 = math.exp %div3A_1078 : vector<16xf32>
      %add3A_1080 = arith.addf %add3A_1062, %exp3A_1079 : vector<16xf32>
      %mul3A_1081 = arith.constant 0.000000e+00 : f32
      %mul3A_1082 = vector.broadcast %mul3A_1081 : f32 to vector<16xf32>
      %mul3A_1083 = arith.mulf %exp3A_1079, %mul3A_1082 : vector<16xf32>
      %add3A_1084 = arith.addf %add3A_1066, %mul3A_1083 : vector<16xf32>
      %mul3A_1085 = arith.constant 0.000000e+00 : f32
      %mul3A_1086 = vector.broadcast %mul3A_1085 : f32 to vector<16xf32>
      %mul3A_1087 = arith.mulf %exp3A_1079, %mul3A_1086 : vector<16xf32>
      %add3A_1088 = arith.addf %add3A_1070, %mul3A_1087 : vector<16xf32>
      %mul3A_1089 = arith.constant 0.000000e+00 : f32
      %mul3A_1090 = vector.broadcast %mul3A_1089 : f32 to vector<16xf32>
      %mul3A_1091 = arith.mulf %exp3A_1079, %mul3A_1090 : vector<16xf32>
      %add3A_1092 = arith.addf %add3A_1074, %mul3A_1091 : vector<16xf32>
      %sub3A_1093 = arith.subf %select_n3A_487, %max3A_851 : vector<16xf32>
      %div3A_1094 = arith.constant 1.000000e-01 : f32
      %div3A_1095 = vector.broadcast %div3A_1094 : f32 to vector<16xf32>
      %div3A_1096 = arith.divf %sub3A_1093, %div3A_1095 : vector<16xf32>
      %exp3A_1097 = math.exp %div3A_1096 : vector<16xf32>
      %add3A_1098 = arith.addf %add3A_1080, %exp3A_1097 : vector<16xf32>
      %mul3A_1099 = arith.constant 1.000000e+00 : f32
      %mul3A_1100 = vector.broadcast %mul3A_1099 : f32 to vector<16xf32>
      %mul3A_1101 = arith.mulf %exp3A_1097, %mul3A_1100 : vector<16xf32>
      %add3A_1102 = arith.addf %add3A_1084, %mul3A_1101 : vector<16xf32>
      %mul3A_1103 = arith.constant 0.000000e+00 : f32
      %mul3A_1104 = vector.broadcast %mul3A_1103 : f32 to vector<16xf32>
      %mul3A_1105 = arith.mulf %exp3A_1097, %mul3A_1104 : vector<16xf32>
      %add3A_1106 = arith.addf %add3A_1088, %mul3A_1105 : vector<16xf32>
      %mul3A_1107 = arith.constant 1.000000e+00 : f32
      %mul3A_1108 = vector.broadcast %mul3A_1107 : f32 to vector<16xf32>
      %mul3A_1109 = arith.mulf %exp3A_1097, %mul3A_1108 : vector<16xf32>
      %add3A_1110 = arith.addf %add3A_1092, %mul3A_1109 : vector<16xf32>
      %sub3A_1111 = arith.subf %select_n3A_518, %max3A_851 : vector<16xf32>
      %div3A_1112 = arith.constant 1.000000e-01 : f32
      %div3A_1113 = vector.broadcast %div3A_1112 : f32 to vector<16xf32>
      %div3A_1114 = arith.divf %sub3A_1111, %div3A_1113 : vector<16xf32>
      %exp3A_1115 = math.exp %div3A_1114 : vector<16xf32>
      %add3A_1116 = arith.addf %add3A_1098, %exp3A_1115 : vector<16xf32>
      %mul3A_1117 = arith.constant 2.000000e+00 : f32
      %mul3A_1118 = vector.broadcast %mul3A_1117 : f32 to vector<16xf32>
      %mul3A_1119 = arith.mulf %exp3A_1115, %mul3A_1118 : vector<16xf32>
      %add3A_1120 = arith.addf %add3A_1102, %mul3A_1119 : vector<16xf32>
      %mul3A_1121 = arith.constant 0.000000e+00 : f32
      %mul3A_1122 = vector.broadcast %mul3A_1121 : f32 to vector<16xf32>
      %mul3A_1123 = arith.mulf %exp3A_1115, %mul3A_1122 : vector<16xf32>
      %add3A_1124 = arith.addf %add3A_1106, %mul3A_1123 : vector<16xf32>
      %mul3A_1125 = arith.constant 4.000000e+00 : f32
      %mul3A_1126 = vector.broadcast %mul3A_1125 : f32 to vector<16xf32>
      %mul3A_1127 = arith.mulf %exp3A_1115, %mul3A_1126 : vector<16xf32>
      %add3A_1128 = arith.addf %add3A_1110, %mul3A_1127 : vector<16xf32>
      %sub3A_1129 = arith.subf %select_n3A_549, %max3A_851 : vector<16xf32>
      %div3A_1130 = arith.constant 1.000000e-01 : f32
      %div3A_1131 = vector.broadcast %div3A_1130 : f32 to vector<16xf32>
      %div3A_1132 = arith.divf %sub3A_1129, %div3A_1131 : vector<16xf32>
      %exp3A_1133 = math.exp %div3A_1132 : vector<16xf32>
      %add3A_1134 = arith.addf %add3A_1116, %exp3A_1133 : vector<16xf32>
      %mul3A_1135 = arith.constant -2.000000e+00 : f32
      %mul3A_1136 = vector.broadcast %mul3A_1135 : f32 to vector<16xf32>
      %mul3A_1137 = arith.mulf %exp3A_1133, %mul3A_1136 : vector<16xf32>
      %add3A_1138 = arith.addf %add3A_1120, %mul3A_1137 : vector<16xf32>
      %mul3A_1139 = arith.constant 1.000000e+00 : f32
      %mul3A_1140 = vector.broadcast %mul3A_1139 : f32 to vector<16xf32>
      %mul3A_1141 = arith.mulf %exp3A_1133, %mul3A_1140 : vector<16xf32>
      %add3A_1142 = arith.addf %add3A_1124, %mul3A_1141 : vector<16xf32>
      %mul3A_1143 = arith.constant 5.000000e+00 : f32
      %mul3A_1144 = vector.broadcast %mul3A_1143 : f32 to vector<16xf32>
      %mul3A_1145 = arith.mulf %exp3A_1133, %mul3A_1144 : vector<16xf32>
      %add3A_1146 = arith.addf %add3A_1128, %mul3A_1145 : vector<16xf32>
      %sub3A_1147 = arith.subf %select_n3A_580, %max3A_851 : vector<16xf32>
      %div3A_1148 = arith.constant 1.000000e-01 : f32
      %div3A_1149 = vector.broadcast %div3A_1148 : f32 to vector<16xf32>
      %div3A_1150 = arith.divf %sub3A_1147, %div3A_1149 : vector<16xf32>
      %exp3A_1151 = math.exp %div3A_1150 : vector<16xf32>
      %add3A_1152 = arith.addf %add3A_1134, %exp3A_1151 : vector<16xf32>
      %mul3A_1153 = arith.constant -1.000000e+00 : f32
      %mul3A_1154 = vector.broadcast %mul3A_1153 : f32 to vector<16xf32>
      %mul3A_1155 = arith.mulf %exp3A_1151, %mul3A_1154 : vector<16xf32>
      %add3A_1156 = arith.addf %add3A_1138, %mul3A_1155 : vector<16xf32>
      %mul3A_1157 = arith.constant 1.000000e+00 : f32
      %mul3A_1158 = vector.broadcast %mul3A_1157 : f32 to vector<16xf32>
      %mul3A_1159 = arith.mulf %exp3A_1151, %mul3A_1158 : vector<16xf32>
      %add3A_1160 = arith.addf %add3A_1142, %mul3A_1159 : vector<16xf32>
      %mul3A_1161 = arith.constant 2.000000e+00 : f32
      %mul3A_1162 = vector.broadcast %mul3A_1161 : f32 to vector<16xf32>
      %mul3A_1163 = arith.mulf %exp3A_1151, %mul3A_1162 : vector<16xf32>
      %add3A_1164 = arith.addf %add3A_1146, %mul3A_1163 : vector<16xf32>
      %sub3A_1165 = arith.subf %select_n3A_611, %max3A_851 : vector<16xf32>
      %div3A_1166 = arith.constant 1.000000e-01 : f32
      %div3A_1167 = vector.broadcast %div3A_1166 : f32 to vector<16xf32>
      %div3A_1168 = arith.divf %sub3A_1165, %div3A_1167 : vector<16xf32>
      %exp3A_1169 = math.exp %div3A_1168 : vector<16xf32>
      %add3A_1170 = arith.addf %add3A_1152, %exp3A_1169 : vector<16xf32>
      %mul3A_1171 = arith.constant 0.000000e+00 : f32
      %mul3A_1172 = vector.broadcast %mul3A_1171 : f32 to vector<16xf32>
      %mul3A_1173 = arith.mulf %exp3A_1169, %mul3A_1172 : vector<16xf32>
      %add3A_1174 = arith.addf %add3A_1156, %mul3A_1173 : vector<16xf32>
      %mul3A_1175 = arith.constant 1.000000e+00 : f32
      %mul3A_1176 = vector.broadcast %mul3A_1175 : f32 to vector<16xf32>
      %mul3A_1177 = arith.mulf %exp3A_1169, %mul3A_1176 : vector<16xf32>
      %add3A_1178 = arith.addf %add3A_1160, %mul3A_1177 : vector<16xf32>
      %mul3A_1179 = arith.constant 1.000000e+00 : f32
      %mul3A_1180 = vector.broadcast %mul3A_1179 : f32 to vector<16xf32>
      %mul3A_1181 = arith.mulf %exp3A_1169, %mul3A_1180 : vector<16xf32>
      %add3A_1182 = arith.addf %add3A_1164, %mul3A_1181 : vector<16xf32>
      %sub3A_1183 = arith.subf %select_n3A_642, %max3A_851 : vector<16xf32>
      %div3A_1184 = arith.constant 1.000000e-01 : f32
      %div3A_1185 = vector.broadcast %div3A_1184 : f32 to vector<16xf32>
      %div3A_1186 = arith.divf %sub3A_1183, %div3A_1185 : vector<16xf32>
      %exp3A_1187 = math.exp %div3A_1186 : vector<16xf32>
      %add3A_1188 = arith.addf %add3A_1170, %exp3A_1187 : vector<16xf32>
      %mul3A_1189 = arith.constant 1.000000e+00 : f32
      %mul3A_1190 = vector.broadcast %mul3A_1189 : f32 to vector<16xf32>
      %mul3A_1191 = arith.mulf %exp3A_1187, %mul3A_1190 : vector<16xf32>
      %add3A_1192 = arith.addf %add3A_1174, %mul3A_1191 : vector<16xf32>
      %mul3A_1193 = arith.constant 1.000000e+00 : f32
      %mul3A_1194 = vector.broadcast %mul3A_1193 : f32 to vector<16xf32>
      %mul3A_1195 = arith.mulf %exp3A_1187, %mul3A_1194 : vector<16xf32>
      %add3A_1196 = arith.addf %add3A_1178, %mul3A_1195 : vector<16xf32>
      %mul3A_1197 = arith.constant 2.000000e+00 : f32
      %mul3A_1198 = vector.broadcast %mul3A_1197 : f32 to vector<16xf32>
      %mul3A_1199 = arith.mulf %exp3A_1187, %mul3A_1198 : vector<16xf32>
      %add3A_1200 = arith.addf %add3A_1182, %mul3A_1199 : vector<16xf32>
      %sub3A_1201 = arith.subf %select_n3A_673, %max3A_851 : vector<16xf32>
      %div3A_1202 = arith.constant 1.000000e-01 : f32
      %div3A_1203 = vector.broadcast %div3A_1202 : f32 to vector<16xf32>
      %div3A_1204 = arith.divf %sub3A_1201, %div3A_1203 : vector<16xf32>
      %exp3A_1205 = math.exp %div3A_1204 : vector<16xf32>
      %add3A_1206 = arith.addf %add3A_1188, %exp3A_1205 : vector<16xf32>
      %mul3A_1207 = arith.constant 2.000000e+00 : f32
      %mul3A_1208 = vector.broadcast %mul3A_1207 : f32 to vector<16xf32>
      %mul3A_1209 = arith.mulf %exp3A_1205, %mul3A_1208 : vector<16xf32>
      %add3A_1210 = arith.addf %add3A_1192, %mul3A_1209 : vector<16xf32>
      %mul3A_1211 = arith.constant 1.000000e+00 : f32
      %mul3A_1212 = vector.broadcast %mul3A_1211 : f32 to vector<16xf32>
      %mul3A_1213 = arith.mulf %exp3A_1205, %mul3A_1212 : vector<16xf32>
      %add3A_1214 = arith.addf %add3A_1196, %mul3A_1213 : vector<16xf32>
      %mul3A_1215 = arith.constant 5.000000e+00 : f32
      %mul3A_1216 = vector.broadcast %mul3A_1215 : f32 to vector<16xf32>
      %mul3A_1217 = arith.mulf %exp3A_1205, %mul3A_1216 : vector<16xf32>
      %add3A_1218 = arith.addf %add3A_1200, %mul3A_1217 : vector<16xf32>
      %sub3A_1219 = arith.subf %select_n3A_704, %max3A_851 : vector<16xf32>
      %div3A_1220 = arith.constant 1.000000e-01 : f32
      %div3A_1221 = vector.broadcast %div3A_1220 : f32 to vector<16xf32>
      %div3A_1222 = arith.divf %sub3A_1219, %div3A_1221 : vector<16xf32>
      %exp3A_1223 = math.exp %div3A_1222 : vector<16xf32>
      %add3A_1224 = arith.addf %add3A_1206, %exp3A_1223 : vector<16xf32>
      %mul3A_1225 = arith.constant -2.000000e+00 : f32
      %mul3A_1226 = vector.broadcast %mul3A_1225 : f32 to vector<16xf32>
      %mul3A_1227 = arith.mulf %exp3A_1223, %mul3A_1226 : vector<16xf32>
      %add3A_1228 = arith.addf %add3A_1210, %mul3A_1227 : vector<16xf32>
      %mul3A_1229 = arith.constant 2.000000e+00 : f32
      %mul3A_1230 = vector.broadcast %mul3A_1229 : f32 to vector<16xf32>
      %mul3A_1231 = arith.mulf %exp3A_1223, %mul3A_1230 : vector<16xf32>
      %add3A_1232 = arith.addf %add3A_1214, %mul3A_1231 : vector<16xf32>
      %mul3A_1233 = arith.constant 8.000000e+00 : f32
      %mul3A_1234 = vector.broadcast %mul3A_1233 : f32 to vector<16xf32>
      %mul3A_1235 = arith.mulf %exp3A_1223, %mul3A_1234 : vector<16xf32>
      %add3A_1236 = arith.addf %add3A_1218, %mul3A_1235 : vector<16xf32>
      %sub3A_1237 = arith.subf %select_n3A_735, %max3A_851 : vector<16xf32>
      %div3A_1238 = arith.constant 1.000000e-01 : f32
      %div3A_1239 = vector.broadcast %div3A_1238 : f32 to vector<16xf32>
      %div3A_1240 = arith.divf %sub3A_1237, %div3A_1239 : vector<16xf32>
      %exp3A_1241 = math.exp %div3A_1240 : vector<16xf32>
      %add3A_1242 = arith.addf %add3A_1224, %exp3A_1241 : vector<16xf32>
      %mul3A_1243 = arith.constant -1.000000e+00 : f32
      %mul3A_1244 = vector.broadcast %mul3A_1243 : f32 to vector<16xf32>
      %mul3A_1245 = arith.mulf %exp3A_1241, %mul3A_1244 : vector<16xf32>
      %add3A_1246 = arith.addf %add3A_1228, %mul3A_1245 : vector<16xf32>
      %mul3A_1247 = arith.constant 2.000000e+00 : f32
      %mul3A_1248 = vector.broadcast %mul3A_1247 : f32 to vector<16xf32>
      %mul3A_1249 = arith.mulf %exp3A_1241, %mul3A_1248 : vector<16xf32>
      %add3A_1250 = arith.addf %add3A_1232, %mul3A_1249 : vector<16xf32>
      %mul3A_1251 = arith.constant 5.000000e+00 : f32
      %mul3A_1252 = vector.broadcast %mul3A_1251 : f32 to vector<16xf32>
      %mul3A_1253 = arith.mulf %exp3A_1241, %mul3A_1252 : vector<16xf32>
      %add3A_1254 = arith.addf %add3A_1236, %mul3A_1253 : vector<16xf32>
      %sub3A_1255 = arith.subf %select_n3A_766, %max3A_851 : vector<16xf32>
      %div3A_1256 = arith.constant 1.000000e-01 : f32
      %div3A_1257 = vector.broadcast %div3A_1256 : f32 to vector<16xf32>
      %div3A_1258 = arith.divf %sub3A_1255, %div3A_1257 : vector<16xf32>
      %exp3A_1259 = math.exp %div3A_1258 : vector<16xf32>
      %add3A_1260 = arith.addf %add3A_1242, %exp3A_1259 : vector<16xf32>
      %mul3A_1261 = arith.constant 0.000000e+00 : f32
      %mul3A_1262 = vector.broadcast %mul3A_1261 : f32 to vector<16xf32>
      %mul3A_1263 = arith.mulf %exp3A_1259, %mul3A_1262 : vector<16xf32>
      %add3A_1264 = arith.addf %add3A_1246, %mul3A_1263 : vector<16xf32>
      %mul3A_1265 = arith.constant 2.000000e+00 : f32
      %mul3A_1266 = vector.broadcast %mul3A_1265 : f32 to vector<16xf32>
      %mul3A_1267 = arith.mulf %exp3A_1259, %mul3A_1266 : vector<16xf32>
      %add3A_1268 = arith.addf %add3A_1250, %mul3A_1267 : vector<16xf32>
      %mul3A_1269 = arith.constant 4.000000e+00 : f32
      %mul3A_1270 = vector.broadcast %mul3A_1269 : f32 to vector<16xf32>
      %mul3A_1271 = arith.mulf %exp3A_1259, %mul3A_1270 : vector<16xf32>
      %add3A_1272 = arith.addf %add3A_1254, %mul3A_1271 : vector<16xf32>
      %sub3A_1273 = arith.subf %select_n3A_797, %max3A_851 : vector<16xf32>
      %div3A_1274 = arith.constant 1.000000e-01 : f32
      %div3A_1275 = vector.broadcast %div3A_1274 : f32 to vector<16xf32>
      %div3A_1276 = arith.divf %sub3A_1273, %div3A_1275 : vector<16xf32>
      %exp3A_1277 = math.exp %div3A_1276 : vector<16xf32>
      %add3A_1278 = arith.addf %add3A_1260, %exp3A_1277 : vector<16xf32>
      %mul3A_1279 = arith.constant 1.000000e+00 : f32
      %mul3A_1280 = vector.broadcast %mul3A_1279 : f32 to vector<16xf32>
      %mul3A_1281 = arith.mulf %exp3A_1277, %mul3A_1280 : vector<16xf32>
      %add3A_1282 = arith.addf %add3A_1264, %mul3A_1281 : vector<16xf32>
      %mul3A_1283 = arith.constant 2.000000e+00 : f32
      %mul3A_1284 = vector.broadcast %mul3A_1283 : f32 to vector<16xf32>
      %mul3A_1285 = arith.mulf %exp3A_1277, %mul3A_1284 : vector<16xf32>
      %add3A_1286 = arith.addf %add3A_1268, %mul3A_1285 : vector<16xf32>
      %mul3A_1287 = arith.constant 5.000000e+00 : f32
      %mul3A_1288 = vector.broadcast %mul3A_1287 : f32 to vector<16xf32>
      %mul3A_1289 = arith.mulf %exp3A_1277, %mul3A_1288 : vector<16xf32>
      %add3A_1290 = arith.addf %add3A_1272, %mul3A_1289 : vector<16xf32>
      %sub3A_1291 = arith.subf %select_n3A_828, %max3A_851 : vector<16xf32>
      %div3A_1292 = arith.constant 1.000000e-01 : f32
      %div3A_1293 = vector.broadcast %div3A_1292 : f32 to vector<16xf32>
      %div3A_1294 = arith.divf %sub3A_1291, %div3A_1293 : vector<16xf32>
      %exp3A_1295 = math.exp %div3A_1294 : vector<16xf32>
      %add3A_1296 = arith.addf %add3A_1278, %exp3A_1295 : vector<16xf32>
      %mul3A_1297 = arith.constant 2.000000e+00 : f32
      %mul3A_1298 = vector.broadcast %mul3A_1297 : f32 to vector<16xf32>
      %mul3A_1299 = arith.mulf %exp3A_1295, %mul3A_1298 : vector<16xf32>
      %add3A_1300 = arith.addf %add3A_1282, %mul3A_1299 : vector<16xf32>
      %mul3A_1301 = arith.constant 2.000000e+00 : f32
      %mul3A_1302 = vector.broadcast %mul3A_1301 : f32 to vector<16xf32>
      %mul3A_1303 = arith.mulf %exp3A_1295, %mul3A_1302 : vector<16xf32>
      %add3A_1304 = arith.addf %add3A_1286, %mul3A_1303 : vector<16xf32>
      %mul3A_1305 = arith.constant 8.000000e+00 : f32
      %mul3A_1306 = vector.broadcast %mul3A_1305 : f32 to vector<16xf32>
      %mul3A_1307 = arith.mulf %exp3A_1295, %mul3A_1306 : vector<16xf32>
      %add3A_1308 = arith.addf %add3A_1290, %mul3A_1307 : vector<16xf32>
      %div3A_1309 = arith.divf %add3A_1300, %add3A_1296 : vector<16xf32>
      %div3A_1310 = arith.divf %add3A_1304, %add3A_1296 : vector<16xf32>
      %div3A_1311 = arith.divf %add3A_1308, %add3A_1296 : vector<16xf32>
      %mul3A_1312 = arith.mulf %div3A_1309, %div3A_1309 : vector<16xf32>
      %mul3A_1313 = arith.mulf %div3A_1310, %div3A_1310 : vector<16xf32>
      %add3A_1314 = arith.addf %mul3A_1312, %mul3A_1313 : vector<16xf32>
      %sub3A_1315 = arith.subf %div3A_1311, %add3A_1314 : vector<16xf32>
      %mul3A_1316 = arith.constant 2.500000e-01 : f32
      %mul3A_1317 = vector.broadcast %mul3A_1316 : f32 to vector<16xf32>
      %mul3A_1318 = arith.mulf %sub3A_1315, %mul3A_1317 : vector<16xf32>
      %mul3A_1319 = arith.constant 16 : i32
      %mul3A_1320 = arith.muli %scan3A_47, %mul3A_1319 : i32
      %swap3A = arith.index_cast %mul3A_1320 : i32 to index
      %swap3A_1321 = tpu.vector_load %arg15[%swap3A] {strides = array<i32>} : memref<1024xf32, #tpu.memory_space<vmem>>, vector<16xf32>,
      %swap3A_1322 = vector.shape_cast %swap3A_1321 : vector<16xf32> to vector<16xf32>
      %swap3A_1323 = vector.shape_cast %mul3A_1318 : vector<16xf32> to vector<16xf32>
      tpu.vector_store %arg15[%swap3A], %swap3A_1323 {strides = array<i32>} : memref<1024xf32, #tpu.memory_space<vmem>>, vector<16xf32>,
      %convert_element_type3A = arith.sitofp %and3A_56 : vector<16xi32> to vector<16xf32>
      %convert_element_type3A_1324 = arith.sitofp %shift_right_logical3A_53 : vector<16xi32> to vector<16xf32>
      %add3A_1325 = arith.addf %convert_element_type3A, %div3A_1309 : vector<16xf32>
      %div3A_1326 = arith.constant 5.110000e+02 : f32
      %div3A_1327 = vector.broadcast %div3A_1326 : f32 to vector<16xf32>
      %div3A_1328 = arith.divf %add3A_1325, %div3A_1327 : vector<16xf32>
      %mul3A_1329 = arith.constant 2.000000e+00 : f32
      %mul3A_1330 = vector.broadcast %mul3A_1329 : f32 to vector<16xf32>
      %mul3A_1331 = arith.mulf %div3A_1328, %mul3A_1330 : vector<16xf32>
      %sub3A_1332 = arith.constant 1.000000e+00 : f32
      %sub3A_1333 = vector.broadcast %sub3A_1332 : f32 to vector<16xf32>
      %sub3A_1334 = arith.subf %mul3A_1331, %sub3A_1333 : vector<16xf32>
      %add3A_1335 = arith.addf %convert_element_type3A_1324, %div3A_1310 : vector<16xf32>
      %div3A_1336 = arith.constant 5.110000e+02 : f32
      %div3A_1337 = vector.broadcast %div3A_1336 : f32 to vector<16xf32>
      %div3A_1338 = arith.divf %add3A_1335, %div3A_1337 : vector<16xf32>
      %mul3A_1339 = arith.constant 2.000000e+00 : f32
      %mul3A_1340 = vector.broadcast %mul3A_1339 : f32 to vector<16xf32>
      %mul3A_1341 = arith.mulf %div3A_1338, %mul3A_1340 : vector<16xf32>
      %sub3A_1342 = arith.constant 1.000000e+00 : f32
      %sub3A_1343 = vector.broadcast %sub3A_1342 : f32 to vector<16xf32>
      %sub3A_1344 = arith.subf %mul3A_1341, %sub3A_1343 : vector<16xf32>
      %mul3A_1345 = arith.constant 16 : i32
      %mul3A_1346 = arith.muli %scan3A_47, %mul3A_1345 : i32
      %swap3A_1347 = arith.index_cast %mul3A_1346 : i32 to index
      %swap3A_1348 = tpu.vector_load %arg13[%swap3A_1347] {strides = array<i32>} : memref<1024xf32, #tpu.memory_space<vmem>>, vector<16xf32>,
      %swap3A_1349 = vector.shape_cast %swap3A_1348 : vector<16xf32> to vector<16xf32>
      %swap3A_1350 = vector.shape_cast %sub3A_1334 : vector<16xf32> to vector<16xf32>
      tpu.vector_store %arg13[%swap3A_1347], %swap3A_1350 {strides = array<i32>} : memref<1024xf32, #tpu.memory_space<vmem>>, vector<16xf32>,
      %mul3A_1351 = arith.constant 16 : i32
      %mul3A_1352 = arith.muli %scan3A_47, %mul3A_1351 : i32
      %swap3A_1353 = arith.index_cast %mul3A_1352 : i32 to index
      %swap3A_1354 = tpu.vector_load %arg14[%swap3A_1353] {strides = array<i32>} : memref<1024xf32, #tpu.memory_space<vmem>>, vector<16xf32>,
      %swap3A_1355 = vector.shape_cast %swap3A_1354 : vector<16xf32> to vector<16xf32>
      %swap3A_1356 = vector.shape_cast %sub3A_1344 : vector<16xf32> to vector<16xf32>
      tpu.vector_store %arg14[%swap3A_1353], %swap3A_1356 {strides = array<i32>} : memref<1024xf32, #tpu.memory_space<vmem>>, vector<16xf32>,
      %add3A_1357 = arith.constant 1.000000e+00 : f32
      %add3A_1358 = vector.broadcast %add3A_1357 : f32 to vector<16xf32>
      %add3A_1359 = arith.addf %sub3A_1334, %add3A_1358 : vector<16xf32>
      %div3A_1360 = arith.constant 2.000000e+00 : f32
      %div3A_1361 = vector.broadcast %div3A_1360 : f32 to vector<16xf32>
      %div3A_1362 = arith.divf %add3A_1359, %div3A_1361 : vector<16xf32>
      %mul3A_1363 = arith.constant 5.110000e+02 : f32
      %mul3A_1364 = vector.broadcast %mul3A_1363 : f32 to vector<16xf32>
      %mul3A_1365 = arith.mulf %div3A_1362, %mul3A_1364 : vector<16xf32>
      %add3A_1366 = arith.constant 1.000000e+00 : f32
      %add3A_1367 = vector.broadcast %add3A_1366 : f32 to vector<16xf32>
      %add3A_1368 = arith.addf %sub3A_1344, %add3A_1367 : vector<16xf32>
      %div3A_1369 = arith.constant 2.000000e+00 : f32
      %div3A_1370 = vector.broadcast %div3A_1369 : f32 to vector<16xf32>
      %div3A_1371 = arith.divf %add3A_1368, %div3A_1370 : vector<16xf32>
      %mul3A_1372 = arith.constant 5.110000e+02 : f32
      %mul3A_1373 = vector.broadcast %mul3A_1372 : f32 to vector<16xf32>
      %mul3A_1374 = arith.mulf %div3A_1371, %mul3A_1373 : vector<16xf32>
      %mul3A_1375 = arith.constant 16 : i32
      %mul3A_1376 = arith.muli %scan3A_47, %mul3A_1375 : i32
      %swap3A_1377 = arith.index_cast %mul3A_1376 : i32 to index
      %swap3A_1378 = tpu.vector_load %arg17[%swap3A_1377] {strides = array<i32>} : memref<1024xf32, #tpu.memory_space<vmem>>, vector<16xf32>,
      %swap3A_1379 = vector.shape_cast %swap3A_1378 : vector<16xf32> to vector<16xf32>
      %swap3A_1380 = vector.shape_cast %mul3A_1365 : vector<16xf32> to vector<16xf32>
      tpu.vector_store %arg17[%swap3A_1377], %swap3A_1380 {strides = array<i32>} : memref<1024xf32, #tpu.memory_space<vmem>>, vector<16xf32>,
      %mul3A_1381 = arith.constant 16 : i32
      %mul3A_1382 = arith.muli %scan3A_47, %mul3A_1381 : i32
      %swap3A_1383 = arith.index_cast %mul3A_1382 : i32 to index
      %swap3A_1384 = tpu.vector_load %arg18[%swap3A_1383] {strides = array<i32>} : memref<1024xf32, #tpu.memory_space<vmem>>, vector<16xf32>,
      %swap3A_1385 = vector.shape_cast %swap3A_1384 : vector<16xf32> to vector<16xf32>
      %swap3A_1386 = vector.shape_cast %mul3A_1374 : vector<16xf32> to vector<16xf32>
      tpu.vector_store %arg18[%swap3A_1383], %swap3A_1386 {strides = array<i32>} : memref<1024xf32, #tpu.memory_space<vmem>>, vector<16xf32>,
      %convert_element_type3A_1387 = arith.fptosi %mul3A_1365 : vector<16xf32> to vector<16xi32>
      %convert_element_type3A_1388 = arith.sitofp %convert_element_type3A_1387 : vector<16xi32> to vector<16xf32>
      %lt3A_1389 = arith.cmpf olt, %mul3A_1365, %convert_element_type3A_1388 : vector<16xf32>
      %sub3A_1390 = arith.constant 1 : i32
      %sub3A_1391 = vector.broadcast %sub3A_1390 : i32 to vector<16xi32>
      %sub3A_1392 = arith.subi %convert_element_type3A_1387, %sub3A_1391 : vector<16xi32>
      %select_n3A_1393 = arith.select %lt3A_1389, %sub3A_1392, %convert_element_type3A_1387 : vector<16xi1>, vector<16xi32>
      %convert_element_type3A_1394 = arith.fptosi %mul3A_1374 : vector<16xf32> to vector<16xi32>
      %convert_element_type3A_1395 = arith.sitofp %convert_element_type3A_1394 : vector<16xi32> to vector<16xf32>
      %lt3A_1396 = arith.cmpf olt, %mul3A_1374, %convert_element_type3A_1395 : vector<16xf32>
      %sub3A_1397 = arith.constant 1 : i32
      %sub3A_1398 = vector.broadcast %sub3A_1397 : i32 to vector<16xi32>
      %sub3A_1399 = arith.subi %convert_element_type3A_1394, %sub3A_1398 : vector<16xi32>
      %select_n3A_1400 = arith.select %lt3A_1396, %sub3A_1399, %convert_element_type3A_1394 : vector<16xi1>, vector<16xi32>
      %jit3A_1401 = arith.constant 0 : i32
      %jit3A_1402 = arith.constant 511 : i32
      %max3A_1403 = vector.broadcast %jit3A_1401 : i32 to vector<16xi32>
      %max3A_1404 = arith.maxsi %max3A_1403, %select_n3A_1393 : vector<16xi32>
      %min3A = vector.broadcast %jit3A_1402 : i32 to vector<16xi32>
      %min3A_1405 = arith.minsi %min3A, %max3A_1404 : vector<16xi32>
      %add3A_1406 = arith.constant 1 : i32
      %add3A_1407 = vector.broadcast %add3A_1406 : i32 to vector<16xi32>
      %add3A_1408 = arith.addi %select_n3A_1393, %add3A_1407 : vector<16xi32>
      %jit3A_1409 = arith.constant 0 : i32
      %jit3A_1410 = arith.constant 511 : i32
      %max3A_1411 = vector.broadcast %jit3A_1409 : i32 to vector<16xi32>
      %max3A_1412 = arith.maxsi %max3A_1411, %add3A_1408 : vector<16xi32>
      %min3A_1413 = vector.broadcast %jit3A_1410 : i32 to vector<16xi32>
      %min3A_1414 = arith.minsi %min3A_1413, %max3A_1412 : vector<16xi32>
      %jit3A_1415 = arith.constant 0 : i32
      %jit3A_1416 = arith.constant 511 : i32
      %max3A_1417 = vector.broadcast %jit3A_1415 : i32 to vector<16xi32>
      %max3A_1418 = arith.maxsi %max3A_1417, %select_n3A_1400 : vector<16xi32>
      %min3A_1419 = vector.broadcast %jit3A_1416 : i32 to vector<16xi32>
      %min3A_1420 = arith.minsi %min3A_1419, %max3A_1418 : vector<16xi32>
      %add3A_1421 = arith.constant 1 : i32
      %add3A_1422 = vector.broadcast %add3A_1421 : i32 to vector<16xi32>
      %add3A_1423 = arith.addi %select_n3A_1400, %add3A_1422 : vector<16xi32>
      %jit3A_1424 = arith.constant 0 : i32
      %jit3A_1425 = arith.constant 511 : i32
      %max3A_1426 = vector.broadcast %jit3A_1424 : i32 to vector<16xi32>
      %max3A_1427 = arith.maxsi %max3A_1426, %add3A_1423 : vector<16xi32>
      %min3A_1428 = vector.broadcast %jit3A_1425 : i32 to vector<16xi32>
      %min3A_1429 = arith.minsi %min3A_1428, %max3A_1427 : vector<16xi32>
      %mul3A_1430 = arith.constant 512 : i32
      %mul3A_1431 = vector.broadcast %mul3A_1430 : i32 to vector<16xi32>
      %mul3A_1432 = arith.muli %min3A_1420, %mul3A_1431 : vector<16xi32>
      %add3A_1433 = vector.broadcast %mul3A_20 : i32 to vector<16xi32>
      %add3A_1434 = arith.addi %add3A_1433, %mul3A_1432 : vector<16xi32>
      %add3A_1435 = arith.addi %add3A_1434, %min3A_1405 : vector<16xi32>
      %mul3A_1436 = arith.constant 16 : i32
      %mul3A_1437 = arith.muli %scan3A_47, %mul3A_1436 : i32
      %add3A_1438 = arith.constant 0 : i32
      %add3A_1439 = arith.addi %add3A_1438, %mul3A_1437 : i32
      %swap3A_1440 = arith.index_cast %add3A_1439 : i32 to index
      %swap3A_1441 = tpu.vector_load %arg11[%swap3A_1440] {strides = array<i32>} : memref<4096xi32, #tpu.memory_space<vmem>>, vector<16xi32>,
      tpu.vector_store %arg11[%swap3A_1440], %add3A_1435 {strides = array<i32>} : memref<4096xi32, #tpu.memory_space<vmem>>, vector<16xi32>,
      %mul3A_1442 = arith.constant 512 : i32
      %mul3A_1443 = vector.broadcast %mul3A_1442 : i32 to vector<16xi32>
      %mul3A_1444 = arith.muli %min3A_1429, %mul3A_1443 : vector<16xi32>
      %add3A_1445 = vector.broadcast %mul3A_20 : i32 to vector<16xi32>
      %add3A_1446 = arith.addi %add3A_1445, %mul3A_1444 : vector<16xi32>
      %add3A_1447 = arith.addi %add3A_1446, %min3A_1405 : vector<16xi32>
      %mul3A_1448 = arith.constant 16 : i32
      %mul3A_1449 = arith.muli %scan3A_47, %mul3A_1448 : i32
      %add3A_1450 = arith.constant 1024 : i32
      %add3A_1451 = arith.addi %add3A_1450, %mul3A_1449 : i32
      %swap3A_1452 = arith.index_cast %add3A_1451 : i32 to index
      %swap3A_1453 = tpu.vector_load %arg11[%swap3A_1452] {strides = array<i32>} : memref<4096xi32, #tpu.memory_space<vmem>>, vector<16xi32>,
      tpu.vector_store %arg11[%swap3A_1452], %add3A_1447 {strides = array<i32>} : memref<4096xi32, #tpu.memory_space<vmem>>, vector<16xi32>,
      %mul3A_1454 = arith.constant 512 : i32
      %mul3A_1455 = vector.broadcast %mul3A_1454 : i32 to vector<16xi32>
      %mul3A_1456 = arith.muli %min3A_1420, %mul3A_1455 : vector<16xi32>
      %add3A_1457 = vector.broadcast %mul3A_20 : i32 to vector<16xi32>
      %add3A_1458 = arith.addi %add3A_1457, %mul3A_1456 : vector<16xi32>
      %add3A_1459 = arith.addi %add3A_1458, %min3A_1414 : vector<16xi32>
      %mul3A_1460 = arith.constant 16 : i32
      %mul3A_1461 = arith.muli %scan3A_47, %mul3A_1460 : i32
      %add3A_1462 = arith.constant 2048 : i32
      %add3A_1463 = arith.addi %add3A_1462, %mul3A_1461 : i32
      %swap3A_1464 = arith.index_cast %add3A_1463 : i32 to index
      %swap3A_1465 = tpu.vector_load %arg11[%swap3A_1464] {strides = array<i32>} : memref<4096xi32, #tpu.memory_space<vmem>>, vector<16xi32>,
      tpu.vector_store %arg11[%swap3A_1464], %add3A_1459 {strides = array<i32>} : memref<4096xi32, #tpu.memory_space<vmem>>, vector<16xi32>,
      %mul3A_1466 = arith.constant 512 : i32
      %mul3A_1467 = vector.broadcast %mul3A_1466 : i32 to vector<16xi32>
      %mul3A_1468 = arith.muli %min3A_1429, %mul3A_1467 : vector<16xi32>
      %add3A_1469 = vector.broadcast %mul3A_20 : i32 to vector<16xi32>
      %add3A_1470 = arith.addi %add3A_1469, %mul3A_1468 : vector<16xi32>
      %add3A_1471 = arith.addi %add3A_1470, %min3A_1414 : vector<16xi32>
      %mul3A_1472 = arith.constant 16 : i32
      %mul3A_1473 = arith.muli %scan3A_47, %mul3A_1472 : i32
      %add3A_1474 = arith.constant 3072 : i32
      %add3A_1475 = arith.addi %add3A_1474, %mul3A_1473 : i32
      %swap3A_1476 = arith.index_cast %add3A_1475 : i32 to index
      %swap3A_1477 = tpu.vector_load %arg11[%swap3A_1476] {strides = array<i32>} : memref<4096xi32, #tpu.memory_space<vmem>>, vector<16xi32>,
      tpu.vector_store %arg11[%swap3A_1476], %add3A_1471 {strides = array<i32>} : memref<4096xi32, #tpu.memory_space<vmem>>, vector<16xi32>,
      %scan3A_1478 = arith.constant 0 : i32
      scf.yield %scan3A_1478 : i32
    }
    %scan3A_35 = arith.constant 64 : i32
    %dma_start3A_36 = arith.constant 0 : i32
    %dma_start3A_37 = tpu.memref_slice %arg3[%dma_start3A_36] : memref<2097152xf32, #tpu.memory_space<hbm>> -> memref<2097152xf32, #tpu.memory_space<hbm>>
    tpu.enqueue_indirect_dma source(%dma_start3A_37 : memref<2097152xf32, #tpu.memory_space<hbm>>) target(%arg12 : memref<4096xf32, #tpu.memory_space<vmem>>) offsets(%arg11 : memref<4096xi32, #tpu.memory_space<vmem>>) semaphore(%arg19 : memref<!tpu.dma_semaphore, #tpu.memory_space<semaphore_mem>>)
    %dma_wait3A_38 = arith.constant 0 : i32
    %dma_wait3A_39 = tpu.memref_slice %arg3[%dma_wait3A_38] : memref<2097152xf32, #tpu.memory_space<hbm>> -> memref<2097152xf32, #tpu.memory_space<hbm>>
    tpu.wait_indirect_dma semaphore(%arg19 : memref<!tpu.dma_semaphore, #tpu.memory_space<semaphore_mem>>) src(%dma_wait3A_39 : memref<2097152xf32, #tpu.memory_space<hbm>>) dst(%arg12 : memref<4096xf32, #tpu.memory_space<vmem>>)
    %scan3A_40 = arith.constant 0 : i32
    %scan3A_41 = arith.constant 0 : i32
    %scan3A_42 = arith.constant 64 : i32
    %scan3A_43 = arith.addi %scan3A_41, %scan3A_42 : i32
    %scan3A_44 = arith.constant 1 : i32
    %scan3A_45 = scf.for %scan3A_47 = %scan3A_41 to %scan3A_43 step %scan3A_44 iter_args(%scan3A_48 = %scan3A_40) -> (i32)  : i32 {
      %mul3A_49 = arith.constant 16 : i32
      %mul3A_50 = arith.muli %scan3A_47, %mul3A_49 : i32
      %get3A = arith.index_cast %mul3A_50 : i32 to index
      %get3A_51 = tpu.vector_load %arg17[%get3A] {strides = array<i32>} : memref<1024xf32, #tpu.memory_space<vmem>>, vector<16xf32>,
      %get3A_52 = vector.shape_cast %get3A_51 : vector<16xf32> to vector<16xf32>
      %mul3A_53 = arith.constant 16 : i32
      %mul3A_54 = arith.muli %scan3A_47, %mul3A_53 : i32
      %get3A_55 = arith.index_cast %mul3A_54 : i32 to index
      %get3A_56 = tpu.vector_load %arg18[%get3A_55] {strides = array<i32>} : memref<1024xf32, #tpu.memory_space<vmem>>, vector<16xf32>,
      %get3A_57 = vector.shape_cast %get3A_56 : vector<16xf32> to vector<16xf32>
      %convert_element_type3A = arith.fptosi %get3A_52 : vector<16xf32> to vector<16xi32>
      %convert_element_type3A_58 = arith.sitofp %convert_element_type3A : vector<16xi32> to vector<16xf32>
      %lt3A = arith.cmpf olt, %get3A_52, %convert_element_type3A_58 : vector<16xf32>
      %sub3A_59 = arith.constant 1 : i32
      %sub3A_60 = vector.broadcast %sub3A_59 : i32 to vector<16xi32>
      %sub3A_61 = arith.subi %convert_element_type3A, %sub3A_60 : vector<16xi32>
      %select_n3A_62 = arith.select %lt3A, %sub3A_61, %convert_element_type3A : vector<16xi1>, vector<16xi32>
      %convert_element_type3A_63 = arith.sitofp %select_n3A_62 : vector<16xi32> to vector<16xf32>
      %convert_element_type3A_64 = arith.fptosi %get3A_57 : vector<16xf32> to vector<16xi32>
      %convert_element_type3A_65 = arith.sitofp %convert_element_type3A_64 : vector<16xi32> to vector<16xf32>
      %lt3A_66 = arith.cmpf olt, %get3A_57, %convert_element_type3A_65 : vector<16xf32>
      %sub3A_67 = arith.constant 1 : i32
      %sub3A_68 = vector.broadcast %sub3A_67 : i32 to vector<16xi32>
      %sub3A_69 = arith.subi %convert_element_type3A_64, %sub3A_68 : vector<16xi32>
      %select_n3A_70 = arith.select %lt3A_66, %sub3A_69, %convert_element_type3A_64 : vector<16xi1>, vector<16xi32>
      %convert_element_type3A_71 = arith.sitofp %select_n3A_70 : vector<16xi32> to vector<16xf32>
      %sub3A_72 = arith.subf %get3A_52, %convert_element_type3A_63 : vector<16xf32>
      %add3A_73 = arith.constant 1.000000e+00 : f32
      %add3A_74 = vector.broadcast %add3A_73 : f32 to vector<16xf32>
      %add3A_75 = arith.addf %convert_element_type3A_63, %add3A_74 : vector<16xf32>
      %sub3A_76 = arith.subf %add3A_75, %get3A_52 : vector<16xf32>
      %sub3A_77 = arith.subf %get3A_57, %convert_element_type3A_71 : vector<16xf32>
      %add3A_78 = arith.constant 1.000000e+00 : f32
      %add3A_79 = vector.broadcast %add3A_78 : f32 to vector<16xf32>
      %add3A_80 = arith.addf %convert_element_type3A_71, %add3A_79 : vector<16xf32>
      %sub3A_81 = arith.subf %add3A_80, %get3A_57 : vector<16xf32>
      %mul3A_82 = arith.constant 16 : i32
      %mul3A_83 = arith.muli %scan3A_47, %mul3A_82 : i32
      %add3A_84 = arith.constant 0 : i32
      %add3A_85 = arith.addi %add3A_84, %mul3A_83 : i32
      %get3A_86 = arith.index_cast %add3A_85 : i32 to index
      %get3A_87 = tpu.vector_load %arg12[%get3A_86] {strides = array<i32>} : memref<4096xf32, #tpu.memory_space<vmem>>, vector<16xf32>,
      %get3A_88 = vector.shape_cast %get3A_87 : vector<16xf32> to vector<16xf32>
      %mul3A_89 = arith.constant 16 : i32
      %mul3A_90 = arith.muli %scan3A_47, %mul3A_89 : i32
      %add3A_91 = arith.constant 1024 : i32
      %add3A_92 = arith.addi %add3A_91, %mul3A_90 : i32
      %get3A_93 = arith.index_cast %add3A_92 : i32 to index
      %get3A_94 = tpu.vector_load %arg12[%get3A_93] {strides = array<i32>} : memref<4096xf32, #tpu.memory_space<vmem>>, vector<16xf32>,
      %get3A_95 = vector.shape_cast %get3A_94 : vector<16xf32> to vector<16xf32>
      %mul3A_96 = arith.constant 16 : i32
      %mul3A_97 = arith.muli %scan3A_47, %mul3A_96 : i32
      %add3A_98 = arith.constant 2048 : i32
      %add3A_99 = arith.addi %add3A_98, %mul3A_97 : i32
      %get3A_100 = arith.index_cast %add3A_99 : i32 to index
      %get3A_101 = tpu.vector_load %arg12[%get3A_100] {strides = array<i32>} : memref<4096xf32, #tpu.memory_space<vmem>>, vector<16xf32>,
      %get3A_102 = vector.shape_cast %get3A_101 : vector<16xf32> to vector<16xf32>
      %mul3A_103 = arith.constant 16 : i32
      %mul3A_104 = arith.muli %scan3A_47, %mul3A_103 : i32
      %add3A_105 = arith.constant 3072 : i32
      %add3A_106 = arith.addi %add3A_105, %mul3A_104 : i32
      %get3A_107 = arith.index_cast %add3A_106 : i32 to index
      %get3A_108 = tpu.vector_load %arg12[%get3A_107] {strides = array<i32>} : memref<4096xf32, #tpu.memory_space<vmem>>, vector<16xf32>,
      %get3A_109 = vector.shape_cast %get3A_108 : vector<16xf32> to vector<16xf32>
      %mul3A_110 = arith.mulf %sub3A_76, %sub3A_81 : vector<16xf32>
      %mul3A_111 = arith.mulf %mul3A_110, %get3A_88 : vector<16xf32>
      %mul3A_112 = arith.mulf %sub3A_76, %sub3A_77 : vector<16xf32>
      %mul3A_113 = arith.mulf %mul3A_112, %get3A_95 : vector<16xf32>
      %add3A_114 = arith.addf %mul3A_111, %mul3A_113 : vector<16xf32>
      %mul3A_115 = arith.mulf %sub3A_72, %sub3A_81 : vector<16xf32>
      %mul3A_116 = arith.mulf %mul3A_115, %get3A_102 : vector<16xf32>
      %add3A_117 = arith.addf %add3A_114, %mul3A_116 : vector<16xf32>
      %mul3A_118 = arith.mulf %sub3A_72, %sub3A_77 : vector<16xf32>
      %mul3A_119 = arith.mulf %mul3A_118, %get3A_109 : vector<16xf32>
      %add3A_120 = arith.addf %add3A_117, %mul3A_119 : vector<16xf32>
      %mul3A_121 = arith.constant 16 : i32
      %mul3A_122 = arith.muli %scan3A_47, %mul3A_121 : i32
      %swap3A = arith.index_cast %mul3A_122 : i32 to index
      %swap3A_123 = tpu.vector_load %arg16[%swap3A] {strides = array<i32>} : memref<1024xf32, #tpu.memory_space<vmem>>, vector<16xf32>,
      %swap3A_124 = vector.shape_cast %swap3A_123 : vector<16xf32> to vector<16xf32>
      %swap3A_125 = vector.shape_cast %add3A_120 : vector<16xf32> to vector<16xf32>
      tpu.vector_store %arg16[%swap3A], %swap3A_125 {strides = array<i32>} : memref<1024xf32, #tpu.memory_space<vmem>>, vector<16xf32>,
      %scan3A_126 = arith.constant 0 : i32
      scf.yield %scan3A_126 : i32
    }
    %scan3A_46 = arith.constant 64 : i32
    "tpu.region"() ({
      %run_scoped3A = tpu.sem_alloc : memref<!tpu.dma_semaphore, #tpu.memory_space<semaphore_mem>>
      %dma_start3A_47 = tpu.memref_slice %arg4[%mul3A_2] : memref<32768xf32, #tpu.memory_space<hbm>> -> memref<1024xf32, #tpu.memory_space<hbm>>
      %dma_start3A_48 = tpu.memref_slice %arg4[%mul3A_2] : memref<32768xf32, #tpu.memory_space<hbm>> -> memref<1024xf32, #tpu.memory_space<hbm>>
      tpu.enqueue_dma source(%arg13 : memref<1024xf32, #tpu.memory_space<vmem>>) target(%dma_start3A_48 : memref<1024xf32, #tpu.memory_space<hbm>>) target_semaphore(%run_scoped3A : memref<!tpu.dma_semaphore, #tpu.memory_space<semaphore_mem>>)
      %dma_wait3A_49 = tpu.memref_slice %arg4[%mul3A_2] : memref<32768xf32, #tpu.memory_space<hbm>> -> memref<1024xf32, #tpu.memory_space<hbm>>
      %dma_wait3A_50 = tpu.memref_slice %arg4[%mul3A_2] : memref<32768xf32, #tpu.memory_space<hbm>> -> memref<1024xf32, #tpu.memory_space<hbm>>
      tpu.wait_dma2 semaphore(%run_scoped3A : memref<!tpu.dma_semaphore, #tpu.memory_space<semaphore_mem>>) src(%arg13 : memref<1024xf32, #tpu.memory_space<vmem>>) dst(%dma_wait3A_50 : memref<1024xf32, #tpu.memory_space<hbm>>)
      tpu.yield
    }) : () -> ()
    "tpu.region"() ({
      %run_scoped3A = tpu.sem_alloc : memref<!tpu.dma_semaphore, #tpu.memory_space<semaphore_mem>>
      %dma_start3A_47 = tpu.memref_slice %arg5[%mul3A_2] : memref<32768xf32, #tpu.memory_space<hbm>> -> memref<1024xf32, #tpu.memory_space<hbm>>
      %dma_start3A_48 = tpu.memref_slice %arg5[%mul3A_2] : memref<32768xf32, #tpu.memory_space<hbm>> -> memref<1024xf32, #tpu.memory_space<hbm>>
      tpu.enqueue_dma source(%arg14 : memref<1024xf32, #tpu.memory_space<vmem>>) target(%dma_start3A_48 : memref<1024xf32, #tpu.memory_space<hbm>>) target_semaphore(%run_scoped3A : memref<!tpu.dma_semaphore, #tpu.memory_space<semaphore_mem>>)
      %dma_wait3A_49 = tpu.memref_slice %arg5[%mul3A_2] : memref<32768xf32, #tpu.memory_space<hbm>> -> memref<1024xf32, #tpu.memory_space<hbm>>
      %dma_wait3A_50 = tpu.memref_slice %arg5[%mul3A_2] : memref<32768xf32, #tpu.memory_space<hbm>> -> memref<1024xf32, #tpu.memory_space<hbm>>
      tpu.wait_dma2 semaphore(%run_scoped3A : memref<!tpu.dma_semaphore, #tpu.memory_space<semaphore_mem>>) src(%arg14 : memref<1024xf32, #tpu.memory_space<vmem>>) dst(%dma_wait3A_50 : memref<1024xf32, #tpu.memory_space<hbm>>)
      tpu.yield
    }) : () -> ()
    "tpu.region"() ({
      %run_scoped3A = tpu.sem_alloc : memref<!tpu.dma_semaphore, #tpu.memory_space<semaphore_mem>>
      %dma_start3A_47 = tpu.memref_slice %arg6[%mul3A_2] : memref<32768xf32, #tpu.memory_space<hbm>> -> memref<1024xf32, #tpu.memory_space<hbm>>
      %dma_start3A_48 = tpu.memref_slice %arg6[%mul3A_2] : memref<32768xf32, #tpu.memory_space<hbm>> -> memref<1024xf32, #tpu.memory_space<hbm>>
      tpu.enqueue_dma source(%arg15 : memref<1024xf32, #tpu.memory_space<vmem>>) target(%dma_start3A_48 : memref<1024xf32, #tpu.memory_space<hbm>>) target_semaphore(%run_scoped3A : memref<!tpu.dma_semaphore, #tpu.memory_space<semaphore_mem>>)
      %dma_wait3A_49 = tpu.memref_slice %arg6[%mul3A_2] : memref<32768xf32, #tpu.memory_space<hbm>> -> memref<1024xf32, #tpu.memory_space<hbm>>
      %dma_wait3A_50 = tpu.memref_slice %arg6[%mul3A_2] : memref<32768xf32, #tpu.memory_space<hbm>> -> memref<1024xf32, #tpu.memory_space<hbm>>
      tpu.wait_dma2 semaphore(%run_scoped3A : memref<!tpu.dma_semaphore, #tpu.memory_space<semaphore_mem>>) src(%arg15 : memref<1024xf32, #tpu.memory_space<vmem>>) dst(%dma_wait3A_50 : memref<1024xf32, #tpu.memory_space<hbm>>)
      tpu.yield
    }) : () -> ()
    "tpu.region"() ({
      %run_scoped3A = tpu.sem_alloc : memref<!tpu.dma_semaphore, #tpu.memory_space<semaphore_mem>>
      %dma_start3A_47 = tpu.memref_slice %arg7[%mul3A_2] : memref<32768xf32, #tpu.memory_space<hbm>> -> memref<1024xf32, #tpu.memory_space<hbm>>
      %dma_start3A_48 = tpu.memref_slice %arg7[%mul3A_2] : memref<32768xf32, #tpu.memory_space<hbm>> -> memref<1024xf32, #tpu.memory_space<hbm>>
      tpu.enqueue_dma source(%arg16 : memref<1024xf32, #tpu.memory_space<vmem>>) target(%dma_start3A_48 : memref<1024xf32, #tpu.memory_space<hbm>>) target_semaphore(%run_scoped3A : memref<!tpu.dma_semaphore, #tpu.memory_space<semaphore_mem>>)
      %dma_wait3A_49 = tpu.memref_slice %arg7[%mul3A_2] : memref<32768xf32, #tpu.memory_space<hbm>> -> memref<1024xf32, #tpu.memory_space<hbm>>
      %dma_wait3A_50 = tpu.memref_slice %arg7[%mul3A_2] : memref<32768xf32, #tpu.memory_space<hbm>> -> memref<1024xf32, #tpu.memory_space<hbm>>
      tpu.wait_dma2 semaphore(%run_scoped3A : memref<!tpu.dma_semaphore, #tpu.memory_space<semaphore_mem>>) src(%arg16 : memref<1024xf32, #tpu.memory_space<vmem>>) dst(%dma_wait3A_50 : memref<1024xf32, #tpu.memory_space<hbm>>)
      tpu.yield
    }) : () -> ()
    return
  }
}

#map = affine_map<(d0, d1) -> (0)>
module attributes {stable_mosaic.version = 14 : i64} {
  func.func @_sel_body(%arg0: i32, %arg1: i32, %arg2: memref<2097152xi32, #tpu.memory_space<hbm>>, %arg3: memref<163840xi32, #tpu.memory_space<hbm>>, %arg4: memref<163840xi32, #tpu.memory_space<hbm>>, %arg5: memref<65536xi32, #tpu.memory_space<vmem>>, %arg6: memref<1024xi32, #tpu.memory_space<vmem>>, %arg7: memref<1024xi32, #tpu.memory_space<vmem>>, %arg8: memref<1024xi32, #tpu.memory_space<vmem>>, %arg9: memref<16xi32, #tpu.memory_space<vmem>>, %arg10: memref<64xi32, #tpu.memory_space<vmem>>, %arg11: memref<4112xi32, #tpu.memory_space<vmem>>, %arg12: memref<4112xi32, #tpu.memory_space<vmem>>, %arg13: memref<4096xi32, #tpu.memory_space<vmem>>, %arg14: memref<16384xi32, #tpu.memory_space<vmem_shared>>, %arg15: memref<256xi32, #tpu.memory_space<vmem_shared>>) attributes {dimension_semantics = [#tpu.dimension_semantics<core_parallel>, #tpu.dimension_semantics<subcore_parallel>], iteration_bounds = array<i64: 2, 16>, scalar_prefetch = 0 : i64, scratch_operands = 11 : i64, tpu.core_type = #tpu.core_type<sc_vector_subcore>, window_params = [{transform_indices = #map}, {transform_indices = #map}, {transform_indices = #map}]} {
    %mul3A = arith.constant 4 : i32
    %mul3A_0 = arith.muli %arg0, %mul3A : i32
    %jit3A = arith.constant 4 : i32
    %div3A = arith.divsi %arg1, %jit3A : i32
    %sign3A = arith.constant 0 : i32
    %sign3A_1 = arith.cmpi sgt, %arg1, %sign3A : i32
    %sign3A_2 = arith.extui %sign3A_1 : i1 to i32
    %sign3A_3 = arith.constant 0 : i32
    %sign3A_4 = arith.cmpi slt, %arg1, %sign3A_3 : i32
    %sign3A_5 = arith.extui %sign3A_4 : i1 to i32
    %sign3A_6 = arith.subi %sign3A_2, %sign3A_5 : i32
    %sign3A_7 = arith.constant 0 : i32
    %sign3A_8 = arith.cmpi sgt, %jit3A, %sign3A_7 : i32
    %sign3A_9 = arith.extui %sign3A_8 : i1 to i32
    %sign3A_10 = arith.constant 0 : i32
    %sign3A_11 = arith.cmpi slt, %jit3A, %sign3A_10 : i32
    %sign3A_12 = arith.extui %sign3A_11 : i1 to i32
    %sign3A_13 = arith.subi %sign3A_9, %sign3A_12 : i32
    %ne3A = arith.cmpi ne, %sign3A_6, %sign3A_13 : i32
    %rem3A = arith.remsi %arg1, %jit3A : i32
    %ne3A_14 = arith.constant 0 : i32
    %ne3A_15 = arith.cmpi ne, %rem3A, %ne3A_14 : i32
    %and3A = arith.andi %ne3A, %ne3A_15 : i1
    %sub3A = arith.constant 1 : i32
    %sub3A_16 = arith.subi %div3A, %sub3A : i32
    %select_n3A = arith.select %and3A, %sub3A_16, %div3A : i32
    %add3A = arith.addi %mul3A_0, %select_n3A : i32
    %jit3A_17 = arith.constant 4 : i32
    %eq3A = arith.constant 0 : i32
    %eq3A_18 = arith.cmpi eq, %jit3A_17, %eq3A : i32
    %jit3A_19 = arith.constant 1 : i32
    %select_n3A_20 = arith.select %eq3A_18, %jit3A_19, %jit3A_17 : i32
    %rem3A_21 = arith.remsi %arg1, %select_n3A_20 : i32
    %ne3A_22 = arith.constant 0 : i32
    %ne3A_23 = arith.cmpi ne, %rem3A_21, %ne3A_22 : i32
    %lt3A = arith.constant 0 : i32
    %lt3A_24 = arith.cmpi slt, %rem3A_21, %lt3A : i32
    %lt3A_25 = arith.constant 0 : i32
    %lt3A_26 = arith.cmpi slt, %select_n3A_20, %lt3A_25 : i32
    %ne3A_27 = arith.xori %lt3A_24, %lt3A_26 : i1
    %and3A_28 = arith.andi %ne3A_27, %ne3A_23 : i1
    %add3A_29 = arith.addi %rem3A_21, %select_n3A_20 : i32
    %select_n3A_30 = arith.select %and3A_28, %add3A_29, %rem3A_21 : i32
    %jit3A_31 = arith.constant 4 : i32
    %div3A_32 = arith.divsi %arg1, %jit3A_31 : i32
    %sign3A_33 = arith.constant 0 : i32
    %sign3A_34 = arith.cmpi sgt, %arg1, %sign3A_33 : i32
    %sign3A_35 = arith.extui %sign3A_34 : i1 to i32
    %sign3A_36 = arith.constant 0 : i32
    %sign3A_37 = arith.cmpi slt, %arg1, %sign3A_36 : i32
    %sign3A_38 = arith.extui %sign3A_37 : i1 to i32
    %sign3A_39 = arith.subi %sign3A_35, %sign3A_38 : i32
    %sign3A_40 = arith.constant 0 : i32
    %sign3A_41 = arith.cmpi sgt, %jit3A_31, %sign3A_40 : i32
    %sign3A_42 = arith.extui %sign3A_41 : i1 to i32
    %sign3A_43 = arith.constant 0 : i32
    %sign3A_44 = arith.cmpi slt, %jit3A_31, %sign3A_43 : i32
    %sign3A_45 = arith.extui %sign3A_44 : i1 to i32
    %sign3A_46 = arith.subi %sign3A_42, %sign3A_45 : i32
    %ne3A_47 = arith.cmpi ne, %sign3A_39, %sign3A_46 : i32
    %rem3A_48 = arith.remsi %arg1, %jit3A_31 : i32
    %ne3A_49 = arith.constant 0 : i32
    %ne3A_50 = arith.cmpi ne, %rem3A_48, %ne3A_49 : i32
    %and3A_51 = arith.andi %ne3A_47, %ne3A_50 : i1
    %sub3A_52 = arith.constant 1 : i32
    %sub3A_53 = arith.subi %div3A_32, %sub3A_52 : i32
    %select_n3A_54 = arith.select %and3A_51, %sub3A_53, %div3A_32 : i32
    %mul3A_55 = arith.constant 16 : i32
    %mul3A_56 = arith.muli %arg0, %mul3A_55 : i32
    %add3A_57 = arith.addi %mul3A_56, %arg1 : i32
    %mul3A_58 = arith.constant 262144 : i32
    %mul3A_59 = arith.muli %add3A, %mul3A_58 : i32
    %mul3A_60 = arith.constant 65536 : i32
    %mul3A_61 = arith.muli %select_n3A_30, %mul3A_60 : i32
    %add3A_62 = arith.addi %mul3A_59, %mul3A_61 : i32
    "tpu.region"() ({
      %run_scoped3A = tpu.sem_alloc : memref<!tpu.dma_semaphore, #tpu.memory_space<semaphore_mem>>
      %dma_start3A = tpu.memref_slice %arg2[%add3A_62] : memref<2097152xi32, #tpu.memory_space<hbm>> -> memref<65536xi32, #tpu.memory_space<hbm>>
      %dma_start3A_581 = tpu.memref_slice %arg2[%add3A_62] : memref<2097152xi32, #tpu.memory_space<hbm>> -> memref<65536xi32, #tpu.memory_space<hbm>>
      tpu.enqueue_dma source(%dma_start3A_581 : memref<65536xi32, #tpu.memory_space<hbm>>) target(%arg5 : memref<65536xi32, #tpu.memory_space<vmem>>) target_semaphore(%run_scoped3A : memref<!tpu.dma_semaphore, #tpu.memory_space<semaphore_mem>>)
      %dma_wait3A = tpu.memref_slice %arg2[%add3A_62] : memref<2097152xi32, #tpu.memory_space<hbm>> -> memref<65536xi32, #tpu.memory_space<hbm>>
      %dma_wait3A_582 = tpu.memref_slice %arg2[%add3A_62] : memref<2097152xi32, #tpu.memory_space<hbm>> -> memref<65536xi32, #tpu.memory_space<hbm>>
      tpu.wait_dma2 semaphore(%run_scoped3A : memref<!tpu.dma_semaphore, #tpu.memory_space<semaphore_mem>>) src(%dma_wait3A_582 : memref<65536xi32, #tpu.memory_space<hbm>>) dst(%arg5 : memref<65536xi32, #tpu.memory_space<vmem>>)
      tpu.yield
    }) : () -> ()
    %broadcast_in_dim3A = arith.constant 0 : i32
    %broadcast_in_dim3A_63 = vector.broadcast %broadcast_in_dim3A : i32 to vector<16xi32>
    %broadcast_in_dim3A_64 = arith.constant 1 : i32
    %broadcast_in_dim3A_65 = vector.broadcast %broadcast_in_dim3A_64 : i32 to vector<16xi32>
    %iota3A = tpu.iota {dimensions = array<i32: 0>} : vector<16xi32>
    %scan3A = arith.constant 0 : i32
    %scan3A_66 = arith.constant 0 : i32
    %scan3A_67 = arith.constant 64 : i32
    %scan3A_68 = arith.addi %scan3A_66, %scan3A_67 : i32
    %scan3A_69 = arith.constant 1 : i32
    %scan3A_70 = scf.for %scan3A_581 = %scan3A_66 to %scan3A_68 step %scan3A_69 iter_args(%scan3A_582 = %scan3A) -> (i32)  : i32 {
      %mul3A_583 = arith.constant 16 : i32
      %mul3A_584 = arith.muli %scan3A_581, %mul3A_583 : i32
      %swap3A_585 = arith.index_cast %mul3A_584 : i32 to index
      %swap3A_586 = tpu.vector_load %arg6[%swap3A_585] {strides = array<i32>} : memref<1024xi32, #tpu.memory_space<vmem>>, vector<16xi32>,
      tpu.vector_store %arg6[%swap3A_585], %broadcast_in_dim3A_63 {strides = array<i32>} : memref<1024xi32, #tpu.memory_space<vmem>>, vector<16xi32>,
      %scan3A_587 = arith.constant 0 : i32
      scf.yield %scan3A_587 : i32
    }
    %scan3A_71 = arith.constant 64 : i32
    %scan3A_72 = arith.constant 0 : i32
    %scan3A_73 = arith.constant 0 : i32
    %scan3A_74 = arith.constant 2048 : i32
    %scan3A_75 = arith.addi %scan3A_73, %scan3A_74 : i32
    %scan3A_76 = arith.constant 1 : i32
    %scan3A_77 = scf.for %scan3A_581 = %scan3A_73 to %scan3A_75 step %scan3A_76 iter_args(%scan3A_582 = %scan3A_72) -> (i32)  : i32 {
      %mul3A_583 = arith.constant 2 : i32
      %mul3A_584 = arith.muli %scan3A_581, %mul3A_583 : i32
      %add3A_585 = arith.constant 0 : i32
      %add3A_586 = arith.addi %mul3A_584, %add3A_585 : i32
      %mul3A_587 = arith.constant 16 : i32
      %mul3A_588 = arith.muli %add3A_586, %mul3A_587 : i32
      %get3A_589 = arith.index_cast %mul3A_588 : i32 to index
      %get3A_590 = tpu.vector_load %arg5[%get3A_589] {strides = array<i32>} : memref<65536xi32, #tpu.memory_space<vmem>>, vector<16xi32>,
      %shift_right_logical3A = arith.constant 20 : i32
      %shift_right_logical3A_591 = vector.broadcast %shift_right_logical3A : i32 to vector<16xi32>
      %shift_right_logical3A_592 = arith.shrui %get3A_590, %shift_right_logical3A_591 : vector<16xi32>
      tpu.vector_store_idx %arg6[%shift_right_logical3A_592], %broadcast_in_dim3A_65 {add = true} : memref<1024xi32, #tpu.memory_space<vmem>>[vector<16xi32>], vector<16xi32>,
      %mul3A_593 = arith.constant 2 : i32
      %mul3A_594 = arith.muli %scan3A_581, %mul3A_593 : i32
      %add3A_595 = arith.constant 1 : i32
      %add3A_596 = arith.addi %mul3A_594, %add3A_595 : i32
      %mul3A_597 = arith.constant 16 : i32
      %mul3A_598 = arith.muli %add3A_596, %mul3A_597 : i32
      %get3A_599 = arith.index_cast %mul3A_598 : i32 to index
      %get3A_600 = tpu.vector_load %arg5[%get3A_599] {strides = array<i32>} : memref<65536xi32, #tpu.memory_space<vmem>>, vector<16xi32>,
      %shift_right_logical3A_601 = arith.constant 20 : i32
      %shift_right_logical3A_602 = vector.broadcast %shift_right_logical3A_601 : i32 to vector<16xi32>
      %shift_right_logical3A_603 = arith.shrui %get3A_600, %shift_right_logical3A_602 : vector<16xi32>
      tpu.vector_store_idx %arg6[%shift_right_logical3A_603], %broadcast_in_dim3A_65 {add = true} : memref<1024xi32, #tpu.memory_space<vmem>>[vector<16xi32>], vector<16xi32>,
      %scan3A_604 = arith.constant 0 : i32
      scf.yield %scan3A_604 : i32
    }
    %scan3A_78 = arith.constant 2048 : i32
    %barrier3A = arith.constant 0 : index
    tpu.barrier barrier_id(%barrier3A)
    %mul3A_79 = arith.constant 1024 : i32
    %mul3A_80 = arith.muli %arg1, %mul3A_79 : i32
    "tpu.region"() ({
      %run_scoped3A = tpu.sem_alloc : memref<!tpu.dma_semaphore, #tpu.memory_space<semaphore_mem>>
      %dma_start3A = tpu.memref_slice %arg14[%mul3A_80] : memref<16384xi32, #tpu.memory_space<vmem_shared>> -> memref<1024xi32, #tpu.memory_space<vmem_shared>>
      %dma_start3A_581 = tpu.memref_slice %arg14[%mul3A_80] : memref<16384xi32, #tpu.memory_space<vmem_shared>> -> memref<1024xi32, #tpu.memory_space<vmem_shared>>
      tpu.enqueue_dma source(%arg6 : memref<1024xi32, #tpu.memory_space<vmem>>) target(%dma_start3A_581 : memref<1024xi32, #tpu.memory_space<vmem_shared>>) target_semaphore(%run_scoped3A : memref<!tpu.dma_semaphore, #tpu.memory_space<semaphore_mem>>)
      %dma_wait3A = tpu.memref_slice %arg14[%mul3A_80] : memref<16384xi32, #tpu.memory_space<vmem_shared>> -> memref<1024xi32, #tpu.memory_space<vmem_shared>>
      %dma_wait3A_582 = tpu.memref_slice %arg14[%mul3A_80] : memref<16384xi32, #tpu.memory_space<vmem_shared>> -> memref<1024xi32, #tpu.memory_space<vmem_shared>>
      tpu.wait_dma2 semaphore(%run_scoped3A : memref<!tpu.dma_semaphore, #tpu.memory_space<semaphore_mem>>) src(%arg6 : memref<1024xi32, #tpu.memory_space<vmem>>) dst(%dma_wait3A_582 : memref<1024xi32, #tpu.memory_space<vmem_shared>>)
      tpu.yield
    }) : () -> ()
    %barrier3A_81 = arith.constant 0 : index
    tpu.barrier barrier_id(%barrier3A_81)
    %scan3A_82 = arith.constant 0 : i32
    %scan3A_83 = arith.constant 0 : i32
    %scan3A_84 = arith.constant 64 : i32
    %scan3A_85 = arith.addi %scan3A_83, %scan3A_84 : i32
    %scan3A_86 = arith.constant 1 : i32
    %scan3A_87 = scf.for %scan3A_581 = %scan3A_83 to %scan3A_85 step %scan3A_86 iter_args(%scan3A_582 = %scan3A_82) -> (i32)  : i32 {
      %mul3A_583 = arith.constant 16 : i32
      %mul3A_584 = arith.muli %scan3A_581, %mul3A_583 : i32
      %swap3A_585 = arith.index_cast %mul3A_584 : i32 to index
      %swap3A_586 = tpu.vector_load %arg8[%swap3A_585] {strides = array<i32>} : memref<1024xi32, #tpu.memory_space<vmem>>, vector<16xi32>,
      tpu.vector_store %arg8[%swap3A_585], %broadcast_in_dim3A_63 {strides = array<i32>} : memref<1024xi32, #tpu.memory_space<vmem>>, vector<16xi32>,
      %scan3A_587 = arith.constant 0 : i32
      scf.yield %scan3A_587 : i32
    }
    %scan3A_88 = arith.constant 64 : i32
    %mul3A_89 = arith.constant 4 : i32
    %mul3A_90 = arith.muli %select_n3A_54, %mul3A_89 : i32
    %add3A_91 = arith.constant 0 : i32
    %add3A_92 = arith.addi %mul3A_90, %add3A_91 : i32
    %mul3A_93 = arith.constant 1024 : i32
    %mul3A_94 = arith.muli %add3A_92, %mul3A_93 : i32
    "tpu.region"() ({
      %run_scoped3A = tpu.sem_alloc : memref<!tpu.dma_semaphore, #tpu.memory_space<semaphore_mem>>
      %dma_start3A = tpu.memref_slice %arg14[%mul3A_94] : memref<16384xi32, #tpu.memory_space<vmem_shared>> -> memref<1024xi32, #tpu.memory_space<vmem_shared>>
      %dma_start3A_581 = tpu.memref_slice %arg14[%mul3A_94] : memref<16384xi32, #tpu.memory_space<vmem_shared>> -> memref<1024xi32, #tpu.memory_space<vmem_shared>>
      tpu.enqueue_dma source(%dma_start3A_581 : memref<1024xi32, #tpu.memory_space<vmem_shared>>) target(%arg7 : memref<1024xi32, #tpu.memory_space<vmem>>) target_semaphore(%run_scoped3A : memref<!tpu.dma_semaphore, #tpu.memory_space<semaphore_mem>>)
      %dma_wait3A = tpu.memref_slice %arg14[%mul3A_94] : memref<16384xi32, #tpu.memory_space<vmem_shared>> -> memref<1024xi32, #tpu.memory_space<vmem_shared>>
      %dma_wait3A_582 = tpu.memref_slice %arg14[%mul3A_94] : memref<16384xi32, #tpu.memory_space<vmem_shared>> -> memref<1024xi32, #tpu.memory_space<vmem_shared>>
      tpu.wait_dma2 semaphore(%run_scoped3A : memref<!tpu.dma_semaphore, #tpu.memory_space<semaphore_mem>>) src(%dma_wait3A_582 : memref<1024xi32, #tpu.memory_space<vmem_shared>>) dst(%arg7 : memref<1024xi32, #tpu.memory_space<vmem>>)
      tpu.yield
    }) : () -> ()
    %scan3A_95 = arith.constant 0 : i32
    %scan3A_96 = arith.constant 0 : i32
    %scan3A_97 = arith.constant 64 : i32
    %scan3A_98 = arith.addi %scan3A_96, %scan3A_97 : i32
    %scan3A_99 = arith.constant 1 : i32
    %scan3A_100 = scf.for %scan3A_581 = %scan3A_96 to %scan3A_98 step %scan3A_99 iter_args(%scan3A_582 = %scan3A_95) -> (i32)  : i32 {
      %mul3A_583 = arith.constant 16 : i32
      %mul3A_584 = arith.muli %scan3A_581, %mul3A_583 : i32
      %get3A_585 = arith.index_cast %mul3A_584 : i32 to index
      %get3A_586 = tpu.vector_load %arg8[%get3A_585] {strides = array<i32>} : memref<1024xi32, #tpu.memory_space<vmem>>, vector<16xi32>,
      %mul3A_587 = arith.constant 16 : i32
      %mul3A_588 = arith.muli %scan3A_581, %mul3A_587 : i32
      %get3A_589 = arith.index_cast %mul3A_588 : i32 to index
      %get3A_590 = tpu.vector_load %arg7[%get3A_589] {strides = array<i32>} : memref<1024xi32, #tpu.memory_space<vmem>>, vector<16xi32>,
      %add3A_591 = arith.addi %get3A_586, %get3A_590 : vector<16xi32>
      %mul3A_592 = arith.constant 16 : i32
      %mul3A_593 = arith.muli %scan3A_581, %mul3A_592 : i32
      %swap3A_594 = arith.index_cast %mul3A_593 : i32 to index
      %swap3A_595 = tpu.vector_load %arg8[%swap3A_594] {strides = array<i32>} : memref<1024xi32, #tpu.memory_space<vmem>>, vector<16xi32>,
      tpu.vector_store %arg8[%swap3A_594], %add3A_591 {strides = array<i32>} : memref<1024xi32, #tpu.memory_space<vmem>>, vector<16xi32>,
      %scan3A_596 = arith.constant 0 : i32
      scf.yield %scan3A_596 : i32
    }
    %scan3A_101 = arith.constant 64 : i32
    %mul3A_102 = arith.constant 4 : i32
    %mul3A_103 = arith.muli %select_n3A_54, %mul3A_102 : i32
    %add3A_104 = arith.constant 1 : i32
    %add3A_105 = arith.addi %mul3A_103, %add3A_104 : i32
    %mul3A_106 = arith.constant 1024 : i32
    %mul3A_107 = arith.muli %add3A_105, %mul3A_106 : i32
    "tpu.region"() ({
      %run_scoped3A = tpu.sem_alloc : memref<!tpu.dma_semaphore, #tpu.memory_space<semaphore_mem>>
      %dma_start3A = tpu.memref_slice %arg14[%mul3A_107] : memref<16384xi32, #tpu.memory_space<vmem_shared>> -> memref<1024xi32, #tpu.memory_space<vmem_shared>>
      %dma_start3A_581 = tpu.memref_slice %arg14[%mul3A_107] : memref<16384xi32, #tpu.memory_space<vmem_shared>> -> memref<1024xi32, #tpu.memory_space<vmem_shared>>
      tpu.enqueue_dma source(%dma_start3A_581 : memref<1024xi32, #tpu.memory_space<vmem_shared>>) target(%arg7 : memref<1024xi32, #tpu.memory_space<vmem>>) target_semaphore(%run_scoped3A : memref<!tpu.dma_semaphore, #tpu.memory_space<semaphore_mem>>)
      %dma_wait3A = tpu.memref_slice %arg14[%mul3A_107] : memref<16384xi32, #tpu.memory_space<vmem_shared>> -> memref<1024xi32, #tpu.memory_space<vmem_shared>>
      %dma_wait3A_582 = tpu.memref_slice %arg14[%mul3A_107] : memref<16384xi32, #tpu.memory_space<vmem_shared>> -> memref<1024xi32, #tpu.memory_space<vmem_shared>>
      tpu.wait_dma2 semaphore(%run_scoped3A : memref<!tpu.dma_semaphore, #tpu.memory_space<semaphore_mem>>) src(%dma_wait3A_582 : memref<1024xi32, #tpu.memory_space<vmem_shared>>) dst(%arg7 : memref<1024xi32, #tpu.memory_space<vmem>>)
      tpu.yield
    }) : () -> ()
    %scan3A_108 = arith.constant 0 : i32
    %scan3A_109 = arith.constant 0 : i32
    %scan3A_110 = arith.constant 64 : i32
    %scan3A_111 = arith.addi %scan3A_109, %scan3A_110 : i32
    %scan3A_112 = arith.constant 1 : i32
    %scan3A_113 = scf.for %scan3A_581 = %scan3A_109 to %scan3A_111 step %scan3A_112 iter_args(%scan3A_582 = %scan3A_108) -> (i32)  : i32 {
      %mul3A_583 = arith.constant 16 : i32
      %mul3A_584 = arith.muli %scan3A_581, %mul3A_583 : i32
      %get3A_585 = arith.index_cast %mul3A_584 : i32 to index
      %get3A_586 = tpu.vector_load %arg8[%get3A_585] {strides = array<i32>} : memref<1024xi32, #tpu.memory_space<vmem>>, vector<16xi32>,
      %mul3A_587 = arith.constant 16 : i32
      %mul3A_588 = arith.muli %scan3A_581, %mul3A_587 : i32
      %get3A_589 = arith.index_cast %mul3A_588 : i32 to index
      %get3A_590 = tpu.vector_load %arg7[%get3A_589] {strides = array<i32>} : memref<1024xi32, #tpu.memory_space<vmem>>, vector<16xi32>,
      %add3A_591 = arith.addi %get3A_586, %get3A_590 : vector<16xi32>
      %mul3A_592 = arith.constant 16 : i32
      %mul3A_593 = arith.muli %scan3A_581, %mul3A_592 : i32
      %swap3A_594 = arith.index_cast %mul3A_593 : i32 to index
      %swap3A_595 = tpu.vector_load %arg8[%swap3A_594] {strides = array<i32>} : memref<1024xi32, #tpu.memory_space<vmem>>, vector<16xi32>,
      tpu.vector_store %arg8[%swap3A_594], %add3A_591 {strides = array<i32>} : memref<1024xi32, #tpu.memory_space<vmem>>, vector<16xi32>,
      %scan3A_596 = arith.constant 0 : i32
      scf.yield %scan3A_596 : i32
    }
    %scan3A_114 = arith.constant 64 : i32
    %mul3A_115 = arith.constant 4 : i32
    %mul3A_116 = arith.muli %select_n3A_54, %mul3A_115 : i32
    %add3A_117 = arith.constant 2 : i32
    %add3A_118 = arith.addi %mul3A_116, %add3A_117 : i32
    %mul3A_119 = arith.constant 1024 : i32
    %mul3A_120 = arith.muli %add3A_118, %mul3A_119 : i32
    "tpu.region"() ({
      %run_scoped3A = tpu.sem_alloc : memref<!tpu.dma_semaphore, #tpu.memory_space<semaphore_mem>>
      %dma_start3A = tpu.memref_slice %arg14[%mul3A_120] : memref<16384xi32, #tpu.memory_space<vmem_shared>> -> memref<1024xi32, #tpu.memory_space<vmem_shared>>
      %dma_start3A_581 = tpu.memref_slice %arg14[%mul3A_120] : memref<16384xi32, #tpu.memory_space<vmem_shared>> -> memref<1024xi32, #tpu.memory_space<vmem_shared>>
      tpu.enqueue_dma source(%dma_start3A_581 : memref<1024xi32, #tpu.memory_space<vmem_shared>>) target(%arg7 : memref<1024xi32, #tpu.memory_space<vmem>>) target_semaphore(%run_scoped3A : memref<!tpu.dma_semaphore, #tpu.memory_space<semaphore_mem>>)
      %dma_wait3A = tpu.memref_slice %arg14[%mul3A_120] : memref<16384xi32, #tpu.memory_space<vmem_shared>> -> memref<1024xi32, #tpu.memory_space<vmem_shared>>
      %dma_wait3A_582 = tpu.memref_slice %arg14[%mul3A_120] : memref<16384xi32, #tpu.memory_space<vmem_shared>> -> memref<1024xi32, #tpu.memory_space<vmem_shared>>
      tpu.wait_dma2 semaphore(%run_scoped3A : memref<!tpu.dma_semaphore, #tpu.memory_space<semaphore_mem>>) src(%dma_wait3A_582 : memref<1024xi32, #tpu.memory_space<vmem_shared>>) dst(%arg7 : memref<1024xi32, #tpu.memory_space<vmem>>)
      tpu.yield
    }) : () -> ()
    %scan3A_121 = arith.constant 0 : i32
    %scan3A_122 = arith.constant 0 : i32
    %scan3A_123 = arith.constant 64 : i32
    %scan3A_124 = arith.addi %scan3A_122, %scan3A_123 : i32
    %scan3A_125 = arith.constant 1 : i32
    %scan3A_126 = scf.for %scan3A_581 = %scan3A_122 to %scan3A_124 step %scan3A_125 iter_args(%scan3A_582 = %scan3A_121) -> (i32)  : i32 {
      %mul3A_583 = arith.constant 16 : i32
      %mul3A_584 = arith.muli %scan3A_581, %mul3A_583 : i32
      %get3A_585 = arith.index_cast %mul3A_584 : i32 to index
      %get3A_586 = tpu.vector_load %arg8[%get3A_585] {strides = array<i32>} : memref<1024xi32, #tpu.memory_space<vmem>>, vector<16xi32>,
      %mul3A_587 = arith.constant 16 : i32
      %mul3A_588 = arith.muli %scan3A_581, %mul3A_587 : i32
      %get3A_589 = arith.index_cast %mul3A_588 : i32 to index
      %get3A_590 = tpu.vector_load %arg7[%get3A_589] {strides = array<i32>} : memref<1024xi32, #tpu.memory_space<vmem>>, vector<16xi32>,
      %add3A_591 = arith.addi %get3A_586, %get3A_590 : vector<16xi32>
      %mul3A_592 = arith.constant 16 : i32
      %mul3A_593 = arith.muli %scan3A_581, %mul3A_592 : i32
      %swap3A_594 = arith.index_cast %mul3A_593 : i32 to index
      %swap3A_595 = tpu.vector_load %arg8[%swap3A_594] {strides = array<i32>} : memref<1024xi32, #tpu.memory_space<vmem>>, vector<16xi32>,
      tpu.vector_store %arg8[%swap3A_594], %add3A_591 {strides = array<i32>} : memref<1024xi32, #tpu.memory_space<vmem>>, vector<16xi32>,
      %scan3A_596 = arith.constant 0 : i32
      scf.yield %scan3A_596 : i32
    }
    %scan3A_127 = arith.constant 64 : i32
    %mul3A_128 = arith.constant 4 : i32
    %mul3A_129 = arith.muli %select_n3A_54, %mul3A_128 : i32
    %add3A_130 = arith.constant 3 : i32
    %add3A_131 = arith.addi %mul3A_129, %add3A_130 : i32
    %mul3A_132 = arith.constant 1024 : i32
    %mul3A_133 = arith.muli %add3A_131, %mul3A_132 : i32
    "tpu.region"() ({
      %run_scoped3A = tpu.sem_alloc : memref<!tpu.dma_semaphore, #tpu.memory_space<semaphore_mem>>
      %dma_start3A = tpu.memref_slice %arg14[%mul3A_133] : memref<16384xi32, #tpu.memory_space<vmem_shared>> -> memref<1024xi32, #tpu.memory_space<vmem_shared>>
      %dma_start3A_581 = tpu.memref_slice %arg14[%mul3A_133] : memref<16384xi32, #tpu.memory_space<vmem_shared>> -> memref<1024xi32, #tpu.memory_space<vmem_shared>>
      tpu.enqueue_dma source(%dma_start3A_581 : memref<1024xi32, #tpu.memory_space<vmem_shared>>) target(%arg7 : memref<1024xi32, #tpu.memory_space<vmem>>) target_semaphore(%run_scoped3A : memref<!tpu.dma_semaphore, #tpu.memory_space<semaphore_mem>>)
      %dma_wait3A = tpu.memref_slice %arg14[%mul3A_133] : memref<16384xi32, #tpu.memory_space<vmem_shared>> -> memref<1024xi32, #tpu.memory_space<vmem_shared>>
      %dma_wait3A_582 = tpu.memref_slice %arg14[%mul3A_133] : memref<16384xi32, #tpu.memory_space<vmem_shared>> -> memref<1024xi32, #tpu.memory_space<vmem_shared>>
      tpu.wait_dma2 semaphore(%run_scoped3A : memref<!tpu.dma_semaphore, #tpu.memory_space<semaphore_mem>>) src(%dma_wait3A_582 : memref<1024xi32, #tpu.memory_space<vmem_shared>>) dst(%arg7 : memref<1024xi32, #tpu.memory_space<vmem>>)
      tpu.yield
    }) : () -> ()
    %scan3A_134 = arith.constant 0 : i32
    %scan3A_135 = arith.constant 0 : i32
    %scan3A_136 = arith.constant 64 : i32
    %scan3A_137 = arith.addi %scan3A_135, %scan3A_136 : i32
    %scan3A_138 = arith.constant 1 : i32
    %scan3A_139 = scf.for %scan3A_581 = %scan3A_135 to %scan3A_137 step %scan3A_138 iter_args(%scan3A_582 = %scan3A_134) -> (i32)  : i32 {
      %mul3A_583 = arith.constant 16 : i32
      %mul3A_584 = arith.muli %scan3A_581, %mul3A_583 : i32
      %get3A_585 = arith.index_cast %mul3A_584 : i32 to index
      %get3A_586 = tpu.vector_load %arg8[%get3A_585] {strides = array<i32>} : memref<1024xi32, #tpu.memory_space<vmem>>, vector<16xi32>,
      %mul3A_587 = arith.constant 16 : i32
      %mul3A_588 = arith.muli %scan3A_581, %mul3A_587 : i32
      %get3A_589 = arith.index_cast %mul3A_588 : i32 to index
      %get3A_590 = tpu.vector_load %arg7[%get3A_589] {strides = array<i32>} : memref<1024xi32, #tpu.memory_space<vmem>>, vector<16xi32>,
      %add3A_591 = arith.addi %get3A_586, %get3A_590 : vector<16xi32>
      %mul3A_592 = arith.constant 16 : i32
      %mul3A_593 = arith.muli %scan3A_581, %mul3A_592 : i32
      %swap3A_594 = arith.index_cast %mul3A_593 : i32 to index
      %swap3A_595 = tpu.vector_load %arg8[%swap3A_594] {strides = array<i32>} : memref<1024xi32, #tpu.memory_space<vmem>>, vector<16xi32>,
      tpu.vector_store %arg8[%swap3A_594], %add3A_591 {strides = array<i32>} : memref<1024xi32, #tpu.memory_space<vmem>>, vector<16xi32>,
      %scan3A_596 = arith.constant 0 : i32
      scf.yield %scan3A_596 : i32
    }
    %scan3A_140 = arith.constant 64 : i32
    %scan3A_141 = arith.constant 4096 : i32
    %scan3A_142 = arith.constant 0 : i32
    %scan3A_143 = arith.constant 0 : i32
    %scan3A_144 = arith.constant 0 : i32
    %scan3A_145 = arith.constant 0 : i32
    %scan3A_146 = arith.constant 0 : i32
    %scan3A_147 = arith.constant 64 : i32
    %scan3A_148 = arith.addi %scan3A_146, %scan3A_147 : i32
    %scan3A_149 = arith.constant 1 : i32
    %scan3A_150:4 = scf.for %scan3A_581 = %scan3A_146 to %scan3A_148 step %scan3A_149 iter_args(%scan3A_582 = %scan3A_142, %scan3A_583 = %scan3A_143, %scan3A_584 = %scan3A_144, %scan3A_585 = %scan3A_145) -> (i32, i32, i32, i32)  : i32 {
      %sub3A_586 = arith.constant 63 : i32
      %sub3A_587 = arith.subi %sub3A_586, %scan3A_581 : i32
      %mul3A_588 = arith.constant 16 : i32
      %mul3A_589 = arith.muli %sub3A_587, %mul3A_588 : i32
      %get3A_590 = arith.index_cast %mul3A_589 : i32 to index
      %get3A_591 = tpu.vector_load %arg8[%get3A_590] {strides = array<i32>} : memref<1024xi32, #tpu.memory_space<vmem>>, vector<16xi32>,
      %rev3A = arith.constant 15 : i32
      %rev3A_592 = vector.broadcast %rev3A : i32 to vector<16xi32>
      %rev3A_593 = tpu.iota {dimensions = array<i32: 0>} : vector<16xi32>
      %rev3A_594 = arith.subi %rev3A_592, %rev3A_593 : vector<16xi32>
      %rev3A_595 = tpu.dynamic_gather %get3A_591[%rev3A_594] in [0] : vector<16xi32>, vector<16xi32> -> vector<16xi32>
      %broadcast_in_dim3A_596 = arith.constant true
      %broadcast_in_dim3A_597 = vector.broadcast %broadcast_in_dim3A_596 : i1 to vector<16xi1>
      %masked_cumsum3A = tpu.scan <sum>, %rev3A_595 masked %broadcast_in_dim3A_597 : vector<16xi32>, vector<16xi1> -> vector<16xi32>
      %add3A_598 = vector.broadcast %scan3A_582 : i32 to vector<16xi32>
      %add3A_599 = arith.addi %add3A_598, %masked_cumsum3A : vector<16xi32>
      %ge3A = vector.broadcast %scan3A_141 : i32 to vector<16xi32>
      %ge3A_600 = arith.cmpi sge, %add3A_599, %ge3A : vector<16xi32>
      %eq3A_601 = arith.constant 0 : i32
      %eq3A_602 = arith.cmpi eq, %scan3A_585, %eq3A_601 : i32
      %and3A_603 = vector.broadcast %eq3A_602 : i1 to vector<16xi1>
      %and3A_604 = arith.andi %ge3A_600, %and3A_603 : vector<16xi1>
      %all_reduce_population_count3A = tpu.all_reduce %and3A_604 {dim = 0 : i64, kind = #tpu.reduction_kind<sum>} : vector<16xi1> -> vector<16xi32>
      %reduce_max3A_605 = arith.constant true
      %reduce_max3A_606 = vector.broadcast %reduce_max3A_605 : i1 to vector<16xi1>
      %reduce_max3A_607 = arith.constant -2147483648 : i32
      %reduce_max3A_608 = vector.broadcast %reduce_max3A_607 : i32 to vector<16xi32>
      %reduce_max3A_609 = arith.xori %all_reduce_population_count3A, %reduce_max3A_608 : vector<16xi32>
      %reduce_max3A_610 = tpu.scan <max>, %reduce_max3A_609 masked %reduce_max3A_606 : vector<16xi32>, vector<16xi1> -> vector<16xi32>
      %reduce_max3A_611 = arith.xori %reduce_max3A_610, %reduce_max3A_608 : vector<16xi32>
      %reduce_max3A_612 = vector.extract %reduce_max3A_611[15] : i32 from vector<16xi32>
      %all_reduce_ffs3A = tpu.all_reduce %and3A_604 {dim = 0 : i64, kind = #tpu.reduction_kind<find_first_set>} : vector<16xi1> -> vector<16xi32>
      %reduce_max3A_613 = arith.constant true
      %reduce_max3A_614 = vector.broadcast %reduce_max3A_613 : i1 to vector<16xi1>
      %reduce_max3A_615 = arith.constant -2147483648 : i32
      %reduce_max3A_616 = vector.broadcast %reduce_max3A_615 : i32 to vector<16xi32>
      %reduce_max3A_617 = arith.xori %all_reduce_ffs3A, %reduce_max3A_616 : vector<16xi32>
      %reduce_max3A_618 = tpu.scan <max>, %reduce_max3A_617 masked %reduce_max3A_614 : vector<16xi32>, vector<16xi1> -> vector<16xi32>
      %reduce_max3A_619 = arith.xori %reduce_max3A_618, %reduce_max3A_616 : vector<16xi32>
      %reduce_max3A_620 = vector.extract %reduce_max3A_619[15] : i32 from vector<16xi32>
      %add3A_621 = arith.constant 15 : i32
      %add3A_622 = arith.addi %mul3A_589, %add3A_621 : i32
      %sub3A_623 = arith.subi %add3A_622, %reduce_max3A_620 : i32
      %iota3A_624 = tpu.iota {dimensions = array<i32: 0>} : vector<16xi32>
      %eq3A_625 = vector.broadcast %reduce_max3A_620 : i32 to vector<16xi32>
      %eq3A_626 = arith.cmpi eq, %iota3A_624, %eq3A_625 : vector<16xi32>
      %jit3A_627 = arith.constant -2147483648 : i32
      %broadcast_in_dim3A_628 = vector.broadcast %jit3A_627 : i32 to vector<16xi32>
      %select_n3A_629 = arith.select %eq3A_626, %add3A_599, %broadcast_in_dim3A_628 : vector<16xi1>, vector<16xi32>
      %reduce_max3A_630 = arith.constant true
      %reduce_max3A_631 = vector.broadcast %reduce_max3A_630 : i1 to vector<16xi1>
      %reduce_max3A_632 = arith.constant -2147483648 : i32
      %reduce_max3A_633 = vector.broadcast %reduce_max3A_632 : i32 to vector<16xi32>
      %reduce_max3A_634 = arith.xori %select_n3A_629, %reduce_max3A_633 : vector<16xi32>
      %reduce_max3A_635 = tpu.scan <max>, %reduce_max3A_634 masked %reduce_max3A_631 : vector<16xi32>, vector<16xi1> -> vector<16xi32>
      %reduce_max3A_636 = arith.xori %reduce_max3A_635, %reduce_max3A_633 : vector<16xi32>
      %reduce_max3A_637 = vector.extract %reduce_max3A_636[15] : i32 from vector<16xi32>
      %iota3A_638 = tpu.iota {dimensions = array<i32: 0>} : vector<16xi32>
      %eq3A_639 = vector.broadcast %reduce_max3A_620 : i32 to vector<16xi32>
      %eq3A_640 = arith.cmpi eq, %iota3A_638, %eq3A_639 : vector<16xi32>
      %jit3A_641 = arith.constant -2147483648 : i32
      %broadcast_in_dim3A_642 = vector.broadcast %jit3A_641 : i32 to vector<16xi32>
      %select_n3A_643 = arith.select %eq3A_640, %rev3A_595, %broadcast_in_dim3A_642 : vector<16xi1>, vector<16xi32>
      %reduce_max3A_644 = arith.constant true
      %reduce_max3A_645 = vector.broadcast %reduce_max3A_644 : i1 to vector<16xi1>
      %reduce_max3A_646 = arith.constant -2147483648 : i32
      %reduce_max3A_647 = vector.broadcast %reduce_max3A_646 : i32 to vector<16xi32>
      %reduce_max3A_648 = arith.xori %select_n3A_643, %reduce_max3A_647 : vector<16xi32>
      %reduce_max3A_649 = tpu.scan <max>, %reduce_max3A_648 masked %reduce_max3A_645 : vector<16xi32>, vector<16xi1> -> vector<16xi32>
      %reduce_max3A_650 = arith.xori %reduce_max3A_649, %reduce_max3A_647 : vector<16xi32>
      %reduce_max3A_651 = vector.extract %reduce_max3A_650[15] : i32 from vector<16xi32>
      %sub3A_652 = arith.subi %reduce_max3A_637, %reduce_max3A_651 : i32
      %gt3A = arith.constant 0 : i32
      %gt3A_653 = arith.cmpi sgt, %reduce_max3A_612, %gt3A : i32
      %eq3A_654 = arith.constant 0 : i32
      %eq3A_655 = arith.cmpi eq, %scan3A_585, %eq3A_654 : i32
      %and3A_656 = arith.andi %gt3A_653, %eq3A_655 : i1
      %select_n3A_657 = arith.select %and3A_656, %sub3A_623, %scan3A_583 : i32
      %select_n3A_658 = arith.select %and3A_656, %sub3A_652, %scan3A_584 : i32
      %jit3A_659 = arith.constant 1 : i32
      %select_n3A_660 = arith.select %and3A_656, %jit3A_659, %scan3A_585 : i32
      %reduce_sum3A = arith.constant true
      %reduce_sum3A_661 = vector.broadcast %reduce_sum3A : i1 to vector<16xi1>
      %reduce_sum3A_662 = tpu.scan <sum>, %get3A_591 masked %reduce_sum3A_661 : vector<16xi32>, vector<16xi1> -> vector<16xi32>
      %reduce_sum3A_663 = vector.extract %reduce_sum3A_662[15] : i32 from vector<16xi32>
      %add3A_664 = arith.addi %scan3A_582, %reduce_sum3A_663 : i32
      scf.yield %add3A_664, %select_n3A_657, %select_n3A_658, %select_n3A_660 : i32, i32, i32, i32
    }
    %scan3A_151 = arith.constant 64 : i32
    %scan3A_152 = arith.constant 0 : i32
    %scan3A_153 = arith.constant 0 : i32
    %scan3A_154 = arith.constant 0 : i32
    %scan3A_155 = arith.constant 64 : i32
    %scan3A_156 = arith.addi %scan3A_154, %scan3A_155 : i32
    %scan3A_157 = arith.constant 1 : i32
    %scan3A_158:2 = scf.for %scan3A_581 = %scan3A_154 to %scan3A_156 step %scan3A_157 iter_args(%scan3A_582 = %scan3A_152, %scan3A_583 = %scan3A_153) -> (i32, i32)  : i32 {
      %mul3A_584 = arith.constant 16 : i32
      %mul3A_585 = arith.muli %scan3A_581, %mul3A_584 : i32
      %get3A_586 = arith.index_cast %mul3A_585 : i32 to index
      %get3A_587 = tpu.vector_load %arg6[%get3A_586] {strides = array<i32>} : memref<1024xi32, #tpu.memory_space<vmem>>, vector<16xi32>,
      %mul3A_588 = arith.constant 16 : i32
      %mul3A_589 = arith.muli %scan3A_581, %mul3A_588 : i32
      %add3A_590 = vector.broadcast %mul3A_589 : i32 to vector<16xi32>
      %add3A_591 = arith.addi %add3A_590, %iota3A : vector<16xi32>
      %gt3A = vector.broadcast %scan3A_150#1 : i32 to vector<16xi32>
      %gt3A_592 = arith.cmpi sgt, %add3A_591, %gt3A : vector<16xi32>
      %jit3A_593 = arith.constant 0 : i32
      %broadcast_in_dim3A_594 = vector.broadcast %jit3A_593 : i32 to vector<16xi32>
      %select_n3A_595 = arith.select %gt3A_592, %get3A_587, %broadcast_in_dim3A_594 : vector<16xi1>, vector<16xi32>
      %reduce_sum3A = arith.constant true
      %reduce_sum3A_596 = vector.broadcast %reduce_sum3A : i1 to vector<16xi1>
      %reduce_sum3A_597 = tpu.scan <sum>, %select_n3A_595 masked %reduce_sum3A_596 : vector<16xi32>, vector<16xi1> -> vector<16xi32>
      %reduce_sum3A_598 = vector.extract %reduce_sum3A_597[15] : i32 from vector<16xi32>
      %add3A_599 = arith.addi %scan3A_582, %reduce_sum3A_598 : i32
      %eq3A_600 = vector.broadcast %scan3A_150#1 : i32 to vector<16xi32>
      %eq3A_601 = arith.cmpi eq, %add3A_591, %eq3A_600 : vector<16xi32>
      %jit3A_602 = arith.constant 0 : i32
      %broadcast_in_dim3A_603 = vector.broadcast %jit3A_602 : i32 to vector<16xi32>
      %select_n3A_604 = arith.select %eq3A_601, %get3A_587, %broadcast_in_dim3A_603 : vector<16xi1>, vector<16xi32>
      %reduce_sum3A_605 = arith.constant true
      %reduce_sum3A_606 = vector.broadcast %reduce_sum3A_605 : i1 to vector<16xi1>
      %reduce_sum3A_607 = tpu.scan <sum>, %select_n3A_604 masked %reduce_sum3A_606 : vector<16xi32>, vector<16xi1> -> vector<16xi32>
      %reduce_sum3A_608 = vector.extract %reduce_sum3A_607[15] : i32 from vector<16xi32>
      %add3A_609 = arith.addi %scan3A_583, %reduce_sum3A_608 : i32
      scf.yield %add3A_599, %add3A_609 : i32, i32
    }
    %scan3A_159 = arith.constant 64 : i32
    %shift_left3A = arith.constant 0 : i32
    %shift_left3A_160 = arith.constant 10 : i32
    %shift_left3A_161 = arith.shli %shift_left3A, %shift_left3A_160 : i32
    %or3A = arith.ori %shift_left3A_161, %scan3A_150#1 : i32
    %add3A_162 = arith.constant 0 : i32
    %add3A_163 = arith.addi %add3A_162, %scan3A_150#2 : i32
    %sub3A_164 = arith.constant 4096 : i32
    %sub3A_165 = arith.subi %sub3A_164, %scan3A_150#2 : i32
    %scan3A_166 = arith.constant 0 : i32
    %scan3A_167 = arith.constant 0 : i32
    %scan3A_168 = arith.constant 64 : i32
    %scan3A_169 = arith.addi %scan3A_167, %scan3A_168 : i32
    %scan3A_170 = arith.constant 1 : i32
    %scan3A_171 = scf.for %scan3A_581 = %scan3A_167 to %scan3A_169 step %scan3A_170 iter_args(%scan3A_582 = %scan3A_166) -> (i32)  : i32 {
      %mul3A_583 = arith.constant 16 : i32
      %mul3A_584 = arith.muli %scan3A_581, %mul3A_583 : i32
      %swap3A_585 = arith.index_cast %mul3A_584 : i32 to index
      %swap3A_586 = tpu.vector_load %arg6[%swap3A_585] {strides = array<i32>} : memref<1024xi32, #tpu.memory_space<vmem>>, vector<16xi32>,
      tpu.vector_store %arg6[%swap3A_585], %broadcast_in_dim3A_63 {strides = array<i32>} : memref<1024xi32, #tpu.memory_space<vmem>>, vector<16xi32>,
      %scan3A_587 = arith.constant 0 : i32
      scf.yield %scan3A_587 : i32
    }
    %scan3A_172 = arith.constant 64 : i32
    %scan3A_173 = arith.constant 0 : i32
    %scan3A_174 = arith.constant 0 : i32
    %scan3A_175 = arith.constant 2048 : i32
    %scan3A_176 = arith.addi %scan3A_174, %scan3A_175 : i32
    %scan3A_177 = arith.constant 1 : i32
    %scan3A_178 = scf.for %scan3A_581 = %scan3A_174 to %scan3A_176 step %scan3A_177 iter_args(%scan3A_582 = %scan3A_173) -> (i32)  : i32 {
      %mul3A_583 = arith.constant 2 : i32
      %mul3A_584 = arith.muli %scan3A_581, %mul3A_583 : i32
      %add3A_585 = arith.constant 0 : i32
      %add3A_586 = arith.addi %mul3A_584, %add3A_585 : i32
      %mul3A_587 = arith.constant 16 : i32
      %mul3A_588 = arith.muli %add3A_586, %mul3A_587 : i32
      %get3A_589 = arith.index_cast %mul3A_588 : i32 to index
      %get3A_590 = tpu.vector_load %arg5[%get3A_589] {strides = array<i32>} : memref<65536xi32, #tpu.memory_space<vmem>>, vector<16xi32>,
      %shift_right_logical3A = arith.constant 20 : i32
      %shift_right_logical3A_591 = vector.broadcast %shift_right_logical3A : i32 to vector<16xi32>
      %shift_right_logical3A_592 = arith.shrui %get3A_590, %shift_right_logical3A_591 : vector<16xi32>
      %eq3A_593 = vector.broadcast %or3A : i32 to vector<16xi32>
      %eq3A_594 = arith.cmpi eq, %shift_right_logical3A_592, %eq3A_593 : vector<16xi32>
      %shift_right_logical3A_595 = arith.constant 10 : i32
      %shift_right_logical3A_596 = vector.broadcast %shift_right_logical3A_595 : i32 to vector<16xi32>
      %shift_right_logical3A_597 = arith.shrui %get3A_590, %shift_right_logical3A_596 : vector<16xi32>
      %and3A_598 = arith.constant 1023 : i32
      %and3A_599 = vector.broadcast %and3A_598 : i32 to vector<16xi32>
      %and3A_600 = arith.andi %shift_right_logical3A_597, %and3A_599 : vector<16xi32>
      tpu.vector_store_idx %arg6[%and3A_600], %broadcast_in_dim3A_65 masked %eq3A_594 {add = true} : memref<1024xi32, #tpu.memory_space<vmem>>[vector<16xi32>], vector<16xi32>, vector<16xi1>
      %mul3A_601 = arith.constant 2 : i32
      %mul3A_602 = arith.muli %scan3A_581, %mul3A_601 : i32
      %add3A_603 = arith.constant 1 : i32
      %add3A_604 = arith.addi %mul3A_602, %add3A_603 : i32
      %mul3A_605 = arith.constant 16 : i32
      %mul3A_606 = arith.muli %add3A_604, %mul3A_605 : i32
      %get3A_607 = arith.index_cast %mul3A_606 : i32 to index
      %get3A_608 = tpu.vector_load %arg5[%get3A_607] {strides = array<i32>} : memref<65536xi32, #tpu.memory_space<vmem>>, vector<16xi32>,
      %shift_right_logical3A_609 = arith.constant 20 : i32
      %shift_right_logical3A_610 = vector.broadcast %shift_right_logical3A_609 : i32 to vector<16xi32>
      %shift_right_logical3A_611 = arith.shrui %get3A_608, %shift_right_logical3A_610 : vector<16xi32>
      %eq3A_612 = vector.broadcast %or3A : i32 to vector<16xi32>
      %eq3A_613 = arith.cmpi eq, %shift_right_logical3A_611, %eq3A_612 : vector<16xi32>
      %shift_right_logical3A_614 = arith.constant 10 : i32
      %shift_right_logical3A_615 = vector.broadcast %shift_right_logical3A_614 : i32 to vector<16xi32>
      %shift_right_logical3A_616 = arith.shrui %get3A_608, %shift_right_logical3A_615 : vector<16xi32>
      %and3A_617 = arith.constant 1023 : i32
      %and3A_618 = vector.broadcast %and3A_617 : i32 to vector<16xi32>
      %and3A_619 = arith.andi %shift_right_logical3A_616, %and3A_618 : vector<16xi32>
      tpu.vector_store_idx %arg6[%and3A_619], %broadcast_in_dim3A_65 masked %eq3A_613 {add = true} : memref<1024xi32, #tpu.memory_space<vmem>>[vector<16xi32>], vector<16xi32>, vector<16xi1>
      %scan3A_620 = arith.constant 0 : i32
      scf.yield %scan3A_620 : i32
    }
    %scan3A_179 = arith.constant 2048 : i32
    %barrier3A_180 = arith.constant 0 : index
    tpu.barrier barrier_id(%barrier3A_180)
    %mul3A_181 = arith.constant 1024 : i32
    %mul3A_182 = arith.muli %arg1, %mul3A_181 : i32
    "tpu.region"() ({
      %run_scoped3A = tpu.sem_alloc : memref<!tpu.dma_semaphore, #tpu.memory_space<semaphore_mem>>
      %dma_start3A = tpu.memref_slice %arg14[%mul3A_182] : memref<16384xi32, #tpu.memory_space<vmem_shared>> -> memref<1024xi32, #tpu.memory_space<vmem_shared>>
      %dma_start3A_581 = tpu.memref_slice %arg14[%mul3A_182] : memref<16384xi32, #tpu.memory_space<vmem_shared>> -> memref<1024xi32, #tpu.memory_space<vmem_shared>>
      tpu.enqueue_dma source(%arg6 : memref<1024xi32, #tpu.memory_space<vmem>>) target(%dma_start3A_581 : memref<1024xi32, #tpu.memory_space<vmem_shared>>) target_semaphore(%run_scoped3A : memref<!tpu.dma_semaphore, #tpu.memory_space<semaphore_mem>>)
      %dma_wait3A = tpu.memref_slice %arg14[%mul3A_182] : memref<16384xi32, #tpu.memory_space<vmem_shared>> -> memref<1024xi32, #tpu.memory_space<vmem_shared>>
      %dma_wait3A_582 = tpu.memref_slice %arg14[%mul3A_182] : memref<16384xi32, #tpu.memory_space<vmem_shared>> -> memref<1024xi32, #tpu.memory_space<vmem_shared>>
      tpu.wait_dma2 semaphore(%run_scoped3A : memref<!tpu.dma_semaphore, #tpu.memory_space<semaphore_mem>>) src(%arg6 : memref<1024xi32, #tpu.memory_space<vmem>>) dst(%dma_wait3A_582 : memref<1024xi32, #tpu.memory_space<vmem_shared>>)
      tpu.yield
    }) : () -> ()
    %barrier3A_183 = arith.constant 0 : index
    tpu.barrier barrier_id(%barrier3A_183)
    %scan3A_184 = arith.constant 0 : i32
    %scan3A_185 = arith.constant 0 : i32
    %scan3A_186 = arith.constant 64 : i32
    %scan3A_187 = arith.addi %scan3A_185, %scan3A_186 : i32
    %scan3A_188 = arith.constant 1 : i32
    %scan3A_189 = scf.for %scan3A_581 = %scan3A_185 to %scan3A_187 step %scan3A_188 iter_args(%scan3A_582 = %scan3A_184) -> (i32)  : i32 {
      %mul3A_583 = arith.constant 16 : i32
      %mul3A_584 = arith.muli %scan3A_581, %mul3A_583 : i32
      %swap3A_585 = arith.index_cast %mul3A_584 : i32 to index
      %swap3A_586 = tpu.vector_load %arg8[%swap3A_585] {strides = array<i32>} : memref<1024xi32, #tpu.memory_space<vmem>>, vector<16xi32>,
      tpu.vector_store %arg8[%swap3A_585], %broadcast_in_dim3A_63 {strides = array<i32>} : memref<1024xi32, #tpu.memory_space<vmem>>, vector<16xi32>,
      %scan3A_587 = arith.constant 0 : i32
      scf.yield %scan3A_587 : i32
    }
    %scan3A_190 = arith.constant 64 : i32
    %mul3A_191 = arith.constant 4 : i32
    %mul3A_192 = arith.muli %select_n3A_54, %mul3A_191 : i32
    %add3A_193 = arith.constant 0 : i32
    %add3A_194 = arith.addi %mul3A_192, %add3A_193 : i32
    %mul3A_195 = arith.constant 1024 : i32
    %mul3A_196 = arith.muli %add3A_194, %mul3A_195 : i32
    "tpu.region"() ({
      %run_scoped3A = tpu.sem_alloc : memref<!tpu.dma_semaphore, #tpu.memory_space<semaphore_mem>>
      %dma_start3A = tpu.memref_slice %arg14[%mul3A_196] : memref<16384xi32, #tpu.memory_space<vmem_shared>> -> memref<1024xi32, #tpu.memory_space<vmem_shared>>
      %dma_start3A_581 = tpu.memref_slice %arg14[%mul3A_196] : memref<16384xi32, #tpu.memory_space<vmem_shared>> -> memref<1024xi32, #tpu.memory_space<vmem_shared>>
      tpu.enqueue_dma source(%dma_start3A_581 : memref<1024xi32, #tpu.memory_space<vmem_shared>>) target(%arg7 : memref<1024xi32, #tpu.memory_space<vmem>>) target_semaphore(%run_scoped3A : memref<!tpu.dma_semaphore, #tpu.memory_space<semaphore_mem>>)
      %dma_wait3A = tpu.memref_slice %arg14[%mul3A_196] : memref<16384xi32, #tpu.memory_space<vmem_shared>> -> memref<1024xi32, #tpu.memory_space<vmem_shared>>
      %dma_wait3A_582 = tpu.memref_slice %arg14[%mul3A_196] : memref<16384xi32, #tpu.memory_space<vmem_shared>> -> memref<1024xi32, #tpu.memory_space<vmem_shared>>
      tpu.wait_dma2 semaphore(%run_scoped3A : memref<!tpu.dma_semaphore, #tpu.memory_space<semaphore_mem>>) src(%dma_wait3A_582 : memref<1024xi32, #tpu.memory_space<vmem_shared>>) dst(%arg7 : memref<1024xi32, #tpu.memory_space<vmem>>)
      tpu.yield
    }) : () -> ()
    %scan3A_197 = arith.constant 0 : i32
    %scan3A_198 = arith.constant 0 : i32
    %scan3A_199 = arith.constant 64 : i32
    %scan3A_200 = arith.addi %scan3A_198, %scan3A_199 : i32
    %scan3A_201 = arith.constant 1 : i32
    %scan3A_202 = scf.for %scan3A_581 = %scan3A_198 to %scan3A_200 step %scan3A_201 iter_args(%scan3A_582 = %scan3A_197) -> (i32)  : i32 {
      %mul3A_583 = arith.constant 16 : i32
      %mul3A_584 = arith.muli %scan3A_581, %mul3A_583 : i32
      %get3A_585 = arith.index_cast %mul3A_584 : i32 to index
      %get3A_586 = tpu.vector_load %arg8[%get3A_585] {strides = array<i32>} : memref<1024xi32, #tpu.memory_space<vmem>>, vector<16xi32>,
      %mul3A_587 = arith.constant 16 : i32
      %mul3A_588 = arith.muli %scan3A_581, %mul3A_587 : i32
      %get3A_589 = arith.index_cast %mul3A_588 : i32 to index
      %get3A_590 = tpu.vector_load %arg7[%get3A_589] {strides = array<i32>} : memref<1024xi32, #tpu.memory_space<vmem>>, vector<16xi32>,
      %add3A_591 = arith.addi %get3A_586, %get3A_590 : vector<16xi32>
      %mul3A_592 = arith.constant 16 : i32
      %mul3A_593 = arith.muli %scan3A_581, %mul3A_592 : i32
      %swap3A_594 = arith.index_cast %mul3A_593 : i32 to index
      %swap3A_595 = tpu.vector_load %arg8[%swap3A_594] {strides = array<i32>} : memref<1024xi32, #tpu.memory_space<vmem>>, vector<16xi32>,
      tpu.vector_store %arg8[%swap3A_594], %add3A_591 {strides = array<i32>} : memref<1024xi32, #tpu.memory_space<vmem>>, vector<16xi32>,
      %scan3A_596 = arith.constant 0 : i32
      scf.yield %scan3A_596 : i32
    }
    %scan3A_203 = arith.constant 64 : i32
    %mul3A_204 = arith.constant 4 : i32
    %mul3A_205 = arith.muli %select_n3A_54, %mul3A_204 : i32
    %add3A_206 = arith.constant 1 : i32
    %add3A_207 = arith.addi %mul3A_205, %add3A_206 : i32
    %mul3A_208 = arith.constant 1024 : i32
    %mul3A_209 = arith.muli %add3A_207, %mul3A_208 : i32
    "tpu.region"() ({
      %run_scoped3A = tpu.sem_alloc : memref<!tpu.dma_semaphore, #tpu.memory_space<semaphore_mem>>
      %dma_start3A = tpu.memref_slice %arg14[%mul3A_209] : memref<16384xi32, #tpu.memory_space<vmem_shared>> -> memref<1024xi32, #tpu.memory_space<vmem_shared>>
      %dma_start3A_581 = tpu.memref_slice %arg14[%mul3A_209] : memref<16384xi32, #tpu.memory_space<vmem_shared>> -> memref<1024xi32, #tpu.memory_space<vmem_shared>>
      tpu.enqueue_dma source(%dma_start3A_581 : memref<1024xi32, #tpu.memory_space<vmem_shared>>) target(%arg7 : memref<1024xi32, #tpu.memory_space<vmem>>) target_semaphore(%run_scoped3A : memref<!tpu.dma_semaphore, #tpu.memory_space<semaphore_mem>>)
      %dma_wait3A = tpu.memref_slice %arg14[%mul3A_209] : memref<16384xi32, #tpu.memory_space<vmem_shared>> -> memref<1024xi32, #tpu.memory_space<vmem_shared>>
      %dma_wait3A_582 = tpu.memref_slice %arg14[%mul3A_209] : memref<16384xi32, #tpu.memory_space<vmem_shared>> -> memref<1024xi32, #tpu.memory_space<vmem_shared>>
      tpu.wait_dma2 semaphore(%run_scoped3A : memref<!tpu.dma_semaphore, #tpu.memory_space<semaphore_mem>>) src(%dma_wait3A_582 : memref<1024xi32, #tpu.memory_space<vmem_shared>>) dst(%arg7 : memref<1024xi32, #tpu.memory_space<vmem>>)
      tpu.yield
    }) : () -> ()
    %scan3A_210 = arith.constant 0 : i32
    %scan3A_211 = arith.constant 0 : i32
    %scan3A_212 = arith.constant 64 : i32
    %scan3A_213 = arith.addi %scan3A_211, %scan3A_212 : i32
    %scan3A_214 = arith.constant 1 : i32
    %scan3A_215 = scf.for %scan3A_581 = %scan3A_211 to %scan3A_213 step %scan3A_214 iter_args(%scan3A_582 = %scan3A_210) -> (i32)  : i32 {
      %mul3A_583 = arith.constant 16 : i32
      %mul3A_584 = arith.muli %scan3A_581, %mul3A_583 : i32
      %get3A_585 = arith.index_cast %mul3A_584 : i32 to index
      %get3A_586 = tpu.vector_load %arg8[%get3A_585] {strides = array<i32>} : memref<1024xi32, #tpu.memory_space<vmem>>, vector<16xi32>,
      %mul3A_587 = arith.constant 16 : i32
      %mul3A_588 = arith.muli %scan3A_581, %mul3A_587 : i32
      %get3A_589 = arith.index_cast %mul3A_588 : i32 to index
      %get3A_590 = tpu.vector_load %arg7[%get3A_589] {strides = array<i32>} : memref<1024xi32, #tpu.memory_space<vmem>>, vector<16xi32>,
      %add3A_591 = arith.addi %get3A_586, %get3A_590 : vector<16xi32>
      %mul3A_592 = arith.constant 16 : i32
      %mul3A_593 = arith.muli %scan3A_581, %mul3A_592 : i32
      %swap3A_594 = arith.index_cast %mul3A_593 : i32 to index
      %swap3A_595 = tpu.vector_load %arg8[%swap3A_594] {strides = array<i32>} : memref<1024xi32, #tpu.memory_space<vmem>>, vector<16xi32>,
      tpu.vector_store %arg8[%swap3A_594], %add3A_591 {strides = array<i32>} : memref<1024xi32, #tpu.memory_space<vmem>>, vector<16xi32>,
      %scan3A_596 = arith.constant 0 : i32
      scf.yield %scan3A_596 : i32
    }
    %scan3A_216 = arith.constant 64 : i32
    %mul3A_217 = arith.constant 4 : i32
    %mul3A_218 = arith.muli %select_n3A_54, %mul3A_217 : i32
    %add3A_219 = arith.constant 2 : i32
    %add3A_220 = arith.addi %mul3A_218, %add3A_219 : i32
    %mul3A_221 = arith.constant 1024 : i32
    %mul3A_222 = arith.muli %add3A_220, %mul3A_221 : i32
    "tpu.region"() ({
      %run_scoped3A = tpu.sem_alloc : memref<!tpu.dma_semaphore, #tpu.memory_space<semaphore_mem>>
      %dma_start3A = tpu.memref_slice %arg14[%mul3A_222] : memref<16384xi32, #tpu.memory_space<vmem_shared>> -> memref<1024xi32, #tpu.memory_space<vmem_shared>>
      %dma_start3A_581 = tpu.memref_slice %arg14[%mul3A_222] : memref<16384xi32, #tpu.memory_space<vmem_shared>> -> memref<1024xi32, #tpu.memory_space<vmem_shared>>
      tpu.enqueue_dma source(%dma_start3A_581 : memref<1024xi32, #tpu.memory_space<vmem_shared>>) target(%arg7 : memref<1024xi32, #tpu.memory_space<vmem>>) target_semaphore(%run_scoped3A : memref<!tpu.dma_semaphore, #tpu.memory_space<semaphore_mem>>)
      %dma_wait3A = tpu.memref_slice %arg14[%mul3A_222] : memref<16384xi32, #tpu.memory_space<vmem_shared>> -> memref<1024xi32, #tpu.memory_space<vmem_shared>>
      %dma_wait3A_582 = tpu.memref_slice %arg14[%mul3A_222] : memref<16384xi32, #tpu.memory_space<vmem_shared>> -> memref<1024xi32, #tpu.memory_space<vmem_shared>>
      tpu.wait_dma2 semaphore(%run_scoped3A : memref<!tpu.dma_semaphore, #tpu.memory_space<semaphore_mem>>) src(%dma_wait3A_582 : memref<1024xi32, #tpu.memory_space<vmem_shared>>) dst(%arg7 : memref<1024xi32, #tpu.memory_space<vmem>>)
      tpu.yield
    }) : () -> ()
    %scan3A_223 = arith.constant 0 : i32
    %scan3A_224 = arith.constant 0 : i32
    %scan3A_225 = arith.constant 64 : i32
    %scan3A_226 = arith.addi %scan3A_224, %scan3A_225 : i32
    %scan3A_227 = arith.constant 1 : i32
    %scan3A_228 = scf.for %scan3A_581 = %scan3A_224 to %scan3A_226 step %scan3A_227 iter_args(%scan3A_582 = %scan3A_223) -> (i32)  : i32 {
      %mul3A_583 = arith.constant 16 : i32
      %mul3A_584 = arith.muli %scan3A_581, %mul3A_583 : i32
      %get3A_585 = arith.index_cast %mul3A_584 : i32 to index
      %get3A_586 = tpu.vector_load %arg8[%get3A_585] {strides = array<i32>} : memref<1024xi32, #tpu.memory_space<vmem>>, vector<16xi32>,
      %mul3A_587 = arith.constant 16 : i32
      %mul3A_588 = arith.muli %scan3A_581, %mul3A_587 : i32
      %get3A_589 = arith.index_cast %mul3A_588 : i32 to index
      %get3A_590 = tpu.vector_load %arg7[%get3A_589] {strides = array<i32>} : memref<1024xi32, #tpu.memory_space<vmem>>, vector<16xi32>,
      %add3A_591 = arith.addi %get3A_586, %get3A_590 : vector<16xi32>
      %mul3A_592 = arith.constant 16 : i32
      %mul3A_593 = arith.muli %scan3A_581, %mul3A_592 : i32
      %swap3A_594 = arith.index_cast %mul3A_593 : i32 to index
      %swap3A_595 = tpu.vector_load %arg8[%swap3A_594] {strides = array<i32>} : memref<1024xi32, #tpu.memory_space<vmem>>, vector<16xi32>,
      tpu.vector_store %arg8[%swap3A_594], %add3A_591 {strides = array<i32>} : memref<1024xi32, #tpu.memory_space<vmem>>, vector<16xi32>,
      %scan3A_596 = arith.constant 0 : i32
      scf.yield %scan3A_596 : i32
    }
    %scan3A_229 = arith.constant 64 : i32
    %mul3A_230 = arith.constant 4 : i32
    %mul3A_231 = arith.muli %select_n3A_54, %mul3A_230 : i32
    %add3A_232 = arith.constant 3 : i32
    %add3A_233 = arith.addi %mul3A_231, %add3A_232 : i32
    %mul3A_234 = arith.constant 1024 : i32
    %mul3A_235 = arith.muli %add3A_233, %mul3A_234 : i32
    "tpu.region"() ({
      %run_scoped3A = tpu.sem_alloc : memref<!tpu.dma_semaphore, #tpu.memory_space<semaphore_mem>>
      %dma_start3A = tpu.memref_slice %arg14[%mul3A_235] : memref<16384xi32, #tpu.memory_space<vmem_shared>> -> memref<1024xi32, #tpu.memory_space<vmem_shared>>
      %dma_start3A_581 = tpu.memref_slice %arg14[%mul3A_235] : memref<16384xi32, #tpu.memory_space<vmem_shared>> -> memref<1024xi32, #tpu.memory_space<vmem_shared>>
      tpu.enqueue_dma source(%dma_start3A_581 : memref<1024xi32, #tpu.memory_space<vmem_shared>>) target(%arg7 : memref<1024xi32, #tpu.memory_space<vmem>>) target_semaphore(%run_scoped3A : memref<!tpu.dma_semaphore, #tpu.memory_space<semaphore_mem>>)
      %dma_wait3A = tpu.memref_slice %arg14[%mul3A_235] : memref<16384xi32, #tpu.memory_space<vmem_shared>> -> memref<1024xi32, #tpu.memory_space<vmem_shared>>
      %dma_wait3A_582 = tpu.memref_slice %arg14[%mul3A_235] : memref<16384xi32, #tpu.memory_space<vmem_shared>> -> memref<1024xi32, #tpu.memory_space<vmem_shared>>
      tpu.wait_dma2 semaphore(%run_scoped3A : memref<!tpu.dma_semaphore, #tpu.memory_space<semaphore_mem>>) src(%dma_wait3A_582 : memref<1024xi32, #tpu.memory_space<vmem_shared>>) dst(%arg7 : memref<1024xi32, #tpu.memory_space<vmem>>)
      tpu.yield
    }) : () -> ()
    %scan3A_236 = arith.constant 0 : i32
    %scan3A_237 = arith.constant 0 : i32
    %scan3A_238 = arith.constant 64 : i32
    %scan3A_239 = arith.addi %scan3A_237, %scan3A_238 : i32
    %scan3A_240 = arith.constant 1 : i32
    %scan3A_241 = scf.for %scan3A_581 = %scan3A_237 to %scan3A_239 step %scan3A_240 iter_args(%scan3A_582 = %scan3A_236) -> (i32)  : i32 {
      %mul3A_583 = arith.constant 16 : i32
      %mul3A_584 = arith.muli %scan3A_581, %mul3A_583 : i32
      %get3A_585 = arith.index_cast %mul3A_584 : i32 to index
      %get3A_586 = tpu.vector_load %arg8[%get3A_585] {strides = array<i32>} : memref<1024xi32, #tpu.memory_space<vmem>>, vector<16xi32>,
      %mul3A_587 = arith.constant 16 : i32
      %mul3A_588 = arith.muli %scan3A_581, %mul3A_587 : i32
      %get3A_589 = arith.index_cast %mul3A_588 : i32 to index
      %get3A_590 = tpu.vector_load %arg7[%get3A_589] {strides = array<i32>} : memref<1024xi32, #tpu.memory_space<vmem>>, vector<16xi32>,
      %add3A_591 = arith.addi %get3A_586, %get3A_590 : vector<16xi32>
      %mul3A_592 = arith.constant 16 : i32
      %mul3A_593 = arith.muli %scan3A_581, %mul3A_592 : i32
      %swap3A_594 = arith.index_cast %mul3A_593 : i32 to index
      %swap3A_595 = tpu.vector_load %arg8[%swap3A_594] {strides = array<i32>} : memref<1024xi32, #tpu.memory_space<vmem>>, vector<16xi32>,
      tpu.vector_store %arg8[%swap3A_594], %add3A_591 {strides = array<i32>} : memref<1024xi32, #tpu.memory_space<vmem>>, vector<16xi32>,
      %scan3A_596 = arith.constant 0 : i32
      scf.yield %scan3A_596 : i32
    }
    %scan3A_242 = arith.constant 64 : i32
    %scan3A_243 = arith.constant 0 : i32
    %scan3A_244 = arith.constant 0 : i32
    %scan3A_245 = arith.constant 0 : i32
    %scan3A_246 = arith.constant 0 : i32
    %scan3A_247 = arith.constant 0 : i32
    %scan3A_248 = arith.constant 64 : i32
    %scan3A_249 = arith.addi %scan3A_247, %scan3A_248 : i32
    %scan3A_250 = arith.constant 1 : i32
    %scan3A_251:4 = scf.for %scan3A_581 = %scan3A_247 to %scan3A_249 step %scan3A_250 iter_args(%scan3A_582 = %scan3A_243, %scan3A_583 = %scan3A_244, %scan3A_584 = %scan3A_245, %scan3A_585 = %scan3A_246) -> (i32, i32, i32, i32)  : i32 {
      %sub3A_586 = arith.constant 63 : i32
      %sub3A_587 = arith.subi %sub3A_586, %scan3A_581 : i32
      %mul3A_588 = arith.constant 16 : i32
      %mul3A_589 = arith.muli %sub3A_587, %mul3A_588 : i32
      %get3A_590 = arith.index_cast %mul3A_589 : i32 to index
      %get3A_591 = tpu.vector_load %arg8[%get3A_590] {strides = array<i32>} : memref<1024xi32, #tpu.memory_space<vmem>>, vector<16xi32>,
      %rev3A = arith.constant 15 : i32
      %rev3A_592 = vector.broadcast %rev3A : i32 to vector<16xi32>
      %rev3A_593 = tpu.iota {dimensions = array<i32: 0>} : vector<16xi32>
      %rev3A_594 = arith.subi %rev3A_592, %rev3A_593 : vector<16xi32>
      %rev3A_595 = tpu.dynamic_gather %get3A_591[%rev3A_594] in [0] : vector<16xi32>, vector<16xi32> -> vector<16xi32>
      %broadcast_in_dim3A_596 = arith.constant true
      %broadcast_in_dim3A_597 = vector.broadcast %broadcast_in_dim3A_596 : i1 to vector<16xi1>
      %masked_cumsum3A = tpu.scan <sum>, %rev3A_595 masked %broadcast_in_dim3A_597 : vector<16xi32>, vector<16xi1> -> vector<16xi32>
      %add3A_598 = vector.broadcast %scan3A_582 : i32 to vector<16xi32>
      %add3A_599 = arith.addi %add3A_598, %masked_cumsum3A : vector<16xi32>
      %ge3A = vector.broadcast %sub3A_165 : i32 to vector<16xi32>
      %ge3A_600 = arith.cmpi sge, %add3A_599, %ge3A : vector<16xi32>
      %eq3A_601 = arith.constant 0 : i32
      %eq3A_602 = arith.cmpi eq, %scan3A_585, %eq3A_601 : i32
      %and3A_603 = vector.broadcast %eq3A_602 : i1 to vector<16xi1>
      %and3A_604 = arith.andi %ge3A_600, %and3A_603 : vector<16xi1>
      %all_reduce_population_count3A = tpu.all_reduce %and3A_604 {dim = 0 : i64, kind = #tpu.reduction_kind<sum>} : vector<16xi1> -> vector<16xi32>
      %reduce_max3A_605 = arith.constant true
      %reduce_max3A_606 = vector.broadcast %reduce_max3A_605 : i1 to vector<16xi1>
      %reduce_max3A_607 = arith.constant -2147483648 : i32
      %reduce_max3A_608 = vector.broadcast %reduce_max3A_607 : i32 to vector<16xi32>
      %reduce_max3A_609 = arith.xori %all_reduce_population_count3A, %reduce_max3A_608 : vector<16xi32>
      %reduce_max3A_610 = tpu.scan <max>, %reduce_max3A_609 masked %reduce_max3A_606 : vector<16xi32>, vector<16xi1> -> vector<16xi32>
      %reduce_max3A_611 = arith.xori %reduce_max3A_610, %reduce_max3A_608 : vector<16xi32>
      %reduce_max3A_612 = vector.extract %reduce_max3A_611[15] : i32 from vector<16xi32>
      %all_reduce_ffs3A = tpu.all_reduce %and3A_604 {dim = 0 : i64, kind = #tpu.reduction_kind<find_first_set>} : vector<16xi1> -> vector<16xi32>
      %reduce_max3A_613 = arith.constant true
      %reduce_max3A_614 = vector.broadcast %reduce_max3A_613 : i1 to vector<16xi1>
      %reduce_max3A_615 = arith.constant -2147483648 : i32
      %reduce_max3A_616 = vector.broadcast %reduce_max3A_615 : i32 to vector<16xi32>
      %reduce_max3A_617 = arith.xori %all_reduce_ffs3A, %reduce_max3A_616 : vector<16xi32>
      %reduce_max3A_618 = tpu.scan <max>, %reduce_max3A_617 masked %reduce_max3A_614 : vector<16xi32>, vector<16xi1> -> vector<16xi32>
      %reduce_max3A_619 = arith.xori %reduce_max3A_618, %reduce_max3A_616 : vector<16xi32>
      %reduce_max3A_620 = vector.extract %reduce_max3A_619[15] : i32 from vector<16xi32>
      %add3A_621 = arith.constant 15 : i32
      %add3A_622 = arith.addi %mul3A_589, %add3A_621 : i32
      %sub3A_623 = arith.subi %add3A_622, %reduce_max3A_620 : i32
      %iota3A_624 = tpu.iota {dimensions = array<i32: 0>} : vector<16xi32>
      %eq3A_625 = vector.broadcast %reduce_max3A_620 : i32 to vector<16xi32>
      %eq3A_626 = arith.cmpi eq, %iota3A_624, %eq3A_625 : vector<16xi32>
      %jit3A_627 = arith.constant -2147483648 : i32
      %broadcast_in_dim3A_628 = vector.broadcast %jit3A_627 : i32 to vector<16xi32>
      %select_n3A_629 = arith.select %eq3A_626, %add3A_599, %broadcast_in_dim3A_628 : vector<16xi1>, vector<16xi32>
      %reduce_max3A_630 = arith.constant true
      %reduce_max3A_631 = vector.broadcast %reduce_max3A_630 : i1 to vector<16xi1>
      %reduce_max3A_632 = arith.constant -2147483648 : i32
      %reduce_max3A_633 = vector.broadcast %reduce_max3A_632 : i32 to vector<16xi32>
      %reduce_max3A_634 = arith.xori %select_n3A_629, %reduce_max3A_633 : vector<16xi32>
      %reduce_max3A_635 = tpu.scan <max>, %reduce_max3A_634 masked %reduce_max3A_631 : vector<16xi32>, vector<16xi1> -> vector<16xi32>
      %reduce_max3A_636 = arith.xori %reduce_max3A_635, %reduce_max3A_633 : vector<16xi32>
      %reduce_max3A_637 = vector.extract %reduce_max3A_636[15] : i32 from vector<16xi32>
      %iota3A_638 = tpu.iota {dimensions = array<i32: 0>} : vector<16xi32>
      %eq3A_639 = vector.broadcast %reduce_max3A_620 : i32 to vector<16xi32>
      %eq3A_640 = arith.cmpi eq, %iota3A_638, %eq3A_639 : vector<16xi32>
      %jit3A_641 = arith.constant -2147483648 : i32
      %broadcast_in_dim3A_642 = vector.broadcast %jit3A_641 : i32 to vector<16xi32>
      %select_n3A_643 = arith.select %eq3A_640, %rev3A_595, %broadcast_in_dim3A_642 : vector<16xi1>, vector<16xi32>
      %reduce_max3A_644 = arith.constant true
      %reduce_max3A_645 = vector.broadcast %reduce_max3A_644 : i1 to vector<16xi1>
      %reduce_max3A_646 = arith.constant -2147483648 : i32
      %reduce_max3A_647 = vector.broadcast %reduce_max3A_646 : i32 to vector<16xi32>
      %reduce_max3A_648 = arith.xori %select_n3A_643, %reduce_max3A_647 : vector<16xi32>
      %reduce_max3A_649 = tpu.scan <max>, %reduce_max3A_648 masked %reduce_max3A_645 : vector<16xi32>, vector<16xi1> -> vector<16xi32>
      %reduce_max3A_650 = arith.xori %reduce_max3A_649, %reduce_max3A_647 : vector<16xi32>
      %reduce_max3A_651 = vector.extract %reduce_max3A_650[15] : i32 from vector<16xi32>
      %sub3A_652 = arith.subi %reduce_max3A_637, %reduce_max3A_651 : i32
      %gt3A = arith.constant 0 : i32
      %gt3A_653 = arith.cmpi sgt, %reduce_max3A_612, %gt3A : i32
      %eq3A_654 = arith.constant 0 : i32
      %eq3A_655 = arith.cmpi eq, %scan3A_585, %eq3A_654 : i32
      %and3A_656 = arith.andi %gt3A_653, %eq3A_655 : i1
      %select_n3A_657 = arith.select %and3A_656, %sub3A_623, %scan3A_583 : i32
      %select_n3A_658 = arith.select %and3A_656, %sub3A_652, %scan3A_584 : i32
      %jit3A_659 = arith.constant 1 : i32
      %select_n3A_660 = arith.select %and3A_656, %jit3A_659, %scan3A_585 : i32
      %reduce_sum3A = arith.constant true
      %reduce_sum3A_661 = vector.broadcast %reduce_sum3A : i1 to vector<16xi1>
      %reduce_sum3A_662 = tpu.scan <sum>, %get3A_591 masked %reduce_sum3A_661 : vector<16xi32>, vector<16xi1> -> vector<16xi32>
      %reduce_sum3A_663 = vector.extract %reduce_sum3A_662[15] : i32 from vector<16xi32>
      %add3A_664 = arith.addi %scan3A_582, %reduce_sum3A_663 : i32
      scf.yield %add3A_664, %select_n3A_657, %select_n3A_658, %select_n3A_660 : i32, i32, i32, i32
    }
    %scan3A_252 = arith.constant 64 : i32
    %scan3A_253 = arith.constant 0 : i32
    %scan3A_254 = arith.constant 0 : i32
    %scan3A_255 = arith.constant 0 : i32
    %scan3A_256 = arith.constant 64 : i32
    %scan3A_257 = arith.addi %scan3A_255, %scan3A_256 : i32
    %scan3A_258 = arith.constant 1 : i32
    %scan3A_259:2 = scf.for %scan3A_581 = %scan3A_255 to %scan3A_257 step %scan3A_258 iter_args(%scan3A_582 = %scan3A_253, %scan3A_583 = %scan3A_254) -> (i32, i32)  : i32 {
      %mul3A_584 = arith.constant 16 : i32
      %mul3A_585 = arith.muli %scan3A_581, %mul3A_584 : i32
      %get3A_586 = arith.index_cast %mul3A_585 : i32 to index
      %get3A_587 = tpu.vector_load %arg6[%get3A_586] {strides = array<i32>} : memref<1024xi32, #tpu.memory_space<vmem>>, vector<16xi32>,
      %mul3A_588 = arith.constant 16 : i32
      %mul3A_589 = arith.muli %scan3A_581, %mul3A_588 : i32
      %add3A_590 = vector.broadcast %mul3A_589 : i32 to vector<16xi32>
      %add3A_591 = arith.addi %add3A_590, %iota3A : vector<16xi32>
      %gt3A = vector.broadcast %scan3A_251#1 : i32 to vector<16xi32>
      %gt3A_592 = arith.cmpi sgt, %add3A_591, %gt3A : vector<16xi32>
      %jit3A_593 = arith.constant 0 : i32
      %broadcast_in_dim3A_594 = vector.broadcast %jit3A_593 : i32 to vector<16xi32>
      %select_n3A_595 = arith.select %gt3A_592, %get3A_587, %broadcast_in_dim3A_594 : vector<16xi1>, vector<16xi32>
      %reduce_sum3A = arith.constant true
      %reduce_sum3A_596 = vector.broadcast %reduce_sum3A : i1 to vector<16xi1>
      %reduce_sum3A_597 = tpu.scan <sum>, %select_n3A_595 masked %reduce_sum3A_596 : vector<16xi32>, vector<16xi1> -> vector<16xi32>
      %reduce_sum3A_598 = vector.extract %reduce_sum3A_597[15] : i32 from vector<16xi32>
      %add3A_599 = arith.addi %scan3A_582, %reduce_sum3A_598 : i32
      %eq3A_600 = vector.broadcast %scan3A_251#1 : i32 to vector<16xi32>
      %eq3A_601 = arith.cmpi eq, %add3A_591, %eq3A_600 : vector<16xi32>
      %jit3A_602 = arith.constant 0 : i32
      %broadcast_in_dim3A_603 = vector.broadcast %jit3A_602 : i32 to vector<16xi32>
      %select_n3A_604 = arith.select %eq3A_601, %get3A_587, %broadcast_in_dim3A_603 : vector<16xi1>, vector<16xi32>
      %reduce_sum3A_605 = arith.constant true
      %reduce_sum3A_606 = vector.broadcast %reduce_sum3A_605 : i1 to vector<16xi1>
      %reduce_sum3A_607 = tpu.scan <sum>, %select_n3A_604 masked %reduce_sum3A_606 : vector<16xi32>, vector<16xi1> -> vector<16xi32>
      %reduce_sum3A_608 = vector.extract %reduce_sum3A_607[15] : i32 from vector<16xi32>
      %add3A_609 = arith.addi %scan3A_583, %reduce_sum3A_608 : i32
      scf.yield %add3A_599, %add3A_609 : i32, i32
    }
    %scan3A_260 = arith.constant 64 : i32
    %add3A_261 = arith.addi %scan3A_158#0, %scan3A_259#0 : i32
    %shift_left3A_262 = arith.constant 10 : i32
    %shift_left3A_263 = arith.shli %or3A, %shift_left3A_262 : i32
    %or3A_264 = arith.ori %shift_left3A_263, %scan3A_251#1 : i32
    %add3A_265 = arith.addi %add3A_163, %scan3A_251#2 : i32
    %sub3A_266 = arith.subi %sub3A_165, %scan3A_251#2 : i32
    %scan3A_267 = arith.constant 0 : i32
    %scan3A_268 = arith.constant 0 : i32
    %scan3A_269 = arith.constant 64 : i32
    %scan3A_270 = arith.addi %scan3A_268, %scan3A_269 : i32
    %scan3A_271 = arith.constant 1 : i32
    %scan3A_272 = scf.for %scan3A_581 = %scan3A_268 to %scan3A_270 step %scan3A_271 iter_args(%scan3A_582 = %scan3A_267) -> (i32)  : i32 {
      %mul3A_583 = arith.constant 16 : i32
      %mul3A_584 = arith.muli %scan3A_581, %mul3A_583 : i32
      %swap3A_585 = arith.index_cast %mul3A_584 : i32 to index
      %swap3A_586 = tpu.vector_load %arg6[%swap3A_585] {strides = array<i32>} : memref<1024xi32, #tpu.memory_space<vmem>>, vector<16xi32>,
      tpu.vector_store %arg6[%swap3A_585], %broadcast_in_dim3A_63 {strides = array<i32>} : memref<1024xi32, #tpu.memory_space<vmem>>, vector<16xi32>,
      %scan3A_587 = arith.constant 0 : i32
      scf.yield %scan3A_587 : i32
    }
    %scan3A_273 = arith.constant 64 : i32
    %scan3A_274 = arith.constant 0 : i32
    %scan3A_275 = arith.constant 0 : i32
    %scan3A_276 = arith.constant 2048 : i32
    %scan3A_277 = arith.addi %scan3A_275, %scan3A_276 : i32
    %scan3A_278 = arith.constant 1 : i32
    %scan3A_279 = scf.for %scan3A_581 = %scan3A_275 to %scan3A_277 step %scan3A_278 iter_args(%scan3A_582 = %scan3A_274) -> (i32)  : i32 {
      %mul3A_583 = arith.constant 2 : i32
      %mul3A_584 = arith.muli %scan3A_581, %mul3A_583 : i32
      %add3A_585 = arith.constant 0 : i32
      %add3A_586 = arith.addi %mul3A_584, %add3A_585 : i32
      %mul3A_587 = arith.constant 16 : i32
      %mul3A_588 = arith.muli %add3A_586, %mul3A_587 : i32
      %get3A_589 = arith.index_cast %mul3A_588 : i32 to index
      %get3A_590 = tpu.vector_load %arg5[%get3A_589] {strides = array<i32>} : memref<65536xi32, #tpu.memory_space<vmem>>, vector<16xi32>,
      %shift_right_logical3A = arith.constant 10 : i32
      %shift_right_logical3A_591 = vector.broadcast %shift_right_logical3A : i32 to vector<16xi32>
      %shift_right_logical3A_592 = arith.shrui %get3A_590, %shift_right_logical3A_591 : vector<16xi32>
      %eq3A_593 = vector.broadcast %or3A_264 : i32 to vector<16xi32>
      %eq3A_594 = arith.cmpi eq, %shift_right_logical3A_592, %eq3A_593 : vector<16xi32>
      %shift_right_logical3A_595 = arith.constant 0 : i32
      %shift_right_logical3A_596 = vector.broadcast %shift_right_logical3A_595 : i32 to vector<16xi32>
      %shift_right_logical3A_597 = arith.shrui %get3A_590, %shift_right_logical3A_596 : vector<16xi32>
      %and3A_598 = arith.constant 1023 : i32
      %and3A_599 = vector.broadcast %and3A_598 : i32 to vector<16xi32>
      %and3A_600 = arith.andi %shift_right_logical3A_597, %and3A_599 : vector<16xi32>
      tpu.vector_store_idx %arg6[%and3A_600], %broadcast_in_dim3A_65 masked %eq3A_594 {add = true} : memref<1024xi32, #tpu.memory_space<vmem>>[vector<16xi32>], vector<16xi32>, vector<16xi1>
      %mul3A_601 = arith.constant 2 : i32
      %mul3A_602 = arith.muli %scan3A_581, %mul3A_601 : i32
      %add3A_603 = arith.constant 1 : i32
      %add3A_604 = arith.addi %mul3A_602, %add3A_603 : i32
      %mul3A_605 = arith.constant 16 : i32
      %mul3A_606 = arith.muli %add3A_604, %mul3A_605 : i32
      %get3A_607 = arith.index_cast %mul3A_606 : i32 to index
      %get3A_608 = tpu.vector_load %arg5[%get3A_607] {strides = array<i32>} : memref<65536xi32, #tpu.memory_space<vmem>>, vector<16xi32>,
      %shift_right_logical3A_609 = arith.constant 10 : i32
      %shift_right_logical3A_610 = vector.broadcast %shift_right_logical3A_609 : i32 to vector<16xi32>
      %shift_right_logical3A_611 = arith.shrui %get3A_608, %shift_right_logical3A_610 : vector<16xi32>
      %eq3A_612 = vector.broadcast %or3A_264 : i32 to vector<16xi32>
      %eq3A_613 = arith.cmpi eq, %shift_right_logical3A_611, %eq3A_612 : vector<16xi32>
      %shift_right_logical3A_614 = arith.constant 0 : i32
      %shift_right_logical3A_615 = vector.broadcast %shift_right_logical3A_614 : i32 to vector<16xi32>
      %shift_right_logical3A_616 = arith.shrui %get3A_608, %shift_right_logical3A_615 : vector<16xi32>
      %and3A_617 = arith.constant 1023 : i32
      %and3A_618 = vector.broadcast %and3A_617 : i32 to vector<16xi32>
      %and3A_619 = arith.andi %shift_right_logical3A_616, %and3A_618 : vector<16xi32>
      tpu.vector_store_idx %arg6[%and3A_619], %broadcast_in_dim3A_65 masked %eq3A_613 {add = true} : memref<1024xi32, #tpu.memory_space<vmem>>[vector<16xi32>], vector<16xi32>, vector<16xi1>
      %scan3A_620 = arith.constant 0 : i32
      scf.yield %scan3A_620 : i32
    }
    %scan3A_280 = arith.constant 2048 : i32
    %barrier3A_281 = arith.constant 0 : index
    tpu.barrier barrier_id(%barrier3A_281)
    %mul3A_282 = arith.constant 1024 : i32
    %mul3A_283 = arith.muli %arg1, %mul3A_282 : i32
    "tpu.region"() ({
      %run_scoped3A = tpu.sem_alloc : memref<!tpu.dma_semaphore, #tpu.memory_space<semaphore_mem>>
      %dma_start3A = tpu.memref_slice %arg14[%mul3A_283] : memref<16384xi32, #tpu.memory_space<vmem_shared>> -> memref<1024xi32, #tpu.memory_space<vmem_shared>>
      %dma_start3A_581 = tpu.memref_slice %arg14[%mul3A_283] : memref<16384xi32, #tpu.memory_space<vmem_shared>> -> memref<1024xi32, #tpu.memory_space<vmem_shared>>
      tpu.enqueue_dma source(%arg6 : memref<1024xi32, #tpu.memory_space<vmem>>) target(%dma_start3A_581 : memref<1024xi32, #tpu.memory_space<vmem_shared>>) target_semaphore(%run_scoped3A : memref<!tpu.dma_semaphore, #tpu.memory_space<semaphore_mem>>)
      %dma_wait3A = tpu.memref_slice %arg14[%mul3A_283] : memref<16384xi32, #tpu.memory_space<vmem_shared>> -> memref<1024xi32, #tpu.memory_space<vmem_shared>>
      %dma_wait3A_582 = tpu.memref_slice %arg14[%mul3A_283] : memref<16384xi32, #tpu.memory_space<vmem_shared>> -> memref<1024xi32, #tpu.memory_space<vmem_shared>>
      tpu.wait_dma2 semaphore(%run_scoped3A : memref<!tpu.dma_semaphore, #tpu.memory_space<semaphore_mem>>) src(%arg6 : memref<1024xi32, #tpu.memory_space<vmem>>) dst(%dma_wait3A_582 : memref<1024xi32, #tpu.memory_space<vmem_shared>>)
      tpu.yield
    }) : () -> ()
    %barrier3A_284 = arith.constant 0 : index
    tpu.barrier barrier_id(%barrier3A_284)
    %scan3A_285 = arith.constant 0 : i32
    %scan3A_286 = arith.constant 0 : i32
    %scan3A_287 = arith.constant 64 : i32
    %scan3A_288 = arith.addi %scan3A_286, %scan3A_287 : i32
    %scan3A_289 = arith.constant 1 : i32
    %scan3A_290 = scf.for %scan3A_581 = %scan3A_286 to %scan3A_288 step %scan3A_289 iter_args(%scan3A_582 = %scan3A_285) -> (i32)  : i32 {
      %mul3A_583 = arith.constant 16 : i32
      %mul3A_584 = arith.muli %scan3A_581, %mul3A_583 : i32
      %swap3A_585 = arith.index_cast %mul3A_584 : i32 to index
      %swap3A_586 = tpu.vector_load %arg8[%swap3A_585] {strides = array<i32>} : memref<1024xi32, #tpu.memory_space<vmem>>, vector<16xi32>,
      tpu.vector_store %arg8[%swap3A_585], %broadcast_in_dim3A_63 {strides = array<i32>} : memref<1024xi32, #tpu.memory_space<vmem>>, vector<16xi32>,
      %scan3A_587 = arith.constant 0 : i32
      scf.yield %scan3A_587 : i32
    }
    %scan3A_291 = arith.constant 64 : i32
    %mul3A_292 = arith.constant 4 : i32
    %mul3A_293 = arith.muli %select_n3A_54, %mul3A_292 : i32
    %add3A_294 = arith.constant 0 : i32
    %add3A_295 = arith.addi %mul3A_293, %add3A_294 : i32
    %mul3A_296 = arith.constant 1024 : i32
    %mul3A_297 = arith.muli %add3A_295, %mul3A_296 : i32
    "tpu.region"() ({
      %run_scoped3A = tpu.sem_alloc : memref<!tpu.dma_semaphore, #tpu.memory_space<semaphore_mem>>
      %dma_start3A = tpu.memref_slice %arg14[%mul3A_297] : memref<16384xi32, #tpu.memory_space<vmem_shared>> -> memref<1024xi32, #tpu.memory_space<vmem_shared>>
      %dma_start3A_581 = tpu.memref_slice %arg14[%mul3A_297] : memref<16384xi32, #tpu.memory_space<vmem_shared>> -> memref<1024xi32, #tpu.memory_space<vmem_shared>>
      tpu.enqueue_dma source(%dma_start3A_581 : memref<1024xi32, #tpu.memory_space<vmem_shared>>) target(%arg7 : memref<1024xi32, #tpu.memory_space<vmem>>) target_semaphore(%run_scoped3A : memref<!tpu.dma_semaphore, #tpu.memory_space<semaphore_mem>>)
      %dma_wait3A = tpu.memref_slice %arg14[%mul3A_297] : memref<16384xi32, #tpu.memory_space<vmem_shared>> -> memref<1024xi32, #tpu.memory_space<vmem_shared>>
      %dma_wait3A_582 = tpu.memref_slice %arg14[%mul3A_297] : memref<16384xi32, #tpu.memory_space<vmem_shared>> -> memref<1024xi32, #tpu.memory_space<vmem_shared>>
      tpu.wait_dma2 semaphore(%run_scoped3A : memref<!tpu.dma_semaphore, #tpu.memory_space<semaphore_mem>>) src(%dma_wait3A_582 : memref<1024xi32, #tpu.memory_space<vmem_shared>>) dst(%arg7 : memref<1024xi32, #tpu.memory_space<vmem>>)
      tpu.yield
    }) : () -> ()
    %scan3A_298 = arith.constant 0 : i32
    %scan3A_299 = arith.constant 0 : i32
    %scan3A_300 = arith.constant 64 : i32
    %scan3A_301 = arith.addi %scan3A_299, %scan3A_300 : i32
    %scan3A_302 = arith.constant 1 : i32
    %scan3A_303 = scf.for %scan3A_581 = %scan3A_299 to %scan3A_301 step %scan3A_302 iter_args(%scan3A_582 = %scan3A_298) -> (i32)  : i32 {
      %mul3A_583 = arith.constant 16 : i32
      %mul3A_584 = arith.muli %scan3A_581, %mul3A_583 : i32
      %get3A_585 = arith.index_cast %mul3A_584 : i32 to index
      %get3A_586 = tpu.vector_load %arg8[%get3A_585] {strides = array<i32>} : memref<1024xi32, #tpu.memory_space<vmem>>, vector<16xi32>,
      %mul3A_587 = arith.constant 16 : i32
      %mul3A_588 = arith.muli %scan3A_581, %mul3A_587 : i32
      %get3A_589 = arith.index_cast %mul3A_588 : i32 to index
      %get3A_590 = tpu.vector_load %arg7[%get3A_589] {strides = array<i32>} : memref<1024xi32, #tpu.memory_space<vmem>>, vector<16xi32>,
      %add3A_591 = arith.addi %get3A_586, %get3A_590 : vector<16xi32>
      %mul3A_592 = arith.constant 16 : i32
      %mul3A_593 = arith.muli %scan3A_581, %mul3A_592 : i32
      %swap3A_594 = arith.index_cast %mul3A_593 : i32 to index
      %swap3A_595 = tpu.vector_load %arg8[%swap3A_594] {strides = array<i32>} : memref<1024xi32, #tpu.memory_space<vmem>>, vector<16xi32>,
      tpu.vector_store %arg8[%swap3A_594], %add3A_591 {strides = array<i32>} : memref<1024xi32, #tpu.memory_space<vmem>>, vector<16xi32>,
      %scan3A_596 = arith.constant 0 : i32
      scf.yield %scan3A_596 : i32
    }
    %scan3A_304 = arith.constant 64 : i32
    %mul3A_305 = arith.constant 4 : i32
    %mul3A_306 = arith.muli %select_n3A_54, %mul3A_305 : i32
    %add3A_307 = arith.constant 1 : i32
    %add3A_308 = arith.addi %mul3A_306, %add3A_307 : i32
    %mul3A_309 = arith.constant 1024 : i32
    %mul3A_310 = arith.muli %add3A_308, %mul3A_309 : i32
    "tpu.region"() ({
      %run_scoped3A = tpu.sem_alloc : memref<!tpu.dma_semaphore, #tpu.memory_space<semaphore_mem>>
      %dma_start3A = tpu.memref_slice %arg14[%mul3A_310] : memref<16384xi32, #tpu.memory_space<vmem_shared>> -> memref<1024xi32, #tpu.memory_space<vmem_shared>>
      %dma_start3A_581 = tpu.memref_slice %arg14[%mul3A_310] : memref<16384xi32, #tpu.memory_space<vmem_shared>> -> memref<1024xi32, #tpu.memory_space<vmem_shared>>
      tpu.enqueue_dma source(%dma_start3A_581 : memref<1024xi32, #tpu.memory_space<vmem_shared>>) target(%arg7 : memref<1024xi32, #tpu.memory_space<vmem>>) target_semaphore(%run_scoped3A : memref<!tpu.dma_semaphore, #tpu.memory_space<semaphore_mem>>)
      %dma_wait3A = tpu.memref_slice %arg14[%mul3A_310] : memref<16384xi32, #tpu.memory_space<vmem_shared>> -> memref<1024xi32, #tpu.memory_space<vmem_shared>>
      %dma_wait3A_582 = tpu.memref_slice %arg14[%mul3A_310] : memref<16384xi32, #tpu.memory_space<vmem_shared>> -> memref<1024xi32, #tpu.memory_space<vmem_shared>>
      tpu.wait_dma2 semaphore(%run_scoped3A : memref<!tpu.dma_semaphore, #tpu.memory_space<semaphore_mem>>) src(%dma_wait3A_582 : memref<1024xi32, #tpu.memory_space<vmem_shared>>) dst(%arg7 : memref<1024xi32, #tpu.memory_space<vmem>>)
      tpu.yield
    }) : () -> ()
    %scan3A_311 = arith.constant 0 : i32
    %scan3A_312 = arith.constant 0 : i32
    %scan3A_313 = arith.constant 64 : i32
    %scan3A_314 = arith.addi %scan3A_312, %scan3A_313 : i32
    %scan3A_315 = arith.constant 1 : i32
    %scan3A_316 = scf.for %scan3A_581 = %scan3A_312 to %scan3A_314 step %scan3A_315 iter_args(%scan3A_582 = %scan3A_311) -> (i32)  : i32 {
      %mul3A_583 = arith.constant 16 : i32
      %mul3A_584 = arith.muli %scan3A_581, %mul3A_583 : i32
      %get3A_585 = arith.index_cast %mul3A_584 : i32 to index
      %get3A_586 = tpu.vector_load %arg8[%get3A_585] {strides = array<i32>} : memref<1024xi32, #tpu.memory_space<vmem>>, vector<16xi32>,
      %mul3A_587 = arith.constant 16 : i32
      %mul3A_588 = arith.muli %scan3A_581, %mul3A_587 : i32
      %get3A_589 = arith.index_cast %mul3A_588 : i32 to index
      %get3A_590 = tpu.vector_load %arg7[%get3A_589] {strides = array<i32>} : memref<1024xi32, #tpu.memory_space<vmem>>, vector<16xi32>,
      %add3A_591 = arith.addi %get3A_586, %get3A_590 : vector<16xi32>
      %mul3A_592 = arith.constant 16 : i32
      %mul3A_593 = arith.muli %scan3A_581, %mul3A_592 : i32
      %swap3A_594 = arith.index_cast %mul3A_593 : i32 to index
      %swap3A_595 = tpu.vector_load %arg8[%swap3A_594] {strides = array<i32>} : memref<1024xi32, #tpu.memory_space<vmem>>, vector<16xi32>,
      tpu.vector_store %arg8[%swap3A_594], %add3A_591 {strides = array<i32>} : memref<1024xi32, #tpu.memory_space<vmem>>, vector<16xi32>,
      %scan3A_596 = arith.constant 0 : i32
      scf.yield %scan3A_596 : i32
    }
    %scan3A_317 = arith.constant 64 : i32
    %mul3A_318 = arith.constant 4 : i32
    %mul3A_319 = arith.muli %select_n3A_54, %mul3A_318 : i32
    %add3A_320 = arith.constant 2 : i32
    %add3A_321 = arith.addi %mul3A_319, %add3A_320 : i32
    %mul3A_322 = arith.constant 1024 : i32
    %mul3A_323 = arith.muli %add3A_321, %mul3A_322 : i32
    "tpu.region"() ({
      %run_scoped3A = tpu.sem_alloc : memref<!tpu.dma_semaphore, #tpu.memory_space<semaphore_mem>>
      %dma_start3A = tpu.memref_slice %arg14[%mul3A_323] : memref<16384xi32, #tpu.memory_space<vmem_shared>> -> memref<1024xi32, #tpu.memory_space<vmem_shared>>
      %dma_start3A_581 = tpu.memref_slice %arg14[%mul3A_323] : memref<16384xi32, #tpu.memory_space<vmem_shared>> -> memref<1024xi32, #tpu.memory_space<vmem_shared>>
      tpu.enqueue_dma source(%dma_start3A_581 : memref<1024xi32, #tpu.memory_space<vmem_shared>>) target(%arg7 : memref<1024xi32, #tpu.memory_space<vmem>>) target_semaphore(%run_scoped3A : memref<!tpu.dma_semaphore, #tpu.memory_space<semaphore_mem>>)
      %dma_wait3A = tpu.memref_slice %arg14[%mul3A_323] : memref<16384xi32, #tpu.memory_space<vmem_shared>> -> memref<1024xi32, #tpu.memory_space<vmem_shared>>
      %dma_wait3A_582 = tpu.memref_slice %arg14[%mul3A_323] : memref<16384xi32, #tpu.memory_space<vmem_shared>> -> memref<1024xi32, #tpu.memory_space<vmem_shared>>
      tpu.wait_dma2 semaphore(%run_scoped3A : memref<!tpu.dma_semaphore, #tpu.memory_space<semaphore_mem>>) src(%dma_wait3A_582 : memref<1024xi32, #tpu.memory_space<vmem_shared>>) dst(%arg7 : memref<1024xi32, #tpu.memory_space<vmem>>)
      tpu.yield
    }) : () -> ()
    %scan3A_324 = arith.constant 0 : i32
    %scan3A_325 = arith.constant 0 : i32
    %scan3A_326 = arith.constant 64 : i32
    %scan3A_327 = arith.addi %scan3A_325, %scan3A_326 : i32
    %scan3A_328 = arith.constant 1 : i32
    %scan3A_329 = scf.for %scan3A_581 = %scan3A_325 to %scan3A_327 step %scan3A_328 iter_args(%scan3A_582 = %scan3A_324) -> (i32)  : i32 {
      %mul3A_583 = arith.constant 16 : i32
      %mul3A_584 = arith.muli %scan3A_581, %mul3A_583 : i32
      %get3A_585 = arith.index_cast %mul3A_584 : i32 to index
      %get3A_586 = tpu.vector_load %arg8[%get3A_585] {strides = array<i32>} : memref<1024xi32, #tpu.memory_space<vmem>>, vector<16xi32>,
      %mul3A_587 = arith.constant 16 : i32
      %mul3A_588 = arith.muli %scan3A_581, %mul3A_587 : i32
      %get3A_589 = arith.index_cast %mul3A_588 : i32 to index
      %get3A_590 = tpu.vector_load %arg7[%get3A_589] {strides = array<i32>} : memref<1024xi32, #tpu.memory_space<vmem>>, vector<16xi32>,
      %add3A_591 = arith.addi %get3A_586, %get3A_590 : vector<16xi32>
      %mul3A_592 = arith.constant 16 : i32
      %mul3A_593 = arith.muli %scan3A_581, %mul3A_592 : i32
      %swap3A_594 = arith.index_cast %mul3A_593 : i32 to index
      %swap3A_595 = tpu.vector_load %arg8[%swap3A_594] {strides = array<i32>} : memref<1024xi32, #tpu.memory_space<vmem>>, vector<16xi32>,
      tpu.vector_store %arg8[%swap3A_594], %add3A_591 {strides = array<i32>} : memref<1024xi32, #tpu.memory_space<vmem>>, vector<16xi32>,
      %scan3A_596 = arith.constant 0 : i32
      scf.yield %scan3A_596 : i32
    }
    %scan3A_330 = arith.constant 64 : i32
    %mul3A_331 = arith.constant 4 : i32
    %mul3A_332 = arith.muli %select_n3A_54, %mul3A_331 : i32
    %add3A_333 = arith.constant 3 : i32
    %add3A_334 = arith.addi %mul3A_332, %add3A_333 : i32
    %mul3A_335 = arith.constant 1024 : i32
    %mul3A_336 = arith.muli %add3A_334, %mul3A_335 : i32
    "tpu.region"() ({
      %run_scoped3A = tpu.sem_alloc : memref<!tpu.dma_semaphore, #tpu.memory_space<semaphore_mem>>
      %dma_start3A = tpu.memref_slice %arg14[%mul3A_336] : memref<16384xi32, #tpu.memory_space<vmem_shared>> -> memref<1024xi32, #tpu.memory_space<vmem_shared>>
      %dma_start3A_581 = tpu.memref_slice %arg14[%mul3A_336] : memref<16384xi32, #tpu.memory_space<vmem_shared>> -> memref<1024xi32, #tpu.memory_space<vmem_shared>>
      tpu.enqueue_dma source(%dma_start3A_581 : memref<1024xi32, #tpu.memory_space<vmem_shared>>) target(%arg7 : memref<1024xi32, #tpu.memory_space<vmem>>) target_semaphore(%run_scoped3A : memref<!tpu.dma_semaphore, #tpu.memory_space<semaphore_mem>>)
      %dma_wait3A = tpu.memref_slice %arg14[%mul3A_336] : memref<16384xi32, #tpu.memory_space<vmem_shared>> -> memref<1024xi32, #tpu.memory_space<vmem_shared>>
      %dma_wait3A_582 = tpu.memref_slice %arg14[%mul3A_336] : memref<16384xi32, #tpu.memory_space<vmem_shared>> -> memref<1024xi32, #tpu.memory_space<vmem_shared>>
      tpu.wait_dma2 semaphore(%run_scoped3A : memref<!tpu.dma_semaphore, #tpu.memory_space<semaphore_mem>>) src(%dma_wait3A_582 : memref<1024xi32, #tpu.memory_space<vmem_shared>>) dst(%arg7 : memref<1024xi32, #tpu.memory_space<vmem>>)
      tpu.yield
    }) : () -> ()
    %scan3A_337 = arith.constant 0 : i32
    %scan3A_338 = arith.constant 0 : i32
    %scan3A_339 = arith.constant 64 : i32
    %scan3A_340 = arith.addi %scan3A_338, %scan3A_339 : i32
    %scan3A_341 = arith.constant 1 : i32
    %scan3A_342 = scf.for %scan3A_581 = %scan3A_338 to %scan3A_340 step %scan3A_341 iter_args(%scan3A_582 = %scan3A_337) -> (i32)  : i32 {
      %mul3A_583 = arith.constant 16 : i32
      %mul3A_584 = arith.muli %scan3A_581, %mul3A_583 : i32
      %get3A_585 = arith.index_cast %mul3A_584 : i32 to index
      %get3A_586 = tpu.vector_load %arg8[%get3A_585] {strides = array<i32>} : memref<1024xi32, #tpu.memory_space<vmem>>, vector<16xi32>,
      %mul3A_587 = arith.constant 16 : i32
      %mul3A_588 = arith.muli %scan3A_581, %mul3A_587 : i32
      %get3A_589 = arith.index_cast %mul3A_588 : i32 to index
      %get3A_590 = tpu.vector_load %arg7[%get3A_589] {strides = array<i32>} : memref<1024xi32, #tpu.memory_space<vmem>>, vector<16xi32>,
      %add3A_591 = arith.addi %get3A_586, %get3A_590 : vector<16xi32>
      %mul3A_592 = arith.constant 16 : i32
      %mul3A_593 = arith.muli %scan3A_581, %mul3A_592 : i32
      %swap3A_594 = arith.index_cast %mul3A_593 : i32 to index
      %swap3A_595 = tpu.vector_load %arg8[%swap3A_594] {strides = array<i32>} : memref<1024xi32, #tpu.memory_space<vmem>>, vector<16xi32>,
      tpu.vector_store %arg8[%swap3A_594], %add3A_591 {strides = array<i32>} : memref<1024xi32, #tpu.memory_space<vmem>>, vector<16xi32>,
      %scan3A_596 = arith.constant 0 : i32
      scf.yield %scan3A_596 : i32
    }
    %scan3A_343 = arith.constant 64 : i32
    %scan3A_344 = arith.constant 0 : i32
    %scan3A_345 = arith.constant 0 : i32
    %scan3A_346 = arith.constant 0 : i32
    %scan3A_347 = arith.constant 0 : i32
    %scan3A_348 = arith.constant 0 : i32
    %scan3A_349 = arith.constant 64 : i32
    %scan3A_350 = arith.addi %scan3A_348, %scan3A_349 : i32
    %scan3A_351 = arith.constant 1 : i32
    %scan3A_352:4 = scf.for %scan3A_581 = %scan3A_348 to %scan3A_350 step %scan3A_351 iter_args(%scan3A_582 = %scan3A_344, %scan3A_583 = %scan3A_345, %scan3A_584 = %scan3A_346, %scan3A_585 = %scan3A_347) -> (i32, i32, i32, i32)  : i32 {
      %sub3A_586 = arith.constant 63 : i32
      %sub3A_587 = arith.subi %sub3A_586, %scan3A_581 : i32
      %mul3A_588 = arith.constant 16 : i32
      %mul3A_589 = arith.muli %sub3A_587, %mul3A_588 : i32
      %get3A_590 = arith.index_cast %mul3A_589 : i32 to index
      %get3A_591 = tpu.vector_load %arg8[%get3A_590] {strides = array<i32>} : memref<1024xi32, #tpu.memory_space<vmem>>, vector<16xi32>,
      %rev3A = arith.constant 15 : i32
      %rev3A_592 = vector.broadcast %rev3A : i32 to vector<16xi32>
      %rev3A_593 = tpu.iota {dimensions = array<i32: 0>} : vector<16xi32>
      %rev3A_594 = arith.subi %rev3A_592, %rev3A_593 : vector<16xi32>
      %rev3A_595 = tpu.dynamic_gather %get3A_591[%rev3A_594] in [0] : vector<16xi32>, vector<16xi32> -> vector<16xi32>
      %broadcast_in_dim3A_596 = arith.constant true
      %broadcast_in_dim3A_597 = vector.broadcast %broadcast_in_dim3A_596 : i1 to vector<16xi1>
      %masked_cumsum3A = tpu.scan <sum>, %rev3A_595 masked %broadcast_in_dim3A_597 : vector<16xi32>, vector<16xi1> -> vector<16xi32>
      %add3A_598 = vector.broadcast %scan3A_582 : i32 to vector<16xi32>
      %add3A_599 = arith.addi %add3A_598, %masked_cumsum3A : vector<16xi32>
      %ge3A = vector.broadcast %sub3A_266 : i32 to vector<16xi32>
      %ge3A_600 = arith.cmpi sge, %add3A_599, %ge3A : vector<16xi32>
      %eq3A_601 = arith.constant 0 : i32
      %eq3A_602 = arith.cmpi eq, %scan3A_585, %eq3A_601 : i32
      %and3A_603 = vector.broadcast %eq3A_602 : i1 to vector<16xi1>
      %and3A_604 = arith.andi %ge3A_600, %and3A_603 : vector<16xi1>
      %all_reduce_population_count3A = tpu.all_reduce %and3A_604 {dim = 0 : i64, kind = #tpu.reduction_kind<sum>} : vector<16xi1> -> vector<16xi32>
      %reduce_max3A_605 = arith.constant true
      %reduce_max3A_606 = vector.broadcast %reduce_max3A_605 : i1 to vector<16xi1>
      %reduce_max3A_607 = arith.constant -2147483648 : i32
      %reduce_max3A_608 = vector.broadcast %reduce_max3A_607 : i32 to vector<16xi32>
      %reduce_max3A_609 = arith.xori %all_reduce_population_count3A, %reduce_max3A_608 : vector<16xi32>
      %reduce_max3A_610 = tpu.scan <max>, %reduce_max3A_609 masked %reduce_max3A_606 : vector<16xi32>, vector<16xi1> -> vector<16xi32>
      %reduce_max3A_611 = arith.xori %reduce_max3A_610, %reduce_max3A_608 : vector<16xi32>
      %reduce_max3A_612 = vector.extract %reduce_max3A_611[15] : i32 from vector<16xi32>
      %all_reduce_ffs3A = tpu.all_reduce %and3A_604 {dim = 0 : i64, kind = #tpu.reduction_kind<find_first_set>} : vector<16xi1> -> vector<16xi32>
      %reduce_max3A_613 = arith.constant true
      %reduce_max3A_614 = vector.broadcast %reduce_max3A_613 : i1 to vector<16xi1>
      %reduce_max3A_615 = arith.constant -2147483648 : i32
      %reduce_max3A_616 = vector.broadcast %reduce_max3A_615 : i32 to vector<16xi32>
      %reduce_max3A_617 = arith.xori %all_reduce_ffs3A, %reduce_max3A_616 : vector<16xi32>
      %reduce_max3A_618 = tpu.scan <max>, %reduce_max3A_617 masked %reduce_max3A_614 : vector<16xi32>, vector<16xi1> -> vector<16xi32>
      %reduce_max3A_619 = arith.xori %reduce_max3A_618, %reduce_max3A_616 : vector<16xi32>
      %reduce_max3A_620 = vector.extract %reduce_max3A_619[15] : i32 from vector<16xi32>
      %add3A_621 = arith.constant 15 : i32
      %add3A_622 = arith.addi %mul3A_589, %add3A_621 : i32
      %sub3A_623 = arith.subi %add3A_622, %reduce_max3A_620 : i32
      %iota3A_624 = tpu.iota {dimensions = array<i32: 0>} : vector<16xi32>
      %eq3A_625 = vector.broadcast %reduce_max3A_620 : i32 to vector<16xi32>
      %eq3A_626 = arith.cmpi eq, %iota3A_624, %eq3A_625 : vector<16xi32>
      %jit3A_627 = arith.constant -2147483648 : i32
      %broadcast_in_dim3A_628 = vector.broadcast %jit3A_627 : i32 to vector<16xi32>
      %select_n3A_629 = arith.select %eq3A_626, %add3A_599, %broadcast_in_dim3A_628 : vector<16xi1>, vector<16xi32>
      %reduce_max3A_630 = arith.constant true
      %reduce_max3A_631 = vector.broadcast %reduce_max3A_630 : i1 to vector<16xi1>
      %reduce_max3A_632 = arith.constant -2147483648 : i32
      %reduce_max3A_633 = vector.broadcast %reduce_max3A_632 : i32 to vector<16xi32>
      %reduce_max3A_634 = arith.xori %select_n3A_629, %reduce_max3A_633 : vector<16xi32>
      %reduce_max3A_635 = tpu.scan <max>, %reduce_max3A_634 masked %reduce_max3A_631 : vector<16xi32>, vector<16xi1> -> vector<16xi32>
      %reduce_max3A_636 = arith.xori %reduce_max3A_635, %reduce_max3A_633 : vector<16xi32>
      %reduce_max3A_637 = vector.extract %reduce_max3A_636[15] : i32 from vector<16xi32>
      %iota3A_638 = tpu.iota {dimensions = array<i32: 0>} : vector<16xi32>
      %eq3A_639 = vector.broadcast %reduce_max3A_620 : i32 to vector<16xi32>
      %eq3A_640 = arith.cmpi eq, %iota3A_638, %eq3A_639 : vector<16xi32>
      %jit3A_641 = arith.constant -2147483648 : i32
      %broadcast_in_dim3A_642 = vector.broadcast %jit3A_641 : i32 to vector<16xi32>
      %select_n3A_643 = arith.select %eq3A_640, %rev3A_595, %broadcast_in_dim3A_642 : vector<16xi1>, vector<16xi32>
      %reduce_max3A_644 = arith.constant true
      %reduce_max3A_645 = vector.broadcast %reduce_max3A_644 : i1 to vector<16xi1>
      %reduce_max3A_646 = arith.constant -2147483648 : i32
      %reduce_max3A_647 = vector.broadcast %reduce_max3A_646 : i32 to vector<16xi32>
      %reduce_max3A_648 = arith.xori %select_n3A_643, %reduce_max3A_647 : vector<16xi32>
      %reduce_max3A_649 = tpu.scan <max>, %reduce_max3A_648 masked %reduce_max3A_645 : vector<16xi32>, vector<16xi1> -> vector<16xi32>
      %reduce_max3A_650 = arith.xori %reduce_max3A_649, %reduce_max3A_647 : vector<16xi32>
      %reduce_max3A_651 = vector.extract %reduce_max3A_650[15] : i32 from vector<16xi32>
      %sub3A_652 = arith.subi %reduce_max3A_637, %reduce_max3A_651 : i32
      %gt3A = arith.constant 0 : i32
      %gt3A_653 = arith.cmpi sgt, %reduce_max3A_612, %gt3A : i32
      %eq3A_654 = arith.constant 0 : i32
      %eq3A_655 = arith.cmpi eq, %scan3A_585, %eq3A_654 : i32
      %and3A_656 = arith.andi %gt3A_653, %eq3A_655 : i1
      %select_n3A_657 = arith.select %and3A_656, %sub3A_623, %scan3A_583 : i32
      %select_n3A_658 = arith.select %and3A_656, %sub3A_652, %scan3A_584 : i32
      %jit3A_659 = arith.constant 1 : i32
      %select_n3A_660 = arith.select %and3A_656, %jit3A_659, %scan3A_585 : i32
      %reduce_sum3A = arith.constant true
      %reduce_sum3A_661 = vector.broadcast %reduce_sum3A : i1 to vector<16xi1>
      %reduce_sum3A_662 = tpu.scan <sum>, %get3A_591 masked %reduce_sum3A_661 : vector<16xi32>, vector<16xi1> -> vector<16xi32>
      %reduce_sum3A_663 = vector.extract %reduce_sum3A_662[15] : i32 from vector<16xi32>
      %add3A_664 = arith.addi %scan3A_582, %reduce_sum3A_663 : i32
      scf.yield %add3A_664, %select_n3A_657, %select_n3A_658, %select_n3A_660 : i32, i32, i32, i32
    }
    %scan3A_353 = arith.constant 64 : i32
    %scan3A_354 = arith.constant 0 : i32
    %scan3A_355 = arith.constant 0 : i32
    %scan3A_356 = arith.constant 0 : i32
    %scan3A_357 = arith.constant 64 : i32
    %scan3A_358 = arith.addi %scan3A_356, %scan3A_357 : i32
    %scan3A_359 = arith.constant 1 : i32
    %scan3A_360:2 = scf.for %scan3A_581 = %scan3A_356 to %scan3A_358 step %scan3A_359 iter_args(%scan3A_582 = %scan3A_354, %scan3A_583 = %scan3A_355) -> (i32, i32)  : i32 {
      %mul3A_584 = arith.constant 16 : i32
      %mul3A_585 = arith.muli %scan3A_581, %mul3A_584 : i32
      %get3A_586 = arith.index_cast %mul3A_585 : i32 to index
      %get3A_587 = tpu.vector_load %arg6[%get3A_586] {strides = array<i32>} : memref<1024xi32, #tpu.memory_space<vmem>>, vector<16xi32>,
      %mul3A_588 = arith.constant 16 : i32
      %mul3A_589 = arith.muli %scan3A_581, %mul3A_588 : i32
      %add3A_590 = vector.broadcast %mul3A_589 : i32 to vector<16xi32>
      %add3A_591 = arith.addi %add3A_590, %iota3A : vector<16xi32>
      %gt3A = vector.broadcast %scan3A_352#1 : i32 to vector<16xi32>
      %gt3A_592 = arith.cmpi sgt, %add3A_591, %gt3A : vector<16xi32>
      %jit3A_593 = arith.constant 0 : i32
      %broadcast_in_dim3A_594 = vector.broadcast %jit3A_593 : i32 to vector<16xi32>
      %select_n3A_595 = arith.select %gt3A_592, %get3A_587, %broadcast_in_dim3A_594 : vector<16xi1>, vector<16xi32>
      %reduce_sum3A = arith.constant true
      %reduce_sum3A_596 = vector.broadcast %reduce_sum3A : i1 to vector<16xi1>
      %reduce_sum3A_597 = tpu.scan <sum>, %select_n3A_595 masked %reduce_sum3A_596 : vector<16xi32>, vector<16xi1> -> vector<16xi32>
      %reduce_sum3A_598 = vector.extract %reduce_sum3A_597[15] : i32 from vector<16xi32>
      %add3A_599 = arith.addi %scan3A_582, %reduce_sum3A_598 : i32
      %eq3A_600 = vector.broadcast %scan3A_352#1 : i32 to vector<16xi32>
      %eq3A_601 = arith.cmpi eq, %add3A_591, %eq3A_600 : vector<16xi32>
      %jit3A_602 = arith.constant 0 : i32
      %broadcast_in_dim3A_603 = vector.broadcast %jit3A_602 : i32 to vector<16xi32>
      %select_n3A_604 = arith.select %eq3A_601, %get3A_587, %broadcast_in_dim3A_603 : vector<16xi1>, vector<16xi32>
      %reduce_sum3A_605 = arith.constant true
      %reduce_sum3A_606 = vector.broadcast %reduce_sum3A_605 : i1 to vector<16xi1>
      %reduce_sum3A_607 = tpu.scan <sum>, %select_n3A_604 masked %reduce_sum3A_606 : vector<16xi32>, vector<16xi1> -> vector<16xi32>
      %reduce_sum3A_608 = vector.extract %reduce_sum3A_607[15] : i32 from vector<16xi32>
      %add3A_609 = arith.addi %scan3A_583, %reduce_sum3A_608 : i32
      scf.yield %add3A_599, %add3A_609 : i32, i32
    }
    %scan3A_361 = arith.constant 64 : i32
    %add3A_362 = arith.addi %add3A_261, %scan3A_360#0 : i32
    %shift_left3A_363 = arith.constant 10 : i32
    %shift_left3A_364 = arith.shli %or3A_264, %shift_left3A_363 : i32
    %or3A_365 = arith.ori %shift_left3A_364, %scan3A_352#1 : i32
    %add3A_366 = arith.addi %add3A_265, %scan3A_352#2 : i32
    %sub3A_367 = arith.subi %sub3A_266, %scan3A_352#2 : i32
    %eq3A_368 = arith.constant 0 : i32
    %eq3A_369 = vector.broadcast %eq3A_368 : i32 to vector<16xi32>
    %eq3A_370 = arith.cmpi eq, %iota3A, %eq3A_369 : vector<16xi32>
    %eq3A_371 = arith.constant 1 : i32
    %eq3A_372 = vector.broadcast %eq3A_371 : i32 to vector<16xi32>
    %eq3A_373 = arith.cmpi eq, %iota3A, %eq3A_372 : vector<16xi32>
    %jit3A_374 = arith.constant 0 : i32
    %broadcast_in_dim3A_375 = vector.broadcast %scan3A_360#1 : i32 to vector<16xi32>
    %broadcast_in_dim3A_376 = vector.broadcast %jit3A_374 : i32 to vector<16xi32>
    %select_n3A_377 = arith.select %eq3A_373, %broadcast_in_dim3A_375, %broadcast_in_dim3A_376 : vector<16xi1>, vector<16xi32>
    %broadcast_in_dim3A_378 = vector.broadcast %add3A_362 : i32 to vector<16xi32>
    %select_n3A_379 = arith.select %eq3A_370, %broadcast_in_dim3A_378, %select_n3A_377 : vector<16xi1>, vector<16xi32>
    %swap3A = arith.constant 0 : index
    %swap3A_380 = tpu.vector_load %arg9[%swap3A] {strides = array<i32>} : memref<16xi32, #tpu.memory_space<vmem>>, vector<16xi32>,
    tpu.vector_store %arg9[%swap3A], %select_n3A_379 {strides = array<i32>} : memref<16xi32, #tpu.memory_space<vmem>>, vector<16xi32>,
    %barrier3A_381 = arith.constant 0 : index
    tpu.barrier barrier_id(%barrier3A_381)
    %mul3A_382 = arith.constant 16 : i32
    %mul3A_383 = arith.muli %arg1, %mul3A_382 : i32
    "tpu.region"() ({
      %run_scoped3A = tpu.sem_alloc : memref<!tpu.dma_semaphore, #tpu.memory_space<semaphore_mem>>
      %dma_start3A = tpu.memref_slice %arg15[%mul3A_383] : memref<256xi32, #tpu.memory_space<vmem_shared>> -> memref<16xi32, #tpu.memory_space<vmem_shared>>
      %dma_start3A_581 = tpu.memref_slice %arg15[%mul3A_383] : memref<256xi32, #tpu.memory_space<vmem_shared>> -> memref<16xi32, #tpu.memory_space<vmem_shared>>
      tpu.enqueue_dma source(%arg9 : memref<16xi32, #tpu.memory_space<vmem>>) target(%dma_start3A_581 : memref<16xi32, #tpu.memory_space<vmem_shared>>) target_semaphore(%run_scoped3A : memref<!tpu.dma_semaphore, #tpu.memory_space<semaphore_mem>>)
      %dma_wait3A = tpu.memref_slice %arg15[%mul3A_383] : memref<256xi32, #tpu.memory_space<vmem_shared>> -> memref<16xi32, #tpu.memory_space<vmem_shared>>
      %dma_wait3A_582 = tpu.memref_slice %arg15[%mul3A_383] : memref<256xi32, #tpu.memory_space<vmem_shared>> -> memref<16xi32, #tpu.memory_space<vmem_shared>>
      tpu.wait_dma2 semaphore(%run_scoped3A : memref<!tpu.dma_semaphore, #tpu.memory_space<semaphore_mem>>) src(%arg9 : memref<16xi32, #tpu.memory_space<vmem>>) dst(%dma_wait3A_582 : memref<16xi32, #tpu.memory_space<vmem_shared>>)
      tpu.yield
    }) : () -> ()
    %barrier3A_384 = arith.constant 0 : index
    tpu.barrier barrier_id(%barrier3A_384)
    %mul3A_385 = arith.constant 64 : i32
    %mul3A_386 = arith.muli %select_n3A_54, %mul3A_385 : i32
    "tpu.region"() ({
      %run_scoped3A = tpu.sem_alloc : memref<!tpu.dma_semaphore, #tpu.memory_space<semaphore_mem>>
      %dma_start3A = tpu.memref_slice %arg15[%mul3A_386] : memref<256xi32, #tpu.memory_space<vmem_shared>> -> memref<64xi32, #tpu.memory_space<vmem_shared>>
      %dma_start3A_581 = tpu.memref_slice %arg15[%mul3A_386] : memref<256xi32, #tpu.memory_space<vmem_shared>> -> memref<64xi32, #tpu.memory_space<vmem_shared>>
      tpu.enqueue_dma source(%dma_start3A_581 : memref<64xi32, #tpu.memory_space<vmem_shared>>) target(%arg10 : memref<64xi32, #tpu.memory_space<vmem>>) target_semaphore(%run_scoped3A : memref<!tpu.dma_semaphore, #tpu.memory_space<semaphore_mem>>)
      %dma_wait3A = tpu.memref_slice %arg15[%mul3A_386] : memref<256xi32, #tpu.memory_space<vmem_shared>> -> memref<64xi32, #tpu.memory_space<vmem_shared>>
      %dma_wait3A_582 = tpu.memref_slice %arg15[%mul3A_386] : memref<256xi32, #tpu.memory_space<vmem_shared>> -> memref<64xi32, #tpu.memory_space<vmem_shared>>
      tpu.wait_dma2 semaphore(%run_scoped3A : memref<!tpu.dma_semaphore, #tpu.memory_space<semaphore_mem>>) src(%dma_wait3A_582 : memref<64xi32, #tpu.memory_space<vmem_shared>>) dst(%arg10 : memref<64xi32, #tpu.memory_space<vmem>>)
      tpu.yield
    }) : () -> ()
    %get3A = arith.constant 0 : index
    %get3A_387 = tpu.vector_load %arg10[%get3A] {strides = array<i32>} : memref<64xi32, #tpu.memory_space<vmem>>, vector<16xi32>,
    %iota3A_388 = tpu.iota {dimensions = array<i32: 0>} : vector<16xi32>
    %eq3A_389 = arith.constant 0 : i32
    %eq3A_390 = vector.broadcast %eq3A_389 : i32 to vector<16xi32>
    %eq3A_391 = arith.cmpi eq, %iota3A_388, %eq3A_390 : vector<16xi32>
    %jit3A_392 = arith.constant -2147483648 : i32
    %broadcast_in_dim3A_393 = vector.broadcast %jit3A_392 : i32 to vector<16xi32>
    %select_n3A_394 = arith.select %eq3A_391, %get3A_387, %broadcast_in_dim3A_393 : vector<16xi1>, vector<16xi32>
    %reduce_max3A = arith.constant true
    %reduce_max3A_395 = vector.broadcast %reduce_max3A : i1 to vector<16xi1>
    %reduce_max3A_396 = arith.constant -2147483648 : i32
    %reduce_max3A_397 = vector.broadcast %reduce_max3A_396 : i32 to vector<16xi32>
    %reduce_max3A_398 = arith.xori %select_n3A_394, %reduce_max3A_397 : vector<16xi32>
    %reduce_max3A_399 = tpu.scan <max>, %reduce_max3A_398 masked %reduce_max3A_395 : vector<16xi32>, vector<16xi1> -> vector<16xi32>
    %reduce_max3A_400 = arith.xori %reduce_max3A_399, %reduce_max3A_397 : vector<16xi32>
    %reduce_max3A_401 = vector.extract %reduce_max3A_400[15] : i32 from vector<16xi32>
    %iota3A_402 = tpu.iota {dimensions = array<i32: 0>} : vector<16xi32>
    %eq3A_403 = arith.constant 1 : i32
    %eq3A_404 = vector.broadcast %eq3A_403 : i32 to vector<16xi32>
    %eq3A_405 = arith.cmpi eq, %iota3A_402, %eq3A_404 : vector<16xi32>
    %jit3A_406 = arith.constant -2147483648 : i32
    %broadcast_in_dim3A_407 = vector.broadcast %jit3A_406 : i32 to vector<16xi32>
    %select_n3A_408 = arith.select %eq3A_405, %get3A_387, %broadcast_in_dim3A_407 : vector<16xi1>, vector<16xi32>
    %reduce_max3A_409 = arith.constant true
    %reduce_max3A_410 = vector.broadcast %reduce_max3A_409 : i1 to vector<16xi1>
    %reduce_max3A_411 = arith.constant -2147483648 : i32
    %reduce_max3A_412 = vector.broadcast %reduce_max3A_411 : i32 to vector<16xi32>
    %reduce_max3A_413 = arith.xori %select_n3A_408, %reduce_max3A_412 : vector<16xi32>
    %reduce_max3A_414 = tpu.scan <max>, %reduce_max3A_413 masked %reduce_max3A_410 : vector<16xi32>, vector<16xi1> -> vector<16xi32>
    %reduce_max3A_415 = arith.xori %reduce_max3A_414, %reduce_max3A_412 : vector<16xi32>
    %reduce_max3A_416 = vector.extract %reduce_max3A_415[15] : i32 from vector<16xi32>
    %lt3A_417 = arith.constant 0 : i32
    %lt3A_418 = arith.cmpi slt, %lt3A_417, %select_n3A_30 : i32
    %jit3A_419 = arith.constant 0 : i32
    %select_n3A_420 = arith.select %lt3A_418, %reduce_max3A_401, %jit3A_419 : i32
    %add3A_421 = arith.constant 0 : i32
    %add3A_422 = arith.addi %add3A_421, %select_n3A_420 : i32
    %lt3A_423 = arith.constant 0 : i32
    %lt3A_424 = arith.cmpi slt, %lt3A_423, %select_n3A_30 : i32
    %jit3A_425 = arith.constant 0 : i32
    %select_n3A_426 = arith.select %lt3A_424, %reduce_max3A_416, %jit3A_425 : i32
    %add3A_427 = arith.constant 0 : i32
    %add3A_428 = arith.addi %add3A_427, %select_n3A_426 : i32
    %add3A_429 = arith.constant 0 : i32
    %add3A_430 = arith.addi %add3A_429, %reduce_max3A_401 : i32
    %get3A_431 = arith.constant 16 : index
    %get3A_432 = tpu.vector_load %arg10[%get3A_431] {strides = array<i32>} : memref<64xi32, #tpu.memory_space<vmem>>, vector<16xi32>,
    %iota3A_433 = tpu.iota {dimensions = array<i32: 0>} : vector<16xi32>
    %eq3A_434 = arith.constant 0 : i32
    %eq3A_435 = vector.broadcast %eq3A_434 : i32 to vector<16xi32>
    %eq3A_436 = arith.cmpi eq, %iota3A_433, %eq3A_435 : vector<16xi32>
    %jit3A_437 = arith.constant -2147483648 : i32
    %broadcast_in_dim3A_438 = vector.broadcast %jit3A_437 : i32 to vector<16xi32>
    %select_n3A_439 = arith.select %eq3A_436, %get3A_432, %broadcast_in_dim3A_438 : vector<16xi1>, vector<16xi32>
    %reduce_max3A_440 = arith.constant true
    %reduce_max3A_441 = vector.broadcast %reduce_max3A_440 : i1 to vector<16xi1>
    %reduce_max3A_442 = arith.constant -2147483648 : i32
    %reduce_max3A_443 = vector.broadcast %reduce_max3A_442 : i32 to vector<16xi32>
    %reduce_max3A_444 = arith.xori %select_n3A_439, %reduce_max3A_443 : vector<16xi32>
    %reduce_max3A_445 = tpu.scan <max>, %reduce_max3A_444 masked %reduce_max3A_441 : vector<16xi32>, vector<16xi1> -> vector<16xi32>
    %reduce_max3A_446 = arith.xori %reduce_max3A_445, %reduce_max3A_443 : vector<16xi32>
    %reduce_max3A_447 = vector.extract %reduce_max3A_446[15] : i32 from vector<16xi32>
    %iota3A_448 = tpu.iota {dimensions = array<i32: 0>} : vector<16xi32>
    %eq3A_449 = arith.constant 1 : i32
    %eq3A_450 = vector.broadcast %eq3A_449 : i32 to vector<16xi32>
    %eq3A_451 = arith.cmpi eq, %iota3A_448, %eq3A_450 : vector<16xi32>
    %jit3A_452 = arith.constant -2147483648 : i32
    %broadcast_in_dim3A_453 = vector.broadcast %jit3A_452 : i32 to vector<16xi32>
    %select_n3A_454 = arith.select %eq3A_451, %get3A_432, %broadcast_in_dim3A_453 : vector<16xi1>, vector<16xi32>
    %reduce_max3A_455 = arith.constant true
    %reduce_max3A_456 = vector.broadcast %reduce_max3A_455 : i1 to vector<16xi1>
    %reduce_max3A_457 = arith.constant -2147483648 : i32
    %reduce_max3A_458 = vector.broadcast %reduce_max3A_457 : i32 to vector<16xi32>
    %reduce_max3A_459 = arith.xori %select_n3A_454, %reduce_max3A_458 : vector<16xi32>
    %reduce_max3A_460 = tpu.scan <max>, %reduce_max3A_459 masked %reduce_max3A_456 : vector<16xi32>, vector<16xi1> -> vector<16xi32>
    %reduce_max3A_461 = arith.xori %reduce_max3A_460, %reduce_max3A_458 : vector<16xi32>
    %reduce_max3A_462 = vector.extract %reduce_max3A_461[15] : i32 from vector<16xi32>
    %lt3A_463 = arith.constant 1 : i32
    %lt3A_464 = arith.cmpi slt, %lt3A_463, %select_n3A_30 : i32
    %jit3A_465 = arith.constant 0 : i32
    %select_n3A_466 = arith.select %lt3A_464, %reduce_max3A_447, %jit3A_465 : i32
    %add3A_467 = arith.addi %add3A_422, %select_n3A_466 : i32
    %lt3A_468 = arith.constant 1 : i32
    %lt3A_469 = arith.cmpi slt, %lt3A_468, %select_n3A_30 : i32
    %jit3A_470 = arith.constant 0 : i32
    %select_n3A_471 = arith.select %lt3A_469, %reduce_max3A_462, %jit3A_470 : i32
    %add3A_472 = arith.addi %add3A_428, %select_n3A_471 : i32
    %add3A_473 = arith.addi %add3A_430, %reduce_max3A_447 : i32
    %get3A_474 = arith.constant 32 : index
    %get3A_475 = tpu.vector_load %arg10[%get3A_474] {strides = array<i32>} : memref<64xi32, #tpu.memory_space<vmem>>, vector<16xi32>,
    %iota3A_476 = tpu.iota {dimensions = array<i32: 0>} : vector<16xi32>
    %eq3A_477 = arith.constant 0 : i32
    %eq3A_478 = vector.broadcast %eq3A_477 : i32 to vector<16xi32>
    %eq3A_479 = arith.cmpi eq, %iota3A_476, %eq3A_478 : vector<16xi32>
    %jit3A_480 = arith.constant -2147483648 : i32
    %broadcast_in_dim3A_481 = vector.broadcast %jit3A_480 : i32 to vector<16xi32>
    %select_n3A_482 = arith.select %eq3A_479, %get3A_475, %broadcast_in_dim3A_481 : vector<16xi1>, vector<16xi32>
    %reduce_max3A_483 = arith.constant true
    %reduce_max3A_484 = vector.broadcast %reduce_max3A_483 : i1 to vector<16xi1>
    %reduce_max3A_485 = arith.constant -2147483648 : i32
    %reduce_max3A_486 = vector.broadcast %reduce_max3A_485 : i32 to vector<16xi32>
    %reduce_max3A_487 = arith.xori %select_n3A_482, %reduce_max3A_486 : vector<16xi32>
    %reduce_max3A_488 = tpu.scan <max>, %reduce_max3A_487 masked %reduce_max3A_484 : vector<16xi32>, vector<16xi1> -> vector<16xi32>
    %reduce_max3A_489 = arith.xori %reduce_max3A_488, %reduce_max3A_486 : vector<16xi32>
    %reduce_max3A_490 = vector.extract %reduce_max3A_489[15] : i32 from vector<16xi32>
    %iota3A_491 = tpu.iota {dimensions = array<i32: 0>} : vector<16xi32>
    %eq3A_492 = arith.constant 1 : i32
    %eq3A_493 = vector.broadcast %eq3A_492 : i32 to vector<16xi32>
    %eq3A_494 = arith.cmpi eq, %iota3A_491, %eq3A_493 : vector<16xi32>
    %jit3A_495 = arith.constant -2147483648 : i32
    %broadcast_in_dim3A_496 = vector.broadcast %jit3A_495 : i32 to vector<16xi32>
    %select_n3A_497 = arith.select %eq3A_494, %get3A_475, %broadcast_in_dim3A_496 : vector<16xi1>, vector<16xi32>
    %reduce_max3A_498 = arith.constant true
    %reduce_max3A_499 = vector.broadcast %reduce_max3A_498 : i1 to vector<16xi1>
    %reduce_max3A_500 = arith.constant -2147483648 : i32
    %reduce_max3A_501 = vector.broadcast %reduce_max3A_500 : i32 to vector<16xi32>
    %reduce_max3A_502 = arith.xori %select_n3A_497, %reduce_max3A_501 : vector<16xi32>
    %reduce_max3A_503 = tpu.scan <max>, %reduce_max3A_502 masked %reduce_max3A_499 : vector<16xi32>, vector<16xi1> -> vector<16xi32>
    %reduce_max3A_504 = arith.xori %reduce_max3A_503, %reduce_max3A_501 : vector<16xi32>
    %reduce_max3A_505 = vector.extract %reduce_max3A_504[15] : i32 from vector<16xi32>
    %lt3A_506 = arith.constant 2 : i32
    %lt3A_507 = arith.cmpi slt, %lt3A_506, %select_n3A_30 : i32
    %jit3A_508 = arith.constant 0 : i32
    %select_n3A_509 = arith.select %lt3A_507, %reduce_max3A_490, %jit3A_508 : i32
    %add3A_510 = arith.addi %add3A_467, %select_n3A_509 : i32
    %lt3A_511 = arith.constant 2 : i32
    %lt3A_512 = arith.cmpi slt, %lt3A_511, %select_n3A_30 : i32
    %jit3A_513 = arith.constant 0 : i32
    %select_n3A_514 = arith.select %lt3A_512, %reduce_max3A_505, %jit3A_513 : i32
    %add3A_515 = arith.addi %add3A_472, %select_n3A_514 : i32
    %add3A_516 = arith.addi %add3A_473, %reduce_max3A_490 : i32
    %get3A_517 = arith.constant 48 : index
    %get3A_518 = tpu.vector_load %arg10[%get3A_517] {strides = array<i32>} : memref<64xi32, #tpu.memory_space<vmem>>, vector<16xi32>,
    %iota3A_519 = tpu.iota {dimensions = array<i32: 0>} : vector<16xi32>
    %eq3A_520 = arith.constant 0 : i32
    %eq3A_521 = vector.broadcast %eq3A_520 : i32 to vector<16xi32>
    %eq3A_522 = arith.cmpi eq, %iota3A_519, %eq3A_521 : vector<16xi32>
    %jit3A_523 = arith.constant -2147483648 : i32
    %broadcast_in_dim3A_524 = vector.broadcast %jit3A_523 : i32 to vector<16xi32>
    %select_n3A_525 = arith.select %eq3A_522, %get3A_518, %broadcast_in_dim3A_524 : vector<16xi1>, vector<16xi32>
    %reduce_max3A_526 = arith.constant true
    %reduce_max3A_527 = vector.broadcast %reduce_max3A_526 : i1 to vector<16xi1>
    %reduce_max3A_528 = arith.constant -2147483648 : i32
    %reduce_max3A_529 = vector.broadcast %reduce_max3A_528 : i32 to vector<16xi32>
    %reduce_max3A_530 = arith.xori %select_n3A_525, %reduce_max3A_529 : vector<16xi32>
    %reduce_max3A_531 = tpu.scan <max>, %reduce_max3A_530 masked %reduce_max3A_527 : vector<16xi32>, vector<16xi1> -> vector<16xi32>
    %reduce_max3A_532 = arith.xori %reduce_max3A_531, %reduce_max3A_529 : vector<16xi32>
    %reduce_max3A_533 = vector.extract %reduce_max3A_532[15] : i32 from vector<16xi32>
    %iota3A_534 = tpu.iota {dimensions = array<i32: 0>} : vector<16xi32>
    %eq3A_535 = arith.constant 1 : i32
    %eq3A_536 = vector.broadcast %eq3A_535 : i32 to vector<16xi32>
    %eq3A_537 = arith.cmpi eq, %iota3A_534, %eq3A_536 : vector<16xi32>
    %jit3A_538 = arith.constant -2147483648 : i32
    %broadcast_in_dim3A_539 = vector.broadcast %jit3A_538 : i32 to vector<16xi32>
    %select_n3A_540 = arith.select %eq3A_537, %get3A_518, %broadcast_in_dim3A_539 : vector<16xi1>, vector<16xi32>
    %reduce_max3A_541 = arith.constant true
    %reduce_max3A_542 = vector.broadcast %reduce_max3A_541 : i1 to vector<16xi1>
    %reduce_max3A_543 = arith.constant -2147483648 : i32
    %reduce_max3A_544 = vector.broadcast %reduce_max3A_543 : i32 to vector<16xi32>
    %reduce_max3A_545 = arith.xori %select_n3A_540, %reduce_max3A_544 : vector<16xi32>
    %reduce_max3A_546 = tpu.scan <max>, %reduce_max3A_545 masked %reduce_max3A_542 : vector<16xi32>, vector<16xi1> -> vector<16xi32>
    %reduce_max3A_547 = arith.xori %reduce_max3A_546, %reduce_max3A_544 : vector<16xi32>
    %reduce_max3A_548 = vector.extract %reduce_max3A_547[15] : i32 from vector<16xi32>
    %lt3A_549 = arith.constant 3 : i32
    %lt3A_550 = arith.cmpi slt, %lt3A_549, %select_n3A_30 : i32
    %jit3A_551 = arith.constant 0 : i32
    %select_n3A_552 = arith.select %lt3A_550, %reduce_max3A_533, %jit3A_551 : i32
    %add3A_553 = arith.addi %add3A_510, %select_n3A_552 : i32
    %lt3A_554 = arith.constant 3 : i32
    %lt3A_555 = arith.cmpi slt, %lt3A_554, %select_n3A_30 : i32
    %jit3A_556 = arith.constant 0 : i32
    %select_n3A_557 = arith.select %lt3A_555, %reduce_max3A_548, %jit3A_556 : i32
    %add3A_558 = arith.addi %add3A_515, %select_n3A_557 : i32
    %add3A_559 = arith.addi %add3A_516, %reduce_max3A_533 : i32
    %sub3A_560 = arith.constant 4096 : i32
    %sub3A_561 = arith.subi %sub3A_560, %add3A_559 : i32
    %sub3A_562 = arith.subi %sub3A_561, %add3A_558 : i32
    %jit3A_563 = arith.constant 0 : i32
    %max3A = arith.maxsi %jit3A_563, %sub3A_562 : i32
    %min3A = arith.minsi %scan3A_360#1, %max3A : i32
    %min3A_564 = arith.minsi %add3A_558, %sub3A_561 : i32
    %add3A_565 = arith.addi %add3A_553, %min3A_564 : i32
    %scan3A_566 = arith.constant 0 : i32
    %scan3A_567 = arith.constant 0 : i32
    %scan3A_568 = arith.constant 0 : i32
    %scan3A_569 = arith.constant 4096 : i32
    %scan3A_570 = arith.addi %scan3A_568, %scan3A_569 : i32
    %scan3A_571 = arith.constant 1 : i32
    %scan3A_572:2 = scf.for %scan3A_581 = %scan3A_568 to %scan3A_570 step %scan3A_571 iter_args(%scan3A_582 = %scan3A_566, %scan3A_583 = %scan3A_567) -> (i32, i32)  : i32 {
      %mul3A_584 = arith.constant 16 : i32
      %mul3A_585 = arith.muli %scan3A_581, %mul3A_584 : i32
      %get3A_586 = arith.index_cast %mul3A_585 : i32 to index
      %get3A_587 = tpu.vector_load %arg5[%get3A_586] {strides = array<i32>} : memref<65536xi32, #tpu.memory_space<vmem>>, vector<16xi32>,
      %gt3A = vector.broadcast %or3A_365 : i32 to vector<16xi32>
      %gt3A_588 = arith.cmpi sgt, %get3A_587, %gt3A : vector<16xi32>
      %eq3A_589 = vector.broadcast %or3A_365 : i32 to vector<16xi32>
      %eq3A_590 = arith.cmpi eq, %get3A_587, %eq3A_589 : vector<16xi32>
      %convert_element_type3A = arith.extui %eq3A_590 : vector<16xi1> to vector<16xi32>
      %broadcast_in_dim3A_591 = arith.constant true
      %broadcast_in_dim3A_592 = vector.broadcast %broadcast_in_dim3A_591 : i1 to vector<16xi1>
      %masked_cumsum3A = tpu.scan <sum>, %convert_element_type3A masked %broadcast_in_dim3A_592 : vector<16xi32>, vector<16xi1> -> vector<16xi32>
      %add3A_593 = vector.broadcast %scan3A_583 : i32 to vector<16xi32>
      %add3A_594 = arith.addi %add3A_593, %masked_cumsum3A : vector<16xi32>
      %le3A = vector.broadcast %min3A : i32 to vector<16xi32>
      %le3A_595 = arith.cmpi sle, %add3A_594, %le3A : vector<16xi32>
      %and3A_596 = arith.andi %eq3A_590, %le3A_595 : vector<16xi1>
      %or3A_597 = arith.ori %gt3A_588, %and3A_596 : vector<16xi1>
      %mul3A_598 = arith.constant 65536 : i32
      %mul3A_599 = arith.muli %select_n3A_30, %mul3A_598 : i32
      %mul3A_600 = arith.constant 16 : i32
      %mul3A_601 = arith.muli %scan3A_581, %mul3A_600 : i32
      %add3A_602 = arith.addi %mul3A_599, %mul3A_601 : i32
      %add3A_603 = vector.broadcast %add3A_602 : i32 to vector<16xi32>
      %add3A_604 = arith.addi %add3A_603, %iota3A : vector<16xi32>
      %swap3A_605 = arith.index_cast %scan3A_582 : i32 to index
      %swap3A_606 = tpu.vector_load %arg11[%swap3A_605] masked %or3A_597 {strides = array<i32>} : memref<4112xi32, #tpu.memory_space<vmem>>, vector<16xi32>, vector<16xi1>
      tpu.vector_store %arg11[%swap3A_605], %get3A_587 masked %or3A_597 {strides = array<i32>} : memref<4112xi32, #tpu.memory_space<vmem>>, vector<16xi32>, vector<16xi1>
      %swap3A_607 = arith.index_cast %scan3A_582 : i32 to index
      %swap3A_608 = tpu.vector_load %arg12[%swap3A_607] masked %or3A_597 {strides = array<i32>} : memref<4112xi32, #tpu.memory_space<vmem>>, vector<16xi32>, vector<16xi1>
      tpu.vector_store %arg12[%swap3A_607], %add3A_604 masked %or3A_597 {strides = array<i32>} : memref<4112xi32, #tpu.memory_space<vmem>>, vector<16xi32>, vector<16xi1>
      %all_reduce_population_count3A = tpu.all_reduce %or3A_597 {dim = 0 : i64, kind = #tpu.reduction_kind<sum>} : vector<16xi1> -> vector<16xi32>
      %reduce_max3A_609 = arith.constant true
      %reduce_max3A_610 = vector.broadcast %reduce_max3A_609 : i1 to vector<16xi1>
      %reduce_max3A_611 = arith.constant -2147483648 : i32
      %reduce_max3A_612 = vector.broadcast %reduce_max3A_611 : i32 to vector<16xi32>
      %reduce_max3A_613 = arith.xori %all_reduce_population_count3A, %reduce_max3A_612 : vector<16xi32>
      %reduce_max3A_614 = tpu.scan <max>, %reduce_max3A_613 masked %reduce_max3A_610 : vector<16xi32>, vector<16xi1> -> vector<16xi32>
      %reduce_max3A_615 = arith.xori %reduce_max3A_614, %reduce_max3A_612 : vector<16xi32>
      %reduce_max3A_616 = vector.extract %reduce_max3A_615[15] : i32 from vector<16xi32>
      %add3A_617 = arith.addi %scan3A_582, %reduce_max3A_616 : i32
      %all_reduce_population_count3A_618 = tpu.all_reduce %eq3A_590 {dim = 0 : i64, kind = #tpu.reduction_kind<sum>} : vector<16xi1> -> vector<16xi32>
      %reduce_max3A_619 = arith.constant true
      %reduce_max3A_620 = vector.broadcast %reduce_max3A_619 : i1 to vector<16xi1>
      %reduce_max3A_621 = arith.constant -2147483648 : i32
      %reduce_max3A_622 = vector.broadcast %reduce_max3A_621 : i32 to vector<16xi32>
      %reduce_max3A_623 = arith.xori %all_reduce_population_count3A_618, %reduce_max3A_622 : vector<16xi32>
      %reduce_max3A_624 = tpu.scan <max>, %reduce_max3A_623 masked %reduce_max3A_620 : vector<16xi32>, vector<16xi1> -> vector<16xi32>
      %reduce_max3A_625 = arith.xori %reduce_max3A_624, %reduce_max3A_622 : vector<16xi32>
      %reduce_max3A_626 = vector.extract %reduce_max3A_625[15] : i32 from vector<16xi32>
      %add3A_627 = arith.addi %scan3A_583, %reduce_max3A_626 : i32
      scf.yield %add3A_617, %add3A_627 : i32, i32
    }
    %scan3A_573 = arith.constant 4096 : i32
    %scan3A_574 = arith.constant 0 : i32
    %scan3A_575 = arith.constant 0 : i32
    %scan3A_576 = arith.constant 256 : i32
    %scan3A_577 = arith.addi %scan3A_575, %scan3A_576 : i32
    %scan3A_578 = arith.constant 1 : i32
    %scan3A_579 = scf.for %scan3A_581 = %scan3A_575 to %scan3A_577 step %scan3A_578 iter_args(%scan3A_582 = %scan3A_574) -> (i32)  : i32 {
      %mul3A_583 = arith.constant 16 : i32
      %mul3A_584 = arith.muli %scan3A_581, %mul3A_583 : i32
      %add3A_585 = vector.broadcast %mul3A_584 : i32 to vector<16xi32>
      %add3A_586 = arith.addi %add3A_585, %iota3A : vector<16xi32>
      %lt3A_587 = vector.broadcast %scan3A_572#0 : i32 to vector<16xi32>
      %lt3A_588 = arith.cmpi slt, %add3A_586, %lt3A_587 : vector<16xi32>
      %mul3A_589 = arith.constant 4096 : i32
      %mul3A_590 = arith.muli %add3A, %mul3A_589 : i32
      %add3A_591 = arith.addi %mul3A_590, %add3A_565 : i32
      %add3A_592 = vector.broadcast %add3A_591 : i32 to vector<16xi32>
      %add3A_593 = arith.addi %add3A_592, %add3A_586 : vector<16xi32>
      %mul3A_594 = arith.constant 4096 : i32
      %mul3A_595 = arith.muli %add3A_57, %mul3A_594 : i32
      %add3A_596 = arith.constant 32768 : i32
      %add3A_597 = arith.addi %add3A_596, %mul3A_595 : i32
      %add3A_598 = vector.broadcast %add3A_597 : i32 to vector<16xi32>
      %add3A_599 = arith.addi %add3A_598, %add3A_586 : vector<16xi32>
      %select_n3A_600 = arith.select %lt3A_588, %add3A_593, %add3A_599 : vector<16xi1>, vector<16xi32>
      %mul3A_601 = arith.constant 16 : i32
      %mul3A_602 = arith.muli %scan3A_581, %mul3A_601 : i32
      %swap3A_603 = arith.index_cast %mul3A_602 : i32 to index
      %swap3A_604 = tpu.vector_load %arg13[%swap3A_603] {strides = array<i32>} : memref<4096xi32, #tpu.memory_space<vmem>>, vector<16xi32>,
      tpu.vector_store %arg13[%swap3A_603], %select_n3A_600 {strides = array<i32>} : memref<4096xi32, #tpu.memory_space<vmem>>, vector<16xi32>,
      %scan3A_605 = arith.constant 0 : i32
      scf.yield %scan3A_605 : i32
    }
    %scan3A_580 = arith.constant 256 : i32
    "tpu.region"() ({
      %run_scoped3A = tpu.sem_alloc : memref<!tpu.dma_semaphore, #tpu.memory_space<semaphore_mem>>
      %dma_start3A = arith.constant 0 : i32
      %dma_start3A_581 = tpu.memref_slice %arg11[%dma_start3A] : memref<4112xi32, #tpu.memory_space<vmem>> -> memref<4096xi32, #tpu.memory_space<vmem>>
      %dma_start3A_582 = arith.constant 0 : i32
      %dma_start3A_583 = tpu.memref_slice %arg3[%dma_start3A_582] : memref<163840xi32, #tpu.memory_space<hbm>> -> memref<163840xi32, #tpu.memory_space<hbm>>
      tpu.enqueue_indirect_dma source(%dma_start3A_581 : memref<4096xi32, #tpu.memory_space<vmem>>) target(%dma_start3A_583 : memref<163840xi32, #tpu.memory_space<hbm>>) offsets(%arg13 : memref<4096xi32, #tpu.memory_space<vmem>>) semaphore(%run_scoped3A : memref<!tpu.dma_semaphore, #tpu.memory_space<semaphore_mem>>)
      %dma_wait3A = arith.constant 0 : i32
      %dma_wait3A_584 = tpu.memref_slice %arg11[%dma_wait3A] : memref<4112xi32, #tpu.memory_space<vmem>> -> memref<4096xi32, #tpu.memory_space<vmem>>
      %dma_wait3A_585 = arith.constant 0 : i32
      %dma_wait3A_586 = tpu.memref_slice %arg3[%dma_wait3A_585] : memref<163840xi32, #tpu.memory_space<hbm>> -> memref<163840xi32, #tpu.memory_space<hbm>>
      tpu.wait_indirect_dma semaphore(%run_scoped3A : memref<!tpu.dma_semaphore, #tpu.memory_space<semaphore_mem>>) src(%dma_wait3A_584 : memref<4096xi32, #tpu.memory_space<vmem>>) dst(%dma_wait3A_586 : memref<163840xi32, #tpu.memory_space<hbm>>)
      tpu.yield
    }) : () -> ()
    "tpu.region"() ({
      %run_scoped3A = tpu.sem_alloc : memref<!tpu.dma_semaphore, #tpu.memory_space<semaphore_mem>>
      %dma_start3A = arith.constant 0 : i32
      %dma_start3A_581 = tpu.memref_slice %arg12[%dma_start3A] : memref<4112xi32, #tpu.memory_space<vmem>> -> memref<4096xi32, #tpu.memory_space<vmem>>
      %dma_start3A_582 = arith.constant 0 : i32
      %dma_start3A_583 = tpu.memref_slice %arg4[%dma_start3A_582] : memref<163840xi32, #tpu.memory_space<hbm>> -> memref<163840xi32, #tpu.memory_space<hbm>>
      tpu.enqueue_indirect_dma source(%dma_start3A_581 : memref<4096xi32, #tpu.memory_space<vmem>>) target(%dma_start3A_583 : memref<163840xi32, #tpu.memory_space<hbm>>) offsets(%arg13 : memref<4096xi32, #tpu.memory_space<vmem>>) semaphore(%run_scoped3A : memref<!tpu.dma_semaphore, #tpu.memory_space<semaphore_mem>>)
      %dma_wait3A = arith.constant 0 : i32
      %dma_wait3A_584 = tpu.memref_slice %arg12[%dma_wait3A] : memref<4112xi32, #tpu.memory_space<vmem>> -> memref<4096xi32, #tpu.memory_space<vmem>>
      %dma_wait3A_585 = arith.constant 0 : i32
      %dma_wait3A_586 = tpu.memref_slice %arg4[%dma_wait3A_585] : memref<163840xi32, #tpu.memory_space<hbm>> -> memref<163840xi32, #tpu.memory_space<hbm>>
      tpu.wait_indirect_dma semaphore(%run_scoped3A : memref<!tpu.dma_semaphore, #tpu.memory_space<semaphore_mem>>) src(%dma_wait3A_584 : memref<4096xi32, #tpu.memory_space<vmem>>) dst(%dma_wait3A_586 : memref<163840xi32, #tpu.memory_space<hbm>>)
      tpu.yield
    }) : () -> ()
    return
  }
}

module attributes {stable_mosaic.version = 14 : i64} {
  func.func @_nms_body(%arg0: i32, %arg1: memref<1x512x512xf32, #tpu.memory_space<vmem>>, %arg2: memref<1x512x512xf32, #tpu.memory_space<vmem>>) attributes {dimension_semantics = [#tpu.dimension_semantics<arbitrary>], iteration_bounds = array<i64: 8>, scalar_prefetch = 0 : i64, scratch_operands = 0 : i64, tpu.core_type = #tpu.core_type<tc>, window_params = [{transform_indices = @transform_0, window_bounds = array<i64: 1, 512, 512>}, {transform_indices = @transform_1, window_bounds = array<i64: 1, 512, 512>}]} {
    %get3A = arith.constant 0 : index
    %get3A_0 = arith.constant 0 : index
    %get3A_1 = arith.constant 0 : index
    %get3A_2 = vector.load %arg1[%get3A, %get3A_0, %get3A_1] : memref<1x512x512xf32, #tpu.memory_space<vmem>>, vector<1x512x512xf32>
    %get3A_3 = vector.shape_cast %get3A_2 : vector<1x512x512xf32> to vector<512x512xf32>
    %broadcast_in_dim3A = arith.constant 0xFF800000 : f32
    %broadcast_in_dim3A_4 = vector.broadcast %broadcast_in_dim3A : f32 to vector<512x2xf32>
    %concatenate3A = tpu.concatenate %broadcast_in_dim3A_4, %get3A_3, %broadcast_in_dim3A_4 in 1 : vector<512x2xf32>, vector<512x512xf32>, vector<512x2xf32> -> vector<512x516xf32>
    %slice3A = vector.extract_strided_slice %concatenate3A {offsets = [0, 0], sizes = [512, 512], strides = [1, 1]} : vector<512x516xf32> to vector<512x512xf32>
    %slice3A_5 = vector.extract_strided_slice %concatenate3A {offsets = [0, 1], sizes = [512, 512], strides = [1, 1]} : vector<512x516xf32> to vector<512x512xf32>
    %max3A = arith.maximumf %slice3A, %slice3A_5 : vector<512x512xf32>
    %slice3A_6 = vector.extract_strided_slice %concatenate3A {offsets = [0, 2], sizes = [512, 512], strides = [1, 1]} : vector<512x516xf32> to vector<512x512xf32>
    %max3A_7 = arith.maximumf %max3A, %slice3A_6 : vector<512x512xf32>
    %slice3A_8 = vector.extract_strided_slice %concatenate3A {offsets = [0, 3], sizes = [512, 512], strides = [1, 1]} : vector<512x516xf32> to vector<512x512xf32>
    %max3A_9 = arith.maximumf %max3A_7, %slice3A_8 : vector<512x512xf32>
    %slice3A_10 = vector.extract_strided_slice %concatenate3A {offsets = [0, 4], sizes = [512, 512], strides = [1, 1]} : vector<512x516xf32> to vector<512x512xf32>
    %max3A_11 = arith.maximumf %max3A_9, %slice3A_10 : vector<512x512xf32>
    %broadcast_in_dim3A_12 = arith.constant 0xFF800000 : f32
    %broadcast_in_dim3A_13 = vector.broadcast %broadcast_in_dim3A_12 : f32 to vector<2x512xf32>
    %concatenate3A_14 = tpu.concatenate %broadcast_in_dim3A_13, %max3A_11, %broadcast_in_dim3A_13 in 0 : vector<2x512xf32>, vector<512x512xf32>, vector<2x512xf32> -> vector<516x512xf32>
    %slice3A_15 = vector.extract_strided_slice %concatenate3A_14 {offsets = [0, 0], sizes = [512, 512], strides = [1, 1]} : vector<516x512xf32> to vector<512x512xf32>
    %slice3A_16 = vector.extract_strided_slice %concatenate3A_14 {offsets = [1, 0], sizes = [512, 512], strides = [1, 1]} : vector<516x512xf32> to vector<512x512xf32>
    %max3A_17 = arith.maximumf %slice3A_15, %slice3A_16 : vector<512x512xf32>
    %slice3A_18 = vector.extract_strided_slice %concatenate3A_14 {offsets = [2, 0], sizes = [512, 512], strides = [1, 1]} : vector<516x512xf32> to vector<512x512xf32>
    %max3A_19 = arith.maximumf %max3A_17, %slice3A_18 : vector<512x512xf32>
    %slice3A_20 = vector.extract_strided_slice %concatenate3A_14 {offsets = [3, 0], sizes = [512, 512], strides = [1, 1]} : vector<516x512xf32> to vector<512x512xf32>
    %max3A_21 = arith.maximumf %max3A_19, %slice3A_20 : vector<512x512xf32>
    %slice3A_22 = vector.extract_strided_slice %concatenate3A_14 {offsets = [4, 0], sizes = [512, 512], strides = [1, 1]} : vector<516x512xf32> to vector<512x512xf32>
    %max3A_23 = arith.maximumf %max3A_21, %slice3A_22 : vector<512x512xf32>
    %eq3A = arith.cmpf oeq, %get3A_3, %max3A_23 : vector<512x512xf32>
    %jit3A = arith.constant 1.000000e+00 : f32
    %jit3A_24 = arith.constant 0.000000e+00 : f32
    %broadcast_in_dim3A_25 = vector.broadcast %jit3A : f32 to vector<512x512xf32>
    %broadcast_in_dim3A_26 = vector.broadcast %jit3A_24 : f32 to vector<512x512xf32>
    %select_n3A = arith.select %eq3A, %broadcast_in_dim3A_25, %broadcast_in_dim3A_26 : vector<512x512xi1>, vector<512x512xf32>
    %broadcast_in_dim3A_27 = arith.constant 0xFF800000 : f32
    %broadcast_in_dim3A_28 = vector.broadcast %broadcast_in_dim3A_27 : f32 to vector<512x2xf32>
    %concatenate3A_29 = tpu.concatenate %broadcast_in_dim3A_28, %select_n3A, %broadcast_in_dim3A_28 in 1 : vector<512x2xf32>, vector<512x512xf32>, vector<512x2xf32> -> vector<512x516xf32>
    %slice3A_30 = vector.extract_strided_slice %concatenate3A_29 {offsets = [0, 0], sizes = [512, 512], strides = [1, 1]} : vector<512x516xf32> to vector<512x512xf32>
    %slice3A_31 = vector.extract_strided_slice %concatenate3A_29 {offsets = [0, 1], sizes = [512, 512], strides = [1, 1]} : vector<512x516xf32> to vector<512x512xf32>
    %max3A_32 = arith.maximumf %slice3A_30, %slice3A_31 : vector<512x512xf32>
    %slice3A_33 = vector.extract_strided_slice %concatenate3A_29 {offsets = [0, 2], sizes = [512, 512], strides = [1, 1]} : vector<512x516xf32> to vector<512x512xf32>
    %max3A_34 = arith.maximumf %max3A_32, %slice3A_33 : vector<512x512xf32>
    %slice3A_35 = vector.extract_strided_slice %concatenate3A_29 {offsets = [0, 3], sizes = [512, 512], strides = [1, 1]} : vector<512x516xf32> to vector<512x512xf32>
    %max3A_36 = arith.maximumf %max3A_34, %slice3A_35 : vector<512x512xf32>
    %slice3A_37 = vector.extract_strided_slice %concatenate3A_29 {offsets = [0, 4], sizes = [512, 512], strides = [1, 1]} : vector<512x516xf32> to vector<512x512xf32>
    %max3A_38 = arith.maximumf %max3A_36, %slice3A_37 : vector<512x512xf32>
    %broadcast_in_dim3A_39 = arith.constant 0xFF800000 : f32
    %broadcast_in_dim3A_40 = vector.broadcast %broadcast_in_dim3A_39 : f32 to vector<2x512xf32>
    %concatenate3A_41 = tpu.concatenate %broadcast_in_dim3A_40, %max3A_38, %broadcast_in_dim3A_40 in 0 : vector<2x512xf32>, vector<512x512xf32>, vector<2x512xf32> -> vector<516x512xf32>
    %slice3A_42 = vector.extract_strided_slice %concatenate3A_41 {offsets = [0, 0], sizes = [512, 512], strides = [1, 1]} : vector<516x512xf32> to vector<512x512xf32>
    %slice3A_43 = vector.extract_strided_slice %concatenate3A_41 {offsets = [1, 0], sizes = [512, 512], strides = [1, 1]} : vector<516x512xf32> to vector<512x512xf32>
    %max3A_44 = arith.maximumf %slice3A_42, %slice3A_43 : vector<512x512xf32>
    %slice3A_45 = vector.extract_strided_slice %concatenate3A_41 {offsets = [2, 0], sizes = [512, 512], strides = [1, 1]} : vector<516x512xf32> to vector<512x512xf32>
    %max3A_46 = arith.maximumf %max3A_44, %slice3A_45 : vector<512x512xf32>
    %slice3A_47 = vector.extract_strided_slice %concatenate3A_41 {offsets = [3, 0], sizes = [512, 512], strides = [1, 1]} : vector<516x512xf32> to vector<512x512xf32>
    %max3A_48 = arith.maximumf %max3A_46, %slice3A_47 : vector<512x512xf32>
    %slice3A_49 = vector.extract_strided_slice %concatenate3A_41 {offsets = [4, 0], sizes = [512, 512], strides = [1, 1]} : vector<516x512xf32> to vector<512x512xf32>
    %max3A_50 = arith.maximumf %max3A_48, %slice3A_49 : vector<512x512xf32>
    %gt3A = arith.constant 0.000000e+00 : f32
    %gt3A_51 = vector.broadcast %gt3A : f32 to vector<512x512xf32>
    %gt3A_52 = arith.cmpf ogt, %max3A_50, %gt3A_51 : vector<512x512xf32>
    %jit3A_53 = arith.constant 0.000000e+00 : f32
    %broadcast_in_dim3A_54 = vector.broadcast %jit3A_53 : f32 to vector<512x512xf32>
    %select_n3A_55 = arith.select %gt3A_52, %broadcast_in_dim3A_54, %get3A_3 : vector<512x512xi1>, vector<512x512xf32>
    %broadcast_in_dim3A_56 = arith.constant 0xFF800000 : f32
    %broadcast_in_dim3A_57 = vector.broadcast %broadcast_in_dim3A_56 : f32 to vector<512x2xf32>
    %concatenate3A_58 = tpu.concatenate %broadcast_in_dim3A_57, %select_n3A_55, %broadcast_in_dim3A_57 in 1 : vector<512x2xf32>, vector<512x512xf32>, vector<512x2xf32> -> vector<512x516xf32>
    %slice3A_59 = vector.extract_strided_slice %concatenate3A_58 {offsets = [0, 0], sizes = [512, 512], strides = [1, 1]} : vector<512x516xf32> to vector<512x512xf32>
    %slice3A_60 = vector.extract_strided_slice %concatenate3A_58 {offsets = [0, 1], sizes = [512, 512], strides = [1, 1]} : vector<512x516xf32> to vector<512x512xf32>
    %max3A_61 = arith.maximumf %slice3A_59, %slice3A_60 : vector<512x512xf32>
    %slice3A_62 = vector.extract_strided_slice %concatenate3A_58 {offsets = [0, 2], sizes = [512, 512], strides = [1, 1]} : vector<512x516xf32> to vector<512x512xf32>
    %max3A_63 = arith.maximumf %max3A_61, %slice3A_62 : vector<512x512xf32>
    %slice3A_64 = vector.extract_strided_slice %concatenate3A_58 {offsets = [0, 3], sizes = [512, 512], strides = [1, 1]} : vector<512x516xf32> to vector<512x512xf32>
    %max3A_65 = arith.maximumf %max3A_63, %slice3A_64 : vector<512x512xf32>
    %slice3A_66 = vector.extract_strided_slice %concatenate3A_58 {offsets = [0, 4], sizes = [512, 512], strides = [1, 1]} : vector<512x516xf32> to vector<512x512xf32>
    %max3A_67 = arith.maximumf %max3A_65, %slice3A_66 : vector<512x512xf32>
    %broadcast_in_dim3A_68 = arith.constant 0xFF800000 : f32
    %broadcast_in_dim3A_69 = vector.broadcast %broadcast_in_dim3A_68 : f32 to vector<2x512xf32>
    %concatenate3A_70 = tpu.concatenate %broadcast_in_dim3A_69, %max3A_67, %broadcast_in_dim3A_69 in 0 : vector<2x512xf32>, vector<512x512xf32>, vector<2x512xf32> -> vector<516x512xf32>
    %slice3A_71 = vector.extract_strided_slice %concatenate3A_70 {offsets = [0, 0], sizes = [512, 512], strides = [1, 1]} : vector<516x512xf32> to vector<512x512xf32>
    %slice3A_72 = vector.extract_strided_slice %concatenate3A_70 {offsets = [1, 0], sizes = [512, 512], strides = [1, 1]} : vector<516x512xf32> to vector<512x512xf32>
    %max3A_73 = arith.maximumf %slice3A_71, %slice3A_72 : vector<512x512xf32>
    %slice3A_74 = vector.extract_strided_slice %concatenate3A_70 {offsets = [2, 0], sizes = [512, 512], strides = [1, 1]} : vector<516x512xf32> to vector<512x512xf32>
    %max3A_75 = arith.maximumf %max3A_73, %slice3A_74 : vector<512x512xf32>
    %slice3A_76 = vector.extract_strided_slice %concatenate3A_70 {offsets = [3, 0], sizes = [512, 512], strides = [1, 1]} : vector<516x512xf32> to vector<512x512xf32>
    %max3A_77 = arith.maximumf %max3A_75, %slice3A_76 : vector<512x512xf32>
    %slice3A_78 = vector.extract_strided_slice %concatenate3A_70 {offsets = [4, 0], sizes = [512, 512], strides = [1, 1]} : vector<516x512xf32> to vector<512x512xf32>
    %max3A_79 = arith.maximumf %max3A_77, %slice3A_78 : vector<512x512xf32>
    %eq3A_80 = arith.cmpf oeq, %select_n3A_55, %max3A_79 : vector<512x512xf32>
    %not3A = arith.constant dense<true> : vector<512x512xi1>
    %not3A_81 = arith.xori %gt3A_52, %not3A : vector<512x512xi1>
    %and3A = arith.andi %eq3A_80, %not3A_81 : vector<512x512xi1>
    %or3A = arith.ori %eq3A, %and3A : vector<512x512xi1>
    %jit3A_82 = arith.constant 1.000000e+00 : f32
    %jit3A_83 = arith.constant 0.000000e+00 : f32
    %broadcast_in_dim3A_84 = vector.broadcast %jit3A_82 : f32 to vector<512x512xf32>
    %broadcast_in_dim3A_85 = vector.broadcast %jit3A_83 : f32 to vector<512x512xf32>
    %select_n3A_86 = arith.select %or3A, %broadcast_in_dim3A_84, %broadcast_in_dim3A_85 : vector<512x512xi1>, vector<512x512xf32>
    %broadcast_in_dim3A_87 = arith.constant 0xFF800000 : f32
    %broadcast_in_dim3A_88 = vector.broadcast %broadcast_in_dim3A_87 : f32 to vector<512x2xf32>
    %concatenate3A_89 = tpu.concatenate %broadcast_in_dim3A_88, %select_n3A_86, %broadcast_in_dim3A_88 in 1 : vector<512x2xf32>, vector<512x512xf32>, vector<512x2xf32> -> vector<512x516xf32>
    %slice3A_90 = vector.extract_strided_slice %concatenate3A_89 {offsets = [0, 0], sizes = [512, 512], strides = [1, 1]} : vector<512x516xf32> to vector<512x512xf32>
    %slice3A_91 = vector.extract_strided_slice %concatenate3A_89 {offsets = [0, 1], sizes = [512, 512], strides = [1, 1]} : vector<512x516xf32> to vector<512x512xf32>
    %max3A_92 = arith.maximumf %slice3A_90, %slice3A_91 : vector<512x512xf32>
    %slice3A_93 = vector.extract_strided_slice %concatenate3A_89 {offsets = [0, 2], sizes = [512, 512], strides = [1, 1]} : vector<512x516xf32> to vector<512x512xf32>
    %max3A_94 = arith.maximumf %max3A_92, %slice3A_93 : vector<512x512xf32>
    %slice3A_95 = vector.extract_strided_slice %concatenate3A_89 {offsets = [0, 3], sizes = [512, 512], strides = [1, 1]} : vector<512x516xf32> to vector<512x512xf32>
    %max3A_96 = arith.maximumf %max3A_94, %slice3A_95 : vector<512x512xf32>
    %slice3A_97 = vector.extract_strided_slice %concatenate3A_89 {offsets = [0, 4], sizes = [512, 512], strides = [1, 1]} : vector<512x516xf32> to vector<512x512xf32>
    %max3A_98 = arith.maximumf %max3A_96, %slice3A_97 : vector<512x512xf32>
    %broadcast_in_dim3A_99 = arith.constant 0xFF800000 : f32
    %broadcast_in_dim3A_100 = vector.broadcast %broadcast_in_dim3A_99 : f32 to vector<2x512xf32>
    %concatenate3A_101 = tpu.concatenate %broadcast_in_dim3A_100, %max3A_98, %broadcast_in_dim3A_100 in 0 : vector<2x512xf32>, vector<512x512xf32>, vector<2x512xf32> -> vector<516x512xf32>
    %slice3A_102 = vector.extract_strided_slice %concatenate3A_101 {offsets = [0, 0], sizes = [512, 512], strides = [1, 1]} : vector<516x512xf32> to vector<512x512xf32>
    %slice3A_103 = vector.extract_strided_slice %concatenate3A_101 {offsets = [1, 0], sizes = [512, 512], strides = [1, 1]} : vector<516x512xf32> to vector<512x512xf32>
    %max3A_104 = arith.maximumf %slice3A_102, %slice3A_103 : vector<512x512xf32>
    %slice3A_105 = vector.extract_strided_slice %concatenate3A_101 {offsets = [2, 0], sizes = [512, 512], strides = [1, 1]} : vector<516x512xf32> to vector<512x512xf32>
    %max3A_106 = arith.maximumf %max3A_104, %slice3A_105 : vector<512x512xf32>
    %slice3A_107 = vector.extract_strided_slice %concatenate3A_101 {offsets = [3, 0], sizes = [512, 512], strides = [1, 1]} : vector<516x512xf32> to vector<512x512xf32>
    %max3A_108 = arith.maximumf %max3A_106, %slice3A_107 : vector<512x512xf32>
    %slice3A_109 = vector.extract_strided_slice %concatenate3A_101 {offsets = [4, 0], sizes = [512, 512], strides = [1, 1]} : vector<516x512xf32> to vector<512x512xf32>
    %max3A_110 = arith.maximumf %max3A_108, %slice3A_109 : vector<512x512xf32>
    %gt3A_111 = arith.constant 0.000000e+00 : f32
    %gt3A_112 = vector.broadcast %gt3A_111 : f32 to vector<512x512xf32>
    %gt3A_113 = arith.cmpf ogt, %max3A_110, %gt3A_112 : vector<512x512xf32>
    %jit3A_114 = arith.constant 0.000000e+00 : f32
    %broadcast_in_dim3A_115 = vector.broadcast %jit3A_114 : f32 to vector<512x512xf32>
    %select_n3A_116 = arith.select %gt3A_113, %broadcast_in_dim3A_115, %get3A_3 : vector<512x512xi1>, vector<512x512xf32>
    %broadcast_in_dim3A_117 = arith.constant 0xFF800000 : f32
    %broadcast_in_dim3A_118 = vector.broadcast %broadcast_in_dim3A_117 : f32 to vector<512x2xf32>
    %concatenate3A_119 = tpu.concatenate %broadcast_in_dim3A_118, %select_n3A_116, %broadcast_in_dim3A_118 in 1 : vector<512x2xf32>, vector<512x512xf32>, vector<512x2xf32> -> vector<512x516xf32>
    %slice3A_120 = vector.extract_strided_slice %concatenate3A_119 {offsets = [0, 0], sizes = [512, 512], strides = [1, 1]} : vector<512x516xf32> to vector<512x512xf32>
    %slice3A_121 = vector.extract_strided_slice %concatenate3A_119 {offsets = [0, 1], sizes = [512, 512], strides = [1, 1]} : vector<512x516xf32> to vector<512x512xf32>
    %max3A_122 = arith.maximumf %slice3A_120, %slice3A_121 : vector<512x512xf32>
    %slice3A_123 = vector.extract_strided_slice %concatenate3A_119 {offsets = [0, 2], sizes = [512, 512], strides = [1, 1]} : vector<512x516xf32> to vector<512x512xf32>
    %max3A_124 = arith.maximumf %max3A_122, %slice3A_123 : vector<512x512xf32>
    %slice3A_125 = vector.extract_strided_slice %concatenate3A_119 {offsets = [0, 3], sizes = [512, 512], strides = [1, 1]} : vector<512x516xf32> to vector<512x512xf32>
    %max3A_126 = arith.maximumf %max3A_124, %slice3A_125 : vector<512x512xf32>
    %slice3A_127 = vector.extract_strided_slice %concatenate3A_119 {offsets = [0, 4], sizes = [512, 512], strides = [1, 1]} : vector<512x516xf32> to vector<512x512xf32>
    %max3A_128 = arith.maximumf %max3A_126, %slice3A_127 : vector<512x512xf32>
    %broadcast_in_dim3A_129 = arith.constant 0xFF800000 : f32
    %broadcast_in_dim3A_130 = vector.broadcast %broadcast_in_dim3A_129 : f32 to vector<2x512xf32>
    %concatenate3A_131 = tpu.concatenate %broadcast_in_dim3A_130, %max3A_128, %broadcast_in_dim3A_130 in 0 : vector<2x512xf32>, vector<512x512xf32>, vector<2x512xf32> -> vector<516x512xf32>
    %slice3A_132 = vector.extract_strided_slice %concatenate3A_131 {offsets = [0, 0], sizes = [512, 512], strides = [1, 1]} : vector<516x512xf32> to vector<512x512xf32>
    %slice3A_133 = vector.extract_strided_slice %concatenate3A_131 {offsets = [1, 0], sizes = [512, 512], strides = [1, 1]} : vector<516x512xf32> to vector<512x512xf32>
    %max3A_134 = arith.maximumf %slice3A_132, %slice3A_133 : vector<512x512xf32>
    %slice3A_135 = vector.extract_strided_slice %concatenate3A_131 {offsets = [2, 0], sizes = [512, 512], strides = [1, 1]} : vector<516x512xf32> to vector<512x512xf32>
    %max3A_136 = arith.maximumf %max3A_134, %slice3A_135 : vector<512x512xf32>
    %slice3A_137 = vector.extract_strided_slice %concatenate3A_131 {offsets = [3, 0], sizes = [512, 512], strides = [1, 1]} : vector<516x512xf32> to vector<512x512xf32>
    %max3A_138 = arith.maximumf %max3A_136, %slice3A_137 : vector<512x512xf32>
    %slice3A_139 = vector.extract_strided_slice %concatenate3A_131 {offsets = [4, 0], sizes = [512, 512], strides = [1, 1]} : vector<516x512xf32> to vector<512x512xf32>
    %max3A_140 = arith.maximumf %max3A_138, %slice3A_139 : vector<512x512xf32>
    %eq3A_141 = arith.cmpf oeq, %select_n3A_116, %max3A_140 : vector<512x512xf32>
    %not3A_142 = arith.constant dense<true> : vector<512x512xi1>
    %not3A_143 = arith.xori %gt3A_113, %not3A_142 : vector<512x512xi1>
    %and3A_144 = arith.andi %eq3A_141, %not3A_143 : vector<512x512xi1>
    %or3A_145 = arith.ori %or3A, %and3A_144 : vector<512x512xi1>
    %jit3A_146 = arith.constant 0.000000e+00 : f32
    %broadcast_in_dim3A_147 = vector.broadcast %jit3A_146 : f32 to vector<512x512xf32>
    %select_n3A_148 = arith.select %or3A_145, %get3A_3, %broadcast_in_dim3A_147 : vector<512x512xi1>, vector<512x512xf32>
    %iota3A = tpu.iota {dimensions = array<i32: 0>} : vector<512x512xi32>
    %iota3A_149 = tpu.iota {dimensions = array<i32: 1>} : vector<512x512xi32>
    %ge3A = arith.constant 2 : i32
    %ge3A_150 = vector.broadcast %ge3A : i32 to vector<512x512xi32>
    %ge3A_151 = arith.cmpi sge, %iota3A, %ge3A_150 : vector<512x512xi32>
    %lt3A = arith.constant 510 : i32
    %lt3A_152 = vector.broadcast %lt3A : i32 to vector<512x512xi32>
    %lt3A_153 = arith.cmpi slt, %iota3A, %lt3A_152 : vector<512x512xi32>
    %and3A_154 = arith.andi %ge3A_151, %lt3A_153 : vector<512x512xi1>
    %ge3A_155 = arith.constant 2 : i32
    %ge3A_156 = vector.broadcast %ge3A_155 : i32 to vector<512x512xi32>
    %ge3A_157 = arith.cmpi sge, %iota3A_149, %ge3A_156 : vector<512x512xi32>
    %and3A_158 = arith.andi %and3A_154, %ge3A_157 : vector<512x512xi1>
    %lt3A_159 = arith.constant 510 : i32
    %lt3A_160 = vector.broadcast %lt3A_159 : i32 to vector<512x512xi32>
    %lt3A_161 = arith.cmpi slt, %iota3A_149, %lt3A_160 : vector<512x512xi32>
    %and3A_162 = arith.andi %and3A_158, %lt3A_161 : vector<512x512xi1>
    %jit3A_163 = arith.constant 0.000000e+00 : f32
    %broadcast_in_dim3A_164 = vector.broadcast %jit3A_163 : f32 to vector<512x512xf32>
    %select_n3A_165 = arith.select %and3A_162, %select_n3A_148, %broadcast_in_dim3A_164 : vector<512x512xi1>, vector<512x512xf32>
    %swap3A = arith.constant 0 : index
    %swap3A_166 = arith.constant 0 : index
    %swap3A_167 = arith.constant 0 : index
    %swap3A_168 = vector.load %arg2[%swap3A, %swap3A_166, %swap3A_167] : memref<1x512x512xf32, #tpu.memory_space<vmem>>, vector<1x512x512xf32>
    %swap3A_169 = vector.shape_cast %swap3A_168 : vector<1x512x512xf32> to vector<512x512xf32>
    %swap3A_170 = vector.shape_cast %select_n3A_165 : vector<512x512xf32> to vector<1x512x512xf32>
    tpu.vector_store %arg2[%swap3A, %swap3A_166, %swap3A_167], %swap3A_170 {strides = array<i32>} : memref<1x512x512xf32, #tpu.memory_space<vmem>>, vector<1x512x512xf32>,
    return
  }
  func.func @transform_0(%arg0: i32) -> (i32, i32, i32) {
    %c0_i32 = arith.constant 0 : i32
    %c0_i32_0 = arith.constant 0 : i32
    %c0_i32_1 = arith.constant 0 : i32
    return %arg0, %c0_i32, %c0_i32_0 : i32, i32, i32
  }
  func.func @transform_1(%arg0: i32) -> (i32, i32, i32) {
    %c0_i32 = arith.constant 0 : i32
    %c0_i32_0 = arith.constant 0 : i32
    %c0_i32_1 = arith.constant 0 : i32
    return %arg0, %c0_i32, %c0_i32_0 : i32, i32, i32
  }
}

</mosaic_0001>

<sc_bundles>
// kernel: gather_offload_async_start
scs
__scs_entry_jumppad:
0x0: {  	(pc) =	sbr.rel $0x88, $3  }
0x1: {  	(tag) =	ssettag $0x0;
	lr =	simm.s32 $0x1  }
0x2: {  	[smem:$0x3FA0] =	sst lr;
	_ =	strace $0xD0000000  }
0x3: {  	_ = 	snop  }
0x4: {  	_ = 	snop  }
0x5: {  	_ = 	snop  }
0x6: {  	_ = 	snop  }
0x7: {  	_ = 	snop  }
__scs_overlays_trampoline_lowered:
0x8: {  	[smem:$0x3FAF] =	sst s0  }
0x9: {  	[smem:$0x3FB0] =	sst s1  }
0xa: {  	[smem:$0x3FB1] =	sst s2  }
0xb: {  	[smem:$0x3FB2] =	sst s3  }
0xc: {  	[smem:$0x3FB3] =	sst s4  }
0xd: {  	[smem:$0x3FB4] =	sst s5  }
0xe: {  	[smem:$0x3FB5] =	sst s6  }
0xf: {  	[smem:$0x3FB6] =	sst s7  }
0x10: {  	[smem:$0x3FB7] =	sst s8  }
0x11: {  	[smem:$0x3FB8] =	sst s9;
	s0 =	simm.s32 @!p0 $0x0  }
0x12: {  	s1 =	sld [smem:$0x3F9E];
	s0 =	simm.s32 @p0 $0x1  }
0x13: {  	[smem:$0x3FB9] =	sst s0;
	s0 =	simm.s32 @!p1 $0x0  }
0x14: {  	s2 =	sld [smem:$0x3F9D];
	s0 =	simm.s32 @p1 $0x1  }
0x15: {  	[smem:$0x3FBA] =	sst s0;
	s0 =	simm.s32 @!p2 $0x0  }
0x16: {  	s3 =	sld [smem:$0x3FDB];
	s0 =	simm.s32 @p2 $0x1  }
0x17: {  	s4 =	simm.s32 $0x1BF5;
	[smem:$0x3FBC] =	sst s0  }
0x18: {  	s0 =	sld [smem:$0x3F9F];
	_ =	swait.ge [sflag:s4], $0x0  }
0x19: {  	s7 =	sld [smem:$0x3FA0]  }
0x1a: {  	s8 =	sadd.s32 $0xFFFFE003, lr  }
0x1b: {  	s9 =	sadd.s32 $0xFFFFFEF7, lr;
	s5 =	simm.s32 $0xFFFFFFFF;
	p2 =	slt.u32 s8, $0xFFFFF086  }
0x1c: {  	p1 =	slt.u32 s9, $0xF7A;
	s5 =	simm.s32 @!p2 $0x0  }
0x1d: {  	s5 =	simm.s32 @p1 $0x1;
	p0 =	seq.s32 s7, s2  }
0x1e: {  	s7 =	smul.u32 @!p0 $0xF7A, s2;
	p2 =	seq.s32 @!p0 s5, $0x0  }
0x1f: {  	s9 =	smul.u32 $0xF7A, s1;
	s8 =	simm.s32 @!p0 $0x1BF5;
	p2 =	por !p2, p0  }
0x20: {  	[sflag:s8] =	ssyncset.s32 @!p0 $0xFFFFF086;
	s6 =	sadd.s32 @!p0 s3, s7;
	s7 =	simm.s32 @!p0 $0x108  }
0x21: {  	s3 =	sadd.s32 s3, s9;
	s6 =	sadd.s32 @!p0 $0x88, s6;
	s7 =	simm.s32 @p2 $0x1082  }
0x22: {  	[simem:s7], [sflag:s8] =	dma.local @!p0 [hbm:s6], $0xF7A  }
0x23: {  	s9 =	sor.u32 $0xD0000000, s2;
	s6 =	simm.s32 $0x108;
	_ =	swait.ge @!p0 [sflag:s8], $0x0  }
0x24: {  	s3 =	sadd.s32 $0x88, s3;
	s6 =	simm.s32 @!p1 $0x1082;
	[sflag:s4] =	ssyncset.s32 $0xFFFFF086  }
0x25: {  	[simem:s6], [sflag:s4] =	dma.local [hbm:s3], $0xF7A  }
0x26: {  	[smem:$0x3FA0] =	sst s1;
	(tag) =	ssettag s2;
	_ =	strace s9  }
0x27: {  	s1 =	sld [smem:$0x3FB0]  }
0x28: {  	s2 =	sld [smem:$0x3FB1]  }
0x29: {  	s4 =	sld [smem:$0x3FB3]  }
0x2a: {  	p0 =	seq.s32 s5, $0x0;
	s5 =	sld [smem:$0x3FB4]  }
0x2b: {  	s6 =	sld [smem:$0x3FB5]  }
0x2c: {  	s7 =	sld [smem:$0x3FB6]  }
0x2d: {  	s3 =	simm.s32 $0x108;
	s8 =	sld [smem:$0x3FB7]  }
0x2e: {  	s3 =	simm.s32 @!p0 $0x1082;
	s9 =	sld [smem:$0x3FB8]  }
0x2f: {  	lr =	sadd.s32 s0, s3;
	s0 =	sld [smem:$0x3FAF]  }
0x30: {  	s3 =	sld [smem:$0x3FB2]  }
0x31: {  	[smem:$0x3FBB] =	sst s10  }
0x32: {  	s10 =	sld [smem:$0x3FB9];
	_ =	sdelay $0x3  }
0x33: {  	p0 =	seq.s32 s10, $0x1;
	s10 =	sld [smem:$0x3FBB];
	_ =	sdelay $0x3  }
0x34: {  	[smem:$0x3FBB] =	sst s10  }
0x35: {  	s10 =	sld [smem:$0x3FBA];
	_ =	sdelay $0x3  }
0x36: {  	p1 =	seq.s32 s10, $0x1;
	s10 =	sld [smem:$0x3FBB];
	_ =	sdelay $0x3  }
0x37: {  	[smem:$0x3FBB] =	sst s10  }
0x38: {  	s10 =	sld [smem:$0x3FBC]  }
0x39: {  	_ = 	snop;
	(pc) =	sbr.ind lr, $3  }
0x3a: {  	_ = 	snop  }
0x3b: {  	_ = 	snop  }
0x3c: {  	p2 =	seq.s32 s10, $0x1;
	s10 =	sld [smem:$0x3FBB]  }
0x3d: {  	_ =	shalt  }
0x3e: {  	_ =	shalt  }
0x3f: {  	_ =	shalt  }
0x40: {  	_ =	shalt  }
0x41: {  	_ =	shalt  }
0x42: {  	_ =	shalt  }
0x43: {  	_ =	shalt  }
0x44: {  	_ =	shalt  }
0x45: {  	_ =	shalt  }
0x46: {  	_ =	shalt  }
0x47: {  	_ =	shalt  }
0x48: {  	_ =	shalt  }
0x49: {  	_ =	shalt  }
0x4a: {  	_ =	shalt  }
0x4b: {  	_ =	shalt  }
0x4c: {  	_ =	shalt  }
0x4d: {  	_ =	shalt  }
0x4e: {  	_ =	shalt  }
0x4f: {  	_ =	shalt  }
0x50: {  	_ =	shalt  }
0x51: {  	_ =	shalt  }
0x52: {  	_ =	shalt  }
0x53: {  	_ =	shalt  }
0x54: {  	_ =	shalt  }
0x55: {  	_ =	shalt  }
0x56: {  	_ =	shalt  }
0x57: {  	_ =	shalt  }
0x58: {  	_ =	shalt  }
0x59: {  	_ =	shalt  }
0x5a: {  	_ =	shalt  }
0x5b: {  	_ =	shalt  }
0x5c: {  	_ =	shalt  }
0x5d: {  	_ =	shalt  }
0x5e: {  	_ =	shalt  }
0x5f: {  	_ =	shalt  }
0x60: {  	_ =	shalt  }
0x61: {  	_ =	shalt  }
0x62: {  	_ =	shalt  }
0x63: {  	_ =	shalt  }
0x64: {  	_ =	shalt  }
0x65: {  	_ =	shalt  }
0x66: {  	_ =	shalt  }
0x67: {  	_ =	shalt  }
0x68: {  	_ =	shalt  }
0x69: {  	_ =	shalt  }
0x6a: {  	_ =	shalt  }
0x6b: {  	_ =	shalt  }
0x6c: {  	_ =	shalt  }
0x6d: {  	_ =	shalt  }
0x6e: {  	_ =	shalt  }
0x6f: {  	_ =	shalt  }
0x70: {  	_ =	shalt  }
0x71: {  	_ =	shalt  }
0x72: {  	_ =	shalt  }
0x73: {  	_ =	shalt  }
0x74: {  	_ =	shalt  }
0x75: {  	_ =	shalt  }
0x76: {  	_ =	shalt  }
0x77: {  	_ =	shalt  }
0x78: {  	_ =	shalt  }
0x79: {  	_ =	shalt  }
0x7a: {  	_ =	shalt  }
0x7b: {  	_ =	shalt  }
0x7c: {  	_ =	shalt  }
0x7d: {  	_ =	shalt  }
0x7e: {  	_ =	shalt  }
0x7f: {  	_ =	shalt  }
0x80: {  	_ =	shalt  }
0x81: {  	_ =	shalt  }
0x82: {  	_ =	shalt  }
0x83: {  	_ =	shalt  }
0x84: {  	_ =	shalt  }
0x85: {  	_ =	shalt  }
0x86: {  	_ =	shalt  }
0x87: {  	_ =	shalt  }
.Lfunc_end0:
.L_simem_size_0:
called_computation_lowered:
.L_overlay_start_0:
0x88: {  	s2 =	sld [smem:$0x3FD9]  }
0x89: {  	s3 =	sld [smem:$0x3FFE];
	_ =	sdelay $0x1  }
0x8a: {  	s1 =	srdreg.scid  }
0x8b: {  	s0 =	sand.u32 $0x1, s1  }
0x8c: {  	s15 =	sshll.u32 s0, $0xA;
	s2 =	sadd.s32 s3, s2  }
0x8d: {  	s2 =	sadd.s32 s2, s15  }
0x8e: {  	[smem:$0x3FC7] =	sst s2  }
0x8f: {  	_ = 	snop  }
0x90: {  	s2 =	sld [smem:$0x3FD0];
	_ =	sdelay $0x2  }
0x91: {  	s16 =	simm.s32 $0xA;
	s4 =	simm.s32 $0x10  }
0x92: {  	[smem:s4], [sflag:s16] =	dma.local [hbm:s2], $0x1  }
0x93: {  	_ =	swait.eq [sflag:s16], $0x1  }
0x94: {  	s17 =	sld [smem:$0x10];
	[sflag:s16] =	ssyncset.done $0x0  }
0x95: {  	s18 =	sld [smem:$0x11];
	[sflag:s16] =	ssyncadd.s32 $0xFFFFFFFF  }
0x96: {  	s19 =	sld [smem:$0x12];
	(tm) =	ssettm $0x1  }
0x97: {  	s5 =	sld [smem:$0x3FFB];
	_ =	sdelay $0x3  }
0x98: {  	_ =	strace s5  }
0x99: {  	s5 =	sld [smem:$0x3FFC];
	_ =	sdelay $0x3  }
0x9a: {  	_ =	strace s5  }
0x9b: {  	s5 =	sld [smem:$0x3FFD];
	_ =	sdelay $0x3  }
0x9c: {  	_ =	strace s5  }
0x9d: {  	_ =	strace $0x8FFFFFFF  }
0x9e: {  	s20 =	sld [smem:$0x3FDB];
	_ =	sdelay $0x1  }
0x9f: {  	s6 =	simm.s32 $_scs_section_size  }
0xa0: {  	s7 =	simm.s32 $_size__tile_overlayer_lowered;
	s8 =	simm.s32 $_tile_overlayer_lowered  }
0xa1: {  	s23 =	simm.s32 $0x1BFF;
	s22 =	sshll.u32 s8, $0x1;
	s5 =	sadd.s32 s6, s20  }
0xa2: {  	s9 =	simm.s32 $0x0;
	s21 =	sshll.u32 s7, $0x1;
	s7 =	sadd.s32 s22, s5  }
0xa3: {  	[timem:s9], [sflag:s23] =	dma.local [hbm:s7], s21  }
0xa4: {  	_ =	swait.ge [sflag:s23], s21  }
0xa5: {  	s6 =	ssub.s32 $0x0, s21;
	[sflag:s23] =	ssyncset.done $0x0  }
0xa6: {  	[sflag:s23] =	ssyncadd.s32 s6;
	_ =	sdelay $0x1  }
0xa7: {  	s24 =	simm.s32 $0x1B8B  }
0xa8: {  	_ =	swait.ge [sflag:s24], $0x1  }
0xa9: {  	[sflag:s24] =	ssyncset.done $0x0  }
0xaa: {  	s25 =	simm.s32 $0x1B8E;
	[sflag:s24] =	ssyncadd.s32 $0xFFFFFFFF  }
0xab: {  	s26 =	simm.s32 $execute0_lowered;
	[smem:$0x3FD2] =	sst s25  }
0xac: {  	s6 =	sshll.u32 s26, $0x1;
	_ =	strace $0x80000049;
	[dreg:$0x1] =	wrdreg $0xFFFFFFFF  }
0xad: {  	s28 =	simm.s32 $_size_execute0_lowered;
	s5 =	sadd.s32 s5, s6;
	[dreg:$0x0] =	wrdreg $0x0  }
0xae: {  	s6 =	sshll.u32 s28, $0x1;
	[dreg:$0x2] =	wrdreg s5  }
0xaf: {  	[dreg:$0x3] =	wrdreg s6  }
0xb0: {  	[dreg:$0x4] =	wrdreg $0xC0  }
0xb1: {  	_ =	task [dreg:s9], $0x5FFFF  }
0xb2: {  	[dreg:$0x1] =	wrdreg $0xFFFFFFFF  }
0xb3: {  	[dreg:$0x0] =	wrdreg $0x60  }
0xb4: {  	[dreg:$0x2] =	wrdreg s19  }
0xb5: {  	[dreg:$0x3] =	wrdreg s18  }
0xb6: {  	[dreg:$0x4] =	wrdreg s17  }
0xb7: {  	[dreg:$0x5] =	wrdreg $0x9  }
0xb8: {  	_ =	task.clear_ibuf [dreg:s9], $0x6FFFF;
	_ =	strace $0x90000049  }
0xb9: {  	s29 =	simm.s32 $0x9;
	_ =	strace $0x8000004B  }
0xba: {  	_ =	swait.ge [sflag:s29], $0x1  }
0xbb: {  	[sflag:s29] =	ssyncadd.s32 $0xFFFFFFFF  }
0xbc: {  	_ =	strace $0x9000004B  }
0xbd: {  	_ =	sfence  }
0xbe: {  	s30 =	sld [smem:$0x0];
	_ =	sdelay $0x2  }
0xbf: {  	s31 =	sshll.u32 s1, $0xD;
	s1 =	sshrl.u32 s1, $0x2  }
0xc0: {  	s3 =	sand.u32 $0x4000, s31;
	s1 =	sadd.s32 s1, s30  }
0xc1: {  	s0 =	sor.u32 s3, s0;
	s1 =	sshll.u32 s1, $0x11  }
0xc2: {  	s0 =	sor.u32 s1, s0  }
0xc3: {  	s0 =	sadd.s32 $0x8F2B, s0  }
0xc4: {  	[sflag:s0] =	ssyncadd.remote.s32 $0x1  }
0xc5: {  	_ =	sfence.sel $0xFFFF  }
0xc6: {  	[dreg:$0x0] =	wrdreg $0xFFFFFFFF;
	(pc) =	sbr.abs _section_cstart, $3  }
0xc7: {  	[dreg:$0x1] =	wrdreg $0xFFFFFFFF  }
0xc8: {  	_ =	task.clear_ibuf [dreg:s9], $0x2FFFF;
	_ =	strace $0x9FFFFFFF  }
0xc9: {  	(tm) =	ssettm $0x7FFFFFFF  }
tec
execute0_lowered:
.L_overlay_start_1:
0x0: {  	(tag) =	ssettag $0x1  }
0x1: {  	s1 =	srdreg.scid;
	s2 =	rddreg [dreg:$0x0]  }
0x2: {  	s0 =	stileid.u32;
	s3 =	rddreg [dreg:$0x1]  }
0x3: {  	s4 =	rddreg [dreg:$0x2];
	s6 =	simm.s32 $0x1;
	s1 =	sshll.u32 s1, $0x9  }
0x4: {  	s9 =	simm.s32 $0x1;
	s5 =	sshll.u32 s0, $0xA;
	s1 =	sand.u32 $0x200, s1  }
0x5: {  	s10 =	simm.s32 $0x3;
	s13 =	simm.s32 $0x0;
	s5 =	sor.u32 s5, s1  }
0x6: {  	s12 =	simm.s32 $0x0;
	s1 =	rddreg [dreg:$0x3];
	s8 =	ssub.s32 $0x8000, s5  }
.Ltmp0:
0x7: {  	_ =	strace $0x8000004A;
	s7 =	sand.u32 $0x3E00, s8;
	(pc) =	sbr.rel .LBB2_1-.Ltmp0, $4  }
0x8: {  	[sflag:s6] =	ssyncpa.u1 $0x0;
	s11 =	smov.u32 s5;
	p0 =	sne.s32 s7, $0x0  }
0x9: {  	s8 =	sshrl.u32 s8, $0xE;
	s7 =	simm.s32 $0x2;
	s9 =	simm.s32 @!p0 $0x0  }
0xa: {  	[sflag:s7] =	ssyncpa.u1 $0x0;
	p0 =	por $0x0, $0x0;
	s8 =	sadd.s32 s9, s8  }
0xb: {  	vm0 =	vmmov $0xffff;
	[sflag:s10] =	ssyncpa.u1 $0x0;
	s10 =	simm.s32 $0x0;
	s9 =	sadd.s32 $0x1, s8  }
.LBB2_4:
0xc: {  	v5 =	vld.msk [tilespmem:s18+$0x0 ss:$0x1], $0xffff  }
0xd: {  	v6 =	vand.u32 $0x7, v1;
	v7 =	vshrl.u32 v1, $0x3  }
0xe: {  	v3 =	vor.u32 v4, v3;
	vm1 =	veq.s32 v1, $0x80000000;
	v53 =	vand.u32 $0xFFF, v7  }
0xf: {  	v2 =	vor.u32 v2, v3;
	v54 =	vsel vm1, $0xFFFFFFFF, v6;
	v1 =	vsel vm1, $0xFFFFFFFF, v53  }
0x10: {  	v6 =	vshll.u32 v54, $0x7;
	v3 =	vand.u32 $0xFFFF8000, v54;
	v55 =	vand.u32 $0x7F, v1  }
0x11: {  	v1 =	vshll.u32 v1, $0x3;
	v6 =	vand.u32 $0x380, v6;
	v56 =	vshrl.u32 v5, $0x3  }
0x12: {  	v1 =	vand.u32 $0xFFFFFC00, v1;
	vm1 =	veq.s32 v5, $0x80000000;
	v57 =	vand.u32 $0xFFF, v56  }
0x13: {  	v1 =	vadd.s32 v3, v1;
	v5 =	vand.u32 $0x7, v5;
	v3 =	vsel vm1, $0xFFFFFFFF, v57  }
0x14: {  	v1 =	vor.u32 v6, v1;
	v5 =	vsel vm1, $0xFFFFFFFF, v5;
	v58 =	vshll.u32 v3, $0x3  }
0x15: {  	v59 =	vshll.u32 v5, $0x7;
	v5 =	vand.u32 $0xFFFF8000, v5;
	v6 =	vand.u32 $0xFFFFFC00, v58  }
0x16: {  	v1 =	vor.u32 v55, v1;
	v61 =	vand.u32 $0x380, v59;
	v60 =	vadd.s32 v5, v6  }
0x17: {  	[tilespmem:s16], [sflag:$0x1] =	stream.indirect_vreg.gather [hbm4b:s2+s10], $0x1, v0, vm0, $0x4038;
	v62 =	vand.u32 $0x7F, v3;
	v63 =	vor.u32 v61, v60;
	[tilespmem:$0x800] =	vst v63  }
0x18: {  	(ifvalue) =	ssetifvalue $0x7FFFFFFF;
	v0 =	vor.u32 v62, v63  }
0x19: {  	[tilespmem:s15], [sflag:$0x1] =	stream.indirect_vreg.gather [hbm4b:s2+s10], $0x1, v2, vm0, $0x4038;
	[tilespmem:$0x800] =	vst v63  }
0x1a: {  	s29 =	sadd.s32 $0x10, s15;
	(ifvalue) =	ssetifvalue $0x7FFFFFFF  }
0x1b: {  	[tilespmem:s29], [sflag:$0x1] =	stream.indirect_vreg.gather [hbm4b:s2+s10], $0x1, v1, vm0, $0x4038;
	[tilespmem:$0x800] =	vst v63  }
0x1c: {  	s15 =	sadd.s32 $0x10, s29;
	(ifvalue) =	ssetifvalue $0x7FFFFFFF  }
0x1d: {  	[tilespmem:s15], [sflag:$0x1] =	stream.indirect_vreg.gather [hbm4b:s2+s10], $0x1, v0, vm0, $0x4038;
	[tilespmem:$0x800] =	vst v63  }
0x1e: {  	_ =	swait.ge [sflag:s6], $0x200  }
0x1f: {  	s30 =	sshrl.u32 s13, $0x3;
	[sflag:s6] =	ssyncset.done $0x0  }
0x20: {  	s31 =	sand.u32 $0x7, s13;
	s15 =	sadd.s32 s4, s30;
	[sflag:s6] =	ssyncadd.s32 $0xFFFFFE00  }
0x21: {  	[hbm4b:s15+s31] =	stream.linear.scatter [tilespmem:s14], [sflag:$0x3], $0x200, $0x38;
	[tilespmem:$0x800] =	vst v63  }
.LBB2_5:
0x22: {  	s15 =	sadd.s32 $0x4000, s11  }
0x23: {  	p2 =	sgt.s32 s15, $0x7FFF  }
0x24: {  	s15 =	smov.u32 @p2 s5;
	p2 =	sne.s32 s12, s9  }
.Ltmp1:
0x25: {  	p1 =	slt.u32 s12, $0x2;
	(pc) =	sbr.rel @!p2 .LBB2_6-.Ltmp1, $4  }
0x26: {  	s14 =	simm.s32 @!p1 $0x3  }
0x27: {  	s16 =	sadd.s32 $0x1, s12;
	_ =	swait.ge @!p1 [sflag:s14], $0x200  }
0x28: {  	s13 =	smov.u32 s11;
	p0 =	por !p0, !p0;
	[sflag:s14] =	ssyncset.done @!p1 $0x0  }
0x29: {  	s12 =	smov.u32 s16;
	s11 =	smov.u32 s15;
	[sflag:s14] =	ssyncadd.s32 @!p1 $0xFFFFFE00  }
.LBB2_1:
0x2a: {  	p1 =	sge.u32 s12, s8  }
0x2b: {  	s14 =	sxor.u32 @!p1 $0xFFFFFFFF, s12  }
0x2c: {  	s31 =	sadd.s32 $0xFFFFFFFF, s12;
	s15 =	sshrl.u32 @!p1 s11, $0x3;
	s14 =	sshll.u32 @!p1 s14, $0x9  }
0x2d: {  	s16 =	sand.u32 @!p1 $0x7, s11;
	s15 =	sadd.s32 @!p1 s3, s15;
	s14 =	sand.u32 @!p1 $0x200, s14  }
0x2e: {  	[tilespmem:s14], [sflag:$0x2] =	stream.linear.gather @!p1 [hbm4b:s15+s16], $0x200, $0x38;
	[tilespmem:$0x800] =	vst v63  }
0x2f: {  	p1 =	sge.u32 s31, s8  }
.Ltmp2:
0x30: {  	_ = 	snop;
	(pc) =	sbr.rel @p1 .LBB2_5-.Ltmp2, $1  }
0x31: {  	_ =	sdelay $0x3  }
0x32: {  	s14 =	simm.s32 $0x1  }
0x33: {  	_ =	swait.ge [sflag:s7], $0x200;
	s14 =	simm.s32 @!p0 $0x0  }
0x34: {  	[sflag:s7] =	ssyncset.done $0x0;
	s14 =	sshll.u32 s14, $0x9  }
0x35: {  	[sflag:s7] =	ssyncadd.s32 $0xFFFFFE00;
	(ifvalue) =	ssetifvalue $0x7FFFFFFF;
	v0 =	vld.msk [tilespmem:s14+$0x0 ss:$0x1], $0xffff;
	_ =	sdelay $0x4  }
0x36: {  	s15 =	sadd.s32 $0x10, s14;
	v2 =	vshrl.u32 v0, $0x3  }
0x37: {  	v1 =	vld.msk [tilespmem:s15+$0x0 ss:$0x1], $0xffff;
	vm1 =	veq.s32 v0, $0x80000000;
	v2 =	vand.u32 $0xFFF, v2  }
0x38: {  	v0 =	vand.u32 $0x7, v0;
	v2 =	vsel vm1, $0xFFFFFFFF, v2  }
0x39: {  	v0 =	vsel vm1, $0xFFFFFFFF, v0;
	v3 =	vshll.u32 v2, $0x3  }
0x3a: {  	v4 =	vand.u32 $0xFFFF8000, v0;
	v0 =	vshll.u32 v0, $0x7;
	v3 =	vand.u32 $0xFFFFFC00, v3  }
0x3b: {  	v0 =	vand.u32 $0x380, v0;
	v3 =	vadd.s32 v4, v3  }
0x3c: {  	v2 =	vand.u32 $0x7F, v2;
	v4 =	vshrl.u32 v1, $0x3;
	v0 =	vor.u32 v0, v3  }
0x3d: {  	vm1 =	veq.s32 v1, $0x80000000;
	v4 =	vand.u32 $0xFFF, v4;
	v0 =	vor.u32 v2, v0  }
0x3e: {  	s16 =	sshll.u32 s12, $0x9;
	s15 =	sadd.s32 $0x10, s15;
	v1 =	vand.u32 $0x7, v1;
	v3 =	vsel vm1, $0xFFFFFFFF, v4  }
0x3f: {  	s17 =	sand.u32 $0x200, s16;
	v2 =	vsel vm1, $0xFFFFFFFF, v1;
	v1 =	vld.msk [tilespmem:s15+$0x0 ss:$0x1], $0xffff;
	v4 =	vshll.u32 v3, $0x3  }
0x40: {  	s16 =	sor.u32 $0x400, s14;
	s14 =	sor.u32 $0x400, s17;
	s17 =	simm.s32 $0x30;
	v5 =	vshll.u32 v2, $0x7;
	v6 =	vand.u32 $0xFFFF8000, v2;
	v4 =	vand.u32 $0xFFFFFC00, v4  }
0x41: {  	s18 =	sadd.s32 $0x10, s15;
	(ifvalue) =	ssetifvalue $0x7FFFFFFF;
	s15 =	sadd.s32 $0x10, s16;
	v2 =	vand.u32 $0x7F, v3;
	v3 =	vadd.s32 v6, v4;
	v4 =	vand.u32 $0x380, v5  }
.LBB2_3:
0x42: {  	[tilespmem:s16], [sflag:$0x1] =	stream.indirect_vreg.gather [hbm4b:s2+s10], $0x1, v0, vm0, $0x4038;
	[tilespmem:$0x800] =	vst v63  }
0x43: {  	s17 =	sadd.s32 $0x10, s17  }
0x44: {  	v5 =	vand.u32 $0x7, v1;
	v6 =	vshrl.u32 v1, $0x3;
	v3 =	vor.u32 v4, v3;
	v0 =	vmovc v1;
	v1 =	vld.msk [tilespmem:s18+$0x0 ss:$0x1], $0xffff;
	p1 =	slt.u32 s17, $0x1F0  }
.Ltmp3:
0x45: {  	s16 =	smov.u32 s15;
	vm1 =	veq.s32 v0, $0x80000000;
	v4 =	vand.u32 $0xFFF, v6;
	v0 =	vor.u32 v2, v3;
	(pc) =	sbr.rel @p1 .LBB2_3-.Ltmp3, $4  }
0x46: {  	v3 =	vsel vm1, $0xFFFFFFFF, v5;
	v4 =	vsel vm1, $0xFFFFFFFF, v4  }
0x47: {  	v2 =	vand.u32 $0x7F, v4;
	v4 =	vshll.u32 v4, $0x3;
	v5 =	vshll.u32 v3, $0x7  }
0x48: {  	v3 =	vand.u32 $0xFFFF8000, v3;
	v4 =	vand.u32 $0xFFFFFC00, v4  }
0x49: {  	s18 =	sadd.s32 $0x10, s18;
	s15 =	sadd.s32 $0x10, s15;
	v3 =	vadd.s32 v3, v4;
	v4 =	vand.u32 $0x380, v5;
	(ifvalue) =	ssetifvalue $0x7FFFFFFF  }
.Ltmp4:
0x4a: {  	_ = 	snop;
	(pc) =	sbr.rel .LBB2_4-.Ltmp4, $1  }
0x4b: {  	_ =	sdelay $0x3  }
.LBB2_6:
0x4c: {  	_ =	sfence.sel $0x180000  }
0x4d: {  	s2 =	simm.s32 $0x2;
	[bflag:$0x0] =	sbarrier.arrive $0xFFFF  }
0x4e: {  	s30 =	simm.s32 $0x3;
	[sflag:s2] =	ssyncpa.u1 $0x1  }
0x4f: {  	s31 =	simm.s32 $0x1;
	[sflag:s30] =	ssyncpa.u1 $0x1  }
0x50: {  	[sflag:s31] =	ssyncpa.u1 $0x1  }
0x51: {  	p0 =	sne.s32 s0, $0x0;
	_ =	strace $0x9000004A  }
0x52: {  	s0 =	sadd.s32 @!p0 $0x100000, s1;
	[bflag:$0x2] =	sbarrier.arrive $0xFFFF  }
0x53: {  	[sflag:s0] =	ssyncadd.tile.s32 @!p0 $0x1;
	_ =	shalt  }
.Lfunc_end2:
_tile_overlayer_lowered:
.L_overlay_start_2:
0x54: {  	(tag) =	ssettag $0x2  }
0x55: {  	s0 =	rddreg [dreg:$0x0];
	s2 =	stileid.u32  }
0x56: {  	s1 =	rddreg [dreg:$0x1];
	p0 =	sne.s32 s2, $0x0  }
0x57: {  	s3 =	rddreg [dreg:$0x2];
	[bflag:$0x3] =	sbarrier.arrive $0xFFFF;
	s2 =	simm.s32 @!p0 $0x1C01  }
0x58: {  	[timem:s3], [sflag:s2] =	dma.local @!p0 [hbm:s0], s1  }
0x59: {  	s0 =	simm.s32 @!p0 $0x1  }
0x5a: {  	_ =	swait.ge @!p0 [sflag:s0], s1  }
0x5b: {  	s1 =	ssub.s32 @!p0 $0x0, s1;
	[sflag:s0] =	ssyncset.done @!p0 $0x0  }
0x5c: {  	[sflag:s0] =	ssyncadd.s32 @!p0 s1  }
0x5d: {  	[bflag:$0x3] =	sbarrier.arrive $0xFFFF  }
0x5e: {  	_ =	shalt  }

// kernel: kernel.5.cloned.1.call-start
scs
__scs_entry_jumppad:
0x0: {  	(pc) =	sbr.rel $0x88, $3  }
0x1: {  	(tag) =	ssettag $0x0;
	lr =	simm.s32 $0x1  }
0x2: {  	[smem:$0x3FA0] =	sst lr;
	_ =	strace $0xD0000000  }
0x3: {  	_ = 	snop  }
0x4: {  	_ = 	snop  }
0x5: {  	_ = 	snop  }
0x6: {  	_ = 	snop  }
0x7: {  	_ = 	snop  }
__scs_overlays_trampoline_lowered:
0x8: {  	[smem:$0x3FAF] =	sst s0  }
0x9: {  	[smem:$0x3FB0] =	sst s1  }
0xa: {  	[smem:$0x3FB1] =	sst s2  }
0xb: {  	[smem:$0x3FB2] =	sst s3  }
0xc: {  	[smem:$0x3FB3] =	sst s4  }
0xd: {  	[smem:$0x3FB4] =	sst s5  }
0xe: {  	[smem:$0x3FB5] =	sst s6  }
0xf: {  	[smem:$0x3FB6] =	sst s7  }
0x10: {  	[smem:$0x3FB7] =	sst s8  }
0x11: {  	[smem:$0x3FB8] =	sst s9;
	s0 =	simm.s32 @!p0 $0x0  }
0x12: {  	s1 =	sld [smem:$0x3F9E];
	s0 =	simm.s32 @p0 $0x1  }
0x13: {  	[smem:$0x3FB9] =	sst s0;
	s0 =	simm.s32 @!p1 $0x0  }
0x14: {  	s2 =	sld [smem:$0x3F9D];
	s0 =	simm.s32 @p1 $0x1  }
0x15: {  	[smem:$0x3FBA] =	sst s0;
	s0 =	simm.s32 @!p2 $0x0  }
0x16: {  	s3 =	sld [smem:$0x3FDB];
	s0 =	simm.s32 @p2 $0x1  }
0x17: {  	s4 =	simm.s32 $0x1BF5;
	[smem:$0x3FBC] =	sst s0  }
0x18: {  	s0 =	sld [smem:$0x3F9F];
	_ =	swait.ge [sflag:s4], $0x0  }
0x19: {  	s7 =	sld [smem:$0x3FA0]  }
0x1a: {  	s8 =	sadd.s32 $0xFFFFE003, lr  }
0x1b: {  	s9 =	sadd.s32 $0xFFFFFEF7, lr;
	s5 =	simm.s32 $0xFFFFFFFF;
	p2 =	slt.u32 s8, $0xFFFFF086  }
0x1c: {  	p1 =	slt.u32 s9, $0xF7A;
	s5 =	simm.s32 @!p2 $0x0  }
0x1d: {  	s5 =	simm.s32 @p1 $0x1;
	p0 =	seq.s32 s7, s2  }
0x1e: {  	s7 =	smul.u32 @!p0 $0xF7A, s2;
	p2 =	seq.s32 @!p0 s5, $0x0  }
0x1f: {  	s9 =	smul.u32 $0xF7A, s1;
	s8 =	simm.s32 @!p0 $0x1BF5;
	p2 =	por !p2, p0  }
0x20: {  	[sflag:s8] =	ssyncset.s32 @!p0 $0xFFFFF086;
	s6 =	sadd.s32 @!p0 s3, s7;
	s7 =	simm.s32 @!p0 $0x108  }
0x21: {  	s3 =	sadd.s32 s3, s9;
	s6 =	sadd.s32 @!p0 $0x88, s6;
	s7 =	simm.s32 @p2 $0x1082  }
0x22: {  	[simem:s7], [sflag:s8] =	dma.local @!p0 [hbm:s6], $0xF7A  }
0x23: {  	s9 =	sor.u32 $0xD0000000, s2;
	s6 =	simm.s32 $0x108;
	_ =	swait.ge @!p0 [sflag:s8], $0x0  }
0x24: {  	s3 =	sadd.s32 $0x88, s3;
	s6 =	simm.s32 @!p1 $0x1082;
	[sflag:s4] =	ssyncset.s32 $0xFFFFF086  }
0x25: {  	[simem:s6], [sflag:s4] =	dma.local [hbm:s3], $0xF7A  }
0x26: {  	[smem:$0x3FA0] =	sst s1;
	(tag) =	ssettag s2;
	_ =	strace s9  }
0x27: {  	s1 =	sld [smem:$0x3FB0]  }
0x28: {  	s2 =	sld [smem:$0x3FB1]  }
0x29: {  	s4 =	sld [smem:$0x3FB3]  }
0x2a: {  	p0 =	seq.s32 s5, $0x0;
	s5 =	sld [smem:$0x3FB4]  }
0x2b: {  	s6 =	sld [smem:$0x3FB5]  }
0x2c: {  	s7 =	sld [smem:$0x3FB6]  }
0x2d: {  	s3 =	simm.s32 $0x108;
	s8 =	sld [smem:$0x3FB7]  }
0x2e: {  	s3 =	simm.s32 @!p0 $0x1082;
	s9 =	sld [smem:$0x3FB8]  }
0x2f: {  	lr =	sadd.s32 s0, s3;
	s0 =	sld [smem:$0x3FAF]  }
0x30: {  	s3 =	sld [smem:$0x3FB2]  }
0x31: {  	[smem:$0x3FBB] =	sst s10  }
0x32: {  	s10 =	sld [smem:$0x3FB9];
	_ =	sdelay $0x3  }
0x33: {  	p0 =	seq.s32 s10, $0x1;
	s10 =	sld [smem:$0x3FBB];
	_ =	sdelay $0x3  }
0x34: {  	[smem:$0x3FBB] =	sst s10  }
0x35: {  	s10 =	sld [smem:$0x3FBA];
	_ =	sdelay $0x3  }
0x36: {  	p1 =	seq.s32 s10, $0x1;
	s10 =	sld [smem:$0x3FBB];
	_ =	sdelay $0x3  }
0x37: {  	[smem:$0x3FBB] =	sst s10  }
0x38: {  	s10 =	sld [smem:$0x3FBC]  }
0x39: {  	_ = 	snop;
	(pc) =	sbr.ind lr, $3  }
0x3a: {  	_ = 	snop  }
0x3b: {  	_ = 	snop  }
0x3c: {  	p2 =	seq.s32 s10, $0x1;
	s10 =	sld [smem:$0x3FBB]  }
0x3d: {  	_ =	shalt  }
0x3e: {  	_ =	shalt  }
0x3f: {  	_ =	shalt  }
0x40: {  	_ =	shalt  }
0x41: {  	_ =	shalt  }
0x42: {  	_ =	shalt  }
0x43: {  	_ =	shalt  }
0x44: {  	_ =	shalt  }
0x45: {  	_ =	shalt  }
0x46: {  	_ =	shalt  }
0x47: {  	_ =	shalt  }
0x48: {  	_ =	shalt  }
0x49: {  	_ =	shalt  }
0x4a: {  	_ =	shalt  }
0x4b: {  	_ =	shalt  }
0x4c: {  	_ =	shalt  }
0x4d: {  	_ =	shalt  }
0x4e: {  	_ =	shalt  }
0x4f: {  	_ =	shalt  }
0x50: {  	_ =	shalt  }
0x51: {  	_ =	shalt  }
0x52: {  	_ =	shalt  }
0x53: {  	_ =	shalt  }
0x54: {  	_ =	shalt  }
0x55: {  	_ =	shalt  }
0x56: {  	_ =	shalt  }
0x57: {  	_ =	shalt  }
0x58: {  	_ =	shalt  }
0x59: {  	_ =	shalt  }
0x5a: {  	_ =	shalt  }
0x5b: {  	_ =	shalt  }
0x5c: {  	_ =	shalt  }
0x5d: {  	_ =	shalt  }
0x5e: {  	_ =	shalt  }
0x5f: {  	_ =	shalt  }
0x60: {  	_ =	shalt  }
0x61: {  	_ =	shalt  }
0x62: {  	_ =	shalt  }
0x63: {  	_ =	shalt  }
0x64: {  	_ =	shalt  }
0x65: {  	_ =	shalt  }
0x66: {  	_ =	shalt  }
0x67: {  	_ =	shalt  }
0x68: {  	_ =	shalt  }
0x69: {  	_ =	shalt  }
0x6a: {  	_ =	shalt  }
0x6b: {  	_ =	shalt  }
0x6c: {  	_ =	shalt  }
0x6d: {  	_ =	shalt  }
0x6e: {  	_ =	shalt  }
0x6f: {  	_ =	shalt  }
0x70: {  	_ =	shalt  }
0x71: {  	_ =	shalt  }
0x72: {  	_ =	shalt  }
0x73: {  	_ =	shalt  }
0x74: {  	_ =	shalt  }
0x75: {  	_ =	shalt  }
0x76: {  	_ =	shalt  }
0x77: {  	_ =	shalt  }
0x78: {  	_ =	shalt  }
0x79: {  	_ =	shalt  }
0x7a: {  	_ =	shalt  }
0x7b: {  	_ =	shalt  }
0x7c: {  	_ =	shalt  }
0x7d: {  	_ =	shalt  }
0x7e: {  	_ =	shalt  }
0x7f: {  	_ =	shalt  }
0x80: {  	_ =	shalt  }
0x81: {  	_ =	shalt  }
0x82: {  	_ =	shalt  }
0x83: {  	_ =	shalt  }
0x84: {  	_ =	shalt  }
0x85: {  	_ =	shalt  }
0x86: {  	_ =	shalt  }
0x87: {  	_ =	shalt  }
.Lfunc_end0:
.L_simem_size_0:
called_computation.1_lowered:
.L_overlay_start_0:
0x88: {  	s2 =	sld [smem:$0x3FD9]  }
0x89: {  	s3 =	sld [smem:$0x3FFE];
	_ =	sdelay $0x1  }
0x8a: {  	s1 =	srdreg.scid  }
0x8b: {  	s0 =	sand.u32 $0x1, s1  }
0x8c: {  	s16 =	sshll.u32 s0, $0xA;
	s2 =	sadd.s32 s3, s2  }
0x8d: {  	s2 =	sadd.s32 s2, s16  }
0x8e: {  	[smem:$0x3FC7] =	sst s2  }
0x8f: {  	_ = 	snop  }
0x90: {  	(tm) =	ssettm $0x1  }
0x91: {  	s17 =	sld [smem:$0x3FFB];
	_ =	sdelay $0x3  }
0x92: {  	_ =	strace s17  }
0x93: {  	s2 =	sld [smem:$0x3FFC];
	_ =	sdelay $0x3  }
0x94: {  	_ =	strace s2  }
0x95: {  	s2 =	sld [smem:$0x3FFD];
	_ =	sdelay $0x3  }
0x96: {  	_ =	strace s2  }
0x97: {  	_ =	strace $0x8FFFFFFF  }
0x98: {  	s18 =	sld [smem:$0x3FDB];
	_ =	sdelay $0x1  }
0x99: {  	s19 =	simm.s32 $_scs_section_size  }
0x9a: {  	s4 =	simm.s32 $_size__tile_overlayer_lowered;
	s5 =	simm.s32 $_tile_overlayer_lowered  }
0x9b: {  	s22 =	simm.s32 $0x1BFF;
	s21 =	sshll.u32 s5, $0x1;
	s2 =	sadd.s32 s19, s18  }
0x9c: {  	s6 =	simm.s32 $0x0;
	s20 =	sshll.u32 s4, $0x1;
	s4 =	sadd.s32 s21, s2  }
0x9d: {  	[timem:s6], [sflag:s22] =	dma.local [hbm:s4], s20  }
0x9e: {  	_ =	swait.ge [sflag:s22], s20  }
0x9f: {  	s3 =	ssub.s32 $0x0, s20;
	[sflag:s22] =	ssyncset.done $0x0  }
0xa0: {  	[sflag:s22] =	ssyncadd.s32 s3;
	_ =	sdelay $0x1  }
0xa1: {  	s23 =	simm.s32 $0x1B8B  }
0xa2: {  	_ =	swait.ge [sflag:s23], $0x1  }
0xa3: {  	[sflag:s23] =	ssyncset.done $0x0  }
0xa4: {  	s25 =	simm.s32 $0x1B8E;
	s24 =	sld [smem:$0x3FFE];
	[sflag:s23] =	ssyncadd.s32 $0xFFFFFFFF  }
0xa5: {  	s26 =	simm.s32 $execute0_lowered;
	[smem:$0x3FD2] =	sst s25  }
0xa6: {  	s4 =	sshll.u32 s26, $0x1;
	_ =	strace $0x80000046;
	[dreg:$0x1] =	wrdreg $0xFFFFFFFF  }
0xa7: {  	s28 =	simm.s32 $_size_execute0_lowered;
	s2 =	sadd.s32 s2, s4;
	[dreg:$0x0] =	wrdreg $0x0  }
0xa8: {  	s4 =	sshll.u32 s28, $0x1;
	[dreg:$0x2] =	wrdreg s2  }
0xa9: {  	[dreg:$0x3] =	wrdreg s4  }
0xaa: {  	[dreg:$0x4] =	wrdreg $0xC0  }
0xab: {  	_ =	task [dreg:s6], $0x5FFFF  }
0xac: {  	[dreg:$0x1] =	wrdreg $0xFFFFFFFF  }
0xad: {  	[dreg:$0x0] =	wrdreg $0x60  }
0xae: {  	[dreg:$0x2] =	wrdreg s24  }
0xaf: {  	[dreg:$0x3] =	wrdreg $0x13E000  }
0xb0: {  	[dreg:$0x4] =	wrdreg $0x142000  }
0xb1: {  	[dreg:$0x5] =	wrdreg $0x9  }
0xb2: {  	_ =	task.clear_ibuf [dreg:s6], $0x6FFFF;
	_ =	strace $0x90000046  }
0xb3: {  	s29 =	simm.s32 $0x9;
	_ =	strace $0x80000048  }
0xb4: {  	_ =	swait.ge [sflag:s29], $0x1  }
0xb5: {  	[sflag:s29] =	ssyncadd.s32 $0xFFFFFFFF  }
0xb6: {  	_ =	strace $0x90000048  }
0xb7: {  	_ =	sfence  }
0xb8: {  	s30 =	sld [smem:$0x0];
	_ =	sdelay $0x2  }
0xb9: {  	s31 =	sshll.u32 s1, $0xD;
	s1 =	sshrl.u32 s1, $0x2  }
0xba: {  	s3 =	sand.u32 $0x4000, s31;
	s1 =	sadd.s32 s1, s30  }
0xbb: {  	s0 =	sor.u32 s3, s0;
	s1 =	sshll.u32 s1, $0x11  }
0xbc: {  	s0 =	sor.u32 s1, s0  }
0xbd: {  	s0 =	sadd.s32 $0x8F2B, s0  }
0xbe: {  	[sflag:s0] =	ssyncadd.remote.s32 $0x1  }
0xbf: {  	_ =	sfence.sel $0xFFFF  }
0xc0: {  	[dreg:$0x0] =	wrdreg $0xFFFFFFFF;
	(pc) =	sbr.abs _section_cstart, $3  }
0xc1: {  	[dreg:$0x1] =	wrdreg $0xFFFFFFFF  }
0xc2: {  	_ =	task.clear_ibuf [dreg:s6], $0x2FFFF;
	_ =	strace $0x9FFFFFFF  }
0xc3: {  	(tm) =	ssettm $0x7FFFFFFF  }
tec
execute0_lowered:
.L_overlay_start_1:
0x0: {  	(tag) =	ssettag $0x1  }
0x1: {  	s0 =	rddreg [dreg:$0x0]  }
0x2: {  	s1 =	rddreg [dreg:$0x1]  }
0x3: {  	s2 =	rddreg [dreg:$0x2]  }
0x4: {  	s3 =	simm.s32 $0x0;
	s24 =	srdreg.scid;
	s25 =	stileid.u32  }
0x5: {  	s17 =	simm.s32 $0x10000;
	s18 =	simm.s32 $0x10400;
	[smem:$0x7FF] =	sst s3  }
0x6: {  	s23 =	sadd.s32 $0x40000, s0;
	s4 =	sadd.s32 $0x45000, s0;
	s3 =	sand.u32 $0x1, s24  }
0x7: {  	s13 =	sshrl.u32 s25, $0x2;
	s19 =	sand.u32 $0x3, s25;
	s16 =	sshll.u32 s25, $0xC  }
0x8: {  	s28 =	sshll.u32 s25, $0x4;
	_ =	strace $0x80000047;
	[dreg:$0x4] =	wrdreg s23  }
0x9: {  	s25 =	simm.s32 $0x0;
	[dreg:$0x5] =	wrdreg s4;
	s5 =	ssub.s32 $0x2, s3  }
0xa: {  	s6 =	sshll.u32 s3, $0x2;
	s26 =	sshll.u32 s13, $0xC;
	s9 =	sshrl.u32 s16, $0x2  }
0xb: {  	s29 =	sshll.u32 s13, $0x6;
	s30 =	sshll.u32 s3, $0x10;
	p0 =	seq.s32 s19, $0x3  }
0xc: {  	p1 =	sgt.u32 s19, $0x1;
	s7 =	sshrl.u32 s5, $0x1;
	s14 =	sor.u32 s13, s6  }
0xd: {  	s15 =	ssub.s32 s5, s7;
	s5 =	sshll.u32 s19, $0x10;
	s6 =	sshll.u32 s14, $0x12  }
0xe: {  	p2 =	seq.s32 s19, $0x0;
	s13 =	sadd.s32 s29, s2;
	s6 =	sor.u32 s5, s6  }
0xf: {  	s31 =	sor.u32 s30, s16;
	s16 =	simm.s32 $0x1;
	s8 =	sshrl.u32 s6, $0x3  }
0x10: {  	v0 =	vlaneseq.u32;
	v2 =	vimm.s32 $0x0;
	s14 =	sshll.u32 s14, $0xC;
	s15 =	smax.u32 s15, $0x1;
	s0 =	sadd.s32 s0, s8  }
0x11: {  	v3 =	vimm.s32 $0x1;
	vm0 =	vmxor vm0, vm0;
	v4 =	vmul.u32 $0xFFFFFFFF, v0;
	s6 =	sadd.s32 s26, s1;
	[dreg:$0x6] =	wrdreg s0;
	s0 =	sadd.s32 s28, s2  }
0x12: {  	vm1 =	vcmask $0x300;
	vm2 =	vcmask $0x704;
	vm3 =	vmmov $0x1;
	s8 =	sadd.s32 s9, s1;
	[dreg:$0x7] =	wrdreg s0;
	s0 =	sadd.s32 $0x8000, s31  }
0x13: {  	vm4 =	vcmask $0x308;
	v4 =	vadd.s32 $0xF, v4;
	s9 =	sadd.s32 $0x400, s6;
	s10 =	sadd.s32 $0x800, s6;
	s11 =	sadd.s32 $0xC00, s6;
	v1 =	vmov s0  }
.LBB2_1:
0x14: {  	s0 =	simm.s32 $0x0;
	s1 =	rddreg [dreg:$0x6]  }
0x15: {  	[tilespmem:s0], [sflag:$0x1] =	stream.linear.gather [hbm4b:s1+s0], $0x10000, $0x38;
	[tilespmem:$0x14210] =	vst v63  }
0x16: {  	_ =	swait.ge [sflag:s16], $0x10000  }
0x17: {  	[sflag:s16] =	ssyncset.done $0x0  }
0x18: {  	s0 =	simm.s32 $0x0;
	[sflag:s16] =	ssyncadd.s32 $0xFFFF0000  }
.LBB2_2:
0x19: {  	p3 =	sne.s32 s0, $0xFC0  }
.Ltmp0:
0x1a: {  	_ = 	snop;
	(pc) =	sbr.rel @p3 .LBB2_2-.Ltmp0, $3  }
0x1b: {  	_ =	sdelay $0x1  }
0x1c: {  	s1 =	sshra.s32 s0, $0x2  }
0x1d: {  	s0 =	sadd.s32 $0x40, s0;
	[tilespmem:s1+$0x10000] =	vst v2  }
0x1e: {  	s0 =	simm.s32 $0x0  }
.LBB2_4:
0x1f: {  	s1 =	sshra.s32 s0, $0x2  }
0x20: {  	v5 =	vld [tilespmem:s1+$0x0];
	_ =	sdelay $0x4  }
0x21: {  	v5 =	vshrl.u32 v5, $0x14;
	_ =	sdelay $0x4  }
0x22: {  	[tilespmem:v5+s17+$0x0] =	vst.idx.add.s32.msk $0xffff, v3  }
0x23: {  	v5 =	vld [tilespmem:s1+$0x10];
	_ =	sdelay $0x4  }
0x24: {  	p3 =	sne.s32 s0, $0x3FF80;
	v5 =	vshrl.u32 v5, $0x14  }
.Ltmp1:
0x25: {  	_ = 	snop;
	(pc) =	sbr.rel @p3 .LBB2_4-.Ltmp1, $2  }
0x26: {  	_ =	sdelay $0x2  }
0x27: {  	s0 =	sadd.s32 $0x80, s0;
	[tilespmem:v5+s17+$0x0] =	vst.idx.add.s32.msk $0xffff, v3  }
0x28: {  	[bflag:$0x0] =	sbarrier.arrive $0xFFFF  }
0x29: {  	[spmem:s8] =	stream.linear.scatter [tilespmem:s17], [sflag:$0x1], $0x400, $0x38;
	[tilespmem:$0x14210] =	vst v63  }
0x2a: {  	_ =	swait.ge [sflag:s16], $0x400  }
0x2b: {  	[sflag:s16] =	ssyncset.done $0x0  }
0x2c: {  	[sflag:s16] =	ssyncadd.s32 $0xFFFFFC00  }
0x2d: {  	s0 =	simm.s32 $0x40;
	s1 =	simm.s32 $0x0;
	[bflag:$0x0] =	sbarrier.arrive $0xFFFF  }
.LBB2_6:
0x2e: {  	p3 =	sne.s32 s0, $0xFC0;
	[tilespmem:s1+$0x10800] =	vst v2;
	s1 =	smov.u32 s0;
	s0 =	sadd.s32 $0x40, s0  }
.Ltmp2:
0x2f: {  	(pc) =	sbr.rel @p3 .LBB2_6-.Ltmp2, $2  }
0x30: {  	_ =	sdelay $0x2  }
0x31: {  	s1 =	sshra.s32 s1, $0x2  }
0x32: {  	[tilespmem:s1+$0x10800] =	vst v2  }
0x33: {  	[tilespmem:s18], [sflag:$0x1] =	stream.linear.gather [spmem:s6], $0x400, $0x38;
	[tilespmem:$0x14210] =	vst v63  }
0x34: {  	_ =	swait.ge [sflag:s16], $0x400  }
0x35: {  	[sflag:s16] =	ssyncset.done $0x0  }
0x36: {  	s0 =	simm.s32 $0x0;
	[sflag:s16] =	ssyncadd.s32 $0xFFFFFC00  }
0x37: {  	s1 =	simm.s32 $0x40;
	v5 =	vld [tilespmem:s0+$0x10400]  }
.LBB2_8:
0x38: {  	p3 =	sne.s32 s1, $0xFC0;
	v6 =	vld [tilespmem:s0+$0x10800];
	_ =	sdelay $0x1  }
.Ltmp3:
0x39: {  	(pc) =	sbr.rel @p3 .LBB2_8-.Ltmp3, $3  }
0x3a: {  	_ =	sdelay $0x1  }
0x3b: {  	s2 =	sshra.s32 s1, $0x2;
	v6 =	vadd.s32 v6, v5  }
0x3c: {  	s1 =	sadd.s32 $0x40, s1;
	v5 =	vld [tilespmem:s2+$0x10400];
	[tilespmem:s0+$0x10800] =	vst v6;
	s0 =	smov.u32 s2  }
0x3d: {  	v6 =	vld [tilespmem:s0+$0x10800];
	_ =	sdelay $0x4  }
0x3e: {  	v5 =	vadd.s32 v6, v5  }
0x3f: {  	[tilespmem:s0+$0x10800] =	vst v5  }
0x40: {  	[tilespmem:s18], [sflag:$0x1] =	stream.linear.gather [spmem:s9], $0x400, $0x38;
	[tilespmem:$0x14210] =	vst v63  }
0x41: {  	_ =	swait.ge [sflag:s16], $0x400  }
0x42: {  	[sflag:s16] =	ssyncset.done $0x0  }
0x43: {  	s0 =	simm.s32 $0x0;
	[sflag:s16] =	ssyncadd.s32 $0xFFFFFC00  }
0x44: {  	s1 =	simm.s32 $0x40;
	v5 =	vld [tilespmem:s0+$0x10400]  }
.LBB2_10:
0x45: {  	p3 =	sne.s32 s1, $0xFC0;
	v6 =	vld [tilespmem:s0+$0x10800];
	_ =	sdelay $0x1  }
.Ltmp4:
0x46: {  	(pc) =	sbr.rel @p3 .LBB2_10-.Ltmp4, $3  }
0x47: {  	_ =	sdelay $0x1  }
0x48: {  	s2 =	sshra.s32 s1, $0x2;
	v6 =	vadd.s32 v6, v5  }
0x49: {  	s1 =	sadd.s32 $0x40, s1;
	v5 =	vld [tilespmem:s2+$0x10400];
	[tilespmem:s0+$0x10800] =	vst v6;
	s0 =	smov.u32 s2  }
0x4a: {  	v6 =	vld [tilespmem:s0+$0x10800];
	_ =	sdelay $0x4  }
0x4b: {  	v5 =	vadd.s32 v6, v5  }
0x4c: {  	[tilespmem:s0+$0x10800] =	vst v5  }
0x4d: {  	[tilespmem:s18], [sflag:$0x1] =	stream.linear.gather [spmem:s10], $0x400, $0x38;
	[tilespmem:$0x14210] =	vst v63  }
0x4e: {  	_ =	swait.ge [sflag:s16], $0x400  }
0x4f: {  	[sflag:s16] =	ssyncset.done $0x0  }
0x50: {  	s0 =	simm.s32 $0x0;
	[sflag:s16] =	ssyncadd.s32 $0xFFFFFC00  }
0x51: {  	s1 =	simm.s32 $0x40;
	v5 =	vld [tilespmem:s0+$0x10400]  }
.LBB2_12:
0x52: {  	p3 =	sne.s32 s1, $0xFC0;
	v6 =	vld [tilespmem:s0+$0x10800];
	_ =	sdelay $0x1  }
.Ltmp5:
0x53: {  	(pc) =	sbr.rel @p3 .LBB2_12-.Ltmp5, $3  }
0x54: {  	_ =	sdelay $0x1  }
0x55: {  	s2 =	sshra.s32 s1, $0x2;
	v6 =	vadd.s32 v6, v5  }
0x56: {  	s1 =	sadd.s32 $0x40, s1;
	v5 =	vld [tilespmem:s2+$0x10400];
	[tilespmem:s0+$0x10800] =	vst v6;
	s0 =	smov.u32 s2  }
0x57: {  	v6 =	vld [tilespmem:s0+$0x10800];
	_ =	sdelay $0x4  }
0x58: {  	v5 =	vadd.s32 v6, v5  }
0x59: {  	p3 =	por $0x0, $0x0;
	[tilespmem:s0+$0x10800] =	vst v5  }
0x5a: {  	[tilespmem:s18], [sflag:$0x1] =	stream.linear.gather [spmem:s11], $0x400, $0x38;
	[tilespmem:$0x14210] =	vst v63  }
.Ltmp6:
0x5b: {  	_ = 	snop;
	(pc) =	sbr.rel @p3 .LBB2_15-.Ltmp6, $4  }
0x5c: {  	_ =	swait.ge [sflag:s16], $0x400  }
0x5d: {  	[sflag:s16] =	ssyncset.done $0x0  }
0x5e: {  	s0 =	simm.s32 $0x0;
	[sflag:s16] =	ssyncadd.s32 $0xFFFFFC00  }
0x5f: {  	s29 =	simm.s32 $0x0;
	s1 =	simm.s32 $0x40;
	v5 =	vld [tilespmem:s0+$0x10400]  }
.LBB2_14:
0x60: {  	p3 =	seq.s32 s1, $0xFC0;
	v6 =	vld [tilespmem:s0+$0x10800];
	_ =	sdelay $0x1  }
.Ltmp7:
0x61: {  	(pc) =	sbr.rel @!p3 .LBB2_14-.Ltmp7, $3  }
0x62: {  	_ =	sdelay $0x1  }
0x63: {  	s2 =	sshra.s32 s1, $0x2;
	v6 =	vadd.s32 v6, v5  }
0x64: {  	s1 =	sadd.s32 $0x40, s1;
	v5 =	vld [tilespmem:s2+$0x10400];
	[tilespmem:s0+$0x10800] =	vst v6;
	s0 =	smov.u32 s2  }
.LBB2_15:
0x65: {  	v6 =	vld [tilespmem:s0+$0x10800];
	_ =	sdelay $0x4  }
0x66: {  	v5 =	vadd.s32 v6, v5  }
0x67: {  	s24 =	simm.s32 $0x10BF0;
	[tilespmem:s0+$0x10800] =	vst v5  }
0x68: {  	v5 =	vld [tilespmem:s24+$0x0];
	_ =	sdelay $0x4  }
0x69: {  	v6 =	vperm.xlane v5, v4;
	_ =	sdelay $0x1  }
0x6a: {  	(xrf0) =	vadd.scan.msk.s32 $0xffff, v6;
	_ =	sdelay $0x5  }
0x6b: {  	v7, _, _ =	vpop (xrf0)  }
0x6c: {  	p3 =	por $0x1, $0x1;
	vm5 =	vmmov vm0;
	v7 =	vadd.s32 s29, v7  }
0x6d: {  	vm5 =	vmneg @p3 vm5;
	vm6 =	vgt.s32 v7, $0xFFF  }
0x6e: {  	vm5 =	vmand vm5, vm6  }
0x6f: {  	v8 =	vmpcnt.ones.xlane vm5  }
0x70: {  	v9 =	vmctz.xlane vm5  }
0x71: {  	v8 =	vxor.u32 $0x80000000, v8  }
0x72: {  	v9 =	vxor.u32 $0x80000000, v9;
	(xrf0) =	vmax.scan.msk.u32 $0xffff, v8  }
0x73: {  	(xrf0) =	vmax.scan.msk.u32 $0xffff, v9;
	_ =	sdelay $0x4  }
0x74: {  	v8, _, _ =	vpop (xrf0)  }
0x75: {  	(v2sf) =	vpush v8, $0xF;
	v8, _, _ =	vpop (xrf0)  }
0x76: {  	(v2sf) =	vpush v8, $0xF;
	_ =	sdelay $0x4  }
0x77: {  	(xrf0) =	vadd.scan.msk.s32 $0xffff, v5;
	_ =	sdelay $0x5  }
0x78: {  	s26 =	simm.s32 $0x10BE0;
	v5, _, _ =	vpop (xrf0)  }
0x79: {  	v8 =	vld [tilespmem:s26+$0x0];
	(v2sf) =	vpush v5, $0xF;
	_ =	sdelay $0x1  }
0x7a: {  	s30 =	spop (v2sf)  }
0x7b: {  	s3 =	spop (v2sf)  }
0x7c: {  	s1 =	sxor.u32 $0x80000000, s3  }
0x7d: {  	v9 =	vperm.xlane v8, v4;
	v5 =	vmov s1  }
0x7e: {  	v7 =	vxor.u32 $0x80000000, v7;
	vm5 =	veq.s32 v5, v0  }
0x7f: {  	(xrf0) =	vadd.scan.msk.s32 $0xffff, v9;
	v5 =	vxor.u32 $0x80000000, v6;
	v6 =	vnsel vm5, $0x0, v7  }
0x80: {  	v5 =	vnsel vm5, $0x0, v5;
	(xrf0) =	vmax.scan.msk.u32 $0xffff, v6  }
0x81: {  	(xrf0) =	vmax.scan.msk.u32 $0xffff, v5;
	_ =	sdelay $0x3  }
0x82: {  	p4 =	sgt.u32 s30, $0x80000000;
	v5, _, _ =	vpop (xrf0)  }
0x83: {  	p3 =	por !p3, !p4;
	v6, _, _ =	vpop (xrf0)  }
0x84: {  	s19 =	simm.s32 $0x0;
	p3 =	por !p3, !p3;
	s31 =	spop (v2sf);
	(v2sf) =	vpush v6, $0xF;
	v6, _, _ =	vpop (xrf0)  }
0x85: {  	s19 =	simm.s32 @p3 $0x1;
	s1 =	sadd.s32 $0x0, s31;
	(v2sf) =	vpush v6, $0xF  }
0x86: {  	p4 =	seq.s32 s19, $0x0;
	vm5 =	vmmov vm0;
	v7 =	vadd.s32 s1, v5  }
0x87: {  	vm5 =	vmneg @p4 vm5;
	vm6 =	vgt.s32 v7, $0xFFF  }
0x88: {  	vm5 =	vmand vm5, vm6  }
0x89: {  	v5 =	vmpcnt.ones.xlane vm5  }
0x8a: {  	v6 =	vmctz.xlane vm5  }
0x8b: {  	v5 =	vxor.u32 $0x80000000, v5  }
0x8c: {  	(xrf0) =	vmax.scan.msk.u32 $0xffff, v5;
	v6 =	vxor.u32 $0x80000000, v6  }
0x8d: {  	(xrf0) =	vmax.scan.msk.u32 $0xffff, v6;
	_ =	sdelay $0x1  }
0x8e: {  	(xrf0) =	vadd.scan.msk.s32 $0xffff, v8;
	_ =	sdelay $0x2  }
0x8f: {  	v6, _, _ =	vpop (xrf0)  }
0x90: {  	(v2sf) =	vpush v6, $0xF;
	v8, _, _ =	vpop (xrf0);
	s23 =	spop (v2sf)  }
0x91: {  	s24 =	spop (v2sf);
	(v2sf) =	vpush v8, $0xF  }
0x92: {  	v8, _, _ =	vpop (xrf0)  }
0x93: {  	(v2sf) =	vpush v8, $0xF;
	_ =	sdelay $0x1  }
0x94: {  	s20 =	simm.s32 $0x10BD0  }
0x95: {  	v5 =	vld [tilespmem:s20+$0x0];
	_ =	sdelay $0x3  }
0x96: {  	s2 =	simm.s32 $0x800003DF  }
0x97: {  	s28 =	simm.s32 $0x0;
	s0 =	simm.s32 $0x800003CF;
	s26 =	simm.s32 $0x800003EF;
	v10 =	vperm.xlane v5, v4  }
0x98: {  	s3 =	ssub.s32 $0x800003FF, s3;
	s23 =	sxor.u32 $0x80000000, s23;
	s24 =	sxor.u32 $0x80000000, s24  }
0x99: {  	s28 =	smov.u32 @p3 s3;
	s3 =	simm.s32 $0x800003BF;
	v7 =	vxor.u32 $0x80000000, v7;
	v6 =	vxor.u32 $0x80000000, v9;
	(xrf0) =	vadd.scan.msk.s32 $0xffff, v10;
	v8 =	vxor.u32 $0x80000000, v10;
	s23 =	ssub.s32 s23, s24  }
.LBB2_16:
0x9a: {  	p5 =	seq.s32 s3, $0x8000000F;
	s29 =	smov.u32 @p3 s23  }
0x9b: {  	s23 =	spop (v2sf)  }
0x9c: {  	p3 =	sgt.u32 s23, $0x80000000;
	s23 =	spop (v2sf)  }
0x9d: {  	s24 =	sxor.u32 $0x80000000, s23;
	s23 =	ssub.s32 s26, s23;
	p3 =	por !p4, !p3  }
0x9e: {  	s26 =	smov.u32 s2;
	v9 =	vmov s24;
	p3 =	por !p3, !p3;
	s24 =	spop (v2sf)  }
0x9f: {  	vm6 =	vmmov vm0;
	v10, _, _ =	vpop (xrf0);
	vm5 =	veq.s32 v9, v0;
	s28 =	smov.u32 @p3 s23;
	s19 =	simm.s32 @p3 $0x1;
	s1 =	sadd.s32 s1, s24  }
0xa0: {  	s2 =	smov.u32 s0;
	s0 =	smov.u32 s3;
	v9 =	vadd.s32 s1, v10;
	p4 =	seq.s32 s19, $0x0;
	v10 =	vnsel vm5, $0x0, v7;
	v11 =	vnsel vm5, $0x0, v6;
	v6 =	vmovc v8  }
0xa1: {  	vm5 =	vgt.s32 v9, $0xFFF;
	vm6 =	vmneg @p4 vm6;
	v7 =	vxor.u32 $0x80000000, v9;
	(xrf0) =	vmax.scan.msk.u32 $0xffff, v10  }
0xa2: {  	vm5 =	vmand vm6, vm5;
	(xrf0) =	vmax.scan.msk.u32 $0xffff, v11  }
0xa3: {  	v8 =	vmpcnt.ones.xlane vm5;
	v9 =	vmctz.xlane vm5;
	_ =	sdelay $0x1  }
0xa4: {  	v10 =	vxor.u32 $0x80000000, v8;
	v9 =	vxor.u32 $0x80000000, v9  }
0xa5: {  	(xrf0) =	vmax.scan.msk.u32 $0xffff, v10  }
0xa6: {  	(xrf0) =	vmax.scan.msk.u32 $0xffff, v9;
	v8, _, _ =	vpop (xrf0)  }
0xa7: {  	(v2sf) =	vpush v8, $0xF;
	v8, _, _ =	vpop (xrf0)  }
0xa8: {  	(xrf0) =	vadd.scan.msk.s32 $0xffff, v5;
	(v2sf) =	vpush v8, $0xF;
	_ =	sdelay $0x2  }
0xa9: {  	v5, _, _ =	vpop (xrf0)  }
0xaa: {  	(v2sf) =	vpush v5, $0xF;
	v5, _, _ =	vpop (xrf0)  }
0xab: {  	(v2sf) =	vpush v5, $0xF  }
0xac: {  	v5, _, _ =	vpop (xrf0)  }
0xad: {  	(v2sf) =	vpush v5, $0xF;
	_ =	sdelay $0x1  }
0xae: {  	s20 =	sadd.s32 $0xFFFFFFF0, s20  }
0xaf: {  	v5 =	vld [tilespmem:s20+$0x0];
	_ =	sdelay $0x2  }
.Ltmp8:
0xb0: {  	(pc) =	sbr.rel @!p5 .LBB2_16-.Ltmp8, $4  }
0xb1: {  	s23 =	spop (v2sf)  }
0xb2: {  	v9 =	vperm.xlane v5, v4;
	s23 =	sxor.u32 $0x80000000, s23;
	s24 =	spop (v2sf)  }
0xb3: {  	s24 =	sxor.u32 $0x80000000, s24  }
0xb4: {  	s3 =	sadd.s32 $0xFFFFFFF0, s3;
	v8 =	vxor.u32 $0x80000000, v9;
	(xrf0) =	vadd.scan.msk.s32 $0xffff, v9;
	s23 =	ssub.s32 s23, s24  }
0xb5: {  	_ = 	snop  }
0xb6: {  	s3 =	spop (v2sf)  }
0xb7: {  	p5 =	sgt.u32 s3, $0x80000000  }
0xb8: {  	s24 =	spop (v2sf);
	p4 =	por !p4, !p5  }
0xb9: {  	p4 =	por !p4, !p4;
	s4 =	spop (v2sf)  }
0xba: {  	v9, _, _ =	vpop (xrf0);
	s19 =	simm.s32 @p4 $0x1;
	s1 =	sadd.s32 s1, s4  }
0xbb: {  	vm5 =	vmmov vm0;
	s7 =	sxor.u32 $0x80000000, s24;
	v9 =	vadd.s32 s1, v9;
	p5 =	seq.s32 s19, $0x0  }
0xbc: {  	v10 =	vmov s7;
	vm6 =	vgt.s32 v9, $0xFFF;
	vm5 =	vmneg @p5 vm5  }
0xbd: {  	vm5 =	vmand vm5, vm6;
	vm6 =	veq.s32 v10, v0  }
0xbe: {  	v7 =	vnsel vm6, $0x0, v7;
	v59 =	vmpcnt.ones.xlane vm5  }
0xbf: {  	v6 =	vnsel vm6, $0x0, v6;
	(xrf0) =	vmax.scan.msk.u32 $0xffff, v7  }
0xc0: {  	(xrf0) =	vmax.scan.msk.u32 $0xffff, v6;
	v6 =	vmctz.xlane vm5;
	v7 =	vxor.u32 $0x80000000, v59  }
0xc1: {  	(xrf0) =	vmax.scan.msk.u32 $0xffff, v7  }
0xc2: {  	v6 =	vxor.u32 $0x80000000, v6  }
0xc3: {  	(xrf0) =	vmax.scan.msk.u32 $0xffff, v6  }
0xc4: {  	(xrf0) =	vadd.scan.msk.s32 $0xffff, v5  }
0xc5: {  	v5, _, _ =	vpop (xrf0)  }
0xc6: {  	(v2sf) =	vpush v5, $0xF;
	v5, _, _ =	vpop (xrf0)  }
0xc7: {  	(v2sf) =	vpush v5, $0xF;
	v5, _, _ =	vpop (xrf0)  }
0xc8: {  	(v2sf) =	vpush v5, $0xF  }
0xc9: {  	v5, _, _ =	vpop (xrf0)  }
0xca: {  	(v2sf) =	vpush v5, $0xF;
	v5, _, _ =	vpop (xrf0)  }
0xcb: {  	(v2sf) =	vpush v5, $0xF;
	_ =	sdelay $0x1  }
0xcc: {  	s12 =	sadd.s32 $0xFFFFFFF0, s20  }
0xcd: {  	v5 =	vld [tilespmem:s12+$0x0];
	_ =	sdelay $0x4  }
0xce: {  	v6 =	vperm.xlane v5, v4;
	_ =	sdelay $0x1  }
0xcf: {  	(xrf0) =	vadd.scan.msk.s32 $0xffff, v6;
	s20 =	spop (v2sf)  }
0xd0: {  	s22 =	spop (v2sf)  }
0xd1: {  	s30 =	spop (v2sf)  }
0xd2: {  	p6 =	sgt.u32 s30, $0x80000000  }
0xd3: {  	s30 =	spop (v2sf);
	p5 =	por !p5, !p6  }
0xd4: {  	p5 =	por !p5, !p5;
	s31 =	spop (v2sf)  }
0xd5: {  	v7, _, _ =	vpop (xrf0);
	s19 =	simm.s32 @p5 $0x1;
	s1 =	sadd.s32 s1, s31  }
0xd6: {  	vm5 =	vmmov vm0;
	s12 =	sxor.u32 $0x80000000, s30;
	v7 =	vadd.s32 s1, v7;
	p6 =	seq.s32 s19, $0x0  }
0xd7: {  	v60 =	vmov s12;
	vm6 =	vgt.s32 v7, $0xFFF;
	vm5 =	vmneg @p6 vm5  }
0xd8: {  	v9 =	vxor.u32 $0x80000000, v9;
	vm5 =	vmand vm5, vm6;
	vm6 =	veq.s32 v60, v0  }
0xd9: {  	v9 =	vnsel vm6, $0x0, v9;
	v61 =	vmpcnt.ones.xlane vm5  }
0xda: {  	v8 =	vnsel vm6, $0x0, v8;
	v62 =	vmctz.xlane vm5;
	(xrf0) =	vmax.scan.msk.u32 $0xffff, v9  }
0xdb: {  	(xrf0) =	vmax.scan.msk.u32 $0xffff, v8;
	v8 =	vxor.u32 $0x80000000, v61  }
0xdc: {  	v9 =	vxor.u32 $0x80000000, v62;
	(xrf0) =	vmax.scan.msk.u32 $0xffff, v8  }
0xdd: {  	(xrf0) =	vmax.scan.msk.u32 $0xffff, v9;
	_ =	sdelay $0x2  }
0xde: {  	v8, _, _ =	vpop (xrf0)  }
0xdf: {  	(v2sf) =	vpush v8, $0xF;
	v8, _, _ =	vpop (xrf0)  }
0xe0: {  	(v2sf) =	vpush v8, $0xF;
	v8, _, _ =	vpop (xrf0)  }
0xe1: {  	(v2sf) =	vpush v8, $0xF;
	v8, _, _ =	vpop (xrf0)  }
0xe2: {  	(v2sf) =	vpush v8, $0xF;
	_ =	sdelay $0xb  }
0xe3: {  	s19 =	spop (v2sf)  }
0xe4: {  	s12 =	spop (v2sf)  }
0xe5: {  	s21 =	spop (v2sf)  }
0xe6: {  	s4 =	spop (v2sf)  }
0xe7: {  	s7 =	sxor.u32 $0x80000000, s4  }
0xe8: {  	v8 =	vmov s7  }
0xe9: {  	v7 =	vxor.u32 $0x80000000, v7;
	vm5 =	veq.s32 v8, v0  }
0xea: {  	(xrf0) =	vadd.scan.msk.s32 $0xffff, v5;
	v5 =	vnsel vm5, $0x0, v7  }
0xeb: {  	(xrf0) =	vmax.scan.msk.u32 $0xffff, v5;
	_ =	sdelay $0x1  }
0xec: {  	v6 =	vxor.u32 $0x80000000, v6  }
0xed: {  	s3 =	sxor.u32 $0x80000000, s20;
	s20 =	ssub.s32 s26, s24;
	s22 =	sxor.u32 $0x80000000, s22;
	v6 =	vnsel vm5, $0x0, v6  }
0xee: {  	s29 =	smov.u32 @p3 s23;
	s28 =	smov.u32 @p4 s20;
	s3 =	ssub.s32 s3, s22;
	(xrf0) =	vmax.scan.msk.u32 $0xffff, v6  }
0xef: {  	s2 =	ssub.s32 s2, s30;
	s1 =	sxor.u32 $0x80000000, s19;
	s30 =	sxor.u32 $0x80000000, s12;
	v5, _, _ =	vpop (xrf0)  }
0xf0: {  	s29 =	smov.u32 @p4 s3;
	s28 =	smov.u32 @p5 s2;
	s1 =	ssub.s32 s1, s30;
	(v2sf) =	vpush v5, $0xF;
	v5, _, _ =	vpop (xrf0)  }
0xf1: {  	s29 =	smov.u32 @p5 s1;
	p5 =	sgt.u32 s21, $0x80000000;
	s21 =	simm.s32 $0x10000;
	(v2sf) =	vpush v5, $0xF  }
0xf2: {  	s22 =	simm.s32 $0x10010;
	p3 =	por !p6, !p5;
	v6 =	vld [tilespmem:s21+$0x0]  }
0xf3: {  	s0 =	ssub.s32 s0, s4;
	p3 =	por !p3, !p3;
	v7 =	vld [tilespmem:s22+$0x0]  }
0xf4: {  	s28 =	smov.u32 @p3 s0;
	s0 =	simm.s32 $0x0;
	v5, _, _ =	vpop (xrf0)  }
0xf5: {  	s23 =	simm.s32 $0x10;
	v8 =	vor.u32 s0, v0;
	(v2sf) =	vpush v5, $0xF;
	v5 =	vmov s28  }
0xf6: {  	vm5 =	vgt.s32 v8, v5;
	v8 =	vor.u32 s23, v0  }
0xf7: {  	v6 =	vnsel vm5, $0x0, v6;
	vm5 =	vgt.s32 v8, v5  }
0xf8: {  	(xrf0) =	vadd.scan.msk.s32 $0xffff, v6;
	v6 =	vnsel vm5, $0x0, v7  }
0xf9: {  	s24 =	simm.s32 $0x10020;
	(xrf0) =	vadd.scan.msk.s32 $0xffff, v6  }
0xfa: {  	s30 =	simm.s32 $0x20;
	v6 =	vld [tilespmem:s24+$0x0]  }
0xfb: {  	s31 =	simm.s32 $0x30;
	v8 =	vor.u32 s30, v0  }
0xfc: {  	vm5 =	vgt.s32 v8, v5;
	v8 =	vor.u32 s31, v0;
	_ =	sdelay $0x1  }
0xfd: {  	v63, _, _ =	vpop (xrf0)  }
0xfe: {  	v6 =	vnsel vm5, $0x0, v6;
	vm5 =	vgt.s32 v8, v5;
	s12 =	spop (v2sf);
	(v2sf) =	vpush v63, $0xF;
	v8, _, _ =	vpop (xrf0)  }
0xff: {  	s19 =	spop (v2sf);
	(v2sf) =	vpush v8, $0xF;
	_ =	sdelay $0x2  }
0x100: {  	s26 =	simm.s32 $0x10030  }
0x101: {  	v7 =	vld [tilespmem:s26+$0x0];
	(xrf0) =	vadd.scan.msk.s32 $0xffff, v6;
	_ =	sdelay $0x1  }
0x102: {  	s20 =	spop (v2sf)  }
0x103: {  	s2 =	sxor.u32 $0x80000000, s19;
	s1 =	sxor.u32 $0x80000000, s20  }
0x104: {  	s3 =	simm.s32 $0x10040;
	s1 =	ssub.s32 s2, s1  }
0x105: {  	v6 =	vnsel vm5, $0x0, v7;
	s2 =	simm.s32 $0x40;
	s29 =	smov.u32 @p3 s1;
	s1 =	simm.s32 $0x0  }
.LBB2_18:
0x106: {  	v7 =	vld [tilespmem:s3+$0x0];
	p3 =	sne.s32 s2, $0x3F0;
	(xrf0) =	vadd.scan.msk.s32 $0xffff, v6;
	v6, _, _ =	vpop (xrf0);
	s4 =	smov.u32 s2;
	s2 =	sadd.s32 $0x10, s2  }
.Ltmp9:
0x107: {  	(v2sf) =	vpush v6, $0xF;
	(pc) =	sbr.rel @p3 .LBB2_18-.Ltmp9, $4  }
0x108: {  	_ = 	snop  }
0x109: {  	v6 =	vor.u32 s4, v0  }
0x10a: {  	vm5 =	vgt.s32 v6, v5;
	s4 =	spop (v2sf)  }
0x10b: {  	s3 =	sadd.s32 $0x10, s3;
	v6 =	vnsel vm5, $0x0, v7;
	s1 =	sadd.s32 s1, s4  }
0x10c: {  	(xrf0) =	vadd.scan.msk.s32 $0xffff, v6;
	_ =	sdelay $0x4  }
0x10d: {  	v6, _, _ =	vpop (xrf0)  }
0x10e: {  	(v2sf) =	vpush v6, $0xF;
	v6, _, _ =	vpop (xrf0)  }
0x10f: {  	(v2sf) =	vpush v6, $0xF;
	_ =	sdelay $0xb  }
0x110: {  	s2 =	spop (v2sf)  }
0x111: {  	s1 =	sadd.s32 s1, s2;
	s26 =	spop (v2sf)  }
0x112: {  	s1 =	sadd.s32 s1, s26;
	s30 =	spop (v2sf)  }
0x113: {  	s1 =	sadd.s32 s1, s30;
	s31 =	spop (v2sf)  }
0x114: {  	s26 =	sadd.s32 s1, s31  }
.LBB2_20:
0x115: {  	p3 =	sne.s32 s0, $0xFC0  }
.Ltmp10:
0x116: {  	_ = 	snop;
	(pc) =	sbr.rel @p3 .LBB2_20-.Ltmp10, $3  }
0x117: {  	_ =	sdelay $0x1  }
0x118: {  	s1 =	sshra.s32 s0, $0x2  }
0x119: {  	s0 =	sadd.s32 $0x40, s0;
	[tilespmem:s1+$0x10000] =	vst v2  }
0x11a: {  	s0 =	simm.s32 $0x0  }
.LBB2_22:
0x11b: {  	s1 =	sshra.s32 s0, $0x2  }
0x11c: {  	v6 =	vld [tilespmem:s1+$0x0];
	_ =	sdelay $0x4  }
0x11d: {  	v7 =	vshrl.u32 v6, $0x14  }
0x11e: {  	v6 =	vshrl.u32 v6, $0xA;
	vm5 =	veq.s32 v7, v5  }
0x11f: {  	v6 =	vand.u32 $0x3FF, v6;
	_ =	sdelay $0x4  }
0x120: {  	[tilespmem:v6+s17+$0x0] =	vst.idx.add.s32.msk vm5, v3  }
0x121: {  	v6 =	vld [tilespmem:s1+$0x10];
	_ =	sdelay $0x4  }
0x122: {  	v7 =	vshrl.u32 v6, $0x14  }
0x123: {  	v6 =	vshrl.u32 v6, $0xA;
	vm5 =	veq.s32 v7, v5  }
0x124: {  	p3 =	sne.s32 s0, $0x3FF80;
	v6 =	vand.u32 $0x3FF, v6  }
.Ltmp11:
0x125: {  	_ = 	snop;
	(pc) =	sbr.rel @p3 .LBB2_22-.Ltmp11, $2  }
0x126: {  	_ =	sdelay $0x2  }
0x127: {  	s0 =	sadd.s32 $0x80, s0;
	[tilespmem:v6+s17+$0x0] =	vst.idx.add.s32.msk vm5, v3  }
0x128: {  	[bflag:$0x0] =	sbarrier.arrive $0xFFFF  }
0x129: {  	[spmem:s8] =	stream.linear.scatter [tilespmem:s17], [sflag:$0x1], $0x400, $0x38;
	[tilespmem:$0x14210] =	vst v63  }
0x12a: {  	_ =	swait.ge [sflag:s16], $0x400  }
0x12b: {  	[sflag:s16] =	ssyncset.done $0x0  }
0x12c: {  	[sflag:s16] =	ssyncadd.s32 $0xFFFFFC00  }
0x12d: {  	s0 =	simm.s32 $0x40;
	s1 =	simm.s32 $0x0;
	[bflag:$0x0] =	sbarrier.arrive $0xFFFF  }
.LBB2_24:
0x12e: {  	p3 =	sne.s32 s0, $0xFC0;
	[tilespmem:s1+$0x10800] =	vst v2;
	s1 =	smov.u32 s0;
	s0 =	sadd.s32 $0x40, s0  }
.Ltmp12:
0x12f: {  	(pc) =	sbr.rel @p3 .LBB2_24-.Ltmp12, $2  }
0x130: {  	_ =	sdelay $0x2  }
0x131: {  	s1 =	sshra.s32 s1, $0x2  }
0x132: {  	[tilespmem:s1+$0x10800] =	vst v2  }
0x133: {  	[tilespmem:s18], [sflag:$0x1] =	stream.linear.gather [spmem:s6], $0x400, $0x38;
	[tilespmem:$0x14210] =	vst v63  }
0x134: {  	_ =	swait.ge [sflag:s16], $0x400  }
0x135: {  	[sflag:s16] =	ssyncset.done $0x0  }
0x136: {  	s0 =	simm.s32 $0x0;
	[sflag:s16] =	ssyncadd.s32 $0xFFFFFC00  }
0x137: {  	s1 =	simm.s32 $0x40;
	v5 =	vld [tilespmem:s0+$0x10400]  }
.LBB2_26:
0x138: {  	p3 =	sne.s32 s1, $0xFC0;
	v6 =	vld [tilespmem:s0+$0x10800];
	_ =	sdelay $0x1  }
.Ltmp13:
0x139: {  	(pc) =	sbr.rel @p3 .LBB2_26-.Ltmp13, $3  }
0x13a: {  	_ =	sdelay $0x1  }
0x13b: {  	s2 =	sshra.s32 s1, $0x2;
	v6 =	vadd.s32 v6, v5  }
0x13c: {  	s1 =	sadd.s32 $0x40, s1;
	v5 =	vld [tilespmem:s2+$0x10400];
	[tilespmem:s0+$0x10800] =	vst v6;
	s0 =	smov.u32 s2  }
0x13d: {  	v6 =	vld [tilespmem:s0+$0x10800];
	_ =	sdelay $0x4  }
0x13e: {  	v5 =	vadd.s32 v6, v5  }
0x13f: {  	[tilespmem:s0+$0x10800] =	vst v5  }
0x140: {  	[tilespmem:s18], [sflag:$0x1] =	stream.linear.gather [spmem:s9], $0x400, $0x38;
	[tilespmem:$0x14210] =	vst v63  }
0x141: {  	_ =	swait.ge [sflag:s16], $0x400  }
0x142: {  	[sflag:s16] =	ssyncset.done $0x0  }
0x143: {  	s0 =	simm.s32 $0x0;
	[sflag:s16] =	ssyncadd.s32 $0xFFFFFC00  }
0x144: {  	s1 =	simm.s32 $0x40;
	v5 =	vld [tilespmem:s0+$0x10400]  }
.LBB2_28:
0x145: {  	p3 =	sne.s32 s1, $0xFC0;
	v6 =	vld [tilespmem:s0+$0x10800];
	_ =	sdelay $0x1  }
.Ltmp14:
0x146: {  	(pc) =	sbr.rel @p3 .LBB2_28-.Ltmp14, $3  }
0x147: {  	_ =	sdelay $0x1  }
0x148: {  	s2 =	sshra.s32 s1, $0x2;
	v6 =	vadd.s32 v6, v5  }
0x149: {  	s1 =	sadd.s32 $0x40, s1;
	v5 =	vld [tilespmem:s2+$0x10400];
	[tilespmem:s0+$0x10800] =	vst v6;
	s0 =	smov.u32 s2  }
0x14a: {  	v6 =	vld [tilespmem:s0+$0x10800];
	_ =	sdelay $0x4  }
0x14b: {  	v5 =	vadd.s32 v6, v5  }
0x14c: {  	[tilespmem:s0+$0x10800] =	vst v5  }
0x14d: {  	[tilespmem:s18], [sflag:$0x1] =	stream.linear.gather [spmem:s10], $0x400, $0x38;
	[tilespmem:$0x14210] =	vst v63  }
0x14e: {  	_ =	swait.ge [sflag:s16], $0x400  }
0x14f: {  	[sflag:s16] =	ssyncset.done $0x0  }
0x150: {  	s0 =	simm.s32 $0x0;
	[sflag:s16] =	ssyncadd.s32 $0xFFFFFC00  }
0x151: {  	s1 =	simm.s32 $0x40;
	v5 =	vld [tilespmem:s0+$0x10400]  }
.LBB2_30:
0x152: {  	p3 =	sne.s32 s1, $0xFC0;
	v6 =	vld [tilespmem:s0+$0x10800];
	_ =	sdelay $0x1  }
.Ltmp15:
0x153: {  	(pc) =	sbr.rel @p3 .LBB2_30-.Ltmp15, $3  }
0x154: {  	_ =	sdelay $0x1  }
0x155: {  	s2 =	sshra.s32 s1, $0x2;
	v6 =	vadd.s32 v6, v5  }
0x156: {  	s1 =	sadd.s32 $0x40, s1;
	v5 =	vld [tilespmem:s2+$0x10400];
	[tilespmem:s0+$0x10800] =	vst v6;
	s0 =	smov.u32 s2  }
0x157: {  	v6 =	vld [tilespmem:s0+$0x10800];
	_ =	sdelay $0x4  }
0x158: {  	v5 =	vadd.s32 v6, v5  }
0x159: {  	[tilespmem:s0+$0x10800] =	vst v5  }
0x15a: {  	[tilespmem:s18], [sflag:$0x1] =	stream.linear.gather [spmem:s11], $0x400, $0x38;
	[tilespmem:$0x14210] =	vst v63  }
0x15b: {  	_ =	swait.ge [sflag:s16], $0x400  }
0x15c: {  	[sflag:s16] =	ssyncset.done $0x0  }
0x15d: {  	s0 =	simm.s32 $0x0;
	[sflag:s16] =	ssyncadd.s32 $0xFFFFFC00  }
0x15e: {  	s1 =	simm.s32 $0x40;
	v5 =	vld [tilespmem:s0+$0x10400]  }
.LBB2_32:
0x15f: {  	p3 =	seq.s32 s1, $0xFC0;
	v6 =	vld [tilespmem:s0+$0x10800];
	_ =	sdelay $0x1  }
.Ltmp16:
0x160: {  	(pc) =	sbr.rel @!p3 .LBB2_32-.Ltmp16, $3  }
0x161: {  	_ =	sdelay $0x1  }
0x162: {  	s2 =	sshra.s32 s1, $0x2;
	v6 =	vadd.s32 v6, v5  }
0x163: {  	s1 =	sadd.s32 $0x40, s1;
	v5 =	vld [tilespmem:s2+$0x10400];
	[tilespmem:s0+$0x10800] =	vst v6;
	s0 =	smov.u32 s2  }
0x164: {  	v6 =	vld [tilespmem:s0+$0x10800];
	_ =	sdelay $0x4  }
0x165: {  	v5 =	vadd.s32 v6, v5  }
0x166: {  	s21 =	simm.s32 $0x10BF0;
	[tilespmem:s0+$0x10800] =	vst v5  }
0x167: {  	v6 =	vld [tilespmem:s21+$0x0];
	_ =	sdelay $0x4  }
0x168: {  	v7 =	vperm.xlane v6, v4;
	_ =	sdelay $0x1  }
0x169: {  	(xrf0) =	vadd.scan.msk.s32 $0xffff, v7;
	_ =	sdelay $0x5  }
0x16a: {  	s29 =	ssub.s32 $0x1000, s29;
	s30 =	simm.s32 $0x0;
	v8, _, _ =	vpop (xrf0)  }
0x16b: {  	p3 =	por $0x1, $0x1;
	vm5 =	vmmov vm0;
	v5 =	vmov s29;
	v8 =	vadd.s32 s30, v8  }
0x16c: {  	vm5 =	vmneg @p3 vm5;
	vm6 =	vge.s32 v8, v5  }
0x16d: {  	vm5 =	vmand vm5, vm6  }
0x16e: {  	v9 =	vmpcnt.ones.xlane vm5  }
0x16f: {  	v10 =	vmctz.xlane vm5  }
0x170: {  	v9 =	vxor.u32 $0x80000000, v9  }
0x171: {  	v10 =	vxor.u32 $0x80000000, v10;
	(xrf0) =	vmax.scan.msk.u32 $0xffff, v9  }
0x172: {  	(xrf0) =	vmax.scan.msk.u32 $0xffff, v10;
	_ =	sdelay $0x4  }
0x173: {  	v9, _, _ =	vpop (xrf0)  }
0x174: {  	(v2sf) =	vpush v9, $0xF;
	v9, _, _ =	vpop (xrf0)  }
0x175: {  	(v2sf) =	vpush v9, $0xF;
	_ =	sdelay $0x4  }
0x176: {  	(xrf0) =	vadd.scan.msk.s32 $0xffff, v6;
	_ =	sdelay $0x5  }
0x177: {  	s22 =	simm.s32 $0x10BE0;
	v6, _, _ =	vpop (xrf0)  }
0x178: {  	v9 =	vld [tilespmem:s22+$0x0];
	(v2sf) =	vpush v6, $0xF;
	_ =	sdelay $0x1  }
0x179: {  	s23 =	spop (v2sf)  }
0x17a: {  	s3 =	spop (v2sf)  }
0x17b: {  	s1 =	sxor.u32 $0x80000000, s3  }
0x17c: {  	v10 =	vperm.xlane v9, v4;
	v6 =	vmov s1  }
0x17d: {  	v8 =	vxor.u32 $0x80000000, v8;
	vm5 =	veq.s32 v6, v0  }
0x17e: {  	(xrf0) =	vadd.scan.msk.s32 $0xffff, v10;
	v6 =	vxor.u32 $0x80000000, v7;
	v7 =	vnsel vm5, $0x0, v8  }
0x17f: {  	v6 =	vnsel vm5, $0x0, v6;
	(xrf0) =	vmax.scan.msk.u32 $0xffff, v7  }
0x180: {  	(xrf0) =	vmax.scan.msk.u32 $0xffff, v6;
	_ =	sdelay $0x3  }
0x181: {  	p4 =	sgt.u32 s23, $0x80000000;
	v6, _, _ =	vpop (xrf0)  }
0x182: {  	p3 =	por !p3, !p4;
	v7, _, _ =	vpop (xrf0)  }
0x183: {  	s20 =	simm.s32 $0x0;
	p3 =	por !p3, !p3;
	s24 =	spop (v2sf);
	(v2sf) =	vpush v7, $0xF;
	v7, _, _ =	vpop (xrf0)  }
0x184: {  	s20 =	simm.s32 @p3 $0x1;
	s23 =	sadd.s32 $0x0, s24;
	(v2sf) =	vpush v7, $0xF  }
0x185: {  	p4 =	seq.s32 s20, $0x0;
	vm5 =	vmmov vm0;
	v8 =	vadd.s32 s23, v6  }
0x186: {  	vm5 =	vmneg @p4 vm5;
	vm6 =	vge.s32 v8, v5  }
0x187: {  	vm5 =	vmand vm5, vm6  }
0x188: {  	v6 =	vmpcnt.ones.xlane vm5  }
0x189: {  	v7 =	vmctz.xlane vm5  }
0x18a: {  	v6 =	vxor.u32 $0x80000000, v6  }
0x18b: {  	(xrf0) =	vmax.scan.msk.u32 $0xffff, v6;
	v7 =	vxor.u32 $0x80000000, v7  }
0x18c: {  	(xrf0) =	vmax.scan.msk.u32 $0xffff, v7;
	_ =	sdelay $0x1  }
0x18d: {  	(xrf0) =	vadd.scan.msk.s32 $0xffff, v9;
	_ =	sdelay $0x2  }
0x18e: {  	v7, _, _ =	vpop (xrf0)  }
0x18f: {  	(v2sf) =	vpush v7, $0xF;
	v9, _, _ =	vpop (xrf0);
	s4 =	spop (v2sf)  }
0x190: {  	s7 =	spop (v2sf);
	(v2sf) =	vpush v9, $0xF  }
0x191: {  	v9, _, _ =	vpop (xrf0)  }
0x192: {  	(v2sf) =	vpush v9, $0xF;
	_ =	sdelay $0x1  }
0x193: {  	s1 =	simm.s32 $0x10BD0  }
0x194: {  	v6 =	vld [tilespmem:s1+$0x0];
	_ =	sdelay $0x3  }
0x195: {  	s2 =	simm.s32 $0x800003EF  }
0x196: {  	s19 =	simm.s32 $0x800003DF;
	s31 =	simm.s32 $0x800003CF;
	s0 =	simm.s32 $0x0;
	v11 =	vperm.xlane v6, v4  }
0x197: {  	s3 =	ssub.s32 $0x800003FF, s3;
	s4 =	sxor.u32 $0x80000000, s4;
	s7 =	sxor.u32 $0x80000000, s7  }
0x198: {  	s0 =	smov.u32 @p3 s3;
	s3 =	simm.s32 $0x800003BF;
	v8 =	vxor.u32 $0x80000000, v8;
	v7 =	vxor.u32 $0x80000000, v10;
	(xrf0) =	vadd.scan.msk.s32 $0xffff, v11;
	v9 =	vxor.u32 $0x80000000, v11;
	s24 =	ssub.s32 s4, s7  }
.LBB2_34:
0x199: {  	p5 =	seq.s32 s3, $0x8000000F;
	s30 =	smov.u32 @p3 s24  }
0x19a: {  	s4 =	spop (v2sf)  }
0x19b: {  	p3 =	sgt.u32 s4, $0x80000000;
	s4 =	spop (v2sf)  }
0x19c: {  	s7 =	sxor.u32 $0x80000000, s4;
	s4 =	ssub.s32 s2, s4;
	p3 =	por !p4, !p3  }
0x19d: {  	s2 =	smov.u32 s19;
	v10 =	vmov s7;
	p3 =	por !p3, !p3;
	s7 =	spop (v2sf)  }
0x19e: {  	vm6 =	vmmov vm0;
	v11, _, _ =	vpop (xrf0);
	vm5 =	veq.s32 v10, v0;
	s0 =	smov.u32 @p3 s4;
	s20 =	simm.s32 @p3 $0x1;
	s23 =	sadd.s32 s23, s7  }
0x19f: {  	s19 =	smov.u32 s31;
	s31 =	smov.u32 s3;
	v10 =	vadd.s32 s23, v11;
	p4 =	seq.s32 s20, $0x0;
	v11 =	vnsel vm5, $0x0, v8;
	v12 =	vnsel vm5, $0x0, v7;
	v7 =	vmovc v9  }
0x1a0: {  	vm5 =	vge.s32 v10, v5;
	vm6 =	vmneg @p4 vm6;
	v8 =	vxor.u32 $0x80000000, v10;
	(xrf0) =	vmax.scan.msk.u32 $0xffff, v11  }
0x1a1: {  	vm5 =	vmand vm6, vm5;
	(xrf0) =	vmax.scan.msk.u32 $0xffff, v12  }
0x1a2: {  	v9 =	vmpcnt.ones.xlane vm5;
	v10 =	vmctz.xlane vm5;
	_ =	sdelay $0x1  }
0x1a3: {  	v11 =	vxor.u32 $0x80000000, v9;
	v10 =	vxor.u32 $0x80000000, v10  }
0x1a4: {  	(xrf0) =	vmax.scan.msk.u32 $0xffff, v11  }
0x1a5: {  	(xrf0) =	vmax.scan.msk.u32 $0xffff, v10;
	v9, _, _ =	vpop (xrf0)  }
0x1a6: {  	(v2sf) =	vpush v9, $0xF;
	v9, _, _ =	vpop (xrf0)  }
0x1a7: {  	(xrf0) =	vadd.scan.msk.s32 $0xffff, v6;
	(v2sf) =	vpush v9, $0xF;
	_ =	sdelay $0x2  }
0x1a8: {  	v6, _, _ =	vpop (xrf0)  }
0x1a9: {  	(v2sf) =	vpush v6, $0xF;
	v6, _, _ =	vpop (xrf0)  }
0x1aa: {  	(v2sf) =	vpush v6, $0xF  }
0x1ab: {  	v6, _, _ =	vpop (xrf0)  }
0x1ac: {  	(v2sf) =	vpush v6, $0xF;
	_ =	sdelay $0x1  }
0x1ad: {  	s1 =	sadd.s32 $0xFFFFFFF0, s1  }
0x1ae: {  	v6 =	vld [tilespmem:s1+$0x0];
	_ =	sdelay $0x2  }
.Ltmp17:
0x1af: {  	(pc) =	sbr.rel @!p5 .LBB2_34-.Ltmp17, $4  }
0x1b0: {  	s4 =	spop (v2sf)  }
0x1b1: {  	v10 =	vperm.xlane v6, v4;
	s4 =	sxor.u32 $0x80000000, s4;
	s7 =	spop (v2sf)  }
0x1b2: {  	s7 =	sxor.u32 $0x80000000, s7  }
0x1b3: {  	s3 =	sadd.s32 $0xFFFFFFF0, s3;
	v9 =	vxor.u32 $0x80000000, v10;
	(xrf0) =	vadd.scan.msk.s32 $0xffff, v10;
	s24 =	ssub.s32 s4, s7  }
0x1b4: {  	_ = 	snop  }
0x1b5: {  	s3 =	spop (v2sf)  }
0x1b6: {  	p5 =	sgt.u32 s3, $0x80000000  }
0x1b7: {  	s3 =	spop (v2sf);
	p4 =	por !p4, !p5  }
0x1b8: {  	p4 =	por !p4, !p4;
	s4 =	spop (v2sf)  }
0x1b9: {  	v10, _, _ =	vpop (xrf0);
	s20 =	simm.s32 @p4 $0x1;
	s4 =	sadd.s32 s23, s4  }
0x1ba: {  	vm5 =	vmmov vm0;
	s7 =	sxor.u32 $0x80000000, s3;
	v10 =	vadd.s32 s4, v10;
	p5 =	seq.s32 s20, $0x0  }
0x1bb: {  	v11 =	vmov s7;
	vm6 =	vge.s32 v10, v5;
	vm5 =	vmneg @p5 vm5  }
0x1bc: {  	vm5 =	vmand vm5, vm6;
	vm6 =	veq.s32 v11, v0  }
0x1bd: {  	v8 =	vnsel vm6, $0x0, v8;
	v59 =	vmpcnt.ones.xlane vm5  }
0x1be: {  	v7 =	vnsel vm6, $0x0, v7;
	(xrf0) =	vmax.scan.msk.u32 $0xffff, v8  }
0x1bf: {  	(xrf0) =	vmax.scan.msk.u32 $0xffff, v7;
	v7 =	vmctz.xlane vm5;
	v8 =	vxor.u32 $0x80000000, v59  }
0x1c0: {  	(xrf0) =	vmax.scan.msk.u32 $0xffff, v8  }
0x1c1: {  	v7 =	vxor.u32 $0x80000000, v7  }
0x1c2: {  	(xrf0) =	vmax.scan.msk.u32 $0xffff, v7  }
0x1c3: {  	(xrf0) =	vadd.scan.msk.s32 $0xffff, v6  }
0x1c4: {  	v6, _, _ =	vpop (xrf0)  }
0x1c5: {  	(v2sf) =	vpush v6, $0xF;
	v6, _, _ =	vpop (xrf0)  }
0x1c6: {  	(v2sf) =	vpush v6, $0xF;
	v6, _, _ =	vpop (xrf0)  }
0x1c7: {  	(v2sf) =	vpush v6, $0xF  }
0x1c8: {  	v6, _, _ =	vpop (xrf0)  }
0x1c9: {  	(v2sf) =	vpush v6, $0xF;
	v6, _, _ =	vpop (xrf0)  }
0x1ca: {  	(v2sf) =	vpush v6, $0xF;
	_ =	sdelay $0x1  }
0x1cb: {  	s1 =	sadd.s32 $0xFFFFFFF0, s1  }
0x1cc: {  	v6 =	vld [tilespmem:s1+$0x0];
	_ =	sdelay $0x4  }
0x1cd: {  	v7 =	vperm.xlane v6, v4;
	_ =	sdelay $0x1  }
0x1ce: {  	(xrf0) =	vadd.scan.msk.s32 $0xffff, v7;
	s1 =	spop (v2sf)  }
0x1cf: {  	s7 =	spop (v2sf)  }
0x1d0: {  	s22 =	spop (v2sf)  }
0x1d1: {  	p6 =	sgt.u32 s22, $0x80000000  }
0x1d2: {  	s23 =	spop (v2sf);
	p5 =	por !p5, !p6  }
0x1d3: {  	p5 =	por !p5, !p5;
	s21 =	spop (v2sf)  }
0x1d4: {  	v8, _, _ =	vpop (xrf0);
	s20 =	simm.s32 @p5 $0x1;
	s4 =	sadd.s32 s4, s21  }
0x1d5: {  	vm5 =	vmmov vm0;
	s12 =	sxor.u32 $0x80000000, s23;
	v8 =	vadd.s32 s4, v8;
	p6 =	seq.s32 s20, $0x0  }
0x1d6: {  	v60 =	vmov s12;
	vm6 =	vge.s32 v8, v5;
	vm5 =	vmneg @p6 vm5  }
0x1d7: {  	v5 =	vxor.u32 $0x80000000, v10;
	vm5 =	vmand vm5, vm6;
	vm6 =	veq.s32 v60, v0  }
0x1d8: {  	v5 =	vnsel vm6, $0x0, v5;
	v61 =	vmpcnt.ones.xlane vm5  }
0x1d9: {  	v9 =	vnsel vm6, $0x0, v9;
	(xrf0) =	vmax.scan.msk.u32 $0xffff, v5;
	v5 =	vmctz.xlane vm5  }
0x1da: {  	(xrf0) =	vmax.scan.msk.u32 $0xffff, v9;
	v62 =	vxor.u32 $0x80000000, v61  }
0x1db: {  	v5 =	vxor.u32 $0x80000000, v5;
	(xrf0) =	vmax.scan.msk.u32 $0xffff, v62  }
0x1dc: {  	(xrf0) =	vmax.scan.msk.u32 $0xffff, v5;
	_ =	sdelay $0x2  }
0x1dd: {  	v5, _, _ =	vpop (xrf0)  }
0x1de: {  	(v2sf) =	vpush v5, $0xF;
	v5, _, _ =	vpop (xrf0)  }
0x1df: {  	(v2sf) =	vpush v5, $0xF;
	v5, _, _ =	vpop (xrf0)  }
0x1e0: {  	(v2sf) =	vpush v5, $0xF;
	v5, _, _ =	vpop (xrf0)  }
0x1e1: {  	(v2sf) =	vpush v5, $0xF;
	_ =	sdelay $0xb  }
0x1e2: {  	s4 =	spop (v2sf)  }
0x1e3: {  	s20 =	spop (v2sf)  }
0x1e4: {  	s21 =	spop (v2sf)  }
0x1e5: {  	s22 =	spop (v2sf)  }
0x1e6: {  	s12 =	sxor.u32 $0x80000000, s22  }
0x1e7: {  	v5 =	vmov s12  }
0x1e8: {  	v8 =	vxor.u32 $0x80000000, v8;
	vm5 =	veq.s32 v5, v0  }
0x1e9: {  	(xrf0) =	vadd.scan.msk.s32 $0xffff, v6;
	v5 =	vxor.u32 $0x80000000, v7;
	v6 =	vnsel vm5, $0x0, v8  }
0x1ea: {  	v5 =	vnsel vm5, $0x0, v5;
	(xrf0) =	vmax.scan.msk.u32 $0xffff, v6  }
0x1eb: {  	(xrf0) =	vmax.scan.msk.u32 $0xffff, v5;
	_ =	sdelay $0x3  }
0x1ec: {  	v5, _, _ =	vpop (xrf0)  }
0x1ed: {  	(v2sf) =	vpush v5, $0xF;
	v5, _, _ =	vpop (xrf0)  }
0x1ee: {  	(v2sf) =	vpush v5, $0xF;
	v5, _, _ =	vpop (xrf0)  }
0x1ef: {  	(v2sf) =	vpush v5, $0xF;
	_ =	sdelay $0x8  }
0x1f0: {  	s1 =	sxor.u32 $0x80000000, s1;
	s7 =	sxor.u32 $0x80000000, s7  }
0x1f1: {  	s30 =	smov.u32 @p3 s24;
	s2 =	ssub.s32 s2, s3;
	s1 =	ssub.s32 s1, s7  }
0x1f2: {  	s0 =	smov.u32 @p4 s2;
	s30 =	smov.u32 @p4 s1;
	s1 =	ssub.s32 s19, s23  }
0x1f3: {  	s0 =	smov.u32 @p5 s1;
	s19 =	sxor.u32 $0x80000000, s4  }
0x1f4: {  	s23 =	sxor.u32 $0x80000000, s20;
	s20 =	simm.s32 $0x10010;
	s24 =	spop (v2sf)  }
0x1f5: {  	s1 =	ssub.s32 s19, s23;
	s19 =	simm.s32 $0x10000;
	s7 =	spop (v2sf)  }
0x1f6: {  	s30 =	smov.u32 @p5 s1;
	p5 =	sgt.u32 s21, $0x80000000;
	s12 =	spop (v2sf)  }
0x1f7: {  	p3 =	por !p6, !p5;
	v6 =	vld [tilespmem:s19+$0x0];
	s2 =	sxor.u32 $0x80000000, s7;
	s1 =	sxor.u32 $0x80000000, s12  }
0x1f8: {  	s3 =	ssub.s32 s31, s22;
	p3 =	por !p3, !p3;
	v7 =	vld [tilespmem:s20+$0x0];
	s1 =	ssub.s32 s2, s1  }
0x1f9: {  	s0 =	smov.u32 @p3 s3;
	s30 =	smov.u32 @p3 s1;
	s1 =	simm.s32 $0x0  }
0x1fa: {  	s21 =	simm.s32 $0x10;
	v5 =	vmov s0;
	v8 =	vor.u32 s1, v0  }
0x1fb: {  	vm5 =	vgt.s32 v8, v5;
	v8 =	vor.u32 s21, v0  }
0x1fc: {  	v6 =	vnsel vm5, $0x0, v6;
	vm5 =	vgt.s32 v8, v5  }
0x1fd: {  	(xrf0) =	vadd.scan.msk.s32 $0xffff, v6;
	v6 =	vnsel vm5, $0x0, v7  }
0x1fe: {  	s22 =	simm.s32 $0x10020;
	(xrf0) =	vadd.scan.msk.s32 $0xffff, v6  }
0x1ff: {  	s24 =	simm.s32 $0x20;
	v6 =	vld [tilespmem:s22+$0x0]  }
0x200: {  	s31 =	simm.s32 $0x30;
	v8 =	vor.u32 s24, v0  }
0x201: {  	vm5 =	vgt.s32 v8, v5;
	v8 =	vor.u32 s31, v0;
	_ =	sdelay $0x1  }
0x202: {  	v63, _, _ =	vpop (xrf0)  }
0x203: {  	v6 =	vnsel vm5, $0x0, v6;
	vm5 =	vgt.s32 v8, v5;
	(v2sf) =	vpush v63, $0xF;
	v8, _, _ =	vpop (xrf0)  }
0x204: {  	(v2sf) =	vpush v8, $0xF;
	_ =	sdelay $0x2  }
0x205: {  	s23 =	simm.s32 $0x10030  }
0x206: {  	v7 =	vld [tilespmem:s23+$0x0];
	(xrf0) =	vadd.scan.msk.s32 $0xffff, v6;
	_ =	sdelay $0x4  }
0x207: {  	s3 =	simm.s32 $0x10040;
	s2 =	simm.s32 $0x40;
	v6 =	vnsel vm5, $0x0, v7  }
.LBB2_36:
0x208: {  	v7 =	vld [tilespmem:s3+$0x0];
	p3 =	seq.s32 s2, $0x3F0;
	(xrf0) =	vadd.scan.msk.s32 $0xffff, v6;
	v6, _, _ =	vpop (xrf0);
	s4 =	smov.u32 s2;
	s2 =	sadd.s32 $0x10, s2  }
.Ltmp18:
0x209: {  	(v2sf) =	vpush v6, $0xF;
	(pc) =	sbr.rel @!p3 .LBB2_36-.Ltmp18, $4  }
0x20a: {  	_ = 	snop  }
0x20b: {  	v6 =	vor.u32 s4, v0  }
0x20c: {  	vm5 =	vgt.s32 v6, v5;
	s4 =	spop (v2sf)  }
0x20d: {  	s3 =	sadd.s32 $0x10, s3;
	v6 =	vnsel vm5, $0x0, v7;
	s1 =	sadd.s32 s1, s4  }
0x20e: {  	(xrf0) =	vadd.scan.msk.s32 $0xffff, v6;
	_ =	sdelay $0x4  }
0x20f: {  	v5, _, _ =	vpop (xrf0)  }
0x210: {  	(v2sf) =	vpush v5, $0xF;
	v5, _, _ =	vpop (xrf0)  }
0x211: {  	(v2sf) =	vpush v5, $0xF;
	_ =	sdelay $0xb  }
0x212: {  	s2 =	spop (v2sf)  }
0x213: {  	s1 =	sadd.s32 s1, s2;
	s22 =	spop (v2sf)  }
0x214: {  	s1 =	sadd.s32 s1, s22;
	s23 =	spop (v2sf)  }
0x215: {  	s1 =	sadd.s32 s1, s23;
	s24 =	spop (v2sf)  }
0x216: {  	s2 =	simm.s32 $0x0;
	s31 =	sadd.s32 s1, s24;
	s1 =	simm.s32 $0x40  }
.LBB2_38:
0x217: {  	p3 =	seq.s32 s1, $0xFC0;
	[tilespmem:s2+$0x10000] =	vst v2;
	s2 =	smov.u32 s1;
	s1 =	sadd.s32 $0x40, s1  }
.Ltmp19:
0x218: {  	(pc) =	sbr.rel @!p3 .LBB2_38-.Ltmp19, $2  }
0x219: {  	_ =	sdelay $0x2  }
0x21a: {  	s2 =	sshra.s32 s2, $0x2  }
0x21b: {  	s1 =	sshll.u32 s28, $0xA  }
0x21c: {  	s28 =	sor.u32 s1, s0  }
0x21d: {  	[tilespmem:s2+$0x10000] =	vst v2;
	s0 =	simm.s32 $0x0;
	v5 =	vmov s28  }
.LBB2_40:
0x21e: {  	s1 =	sshra.s32 s0, $0x2  }
0x21f: {  	v6 =	vld [tilespmem:s1+$0x0];
	_ =	sdelay $0x4  }
0x220: {  	v7 =	vshrl.u32 v6, $0xA  }
0x221: {  	vm5 =	veq.s32 v7, v5  }
0x222: {  	v6 =	vand.u32 $0x3FF, v6;
	_ =	sdelay $0x4  }
0x223: {  	[tilespmem:v6+s17+$0x0] =	vst.idx.add.s32.msk vm5, v3  }
0x224: {  	v6 =	vld [tilespmem:s1+$0x10];
	_ =	sdelay $0x4  }
0x225: {  	v7 =	vshrl.u32 v6, $0xA  }
0x226: {  	vm5 =	veq.s32 v7, v5  }
0x227: {  	p3 =	sne.s32 s0, $0x3FF80;
	v6 =	vand.u32 $0x3FF, v6  }
.Ltmp20:
0x228: {  	_ = 	snop;
	(pc) =	sbr.rel @p3 .LBB2_40-.Ltmp20, $2  }
0x229: {  	_ =	sdelay $0x2  }
0x22a: {  	s0 =	sadd.s32 $0x80, s0;
	[tilespmem:v6+s17+$0x0] =	vst.idx.add.s32.msk vm5, v3  }
0x22b: {  	[bflag:$0x0] =	sbarrier.arrive $0xFFFF  }
0x22c: {  	[spmem:s8] =	stream.linear.scatter [tilespmem:s17], [sflag:$0x1], $0x400, $0x38;
	[tilespmem:$0x14210] =	vst v63  }
0x22d: {  	_ =	swait.ge [sflag:s16], $0x400  }
0x22e: {  	[sflag:s16] =	ssyncset.done $0x0  }
0x22f: {  	[sflag:s16] =	ssyncadd.s32 $0xFFFFFC00  }
0x230: {  	s0 =	simm.s32 $0x40;
	s1 =	simm.s32 $0x0;
	[bflag:$0x0] =	sbarrier.arrive $0xFFFF  }
.LBB2_42:
0x231: {  	p3 =	sne.s32 s0, $0xFC0;
	[tilespmem:s1+$0x10800] =	vst v2;
	s1 =	smov.u32 s0;
	s0 =	sadd.s32 $0x40, s0  }
.Ltmp21:
0x232: {  	(pc) =	sbr.rel @p3 .LBB2_42-.Ltmp21, $2  }
0x233: {  	_ =	sdelay $0x2  }
0x234: {  	s1 =	sshra.s32 s1, $0x2  }
0x235: {  	[tilespmem:s1+$0x10800] =	vst v2  }
0x236: {  	[tilespmem:s18], [sflag:$0x1] =	stream.linear.gather [spmem:s6], $0x400, $0x38;
	[tilespmem:$0x14210] =	vst v63  }
0x237: {  	_ =	swait.ge [sflag:s16], $0x400  }
0x238: {  	[sflag:s16] =	ssyncset.done $0x0  }
0x239: {  	s0 =	simm.s32 $0x0;
	[sflag:s16] =	ssyncadd.s32 $0xFFFFFC00  }
0x23a: {  	s1 =	simm.s32 $0x40;
	v5 =	vld [tilespmem:s0+$0x10400]  }
.LBB2_44:
0x23b: {  	p3 =	sne.s32 s1, $0xFC0;
	v6 =	vld [tilespmem:s0+$0x10800];
	_ =	sdelay $0x1  }
.Ltmp22:
0x23c: {  	(pc) =	sbr.rel @p3 .LBB2_44-.Ltmp22, $3  }
0x23d: {  	_ =	sdelay $0x1  }
0x23e: {  	s2 =	sshra.s32 s1, $0x2;
	v6 =	vadd.s32 v6, v5  }
0x23f: {  	s1 =	sadd.s32 $0x40, s1;
	v5 =	vld [tilespmem:s2+$0x10400];
	[tilespmem:s0+$0x10800] =	vst v6;
	s0 =	smov.u32 s2  }
0x240: {  	v6 =	vld [tilespmem:s0+$0x10800];
	_ =	sdelay $0x4  }
0x241: {  	v5 =	vadd.s32 v6, v5  }
0x242: {  	[tilespmem:s0+$0x10800] =	vst v5  }
0x243: {  	[tilespmem:s18], [sflag:$0x1] =	stream.linear.gather [spmem:s9], $0x400, $0x38;
	[tilespmem:$0x14210] =	vst v63  }
0x244: {  	_ =	swait.ge [sflag:s16], $0x400  }
0x245: {  	[sflag:s16] =	ssyncset.done $0x0  }
0x246: {  	s0 =	simm.s32 $0x0;
	[sflag:s16] =	ssyncadd.s32 $0xFFFFFC00  }
0x247: {  	s1 =	simm.s32 $0x40;
	v5 =	vld [tilespmem:s0+$0x10400]  }
.LBB2_46:
0x248: {  	p3 =	sne.s32 s1, $0xFC0;
	v6 =	vld [tilespmem:s0+$0x10800];
	_ =	sdelay $0x1  }
.Ltmp23:
0x249: {  	(pc) =	sbr.rel @p3 .LBB2_46-.Ltmp23, $3  }
0x24a: {  	_ =	sdelay $0x1  }
0x24b: {  	s2 =	sshra.s32 s1, $0x2;
	v6 =	vadd.s32 v6, v5  }
0x24c: {  	s1 =	sadd.s32 $0x40, s1;
	v5 =	vld [tilespmem:s2+$0x10400];
	[tilespmem:s0+$0x10800] =	vst v6;
	s0 =	smov.u32 s2  }
0x24d: {  	v6 =	vld [tilespmem:s0+$0x10800];
	_ =	sdelay $0x4  }
0x24e: {  	v5 =	vadd.s32 v6, v5  }
0x24f: {  	[tilespmem:s0+$0x10800] =	vst v5  }
0x250: {  	[tilespmem:s18], [sflag:$0x1] =	stream.linear.gather [spmem:s10], $0x400, $0x38;
	[tilespmem:$0x14210] =	vst v63  }
0x251: {  	_ =	swait.ge [sflag:s16], $0x400  }
0x252: {  	[sflag:s16] =	ssyncset.done $0x0  }
0x253: {  	s0 =	simm.s32 $0x0;
	[sflag:s16] =	ssyncadd.s32 $0xFFFFFC00  }
0x254: {  	s1 =	simm.s32 $0x40;
	v5 =	vld [tilespmem:s0+$0x10400]  }
.LBB2_48:
0x255: {  	p3 =	sne.s32 s1, $0xFC0;
	v6 =	vld [tilespmem:s0+$0x10800];
	_ =	sdelay $0x1  }
.Ltmp24:
0x256: {  	(pc) =	sbr.rel @p3 .LBB2_48-.Ltmp24, $3  }
0x257: {  	_ =	sdelay $0x1  }
0x258: {  	s2 =	sshra.s32 s1, $0x2;
	v6 =	vadd.s32 v6, v5  }
0x259: {  	s1 =	sadd.s32 $0x40, s1;
	v5 =	vld [tilespmem:s2+$0x10400];
	[tilespmem:s0+$0x10800] =	vst v6;
	s0 =	smov.u32 s2  }
0x25a: {  	v6 =	vld [tilespmem:s0+$0x10800];
	_ =	sdelay $0x4  }
0x25b: {  	v5 =	vadd.s32 v6, v5  }
0x25c: {  	[tilespmem:s0+$0x10800] =	vst v5  }
0x25d: {  	[tilespmem:s18], [sflag:$0x1] =	stream.linear.gather [spmem:s11], $0x400, $0x38;
	[tilespmem:$0x14210] =	vst v63  }
0x25e: {  	_ =	swait.ge [sflag:s16], $0x400  }
0x25f: {  	[sflag:s16] =	ssyncset.done $0x0  }
0x260: {  	s0 =	simm.s32 $0x0;
	[sflag:s16] =	ssyncadd.s32 $0xFFFFFC00  }
0x261: {  	s1 =	simm.s32 $0x40;
	v5 =	vld [tilespmem:s0+$0x10400]  }
.LBB2_50:
0x262: {  	p3 =	seq.s32 s1, $0xFC0;
	v6 =	vld [tilespmem:s0+$0x10800];
	_ =	sdelay $0x1  }
.Ltmp25:
0x263: {  	(pc) =	sbr.rel @!p3 .LBB2_50-.Ltmp25, $3  }
0x264: {  	_ =	sdelay $0x1  }
0x265: {  	s2 =	sshra.s32 s1, $0x2;
	v6 =	vadd.s32 v6, v5  }
0x266: {  	s1 =	sadd.s32 $0x40, s1;
	v5 =	vld [tilespmem:s2+$0x10400];
	[tilespmem:s0+$0x10800] =	vst v6;
	s0 =	smov.u32 s2  }
0x267: {  	v6 =	vld [tilespmem:s0+$0x10800];
	_ =	sdelay $0x4  }
0x268: {  	v5 =	vadd.s32 v6, v5  }
0x269: {  	s1 =	simm.s32 $0x10BF0;
	[tilespmem:s0+$0x10800] =	vst v5  }
0x26a: {  	v6 =	vld [tilespmem:s1+$0x0];
	_ =	sdelay $0x4  }
0x26b: {  	v7 =	vperm.xlane v6, v4;
	_ =	sdelay $0x1  }
0x26c: {  	(xrf0) =	vadd.scan.msk.s32 $0xffff, v7;
	_ =	sdelay $0x5  }
0x26d: {  	s30 =	ssub.s32 s29, s30;
	s29 =	simm.s32 $0x0;
	v7, _, _ =	vpop (xrf0)  }
0x26e: {  	p3 =	por $0x1, $0x1;
	vm5 =	vmmov vm0;
	v5 =	vmov s30;
	v7 =	vadd.s32 s29, v7  }
0x26f: {  	vm5 =	vmneg @p3 vm5;
	vm6 =	vge.s32 v7, v5  }
0x270: {  	vm5 =	vmand vm5, vm6  }
0x271: {  	v7 =	vmpcnt.ones.xlane vm5  }
0x272: {  	v8 =	vmctz.xlane vm5  }
0x273: {  	v7 =	vxor.u32 $0x80000000, v7  }
0x274: {  	v8 =	vxor.u32 $0x80000000, v8;
	(xrf0) =	vmax.scan.msk.u32 $0xffff, v7  }
0x275: {  	(xrf0) =	vmax.scan.msk.u32 $0xffff, v8;
	_ =	sdelay $0x1  }
0x276: {  	(xrf0) =	vadd.scan.msk.s32 $0xffff, v6;
	_ =	sdelay $0x2  }
0x277: {  	v6, _, _ =	vpop (xrf0)  }
0x278: {  	(v2sf) =	vpush v6, $0xF;
	v6, _, _ =	vpop (xrf0)  }
0x279: {  	(v2sf) =	vpush v6, $0xF  }
0x27a: {  	v6, _, _ =	vpop (xrf0)  }
0x27b: {  	(v2sf) =	vpush v6, $0xF;
	_ =	sdelay $0x1  }
0x27c: {  	s19 =	simm.s32 $0x10BE0;
	s20 =	simm.s32 $0x3E0;
	s2 =	simm.s32 $0x0  }
0x27d: {  	s3 =	simm.s32 $0x0;
	s0 =	simm.s32 $0x400;
	s1 =	simm.s32 $0x3F0;
	v6 =	vld [tilespmem:s19+$0x0]  }
.LBB2_52:
0x27e: {  	p4 =	seq.s32 s20, $0x10;
	_ =	sdelay $0x3  }
0x27f: {  	v7 =	vperm.xlane v6, v4;
	_ =	sdelay $0x1  }
0x280: {  	(xrf0) =	vadd.scan.msk.s32 $0xffff, v7;
	_ =	sdelay $0x1  }
0x281: {  	s4 =	spop (v2sf)  }
0x282: {  	p5 =	sgt.u32 s4, $0x80000000;
	s4 =	spop (v2sf)  }
0x283: {  	s4 =	sxor.u32 $0x7FFFFFFF, s4;
	p3 =	por !p3, !p5  }
0x284: {  	s0 =	sadd.s32 s4, s0;
	p3 =	por !p3, !p3;
	s4 =	spop (v2sf)  }
0x285: {  	v7, _, _ =	vpop (xrf0);
	s29 =	smov.u32 @p3 s0;
	s2 =	simm.s32 @p3 $0x1;
	s3 =	sadd.s32 s3, s4  }
0x286: {  	vm6 =	vmmov vm0;
	s0 =	smov.u32 s1;
	s1 =	smov.u32 s20;
	v7 =	vadd.s32 s3, v7;
	p3 =	seq.s32 s2, $0x0  }
0x287: {  	vm5 =	vge.s32 v7, v5;
	vm6 =	vmneg @p3 vm6  }
0x288: {  	vm5 =	vmand vm6, vm5  }
0x289: {  	v7 =	vmpcnt.ones.xlane vm5;
	v8 =	vmctz.xlane vm5;
	_ =	sdelay $0x1  }
0x28a: {  	v7 =	vxor.u32 $0x80000000, v7;
	v8 =	vxor.u32 $0x80000000, v8  }
0x28b: {  	(xrf0) =	vmax.scan.msk.u32 $0xffff, v7  }
0x28c: {  	(xrf0) =	vmax.scan.msk.u32 $0xffff, v8;
	_ =	sdelay $0x1  }
0x28d: {  	(xrf0) =	vadd.scan.msk.s32 $0xffff, v6;
	_ =	sdelay $0x2  }
0x28e: {  	v6, _, _ =	vpop (xrf0)  }
0x28f: {  	(v2sf) =	vpush v6, $0xF;
	v6, _, _ =	vpop (xrf0)  }
0x290: {  	(v2sf) =	vpush v6, $0xF  }
.Ltmp26:
0x291: {  	v6, _, _ =	vpop (xrf0);
	(pc) =	sbr.rel @!p4 .LBB2_52-.Ltmp26, $3  }
0x292: {  	(v2sf) =	vpush v6, $0xF;
	_ =	sdelay $0x1  }
0x293: {  	s19 =	sadd.s32 $0xFFFFFFF0, s19  }
0x294: {  	s20 =	sadd.s32 $0xFFFFFFF0, s20;
	v6 =	vld [tilespmem:s19+$0x0]  }
0x295: {  	_ =	sdelay $0x3  }
0x296: {  	v7 =	vperm.xlane v6, v4;
	_ =	sdelay $0x1  }
0x297: {  	(xrf0) =	vadd.scan.msk.s32 $0xffff, v7;
	_ =	sdelay $0x1  }
0x298: {  	s4 =	spop (v2sf)  }
0x299: {  	p4 =	sgt.u32 s4, $0x80000000  }
0x29a: {  	s22 =	spop (v2sf);
	p3 =	por !p3, !p4  }
0x29b: {  	p3 =	por !p3, !p3;
	s7 =	spop (v2sf)  }
0x29c: {  	s3 =	sadd.s32 s3, s7;
	v7, _, _ =	vpop (xrf0);
	s2 =	simm.s32 @p3 $0x1  }
0x29d: {  	vm5 =	vmmov vm0;
	v7 =	vadd.s32 s3, v7;
	p4 =	seq.s32 s2, $0x0  }
0x29e: {  	vm6 =	vge.s32 v7, v5;
	vm5 =	vmneg @p4 vm5  }
0x29f: {  	vm5 =	vmand vm5, vm6  }
0x2a0: {  	v5 =	vmpcnt.ones.xlane vm5  }
0x2a1: {  	v7 =	vmctz.xlane vm5  }
0x2a2: {  	v5 =	vxor.u32 $0x80000000, v5  }
0x2a3: {  	v7 =	vxor.u32 $0x80000000, v7;
	(xrf0) =	vmax.scan.msk.u32 $0xffff, v5  }
0x2a4: {  	(xrf0) =	vmax.scan.msk.u32 $0xffff, v7;
	_ =	sdelay $0x4  }
0x2a5: {  	v5, _, _ =	vpop (xrf0)  }
0x2a6: {  	(v2sf) =	vpush v5, $0xF;
	v5, _, _ =	vpop (xrf0)  }
0x2a7: {  	(v2sf) =	vpush v5, $0xF;
	_ =	sdelay $0x9  }
0x2a8: {  	(xrf0) =	vadd.scan.msk.s32 $0xffff, v6;
	_ =	sdelay $0x3  }
0x2a9: {  	s24 =	sxor.u32 $0x7FFFFFFF, s22;
	s23 =	spop (v2sf)  }
0x2aa: {  	s0 =	sadd.s32 s24, s0;
	s30 =	spop (v2sf)  }
0x2ab: {  	s29 =	smov.u32 @p3 s0;
	v5, _, _ =	vpop (xrf0);
	s2 =	sxor.u32 $0x7FFFFFFF, s30  }
0x2ac: {  	(v2sf) =	vpush v5, $0xF;
	p5 =	sgt.u32 s23, $0x80000000;
	s0 =	sadd.s32 s2, s1;
	s1 =	simm.s32 $0x10000  }
0x2ad: {  	p4 =	por !p4, !p5;
	v6 =	vld [tilespmem:s1+$0x0]  }
0x2ae: {  	p3 =	por !p4, !p4  }
0x2af: {  	s29 =	smov.u32 @p3 s0;
	s0 =	simm.s32 $0x0  }
0x2b0: {  	v5 =	vmov s29;
	v7 =	vor.u32 s0, v0  }
0x2b1: {  	vm5 =	veq.s32 v7, v5  }
0x2b2: {  	vm6 =	vgt.s32 v7, v5;
	v7 =	vnsel vm5, $0x0, v6  }
0x2b3: {  	v6 =	vnsel vm6, $0x0, v6;
	(xrf0) =	vadd.scan.msk.s32 $0xffff, v7  }
0x2b4: {  	(xrf0) =	vadd.scan.msk.s32 $0xffff, v6;
	_ =	sdelay $0x2  }
0x2b5: {  	s7 =	simm.s32 $0x10010  }
0x2b6: {  	v6 =	vld [tilespmem:s7+$0x0]  }
0x2b7: {  	v7, _, _ =	vpop (xrf0)  }
0x2b8: {  	s12 =	simm.s32 $0x10020;
	s19 =	simm.s32 $0x10;
	v8, _, _ =	vpop (xrf0);
	(v2sf) =	vpush v7, $0xF  }
0x2b9: {  	s4 =	spop (v2sf);
	v7 =	vld [tilespmem:s12+$0x0];
	(v2sf) =	vpush v8, $0xF;
	v8 =	vor.u32 s19, v0  }
0x2ba: {  	vm5 =	veq.s32 v8, v5  }
0x2bb: {  	s20 =	simm.s32 $0x20;
	vm6 =	vgt.s32 v8, v5;
	v8 =	vnsel vm5, $0x0, v6  }
0x2bc: {  	v9 =	vor.u32 s20, v0;
	(xrf0) =	vadd.scan.msk.s32 $0xffff, v8  }
0x2bd: {  	v6 =	vnsel vm6, $0x0, v6;
	vm5 =	veq.s32 v9, v5  }
0x2be: {  	(xrf0) =	vadd.scan.msk.s32 $0xffff, v6;
	v6 =	vnsel vm5, $0x0, v7;
	vm5 =	vgt.s32 v9, v5  }
0x2bf: {  	(xrf0) =	vadd.scan.msk.s32 $0xffff, v6;
	v6 =	vnsel vm5, $0x0, v7;
	_ =	sdelay $0x2  }
0x2c0: {  	s23 =	simm.s32 $0x30;
	(xrf0) =	vadd.scan.msk.s32 $0xffff, v6;
	v6, _, _ =	vpop (xrf0)  }
0x2c1: {  	s21 =	simm.s32 $0x10030;
	(v2sf) =	vpush v6, $0xF;
	v6 =	vor.u32 s23, v0  }
0x2c2: {  	v7 =	vld [tilespmem:s21+$0x0]  }
0x2c3: {  	v62, _, _ =	vpop (xrf0)  }
0x2c4: {  	s24 =	simm.s32 $0x40;
	(v2sf) =	vpush v62, $0xF;
	vm5 =	vgt.s32 v6, v5;
	vm6 =	veq.s32 v6, v5;
	v6, _, _ =	vpop (xrf0)  }
0x2c5: {  	(v2sf) =	vpush v6, $0xF;
	v6 =	vor.u32 s24, v0;
	_ =	sdelay $0x1  }
0x2c6: {  	v63 =	vnsel vm6, $0x0, v7  }
0x2c7: {  	v7 =	vnsel vm5, $0x0, v7;
	vm5 =	vgt.s32 v6, v5;
	vm6 =	veq.s32 v6, v5;
	v6, _, _ =	vpop (xrf0)  }
0x2c8: {  	s30 =	spop (v2sf);
	(v2sf) =	vpush v6, $0xF;
	_ =	sdelay $0x1  }
0x2c9: {  	s22 =	simm.s32 $0x10040  }
0x2ca: {  	v8 =	vld [tilespmem:s22+$0x0]  }
0x2cb: {  	(xrf0) =	vadd.scan.msk.s32 $0xffff, v63  }
0x2cc: {  	(xrf0) =	vadd.scan.msk.s32 $0xffff, v7;
	_ =	sdelay $0x1  }
0x2cd: {  	s3 =	simm.s32 $0x10050  }
0x2ce: {  	s2 =	simm.s32 $0x50;
	s1 =	sadd.s32 $0x0, s30;
	s19 =	spop (v2sf);
	v7 =	vnsel vm6, $0x0, v8;
	v6 =	vnsel vm5, $0x0, v8  }
.LBB2_54:
0x2cf: {  	p3 =	sne.s32 s2, $0x3F0  }
0x2d0: {  	v8 =	vld [tilespmem:s3+$0x0];
	(xrf0) =	vadd.scan.msk.s32 $0xffff, v7;
	v7, _, _ =	vpop (xrf0);
	s0 =	sadd.s32 s0, s19;
	s4 =	smov.u32 s2;
	s2 =	sadd.s32 $0x10, s2  }
.Ltmp27:
0x2d1: {  	(xrf0) =	vadd.scan.msk.s32 $0xffff, v6;
	v6, _, _ =	vpop (xrf0);
	(v2sf) =	vpush v7, $0xF;
	(pc) =	sbr.rel @p3 .LBB2_54-.Ltmp27, $4  }
0x2d2: {  	(v2sf) =	vpush v6, $0xF  }
0x2d3: {  	v6 =	vor.u32 s4, v0  }
0x2d4: {  	vm5 =	vgt.s32 v6, v5;
	vm6 =	veq.s32 v6, v5;
	s4 =	spop (v2sf)  }
0x2d5: {  	s3 =	sadd.s32 $0x10, s3;
	v6 =	vnsel vm5, $0x0, v8;
	v7 =	vnsel vm6, $0x0, v8;
	s1 =	sadd.s32 s1, s4;
	s19 =	spop (v2sf)  }
0x2d6: {  	(xrf0) =	vadd.scan.msk.s32 $0xffff, v7  }
0x2d7: {  	(xrf0) =	vadd.scan.msk.s32 $0xffff, v6;
	_ =	sdelay $0x2  }
0x2d8: {  	v5, _, _ =	vpop (xrf0)  }
0x2d9: {  	v6, _, _ =	vpop (xrf0);
	(v2sf) =	vpush v5, $0xF  }
0x2da: {  	(v2sf) =	vpush v6, $0xF;
	v5, _, _ =	vpop (xrf0)  }
0x2db: {  	v6, _, _ =	vpop (xrf0);
	(v2sf) =	vpush v5, $0xF  }
0x2dc: {  	(v2sf) =	vpush v6, $0xF;
	_ =	sdelay $0x7  }
0x2dd: {  	s2 =	spop (v2sf)  }
0x2de: {  	s3 =	spop (v2sf)  }
0x2df: {  	s4 =	spop (v2sf)  }
0x2e0: {  	s7 =	spop (v2sf)  }
0x2e1: {  	s0 =	sadd.s32 s0, s19;
	s12 =	spop (v2sf)  }
0x2e2: {  	s0 =	sadd.s32 s0, s3;
	s22 =	spop (v2sf)  }
0x2e3: {  	s0 =	sadd.s32 s0, s7;
	s23 =	spop (v2sf)  }
0x2e4: {  	s0 =	sadd.s32 s0, s22;
	s24 =	spop (v2sf)  }
0x2e5: {  	s26 =	sadd.s32 s26, s31;
	s1 =	sadd.s32 s1, s2;
	s0 =	sadd.s32 s0, s24  }
0x2e6: {  	s1 =	sadd.s32 s1, s4;
	s0 =	sadd.s32 s0, s26  }
0x2e7: {  	s1 =	sadd.s32 s1, s12;
	v5 =	vmov s0  }
0x2e8: {  	s3 =	sadd.s32 s1, s23;
	v5 =	vnsel vm1, $0x0, v5  }
0x2e9: {  	v5 =	vsel vm2, s3, v5  }
0x2ea: {  	[tilespmem:$0x10C00] =	vst v5  }
0x2eb: {  	[bflag:$0x0] =	sbarrier.arrive $0xFFFF  }
0x2ec: {  	s31 =	simm.s32 $0x10C00;
	s30 =	rddreg [dreg:$0x7]  }
0x2ed: {  	[spmem:s30] =	stream.linear.scatter [tilespmem:s31], [sflag:$0x1], $0x10, $0x38;
	[tilespmem:$0x14210] =	vst v63  }
0x2ee: {  	_ =	swait.ge [sflag:s16], $0x10  }
0x2ef: {  	[sflag:s16] =	ssyncset.done $0x0  }
0x2f0: {  	[sflag:s16] =	ssyncadd.s32 $0xFFFFFFF0  }
0x2f1: {  	s2 =	simm.s32 $0x10C80;
	[bflag:$0x0] =	sbarrier.arrive $0xFFFF  }
0x2f2: {  	[tilespmem:s2], [sflag:$0x1] =	stream.linear.gather [spmem:s13], $0x40, $0x38;
	[tilespmem:$0x14210] =	vst v63  }
0x2f3: {  	_ =	swait.ge [sflag:s16], $0x40  }
0x2f4: {  	[sflag:s16] =	ssyncset.done $0x0  }
0x2f5: {  	[sflag:s16] =	ssyncadd.s32 $0xFFFFFFC0  }
0x2f6: {  	v5 =	vld [tilespmem:$0x10C80];
	_ =	sdelay $0x1  }
0x2f7: {  	v6 =	vld [tilespmem:$0x10C90];
	_ =	sdelay $0x1  }
0x2f8: {  	v7 =	vld [tilespmem:$0x10CA0]  }
0x2f9: {  	v8 =	vnsel vm3, $0x80000000, v5  }
0x2fa: {  	v9 =	vld [tilespmem:$0x10CB0];
	v5 =	vsel vm4, $0x80000000, v5;
	v8 =	vxor.u32 $0x80000000, v8  }
0x2fb: {  	v5 =	vxor.u32 $0x80000000, v5;
	(xrf0) =	vmax.scan.msk.u32 $0xffff, v8;
	v8 =	vnsel vm3, $0x80000000, v6  }
0x2fc: {  	v6 =	vsel vm4, $0x80000000, v6;
	(xrf0) =	vmax.scan.msk.u32 $0xffff, v5;
	v5 =	vxor.u32 $0x80000000, v8  }
0x2fd: {  	(xrf0) =	vmax.scan.msk.u32 $0xffff, v5;
	v5 =	vxor.u32 $0x80000000, v6;
	v6 =	vnsel vm3, $0x80000000, v7  }
0x2fe: {  	(xrf0) =	vmax.scan.msk.u32 $0xffff, v5;
	v5 =	vxor.u32 $0x80000000, v6;
	v6 =	vsel vm4, $0x80000000, v7  }
0x2ff: {  	(xrf0) =	vmax.scan.msk.u32 $0xffff, v5;
	v5 =	vxor.u32 $0x80000000, v6;
	v6 =	vnsel vm3, $0x80000000, v9  }
0x300: {  	(xrf0) =	vmax.scan.msk.u32 $0xffff, v5;
	v5 =	vxor.u32 $0x80000000, v6;
	_ =	sdelay $0x1  }
0x301: {  	v6, _, _ =	vpop (xrf0)  }
0x302: {  	(xrf0) =	vmax.scan.msk.u32 $0xffff, v5;
	v5, _, _ =	vpop (xrf0);
	(v2sf) =	vpush v6, $0xF  }
0x303: {  	v6, _, _ =	vpop (xrf0);
	(v2sf) =	vpush v5, $0xF  }
0x304: {  	v5, _, _ =	vpop (xrf0);
	(v2sf) =	vpush v6, $0xF  }
0x305: {  	(v2sf) =	vpush v5, $0xF;
	_ =	sdelay $0x1  }
0x306: {  	v5, _, _ =	vpop (xrf0)  }
0x307: {  	(v2sf) =	vpush v5, $0xF;
	v5, _, _ =	vpop (xrf0)  }
0x308: {  	(v2sf) =	vpush v5, $0xF;
	v5, _, _ =	vpop (xrf0)  }
0x309: {  	(v2sf) =	vpush v5, $0xF;
	_ =	sdelay $0x6  }
0x30a: {  	s4 =	spop (v2sf)  }
0x30b: {  	s7 =	spop (v2sf)  }
0x30c: {  	s24 =	sshll.u32 s28, $0xA;
	s28 =	simm.s32 $0x0;
	s12 =	spop (v2sf)  }
0x30d: {  	v7 =	vld [tilespmem:s28+$0x0];
	s19 =	spop (v2sf)  }
0x30e: {  	s0 =	sxor.u32 $0x80000000, s4;
	s4 =	sxor.u32 $0x80000000, s7;
	s7 =	sxor.u32 $0x80000000, s19  }
0x30f: {  	s4 =	simm.s32 @p2 $0x0;
	s7 =	simm.s32 @!p1 $0x0  }
0x310: {  	s20 =	spop (v2sf);
	s4 =	sadd.s32 s4, s7;
	s7 =	sor.u32 s24, s29  }
0x311: {  	s1 =	sxor.u32 $0x80000000, s12;
	s21 =	spop (v2sf);
	v5 =	vmov s7  }
0x312: {  	s2 =	sxor.u32 $0x80000000, s20;
	s20 =	sadd.s32 s1, s0;
	s22 =	spop (v2sf);
	vm5 =	veq.s32 v7, v5  }
0x313: {  	s19 =	sxor.u32 $0x80000000, s21;
	s20 =	sadd.s32 s2, s20;
	s12 =	sxor.u32 $0x7FFFFFFF, s22;
	v8 =	vsel vm5, $0x1, v2  }
0x314: {  	s19 =	simm.s32 @!p0 $0x0;
	s23 =	ssub.s32 s12, s20;
	(xrf0) =	vadd.scan.msk.s32 $0xffff, v8  }
0x315: {  	s20 =	sadd.s32 s19, s4;
	s19 =	sadd.s32 $0x1001, s23;
	v8 =	vmpcnt.ones.xlane vm5  }
0x316: {  	s4 =	ssub.s32 s19, s20  }
0x317: {  	p3 =	sgt.s32 s4, $0x0;
	v8 =	vxor.u32 $0x80000000, v8  }
0x318: {  	s4 =	simm.s32 @!p3 $0x0  }
0x319: {  	p3 =	slt.s32 s3, s4  }
0x31a: {  	s26 =	simm.s32 $0x0;
	(xrf0) =	vmax.scan.msk.u32 $0xffff, v8;
	s4 =	smov.u32 @p3 s3;
	v8, _, _ =	vpop (xrf0)  }
0x31b: {  	v6 =	vmov s4;
	v8 =	vadd.s32 s26, v8  }
0x31c: {  	vm6 =	vle.s32 v8, v6  }
0x31d: {  	vm7 =	vgt.s32 v7, v5;
	vm5 =	vmand vm5, vm6  }
0x31e: {  	vm5 =	vmor vm7, vm5  }
0x31f: {  	v8 =	vmpcnt.ones.xlane vm5  }
0x320: {  	v9, _, _ =	vpop (xrf0)  }
0x321: {  	(v2sf) =	vpush v9, $0xF;
	v8 =	vxor.u32 $0x80000000, v8  }
0x322: {  	(xrf0) =	vmax.scan.msk.u32 $0xffff, v8  }
0x323: {  	[tilespmem:s26+$0x10D00] =	vst.msk vm5, v7;
	v8 =	vor.u32 s5, v0  }
0x324: {  	s29 =	simm.s32 $0x10;
	[tilespmem:s26+$0x11D80] =	vst.msk vm5, v8  }
0x325: {  	v7 =	vld [tilespmem:s29+$0x0];
	_ =	sdelay $0x2  }
0x326: {  	v8, _, _ =	vpop (xrf0)  }
0x327: {  	(v2sf) =	vpush v8, $0xF  }
0x328: {  	vm5 =	veq.s32 v7, v5  }
0x329: {  	v8 =	vsel vm5, $0x1, v2  }
0x32a: {  	(xrf0) =	vadd.scan.msk.s32 $0xffff, v8;
	v8 =	vmpcnt.ones.xlane vm5;
	_ =	sdelay $0x1  }
0x32b: {  	v8 =	vxor.u32 $0x80000000, v8  }
0x32c: {  	(xrf0) =	vmax.scan.msk.u32 $0xffff, v8  }
0x32d: {  	s30 =	spop (v2sf)  }
0x32e: {  	s3 =	sadd.s32 $0x0, s30  }
0x32f: {  	s3 =	sadd.s32 $0x80000000, s3;
	v8, _, _ =	vpop (xrf0)  }
0x330: {  	v8 =	vadd.s32 s3, v8  }
0x331: {  	vm6 =	vle.s32 v8, v6  }
0x332: {  	vm7 =	vgt.s32 v7, v5;
	vm5 =	vmand vm5, vm6;
	v9, _, _ =	vpop (xrf0)  }
0x333: {  	vm5 =	vmor vm7, vm5;
	(v2sf) =	vpush v9, $0xF  }
0x334: {  	v8 =	vmpcnt.ones.xlane vm5  }
0x335: {  	s31 =	spop (v2sf)  }
0x336: {  	s24 =	simm.s32 $0x80;
	s23 =	smov.u32 s5;
	v8 =	vxor.u32 $0x80000000, v8;
	s26 =	sadd.s32 $0x0, s31  }
.LBB2_56:
0x337: {  	s4 =	sadd.s32 $0x80000000, s26  }
0x338: {  	(xrf0) =	vmax.scan.msk.u32 $0xffff, v8;
	s23 =	sadd.s32 $0x10, s23;
	s7 =	smov.u32 s24;
	s12 =	sadd.s32 $0x40, s24  }
0x339: {  	p3 =	seq.s32 s24, $0x3FFC0;
	v8 =	vor.u32 s23, v0;
	[tilespmem:s4+$0x10D00] =	vst.msk vm5, v7  }
0x33a: {  	s7 =	sshra.s32 s7, $0x2;
	[tilespmem:s4+$0x11D80] =	vst.msk vm5, v8  }
0x33b: {  	v7 =	vld [tilespmem:s7+$0x0];
	_ =	sdelay $0x2  }
0x33c: {  	v8, _, _ =	vpop (xrf0)  }
0x33d: {  	(v2sf) =	vpush v8, $0xF  }
0x33e: {  	vm5 =	veq.s32 v7, v5  }
0x33f: {  	v8 =	vsel vm5, $0x1, v2;
	v9 =	vmpcnt.ones.xlane vm5  }
0x340: {  	(xrf0) =	vadd.scan.msk.s32 $0xffff, v8;
	s7 =	spop (v2sf)  }
0x341: {  	v8 =	vxor.u32 $0x80000000, v9;
	s3 =	sadd.s32 s7, s3  }
0x342: {  	(xrf0) =	vmax.scan.msk.u32 $0xffff, v8;
	s3 =	sadd.s32 $0x80000000, s3;
	_ =	sdelay $0x3  }
0x343: {  	v8, _, _ =	vpop (xrf0)  }
0x344: {  	v9 =	vadd.s32 s3, v8  }
0x345: {  	vm6 =	vle.s32 v9, v6;
	v8, _, _ =	vpop (xrf0)  }
.Ltmp28:
0x346: {  	vm7 =	vgt.s32 v7, v5;
	vm5 =	vmand vm5, vm6;
	(v2sf) =	vpush v8, $0xF;
	(pc) =	sbr.rel @!p3 .LBB2_56-.Ltmp28, $4  }
0x347: {  	vm5 =	vmor vm7, vm5  }
0x348: {  	v8 =	vmpcnt.ones.xlane vm5  }
0x349: {  	s7 =	spop (v2sf)  }
0x34a: {  	s24 =	smov.u32 s12;
	v8 =	vxor.u32 $0x80000000, v8;
	s26 =	sadd.s32 s7, s4  }
0x34b: {  	(xrf0) =	vmax.scan.msk.u32 $0xffff, v8;
	_ =	sdelay $0x5  }
0x34c: {  	v5, _, _ =	vpop (xrf0)  }
0x34d: {  	(v2sf) =	vpush v5, $0xF;
	_ =	sdelay $0xc  }
0x34e: {  	s4 =	sadd.s32 $0x10, s23;
	s0 =	simm.s32 @p2 $0x0;
	s1 =	simm.s32 @!p1 $0x0  }
0x34f: {  	s2 =	simm.s32 @!p0 $0x0;
	p3 =	slt.s32 s20, s19;
	s3 =	spop (v2sf)  }
0x350: {  	s0 =	sadd.s32 s14, s0;
	s3 =	sadd.s32 $0x80000000, s26;
	s7 =	spop (v2sf)  }
0x351: {  	s31 =	simm.s32 $0x0;
	s0 =	sadd.s32 s1, s0;
	s29 =	sadd.s32 s7, s3  }
0x352: {  	s19 =	smov.u32 @p3 s20;
	s0 =	sadd.s32 s2, s0;
	v5 =	vor.u32 s4, v0;
	[tilespmem:s3+$0x10D00] =	vst.msk vm5, v7;
	s30 =	sadd.s32 $0x80000000, s29  }
0x353: {  	s0 =	sadd.s32 s19, s0;
	v7 =	vor.u32 s31, v0;
	[tilespmem:s3+$0x11D80] =	vst.msk vm5, v5;
	v5 =	vmov s30  }
0x354: {  	v6 =	vmov s0;
	vm5 =	vlt.s32 v7, v5  }
0x355: {  	v8 =	vsel vm5, v6, v1  }
0x356: {  	s0 =	simm.s32 $0x12E00;
	v7 =	vadd.s32 v7, v8  }
0x357: {  	s1 =	simm.s32 $0x10;
	[tilespmem:s0+$0x0] =	vst v7  }
.LBB2_58:
0x358: {  	p3 =	sne.s32 s1, $0xFF0  }
.Ltmp29:
0x359: {  	v7 =	vor.u32 s1, v0;
	s1 =	sadd.s32 $0x10, s1;
	(pc) =	sbr.rel @p3 .LBB2_58-.Ltmp29, $4  }
0x35a: {  	vm5 =	vlt.s32 v7, v5  }
0x35b: {  	v8 =	vsel vm5, v6, v1  }
0x35c: {  	s0 =	sadd.s32 $0x10, s0;
	v7 =	vadd.s32 v7, v8  }
0x35d: {  	[tilespmem:s0+$0x0] =	vst v7  }
0x35e: {  	s0 =	rddreg [dreg:$0x4]  }
0x35f: {  	s1 =	simm.s32 $0x1000;
	s2 =	simm.s32 $0x12E00;
	s3 =	simm.s32 $0x10D00  }
0x360: {  	[hbm4b:s0+s1] =	stream.indirect.scatter [tilespmem:s3], [sflag:$0x1], $0x1, s2, s1, $0xb8;
	[tilespmem:$0x14210] =	vst v63  }
0x361: {  	s25 =	sadd.s32 $0x1, s25;
	_ =	swait.ge [sflag:s16], $0x1000  }
0x362: {  	s31 =	simm.s32 $0x11D80;
	p3 =	sne.s32 s25, s15;
	[sflag:s16] =	ssyncset.done $0x0  }
.Ltmp30:
0x363: {  	s30 =	rddreg [dreg:$0x5];
	[sflag:s16] =	ssyncadd.s32 $0xFFFFF000;
	(pc) =	sbr.rel @p3 .LBB2_1-.Ltmp30, $4  }
0x364: {  	[hbm4b:s30+s1] =	stream.indirect.scatter [tilespmem:s31], [sflag:$0x1], $0x1, s2, s1, $0xb8;
	[tilespmem:$0x14210] =	vst v63  }
0x365: {  	_ =	swait.ge [sflag:s16], $0x1000  }
0x366: {  	[sflag:s16] =	ssyncset.done $0x0  }
0x367: {  	[sflag:s16] =	ssyncadd.s32 $0xFFFFF000  }
0x368: {  	_ =	sfence.sel $0x180000  }
0x369: {  	[bflag:$0x0] =	sbarrier.arrive $0xFFFF  }
0x36a: {  	_ =	strace $0x90000047  }
0x36b: {  	s0 =	stileid.u32;
	[bflag:$0x2] =	sbarrier.arrive $0xFFFF  }
0x36c: {  	p0 =	sne.s32 s0, $0x0;
	s0 =	rddreg [dreg:$0x3]  }
0x36d: {  	s0 =	sadd.s32 @!p0 $0x100000, s0  }
0x36e: {  	[sflag:s0] =	ssyncadd.tile.s32 @!p0 $0x1;
	_ =	shalt  }
.Lfunc_end2:
_tile_overlayer_lowered:
.L_overlay_start_2:
0x36f: {  	(tag) =	ssettag $0x2  }
0x370: {  	s0 =	rddreg [dreg:$0x0];
	s2 =	stileid.u32  }
0x371: {  	s1 =	rddreg [dreg:$0x1];
	p0 =	sne.s32 s2, $0x0  }
0x372: {  	s3 =	rddreg [dreg:$0x2];
	[bflag:$0x3] =	sbarrier.arrive $0xFFFF;
	s2 =	simm.s32 @!p0 $0x1C01  }
0x373: {  	[timem:s3], [sflag:s2] =	dma.local @!p0 [hbm:s0], s1  }
0x374: {  	s0 =	simm.s32 @!p0 $0x1  }
0x375: {  	_ =	swait.ge @!p0 [sflag:s0], s1  }
0x376: {  	s1 =	ssub.s32 @!p0 $0x0, s1;
	[sflag:s0] =	ssyncset.done @!p0 $0x0  }
0x377: {  	[sflag:s0] =	ssyncadd.s32 @!p0 s1  }
0x378: {  	[bflag:$0x3] =	sbarrier.arrive $0xFFFF  }
0x379: {  	_ =	shalt  }

// kernel: kernel.8.cloned.1.call-start
scs
__scs_entry_jumppad:
0x0: {  	(pc) =	sbr.rel $0x88, $3  }
0x1: {  	(tag) =	ssettag $0x0;
	lr =	simm.s32 $0x1  }
0x2: {  	[smem:$0x3FA0] =	sst lr;
	_ =	strace $0xD0000000  }
0x3: {  	_ = 	snop  }
0x4: {  	_ = 	snop  }
0x5: {  	_ = 	snop  }
0x6: {  	_ = 	snop  }
0x7: {  	_ = 	snop  }
__scs_overlays_trampoline_lowered:
0x8: {  	[smem:$0x3FAF] =	sst s0  }
0x9: {  	[smem:$0x3FB0] =	sst s1  }
0xa: {  	[smem:$0x3FB1] =	sst s2  }
0xb: {  	[smem:$0x3FB2] =	sst s3  }
0xc: {  	[smem:$0x3FB3] =	sst s4  }
0xd: {  	[smem:$0x3FB4] =	sst s5  }
0xe: {  	[smem:$0x3FB5] =	sst s6  }
0xf: {  	[smem:$0x3FB6] =	sst s7  }
0x10: {  	[smem:$0x3FB7] =	sst s8  }
0x11: {  	[smem:$0x3FB8] =	sst s9;
	s0 =	simm.s32 @!p0 $0x0  }
0x12: {  	s1 =	sld [smem:$0x3F9E];
	s0 =	simm.s32 @p0 $0x1  }
0x13: {  	[smem:$0x3FB9] =	sst s0;
	s0 =	simm.s32 @!p1 $0x0  }
0x14: {  	s2 =	sld [smem:$0x3F9D];
	s0 =	simm.s32 @p1 $0x1  }
0x15: {  	[smem:$0x3FBA] =	sst s0;
	s0 =	simm.s32 @!p2 $0x0  }
0x16: {  	s3 =	sld [smem:$0x3FDB];
	s0 =	simm.s32 @p2 $0x1  }
0x17: {  	s4 =	simm.s32 $0x1BF5;
	[smem:$0x3FBC] =	sst s0  }
0x18: {  	s0 =	sld [smem:$0x3F9F];
	_ =	swait.ge [sflag:s4], $0x0  }
0x19: {  	s7 =	sld [smem:$0x3FA0]  }
0x1a: {  	s8 =	sadd.s32 $0xFFFFE003, lr  }
0x1b: {  	s9 =	sadd.s32 $0xFFFFFEF7, lr;
	s5 =	simm.s32 $0xFFFFFFFF;
	p2 =	slt.u32 s8, $0xFFFFF086  }
0x1c: {  	p1 =	slt.u32 s9, $0xF7A;
	s5 =	simm.s32 @!p2 $0x0  }
0x1d: {  	s5 =	simm.s32 @p1 $0x1;
	p0 =	seq.s32 s7, s2  }
0x1e: {  	s7 =	smul.u32 @!p0 $0xF7A, s2;
	p2 =	seq.s32 @!p0 s5, $0x0  }
0x1f: {  	s9 =	smul.u32 $0xF7A, s1;
	s8 =	simm.s32 @!p0 $0x1BF5;
	p2 =	por !p2, p0  }
0x20: {  	[sflag:s8] =	ssyncset.s32 @!p0 $0xFFFFF086;
	s6 =	sadd.s32 @!p0 s3, s7;
	s7 =	simm.s32 @!p0 $0x108  }
0x21: {  	s3 =	sadd.s32 s3, s9;
	s6 =	sadd.s32 @!p0 $0x88, s6;
	s7 =	simm.s32 @p2 $0x1082  }
0x22: {  	[simem:s7], [sflag:s8] =	dma.local @!p0 [hbm:s6], $0xF7A  }
0x23: {  	s9 =	sor.u32 $0xD0000000, s2;
	s6 =	simm.s32 $0x108;
	_ =	swait.ge @!p0 [sflag:s8], $0x0  }
0x24: {  	s3 =	sadd.s32 $0x88, s3;
	s6 =	simm.s32 @!p1 $0x1082;
	[sflag:s4] =	ssyncset.s32 $0xFFFFF086  }
0x25: {  	[simem:s6], [sflag:s4] =	dma.local [hbm:s3], $0xF7A  }
0x26: {  	[smem:$0x3FA0] =	sst s1;
	(tag) =	ssettag s2;
	_ =	strace s9  }
0x27: {  	s1 =	sld [smem:$0x3FB0]  }
0x28: {  	s2 =	sld [smem:$0x3FB1]  }
0x29: {  	s4 =	sld [smem:$0x3FB3]  }
0x2a: {  	p0 =	seq.s32 s5, $0x0;
	s5 =	sld [smem:$0x3FB4]  }
0x2b: {  	s6 =	sld [smem:$0x3FB5]  }
0x2c: {  	s7 =	sld [smem:$0x3FB6]  }
0x2d: {  	s3 =	simm.s32 $0x108;
	s8 =	sld [smem:$0x3FB7]  }
0x2e: {  	s3 =	simm.s32 @!p0 $0x1082;
	s9 =	sld [smem:$0x3FB8]  }
0x2f: {  	lr =	sadd.s32 s0, s3;
	s0 =	sld [smem:$0x3FAF]  }
0x30: {  	s3 =	sld [smem:$0x3FB2]  }
0x31: {  	[smem:$0x3FBB] =	sst s10  }
0x32: {  	s10 =	sld [smem:$0x3FB9];
	_ =	sdelay $0x3  }
0x33: {  	p0 =	seq.s32 s10, $0x1;
	s10 =	sld [smem:$0x3FBB];
	_ =	sdelay $0x3  }
0x34: {  	[smem:$0x3FBB] =	sst s10  }
0x35: {  	s10 =	sld [smem:$0x3FBA];
	_ =	sdelay $0x3  }
0x36: {  	p1 =	seq.s32 s10, $0x1;
	s10 =	sld [smem:$0x3FBB];
	_ =	sdelay $0x3  }
0x37: {  	[smem:$0x3FBB] =	sst s10  }
0x38: {  	s10 =	sld [smem:$0x3FBC]  }
0x39: {  	_ = 	snop;
	(pc) =	sbr.ind lr, $3  }
0x3a: {  	_ = 	snop  }
0x3b: {  	_ = 	snop  }
0x3c: {  	p2 =	seq.s32 s10, $0x1;
	s10 =	sld [smem:$0x3FBB]  }
0x3d: {  	_ =	shalt  }
0x3e: {  	_ =	shalt  }
0x3f: {  	_ =	shalt  }
0x40: {  	_ =	shalt  }
0x41: {  	_ =	shalt  }
0x42: {  	_ =	shalt  }
0x43: {  	_ =	shalt  }
0x44: {  	_ =	shalt  }
0x45: {  	_ =	shalt  }
0x46: {  	_ =	shalt  }
0x47: {  	_ =	shalt  }
0x48: {  	_ =	shalt  }
0x49: {  	_ =	shalt  }
0x4a: {  	_ =	shalt  }
0x4b: {  	_ =	shalt  }
0x4c: {  	_ =	shalt  }
0x4d: {  	_ =	shalt  }
0x4e: {  	_ =	shalt  }
0x4f: {  	_ =	shalt  }
0x50: {  	_ =	shalt  }
0x51: {  	_ =	shalt  }
0x52: {  	_ =	shalt  }
0x53: {  	_ =	shalt  }
0x54: {  	_ =	shalt  }
0x55: {  	_ =	shalt  }
0x56: {  	_ =	shalt  }
0x57: {  	_ =	shalt  }
0x58: {  	_ =	shalt  }
0x59: {  	_ =	shalt  }
0x5a: {  	_ =	shalt  }
0x5b: {  	_ =	shalt  }
0x5c: {  	_ =	shalt  }
0x5d: {  	_ =	shalt  }
0x5e: {  	_ =	shalt  }
0x5f: {  	_ =	shalt  }
0x60: {  	_ =	shalt  }
0x61: {  	_ =	shalt  }
0x62: {  	_ =	shalt  }
0x63: {  	_ =	shalt  }
0x64: {  	_ =	shalt  }
0x65: {  	_ =	shalt  }
0x66: {  	_ =	shalt  }
0x67: {  	_ =	shalt  }
0x68: {  	_ =	shalt  }
0x69: {  	_ =	shalt  }
0x6a: {  	_ =	shalt  }
0x6b: {  	_ =	shalt  }
0x6c: {  	_ =	shalt  }
0x6d: {  	_ =	shalt  }
0x6e: {  	_ =	shalt  }
0x6f: {  	_ =	shalt  }
0x70: {  	_ =	shalt  }
0x71: {  	_ =	shalt  }
0x72: {  	_ =	shalt  }
0x73: {  	_ =	shalt  }
0x74: {  	_ =	shalt  }
0x75: {  	_ =	shalt  }
0x76: {  	_ =	shalt  }
0x77: {  	_ =	shalt  }
0x78: {  	_ =	shalt  }
0x79: {  	_ =	shalt  }
0x7a: {  	_ =	shalt  }
0x7b: {  	_ =	shalt  }
0x7c: {  	_ =	shalt  }
0x7d: {  	_ =	shalt  }
0x7e: {  	_ =	shalt  }
0x7f: {  	_ =	shalt  }
0x80: {  	_ =	shalt  }
0x81: {  	_ =	shalt  }
0x82: {  	_ =	shalt  }
0x83: {  	_ =	shalt  }
0x84: {  	_ =	shalt  }
0x85: {  	_ =	shalt  }
0x86: {  	_ =	shalt  }
0x87: {  	_ =	shalt  }
.Lfunc_end0:
.L_simem_size_0:
called_computation.2_lowered:
.L_overlay_start_0:
0x88: {  	s2 =	sld [smem:$0x3FD9]  }
0x89: {  	s3 =	sld [smem:$0x3FFE];
	_ =	sdelay $0x1  }
0x8a: {  	s1 =	srdreg.scid  }
0x8b: {  	s0 =	sand.u32 $0x1, s1  }
0x8c: {  	s14 =	sshll.u32 s0, $0xA;
	s2 =	sadd.s32 s3, s2  }
0x8d: {  	s2 =	sadd.s32 s2, s14  }
0x8e: {  	[smem:$0x3FC7] =	sst s2  }
0x8f: {  	_ = 	snop  }
0x90: {  	s2 =	sld [smem:$0x3FD0];
	_ =	sdelay $0x2  }
0x91: {  	s15 =	simm.s32 $0xA;
	s4 =	simm.s32 $0x10  }
0x92: {  	[smem:s4], [sflag:s15] =	dma.local [hbm:s2], $0x1  }
0x93: {  	_ =	swait.eq [sflag:s15], $0x1  }
0x94: {  	[sflag:s15] =	ssyncset.done $0x0  }
0x95: {  	s16 =	sld [smem:$0x10];
	[sflag:s15] =	ssyncadd.s32 $0xFFFFFFFF  }
0x96: {  	s17 =	sld [smem:$0x12];
	(tm) =	ssettm $0x1  }
0x97: {  	s18 =	sld [smem:$0x3FFB];
	_ =	sdelay $0x3  }
0x98: {  	_ =	strace s18  }
0x99: {  	s4 =	sld [smem:$0x3FFC];
	_ =	sdelay $0x3  }
0x9a: {  	_ =	strace s4  }
0x9b: {  	s4 =	sld [smem:$0x3FFD];
	_ =	sdelay $0x3  }
0x9c: {  	_ =	strace s4  }
0x9d: {  	_ =	strace $0x8FFFFFFF  }
0x9e: {  	s19 =	sld [smem:$0x3FDB];
	_ =	sdelay $0x1  }
0x9f: {  	s5 =	simm.s32 $_scs_section_size  }
0xa0: {  	s6 =	simm.s32 $_size__tile_overlayer_lowered;
	s7 =	simm.s32 $_tile_overlayer_lowered  }
0xa1: {  	s22 =	simm.s32 $0x1BFF;
	s21 =	sshll.u32 s7, $0x1;
	s4 =	sadd.s32 s5, s19  }
0xa2: {  	s8 =	simm.s32 $0x0;
	s20 =	sshll.u32 s6, $0x1;
	s6 =	sadd.s32 s21, s4  }
0xa3: {  	[timem:s8], [sflag:s22] =	dma.local [hbm:s6], s20  }
0xa4: {  	_ =	swait.ge [sflag:s22], s20  }
0xa5: {  	s5 =	ssub.s32 $0x0, s20;
	[sflag:s22] =	ssyncset.done $0x0  }
0xa6: {  	[sflag:s22] =	ssyncadd.s32 s5;
	_ =	sdelay $0x1  }
0xa7: {  	s23 =	simm.s32 $0x1B8B  }
0xa8: {  	_ =	swait.ge [sflag:s23], $0x1  }
0xa9: {  	[sflag:s23] =	ssyncset.done $0x0  }
0xaa: {  	s25 =	simm.s32 $0x1B8E;
	s24 =	sld [smem:$0x3FFE];
	[sflag:s23] =	ssyncadd.s32 $0xFFFFFFFF  }
0xab: {  	s26 =	simm.s32 $execute0_lowered;
	[smem:$0x3FD2] =	sst s25  }
0xac: {  	s6 =	sshll.u32 s26, $0x1;
	_ =	strace $0x8000004C;
	[dreg:$0x1] =	wrdreg $0xFFFFFFFF  }
0xad: {  	s28 =	simm.s32 $_size_execute0_lowered;
	s4 =	sadd.s32 s4, s6;
	[dreg:$0x0] =	wrdreg $0x0  }
0xae: {  	s6 =	sshll.u32 s28, $0x1;
	[dreg:$0x2] =	wrdreg s4  }
0xaf: {  	[dreg:$0x3] =	wrdreg s6  }
0xb0: {  	[dreg:$0x4] =	wrdreg $0xC0  }
0xb1: {  	_ =	task [dreg:s8], $0x5FFFF  }
0xb2: {  	[dreg:$0x1] =	wrdreg $0xFFFFFFFF  }
0xb3: {  	[dreg:$0x0] =	wrdreg $0x60  }
0xb4: {  	[dreg:$0x2] =	wrdreg s17  }
0xb5: {  	[dreg:$0x3] =	wrdreg s24  }
0xb6: {  	[dreg:$0x4] =	wrdreg s16  }
0xb7: {  	[dreg:$0x5] =	wrdreg $0x9  }
0xb8: {  	_ =	task.clear_ibuf [dreg:s8], $0x6FFFF;
	_ =	strace $0x9000004C  }
0xb9: {  	s29 =	simm.s32 $0x9;
	_ =	strace $0x8000004E  }
0xba: {  	_ =	swait.ge [sflag:s29], $0x1  }
0xbb: {  	[sflag:s29] =	ssyncadd.s32 $0xFFFFFFFF  }
0xbc: {  	_ =	strace $0x9000004E  }
0xbd: {  	_ =	sfence  }
0xbe: {  	s30 =	sld [smem:$0x0];
	_ =	sdelay $0x2  }
0xbf: {  	s31 =	sshll.u32 s1, $0xD;
	s1 =	sshrl.u32 s1, $0x2  }
0xc0: {  	s3 =	sand.u32 $0x4000, s31;
	s1 =	sadd.s32 s1, s30  }
0xc1: {  	s0 =	sor.u32 s3, s0;
	s1 =	sshll.u32 s1, $0x11  }
0xc2: {  	s0 =	sor.u32 s1, s0  }
0xc3: {  	s0 =	sadd.s32 $0x8F2B, s0  }
0xc4: {  	[sflag:s0] =	ssyncadd.remote.s32 $0x1  }
0xc5: {  	_ =	sfence.sel $0xFFFF  }
0xc6: {  	[dreg:$0x0] =	wrdreg $0xFFFFFFFF;
	(pc) =	sbr.abs _section_cstart, $3  }
0xc7: {  	[dreg:$0x1] =	wrdreg $0xFFFFFFFF  }
0xc8: {  	_ =	task.clear_ibuf [dreg:s8], $0x2FFFF;
	_ =	strace $0x9FFFFFFF  }
0xc9: {  	(tm) =	ssettm $0x7FFFFFFF  }
tec
execute0_lowered:
.L_overlay_start_1:
0x0: {  	(tag) =	ssettag $0x1  }
0x1: {  	s5 =	rddreg [dreg:$0x0]  }
0x2: {  	s4 =	rddreg [dreg:$0x1]  }
0x3: {  	s8 =	rddreg [dreg:$0x2];
	s1 =	simm.s32 $0x0  }
0x4: {  	[smem:$0x7FF] =	sst s1  }
0x5: {  	s0 =	rddreg [dreg:$0x3];
	v0 =	vimm.f32 $1.000000010e-01;
	_ =	strace $0x8000004D  }
0x6: {  	(erf) = vrcp.f32 v0;
	v0 =	vimm.f32 $5.110000000e+02  }
0x7: {  	(erf) = vrcp.f32 v0;
	v0 =	vimm.f32 $2.000000000e+00  }
0x8: {  	s3 =	srdreg.scid;
	s2 =	stileid.u32;
	s12 =	simm.s32 $0x400;
	(erf) = vrcp.f32 v0  }
0x9: {  	s13 =	simm.s32 $0x6800;
	s14 =	simm.s32 $0x1;
	s15 =	simm.s32 $0x1000  }
0xa: {  	s16 =	simm.s32 $0xCC00;
	s17 =	simm.s32 $0xEC00;
	s18 =	simm.s32 $0xF000  }
0xb: {  	s19 =	simm.s32 $0xF400;
	s20 =	simm.s32 $0xF800;
	s21 =	simm.s32 $0x0  }
0xc: {  	s3 =	sand.u32 $0x1, s3;
	s7 =	sshll.u32 s2, $0x8;
	s31 =	sshll.u32 s2, $0x11  }
0xd: {  	s6 =	ssub.s32 $0x2, s3;
	s9 =	sshll.u32 s3, $0x7;
	s3 =	sadd.s32 $0x4A000, s4  }
0xe: {  	s11 =	sand.u32 $0x1C0000, s31;
	s10 =	sshrl.u32 s6, $0x1;
	s9 =	sor.u32 s9, s7  }
0xf: {  	v8 =	vimm.s32 $0x1;
	s10 =	ssub.s32 s6, s10;
	s4 =	sadd.s32 s4, s9;
	s5 =	sadd.s32 s5, s9;
	v0 =	vmov s11;
	v1 =	vpop (erf)  }
0x10: {  	v9 =	vimm.s32 $0x2;
	v10 =	vimm.s32 $0x0;
	s8 =	sadd.s32 s8, s9;
	s6 =	sadd.s32 $0x1000, s4;
	s7 =	sadd.s32 $0x2000, s4;
	v2 =	vadd.s32 $0xFFFFFC00, v0;
	v3 =	vpop (erf)  }
0x11: {  	s9 =	smax.u32 s10, $0x1;
	s10 =	simm.s32 $0x2;
	s11 =	simm.s32 $0x6400;
	v4 =	vadd.s32 $0xFFFFFE00, v0;
	v5 =	vor.u32 $0x200, v0;
	v6 =	vor.u32 $0x400, v0;
	v7 =	vpop (erf)  }
.LBB2_1:
0x12: {  	[tilespmem:s1], [sflag:$0x2] =	stream.linear.gather [hbm4b:s5+s1], $0x400, $0x38;
	[tilespmem:$0x10400] =	vst v63  }
0x13: {  	_ =	swait.ge [sflag:s10], $0x400  }
0x14: {  	s22 =	simm.s32 $0x400;
	[sflag:s10] =	ssyncset.done $0x0  }
0x15: {  	s23 =	simm.s32 $0x0;
	s24 =	simm.s32 $0x0;
	[sflag:s10] =	ssyncadd.s32 $0xFFFFFC00  }
.LBB2_2:
0x16: {  	v11 =	vld [tilespmem:s23+$0x0];
	_ =	sdelay $0x4  }
0x17: {  	v12 =	vshrl.u32 v11, $0x9;
	v14 =	vand.u32 $0x1FF, v11  }
0x18: {  	v15 =	vadd.s32 $0xFFFFFC00, v11;
	vm13 =	vlt.u32 v11, $0x40200;
	vm10 =	vlt.u32 v11, $0x40000  }
0x19: {  	v13 =	vmax.u32 v12, $0x2;
	vm4 =	vlt.u32 v15, $0x40000;
	v29 =	vmax.u32 v14, $0x2  }
0x1a: {  	vm0 =	vgt.u32 v14, $0x1;
	vm2 =	vne.s32 v14, $0x0;
	v17 =	vmax.u32 v14, $0x1  }
0x1b: {  	v18 =	vmin.u32 v14, $0x1FE;
	vm12 =	vne.s32 v12, $0x0;
	v22 =	vmax.u32 v12, $0x1  }
0x1c: {  	v23 =	vmin.u32 v14, $0x1FD;
	v24 =	vmin.u32 v12, $0x1FF;
	v42 =	vmin.u32 v12, $0x1FE  }
0x1d: {  	v12 =	vmin.u32 v12, $0x1FD;
	v13 =	vmin.u32 v13, $0x201;
	v15 =	vsub.s32 v29, v9  }
0x1e: {  	vm1 =	vmand vm4, vm0;
	vm3 =	vmand vm4, vm2;
	v17 =	vsub.s32 v17, v8  }
0x1f: {  	v18 =	vadd.s32 $0x1, v18;
	v22 =	vmin.u32 v22, $0x200;
	v23 =	vadd.s32 $0x2, v23  }
0x20: {  	v35 =	vshll.u32 v24, $0x9;
	vm11 =	vmand vm10, vm0;
	v13 =	vshll.u32 v13, $0x9  }
0x21: {  	v44 =	vshll.u32 v42, $0x9;
	v22 =	vshll.u32 v22, $0x9;
	v13 =	vadd.s32 v13, v2  }
0x22: {  	v12 =	vshll.u32 v12, $0x9;
	v22 =	vadd.s32 v22, v4;
	v16 =	vor.u32 v15, v13  }
0x23: {  	v19 =	vor.u32 v17, v13;
	v20 =	vor.u32 v14, v13;
	v21 =	vadd.s32 v18, v13  }
0x24: {  	v13 =	vadd.s32 v23, v13;
	v30 =	vor.u32 v15, v22;
	v16 =	vsel vm1, v16, v0  }
0x25: {  	s25 =	sand.u32 $0x3F0, s24;
	v31 =	vor.u32 v17, v22;
	vm1 =	vne.s32 v14, $0x1FF;
	v19 =	vsel vm3, v19, v0;
	[tilespmem:s22+$0x0] =	vst v16  }
0x26: {  	v20 =	vsel vm4, v20, v0;
	vm3 =	vlt.u32 v14, $0x1FE;
	vm5 =	vmand vm4, vm1;
	[tilespmem:s25+$0x800] =	vst v19  }
0x27: {  	v32 =	vadd.s32 v18, v22;
	vm4 =	vmand vm4, vm3;
	v21 =	vsel vm5, v21, v0;
	[tilespmem:s25+$0xC00] =	vst v20  }
0x28: {  	v33 =	vor.u32 v14, v22;
	vm5 =	vmand vm13, vm12;
	v13 =	vsel vm4, v13, v0;
	[tilespmem:s25+$0x1000] =	vst v21  }
0x29: {  	v36 =	vadd.s32 v23, v22;
	vm14 =	vmand vm0, vm5;
	[tilespmem:s25+$0x1400] =	vst v13;
	v34 =	vsel vm5, v33, v0  }
0x2a: {  	vm12 =	vmand vm10, vm2;
	vm15 =	vmand vm2, vm5;
	v16 =	vsel vm14, v30, v0;
	[tilespmem:s25+$0x2000] =	vst v34  }
0x2b: {  	vm13 =	vmand vm10, vm1;
	vm8 =	vmand vm1, vm5;
	v19 =	vsel vm15, v31, v0;
	[tilespmem:s25+$0x1800] =	vst v16  }
0x2c: {  	vm9 =	vmand vm3, vm5;
	v21 =	vor.u32 v0, v35;
	v20 =	vsel vm8, v32, v0;
	[tilespmem:s25+$0x1C00] =	vst v19  }
0x2d: {  	v37 =	vor.u32 v15, v21;
	v39 =	vor.u32 v17, v21;
	v16 =	vsel vm9, v36, v0;
	[tilespmem:s25+$0x2400] =	vst v20  }
0x2e: {  	v40 =	vadd.s32 v18, v21;
	v41 =	vor.u32 v14, v21;
	v38 =	vsel vm11, v37, v0;
	[tilespmem:s25+$0x2800] =	vst v16  }
0x2f: {  	vm14 =	vmand vm10, vm3;
	v45 =	vadd.s32 v23, v21;
	v19 =	vsel vm12, v39, v0;
	[tilespmem:s25+$0x2C00] =	vst v38  }
0x30: {  	vm15 =	vlt.u32 v11, $0x3FE00;
	v20 =	vsel vm13, v40, v0;
	v43 =	vsel vm10, v41, v0;
	[tilespmem:s25+$0x3000] =	vst v19  }
0x31: {  	v46 =	vsel vm14, v45, v0;
	vm12 =	vlt.u32 v11, $0x3FC00;
	v11 =	vadd.s32 v12, v6;
	[tilespmem:s25+$0x3400] =	vst v43  }
0x32: {  	vm8 =	vmand vm15, vm0;
	[tilespmem:s25+$0x3800] =	vst v20;
	vm0 =	vmand vm12, vm0;
	v56 =	vor.u32 v15, v11  }
0x33: {  	[tilespmem:s25+$0x3C00] =	vst v46;
	vm13 =	vmand vm12, vm2;
	v58 =	vor.u32 v17, v11;
	v57 =	vsel vm0, v56, v0  }
0x34: {  	v16 =	vadd.s32 v44, v5;
	v60 =	vor.u32 v14, v11;
	v59 =	vsel vm13, v58, v0;
	[tilespmem:s25+$0x5400] =	vst v57  }
0x35: {  	vm14 =	vmand vm12, vm1;
	v62 =	vadd.s32 v18, v11;
	v61 =	vsel vm12, v60, v0;
	[tilespmem:s25+$0x5800] =	vst v59  }
0x36: {  	v47 =	vor.u32 v15, v16;
	v63 =	vsel vm14, v62, v0;
	[tilespmem:s25+$0x5C00] =	vst v61  }
0x37: {  	vm9 =	vmand vm15, vm2;
	v48 =	vor.u32 v17, v16;
	v19 =	vsel vm8, v47, v0;
	[tilespmem:s25+$0x6000] =	vst v63  }
0x38: {  	p0 =	sne.s32 s24, $0x3F0;
	v52 =	vor.u32 v14, v16;
	v49 =	vsel vm9, v48, v0;
	[tilespmem:s25+$0x4000] =	vst v19  }
.Ltmp0:
0x39: {  	vm10 =	vmand vm15, vm1;
	v50 =	vadd.s32 v18, v16;
	v53 =	vsel vm15, v52, v0;
	[tilespmem:s25+$0x4400] =	vst v49;
	(pc) =	sbr.rel @p0 .LBB2_2-.Ltmp0, $4  }
0x3a: {  	vm11 =	vmand vm15, vm3;
	v54 =	vadd.s32 v23, v16;
	v51 =	vsel vm10, v50, v0;
	[tilespmem:s25+$0x4800] =	vst v53  }
0x3b: {  	v11 =	vadd.s32 v23, v11;
	v55 =	vsel vm11, v54, v0;
	vm15 =	vmand vm12, vm3;
	[tilespmem:s25+$0x4C00] =	vst v51  }
0x3c: {  	[tilespmem:s25+$0x5000] =	vst v55;
	v11 =	vsel vm15, v11, v0  }
0x3d: {  	s23 =	sadd.s32 $0x10, s23;
	s24 =	sadd.s32 $0x10, s24;
	s22 =	sadd.s32 $0x10, s22;
	[tilespmem:s25+$0x6400] =	vst v11  }
0x3e: {  	[tilespmem:s13], [sflag:$0x1] =	stream.indirect.gather [hbm4b:s3+s11], $0x1, s12, s11, $0xb8;
	[tilespmem:$0x10400] =	vst v63  }
0x3f: {  	_ =	swait.ge [sflag:s14], $0x6400  }
0x40: {  	[sflag:s14] =	ssyncset.done $0x0  }
0x41: {  	s22 =	simm.s32 $0x0;
	s23 =	simm.s32 $0x0;
	[sflag:s14] =	ssyncadd.s32 $0xFFFF9C00  }
.LBB2_4:
0x42: {  	s24 =	sshra.s32 s23, $0x2  }
0x43: {  	v13 =	vld [tilespmem:s24+$0x0];
	_ =	sdelay $0x1  }
0x44: {  	v14 =	vld [tilespmem:s24+$0x6800]  }
0x45: {  	v15 =	vld [tilespmem:s24+$0x6C00]  }
0x46: {  	v16 =	vld [tilespmem:s24+$0x7000]  }
0x47: {  	s25 =	sand.u32 $0x3F0, s22;
	v17 =	vld [tilespmem:s24+$0x7400];
	v11 =	vshrl.u32 v13, $0x9;
	v12 =	vand.u32 $0x1FF, v13;
	v18 =	vadd.s32 $0xFFFFFC00, v13  }
0x48: {  	v44 =	vld [tilespmem:s25+$0x7800];
	vm6 =	vlt.u32 v13, $0x40200;
	vm4 =	vlt.u32 v18, $0x40000;
	vm2 =	vgt.u32 v12, $0x1  }
0x49: {  	v19 =	vld [tilespmem:s25+$0x7C00];
	vm1 =	vne.s32 v12, $0x0;
	vm0 =	vne.s32 v12, $0x1FF;
	vm9 =	vne.s32 v11, $0x0  }
0x4a: {  	v45 =	vld [tilespmem:s25+$0x8000];
	vm3 =	vmand vm4, vm2;
	vm5 =	vmand vm4, vm1;
	vm8 =	vmand vm4, vm0  }
0x4b: {  	v46 =	vld [tilespmem:s25+$0x8400];
	v31 =	vnsel vm4, $0x0, v16;
	v29 =	vnsel vm3, $0x0, v14;
	v30 =	vnsel vm5, $0x0, v15  }
0x4c: {  	v47 =	vld [tilespmem:s25+$0x8800];
	v32 =	vnsel vm8, $0x0, v17;
	vm3 =	vlt.u32 v12, $0x1FE;
	v48 =	vmax.f32 v29, v30  }
0x4d: {  	v20 =	vld [tilespmem:s25+$0x8C00];
	vm5 =	vmand vm6, vm9;
	vm4 =	vmand vm4, vm3;
	v17 =	vmax.f32 v48, v31  }
0x4e: {  	v49 =	vld [tilespmem:s25+$0x9000];
	vm10 =	vmand vm2, vm5;
	v33 =	vnsel vm4, $0x0, v44;
	v17 =	vmax.f32 v17, v32  }
0x4f: {  	v50 =	vld [tilespmem:s25+$0x9400];
	vm11 =	vmand vm1, vm5;
	v34 =	vnsel vm10, $0x0, v19;
	v17 =	vmax.f32 v17, v33  }
0x50: {  	v51 =	vld [tilespmem:s25+$0x9800];
	vm14 =	vlt.u32 v13, $0x40000;
	v35 =	vnsel vm11, $0x0, v45;
	v17 =	vmax.f32 v17, v34  }
0x51: {  	v52 =	vld [tilespmem:s25+$0x9C00];
	vm12 =	vmand vm0, vm5;
	v36 =	vnsel vm5, $0x0, v46;
	v53 =	vmax.f32 v17, v35  }
0x52: {  	vm13 =	vmand vm3, vm5;
	v37 =	vnsel vm12, $0x0, v47;
	v16 =	vmax.f32 v53, v36  }
0x53: {  	v54 =	vld [tilespmem:s25+$0xA000];
	vm15 =	vmand vm14, vm2;
	v38 =	vnsel vm13, $0x0, v20;
	v16 =	vmax.f32 v16, v37  }
0x54: {  	v55 =	vld [tilespmem:s25+$0xA400];
	v28 =	vnsel vm15, $0x0, v49;
	vm8 =	vmand vm14, vm1;
	v16 =	vmax.f32 v16, v38  }
0x55: {  	v56 =	vld [tilespmem:s25+$0xA800];
	vm9 =	vmand vm14, vm0;
	v27 =	vnsel vm8, $0x0, v50;
	v16 =	vmax.f32 v16, v28  }
0x56: {  	v57 =	vld [tilespmem:s25+$0xAC00];
	v26 =	vnsel vm14, $0x0, v51;
	v24 =	vnsel vm9, $0x0, v52;
	v59 =	vmax.f32 v16, v27  }
0x57: {  	v58 =	vld [tilespmem:s25+$0xB000];
	vm10 =	vmand vm14, vm3;
	vm11 =	vlt.u32 v13, $0x3FE00;
	v15 =	vmax.f32 v59, v26  }
0x58: {  	v60 =	vld [tilespmem:s25+$0xB400];
	v25 =	vnsel vm10, $0x0, v54;
	vm12 =	vmand vm11, vm2;
	v15 =	vmax.f32 v15, v24  }
0x59: {  	v61 =	vld [tilespmem:s25+$0xB800];
	vm13 =	vmand vm11, vm1;
	v23 =	vnsel vm12, $0x0, v55;
	v15 =	vmax.f32 v15, v25  }
0x5a: {  	v39 =	vld [tilespmem:s25+$0xBC00];
	vm8 =	vlt.u32 v13, $0x3FC00;
	v22 =	vnsel vm13, $0x0, v56;
	v15 =	vmax.f32 v15, v23  }
0x5b: {  	v62 =	vld [tilespmem:s25+$0xC000];
	vm14 =	vmand vm11, vm0;
	v21 =	vnsel vm11, $0x0, v57;
	v15 =	vmax.f32 v15, v22  }
0x5c: {  	v63 =	vld [tilespmem:s25+$0xC400];
	vm15 =	vmand vm11, vm3;
	v19 =	vnsel vm14, $0x0, v58;
	v15 =	vmax.f32 v15, v21  }
0x5d: {  	v40 =	vld [tilespmem:s25+$0xC800];
	vm2 =	vmand vm8, vm2;
	v20 =	vnsel vm15, $0x0, v60;
	v15 =	vmax.f32 v15, v19  }
0x5e: {  	vm1 =	vmand vm8, vm1;
	v18 =	vnsel vm2, $0x0, v61;
	v15 =	vmax.f32 v15, v20  }
0x5f: {  	v17 =	vnsel vm1, $0x0, v39;
	v15 =	vmax.f32 v15, v18  }
0x60: {  	vm0 =	vmand vm8, vm0;
	v16 =	vnsel vm8, $0x0, v62;
	v39 =	vmax.f32 v15, v17  }
0x61: {  	vm9 =	vmand vm8, vm3;
	v15 =	vnsel vm0, $0x0, v63;
	v14 =	vmax.f32 v39, v16  }
0x62: {  	v13 =	vnsel vm9, $0x0, v40;
	v14 =	vmax.f32 v14, v15  }
0x63: {  	v14 =	vmax.f32 v14, v13  }
0x64: {  	v29 =	vsub.f32 v29, v14;
	v30 =	vsub.f32 v30, v14  }
0x65: {  	v40 =	vsub.f32 v31, v14;
	v41 =	vsub.f32 v32, v14  }
0x66: {  	v42 =	vsub.f32 v33, v14;
	v34 =	vsub.f32 v34, v14;
	v29 =	vmul.f32 v29, v1  }
0x67: {  	v35 =	vsub.f32 v35, v14;
	v57 =	vsub.f32 v36, v14;
	v30 =	vmul.f32 v30, v1  }
0x68: {  	v28 =	vsub.f32 v28, v14;
	v50 =	vmul.f32 v34, v1;
	v29 =	vmul.f32 $1.442695020e+00, v29  }
0x69: {  	v27 =	vsub.f32 v27, v14;
	v56 =	vmul.f32 v35, v1;
	v30 =	vmul.f32 $1.442695020e+00, v30  }
0x6a: {  	v26 =	vsub.f32 v26, v14;
	v59 =	vmul.f32 v57, v1;
	(erf) = vpow2.f32 v29  }
0x6b: {  	v24 =	vsub.f32 v24, v14;
	v29 =	vmul.f32 v40, v1;
	(erf) = vpow2.f32 v30  }
0x6c: {  	v25 =	vsub.f32 v25, v14;
	v28 =	vmul.f32 v28, v1;
	v27 =	vmul.f32 v27, v1  }
0x6d: {  	v23 =	vsub.f32 v23, v14;
	v26 =	vmul.f32 v26, v1;
	v29 =	vmul.f32 $1.442695020e+00, v29  }
0x6e: {  	v22 =	vsub.f32 v22, v14;
	v24 =	vmul.f32 v24, v1;
	v25 =	vmul.f32 v25, v1  }
0x6f: {  	v21 =	vsub.f32 v21, v14;
	(erf) = vpow2.f32 v29;
	v29 =	vmul.f32 v41, v1  }
0x70: {  	v19 =	vsub.f32 v19, v14;
	v23 =	vmul.f32 v23, v1;
	v30 =	vmul.f32 v42, v1  }
0x71: {  	v20 =	vsub.f32 v20, v14;
	v22 =	vmul.f32 v22, v1;
	v29 =	vmul.f32 $1.442695020e+00, v29  }
0x72: {  	v18 =	vsub.f32 v18, v14;
	v21 =	vmul.f32 v21, v1;
	v47 =	vmul.f32 $1.442695020e+00, v30  }
0x73: {  	v17 =	vsub.f32 v17, v14;
	v33 =	vmul.f32 $1.442695020e+00, v50;
	(erf) = vpow2.f32 v29;
	v43 =	vpop (erf)  }
0x74: {  	v16 =	vsub.f32 v16, v14;
	v19 =	vmul.f32 v19, v1;
	v46 =	vpop (erf);
	(erf) = vpow2.f32 v47  }
0x75: {  	v15 =	vsub.f32 v15, v14;
	v20 =	vmul.f32 v20, v1;
	(erf) = vpow2.f32 v33  }
0x76: {  	v13 =	vsub.f32 v13, v14;
	v18 =	vmul.f32 v18, v1;
	v17 =	vmul.f32 v17, v1  }
0x77: {  	v16 =	vmul.f32 v16, v1;
	v15 =	vmul.f32 v15, v1  }
0x78: {  	v62 =	vsub.f32 v37, v14;
	v13 =	vmul.f32 v13, v1;
	v61 =	vmul.f32 $1.442695020e+00, v59  }
0x79: {  	v28 =	vmul.f32 $1.442695020e+00, v28;
	v27 =	vmul.f32 $1.442695020e+00, v27  }
0x7a: {  	v42 =	vmul.f32 v62, v1;
	v45 =	vadd.f32 $0.0e+00, v43;
	v33 =	vmul.f32 $1.442695020e+00, v56  }
0x7b: {  	v26 =	vmul.f32 $1.442695020e+00, v26;
	v24 =	vmul.f32 $1.442695020e+00, v24;
	v54 =	vpop (erf)  }
0x7c: {  	v60 =	vpop (erf);
	(erf) = vpow2.f32 v33;
	v33 =	vmul.f32 $1.442695020e+00, v42  }
0x7d: {  	v25 =	vmul.f32 $1.442695020e+00, v25;
	v44 =	vadd.f32 v43, v43;
	v41 =	vpop (erf);
	(erf) = vpow2.f32 v61  }
0x7e: {  	v23 =	vmul.f32 $1.442695020e+00, v23;
	v49 =	vadd.f32 v45, v46;
	v45 =	vpop (erf);
	(erf) = vpow2.f32 v33  }
0x7f: {  	v31 =	vmul.f32 $8.000000000e+00, v43;
	v32 =	vsub.f32 $0.0e+00, v44;
	v44 =	vsub.f32 v38, v14  }
0x80: {  	v22 =	vmul.f32 $1.442695020e+00, v22;
	v21 =	vmul.f32 $1.442695020e+00, v21  }
0x81: {  	v48 =	vadd.f32 $0.0e+00, v31;
	v31 =	vadd.f32 v49, v54;
	v47 =	vmul.f32 v44, v1  }
0x82: {  	v19 =	vmul.f32 $1.442695020e+00, v19;
	v51 =	vadd.f32 v46, v46;
	v52 =	vmul.f32 $5.000000000e+00, v46  }
0x83: {  	v53 =	vsub.f32 v32, v46;
	v31 =	vadd.f32 v31, v60;
	v33 =	vmul.f32 $1.442695020e+00, v47  }
0x84: {  	v32 =	vsub.f32 v32, v51;
	v55 =	vmul.f32 $0.0e+00, v54;
	v58 =	vadd.f32 v54, v54  }
0x85: {  	v30 =	vadd.f32 v48, v52;
	v31 =	vadd.f32 v31, v41;
	v49 =	vpop (erf);
	(erf) = vpow2.f32 v33  }
0x86: {  	v39 =	vmul.f32 $4.000000000e+00, v54;
	v29 =	vadd.f32 v53, v55;
	v32 =	vsub.f32 v32, v58;
	v51 =	vpop (erf)  }
0x87: {  	v63 =	vadd.f32 v60, v60;
	v31 =	vadd.f32 v31, v45;
	v53 =	vpop (erf);
	(erf) = vpow2.f32 v28  }
0x88: {  	v30 =	vadd.f32 v30, v39;
	v40 =	vmul.f32 $5.000000000e+00, v60;
	v29 =	vadd.f32 v29, v60  }
0x89: {  	v32 =	vsub.f32 v32, v63;
	v31 =	vadd.f32 v31, v49;
	(erf) = vpow2.f32 v27  }
0x8a: {  	v43 =	vadd.f32 v41, v41;
	v30 =	vadd.f32 v30, v40;
	v35 =	vmul.f32 $8.000000000e+00, v41  }
0x8b: {  	v46 =	vadd.f32 v45, v45;
	v31 =	vadd.f32 v31, v51;
	(erf) = vpow2.f32 v26  }
0x8c: {  	v29 =	vadd.f32 v29, v43;
	v32 =	vsub.f32 v32, v43;
	(erf) = vpow2.f32 v24  }
0x8d: {  	v48 =	vmul.f32 $5.000000000e+00, v45;
	v30 =	vadd.f32 v30, v35;
	v31 =	vadd.f32 v31, v53  }
0x8e: {  	v20 =	vmul.f32 $1.442695020e+00, v20;
	v29 =	vsub.f32 v29, v46;
	v32 =	vsub.f32 v32, v45;
	v55 =	vpop (erf)  }
0x8f: {  	v30 =	vadd.f32 v30, v48;
	(erf) = vpow2.f32 v25;
	v57 =	vadd.f32 v31, v55  }
0x90: {  	v18 =	vmul.f32 $1.442695020e+00, v18;
	v29 =	vsub.f32 v29, v49;
	v50 =	vadd.f32 v49, v49;
	v60 =	vpop (erf)  }
0x91: {  	v32 =	vsub.f32 v32, v49;
	(erf) = vpow2.f32 v23;
	v63 =	vadd.f32 v57, v60  }
0x92: {  	v52 =	vmul.f32 $0.0e+00, v51;
	v30 =	vadd.f32 v30, v50;
	v34 =	vpop (erf);
	(erf) = vpow2.f32 v22  }
0x93: {  	v17 =	vmul.f32 $1.442695020e+00, v17;
	v32 =	vsub.f32 v32, v51;
	v25 =	vadd.f32 v63, v34  }
0x94: {  	v16 =	vmul.f32 $1.442695020e+00, v16;
	v54 =	vadd.f32 v53, v53;
	v29 =	vadd.f32 v29, v52;
	v36 =	vpop (erf)  }
0x95: {  	v30 =	vadd.f32 v30, v51;
	v38 =	vpop (erf);
	(erf) = vpow2.f32 v21;
	v25 =	vadd.f32 v25, v36  }
0x96: {  	v15 =	vmul.f32 $1.442695020e+00, v15;
	v29 =	vadd.f32 v29, v53;
	v56 =	vadd.f32 v55, v55  }
0x97: {  	v32 =	vsub.f32 v32, v53;
	(erf) = vpow2.f32 v19;
	v40 =	vadd.f32 v25, v38  }
0x98: {  	v13 =	vmul.f32 $1.442695020e+00, v13;
	v28 =	vadd.f32 v30, v54;
	v29 =	vadd.f32 v29, v56;
	v41 =	vpop (erf)  }
0x99: {  	v61 =	vadd.f32 v60, v60;
	(erf) = vpow2.f32 v20;
	v42 =	vadd.f32 v40, v41  }
0x9a: {  	v58 =	vmul.f32 $5.000000000e+00, v55;
	v59 =	vsub.f32 v32, v55;
	v62 =	vmul.f32 $0.0e+00, v60;
	v44 =	vpop (erf)  }
0x9b: {  	v24 =	vsub.f32 v29, v61;
	v45 =	vpop (erf);
	(erf) = vpow2.f32 v18;
	v19 =	vadd.f32 v42, v44  }
0x9c: {  	v37 =	vmul.f32 $0.0e+00, v34;
	v26 =	vadd.f32 v59, v62;
	v39 =	vmul.f32 $0.0e+00, v36  }
0x9d: {  	v35 =	vsub.f32 v24, v34;
	(erf) = vpow2.f32 v17;
	v19 =	vadd.f32 v19, v45  }
0x9e: {  	v28 =	vadd.f32 v28, v58;
	v32 =	vmul.f32 $4.000000000e+00, v60;
	v43 =	vadd.f32 v26, v37;
	v49 =	vpop (erf)  }
0x9f: {  	v22 =	vadd.f32 v35, v39;
	(erf) = vpow2.f32 v16;
	v50 =	vadd.f32 v19, v49  }
0xa0: {  	v48 =	vmul.f32 $0.0e+00, v38;
	v46 =	vadd.f32 v43, v39;
	v51 =	vadd.f32 v41, v41;
	v53 =	vpop (erf)  }
0xa1: {  	v47 =	vadd.f32 v22, v38;
	(erf) = vpow2.f32 v15;
	v16 =	vadd.f32 v50, v53  }
0xa2: {  	v52 =	vmul.f32 $0.0e+00, v41;
	v54 =	vadd.f32 v44, v44;
	v17 =	vadd.f32 v46, v48;
	v55 =	vpop (erf)  }
0xa3: {  	v14 =	vadd.f32 v47, v51;
	(erf) = vpow2.f32 v13;
	v16 =	vadd.f32 v16, v55  }
0xa4: {  	v33 =	vadd.f32 v28, v32;
	v17 =	vadd.f32 v17, v52;
	v56 =	vpop (erf)  }
0xa5: {  	v14 =	vsub.f32 v14, v54;
	v16 =	vadd.f32 v16, v56  }
0xa6: {  	v57 =	vadd.f32 v33, v34;
	v58 =	vadd.f32 v17, v44;
	v59 =	vpop (erf)  }
0xa7: {  	v60 =	vmul.f32 $0.0e+00, v49;
	v14 =	vsub.f32 v14, v45;
	v16 =	vadd.f32 v16, v59  }
0xa8: {  	v19 =	vadd.f32 v57, v39;
	v15 =	vadd.f32 v58, v45;
	v61 =	vpop (erf)  }
0xa9: {  	v14 =	vadd.f32 v14, v60;
	v16 =	vadd.f32 v16, v61  }
0xaa: {  	v30 =	vadd.f32 v55, v55;
	v15 =	vadd.f32 v15, v49;
	v63 =	vpop (erf)  }
0xab: {  	v14 =	vadd.f32 v14, v53;
	v16 =	vadd.f32 v16, v63  }
0xac: {  	v32 =	vadd.f32 v56, v56;
	v15 =	vadd.f32 v15, v53;
	v31 =	vpop (erf)  }
0xad: {  	v14 =	vadd.f32 v14, v30;
	v16 =	vadd.f32 v16, v31  }
0xae: {  	v62 =	vmul.f32 $4.000000000e+00, v41;
	v34 =	vadd.f32 v45, v45;
	v15 =	vadd.f32 v15, v55  }
0xaf: {  	v19 =	vadd.f32 v19, v38;
	v14 =	vsub.f32 v14, v32;
	(erf) = vrcp.f32 v16  }
0xb0: {  	v24 =	vmul.f32 $5.000000000e+00, v44;
	v33 =	vadd.f32 v59, v59;
	v15 =	vadd.f32 v15, v32  }
0xb1: {  	v19 =	vadd.f32 v19, v62;
	v35 =	vmul.f32 $0.0e+00, v61;
	v14 =	vsub.f32 v14, v59  }
0xb2: {  	v36 =	vadd.f32 v61, v61;
	v15 =	vadd.f32 v15, v33  }
0xb3: {  	v19 =	vadd.f32 v19, v24;
	v14 =	vadd.f32 v14, v35  }
0xb4: {  	v37 =	vadd.f32 v63, v63;
	v15 =	vadd.f32 v15, v36  }
0xb5: {  	v38 =	vadd.f32 v31, v31;
	v14 =	vadd.f32 v14, v63  }
0xb6: {  	v19 =	vadd.f32 v19, v34;
	v15 =	vadd.f32 v15, v37  }
0xb7: {  	v40 =	vadd.f32 v53, v53;
	v14 =	vadd.f32 v14, v38  }
0xb8: {  	v11 =	vcvt.s32.f32 v11;
	v39 =	vadd.f32 v19, v49;
	v15 =	vadd.f32 v15, v38;
	v41 =	vpop (erf)  }
0xb9: {  	v12 =	vcvt.s32.f32 v12;
	v14 =	vmul.f32 v41, v14  }
0xba: {  	v18 =	vmul.f32 $5.000000000e+00, v55;
	v16 =	vadd.f32 v39, v40;
	v15 =	vmul.f32 v41, v15  }
0xbb: {  	v12 =	vadd.f32 v12, v14  }
0xbc: {  	v13 =	vmul.f32 $8.000000000e+00, v56;
	v16 =	vadd.f32 v16, v18;
	v11 =	vadd.f32 v11, v15  }
0xbd: {  	v12 =	vmul.f32 v12, v3  }
0xbe: {  	v42 =	vmul.f32 $5.000000000e+00, v59;
	v13 =	vadd.f32 v16, v13;
	v11 =	vmul.f32 v11, v3  }
0xbf: {  	v12 =	vadd.f32 v12, v12  }
0xc0: {  	v43 =	vmul.f32 $4.000000000e+00, v61;
	v13 =	vadd.f32 v13, v42;
	v11 =	vadd.f32 v11, v11  }
0xc1: {  	v12 =	vadd.f32 $-1.000000000e+00, v12  }
0xc2: {  	v44 =	vmul.f32 $5.000000000e+00, v63;
	v13 =	vadd.f32 v13, v43;
	v11 =	vadd.f32 $-1.000000000e+00, v11  }
0xc3: {  	v45 =	vadd.f32 $1.000000000e+00, v12  }
0xc4: {  	v46 =	vmul.f32 $8.000000000e+00, v31;
	v13 =	vadd.f32 v13, v44;
	v47 =	vadd.f32 $1.000000000e+00, v11  }
0xc5: {  	v14 =	vmul.f32 v14, v14;
	v17 =	vmul.f32 v45, v7  }
0xc6: {  	v13 =	vadd.f32 v13, v46;
	v15 =	vmul.f32 v15, v15;
	v48 =	vmul.f32 v47, v7  }
0xc7: {  	v17 =	vmul.f32 $5.110000000e+02, v17  }
0xc8: {  	v13 =	vmul.f32 v41, v13;
	v14 =	vadd.f32 v15, v14;
	v49 =	vmul.f32 $5.110000000e+02, v48  }
0xc9: {  	v50 =	vtrunc.f32 v17  }
0xca: {  	v13 =	vsub.f32 v13, v14;
	v52 =	vtrunc.f32 v49;
	v51 =	vcvt.f32.s32 v50  }
0xcb: {  	vm10 =	vlt.f32 v17, v50;
	v53 =	vcvt.f32.s32 v52;
	vm11 =	vlt.f32 v49, v52  }
0xcc: {  	v54 =	vsel vm10, $0xFFFFFFFF, v10;
	v55 =	vsel vm11, $0xFFFFFFFF, v10  }
0xcd: {  	v13 =	vmul.f32 $2.500000000e-01, v13;
	v14 =	vadd.s32 v51, v54;
	v16 =	vadd.s32 v53, v55  }
0xce: {  	vm12 =	vgt.s32 v14, $0x0;
	vm13 =	vgt.s32 v16, $0x0;
	v56 =	vadd.s32 $0x1, v16  }
0xcf: {  	[tilespmem:s24+$0xF000] =	vst v11;
	v11 =	vadd.s32 $0x1, v14;
	v57 =	vnsel vm12, $0x0, v14;
	v16 =	vnsel vm13, $0x0, v16  }
0xd0: {  	[tilespmem:s24+$0xF400] =	vst v13;
	vm14 =	vgt.s32 v56, $0x0;
	vm15 =	vgt.s32 v11, $0x0;
	v59 =	vmin.u32 v16, $0x1FF  }
0xd1: {  	[tilespmem:s24+$0xEC00] =	vst v12;
	v58 =	vmin.u32 v57, $0x1FF;
	v60 =	vnsel vm14, $0x0, v56;
	v13 =	vshll.u32 v59, $0x9  }
0xd2: {  	p0 =	sne.s32 s23, $0xFC0;
	[tilespmem:s24+$0xFC00] =	vst v17;
	v11 =	vnsel vm15, $0x0, v11;
	v61 =	vmin.u32 v60, $0x1FF;
	v13 =	vor.u32 v0, v13  }
.Ltmp1:
0xd3: {  	[tilespmem:s24+$0x10000] =	vst v49;
	v11 =	vmin.u32 v11, $0x1FF;
	v14 =	vshll.u32 v61, $0x9;
	v62 =	vor.u32 v58, v13;
	(pc) =	sbr.rel @p0 .LBB2_4-.Ltmp1, $4  }
0xd4: {  	v14 =	vor.u32 v0, v14;
	v63 =	vor.u32 v11, v13;
	[tilespmem:s24+$0xCC00] =	vst v62  }
0xd5: {  	v12 =	vor.u32 v58, v14;
	[tilespmem:s24+$0xD400] =	vst v63  }
0xd6: {  	v11 =	vor.u32 v11, v14;
	[tilespmem:s24+$0xD000] =	vst v12  }
0xd7: {  	s22 =	sadd.s32 $0x10, s22;
	s23 =	sadd.s32 $0x40, s23;
	[tilespmem:s24+$0xD800] =	vst v11  }
0xd8: {  	s22 =	simm.s32 $0xDC00  }
0xd9: {  	[tilespmem:s22], [sflag:$0x1] =	stream.indirect.gather [hbm4b:s3+s15], $0x1, s16, s15, $0xb8;
	[tilespmem:$0x10400] =	vst v63  }
0xda: {  	_ =	swait.ge [sflag:s14], $0x1000  }
0xdb: {  	[sflag:s14] =	ssyncset.done $0x0  }
0xdc: {  	s23 =	simm.s32 $0x10000;
	[sflag:s14] =	ssyncadd.s32 $0xFFFFF000  }
0xdd: {  	s24 =	simm.s32 $0xFC00;
	v11 =	vld [tilespmem:s23+$0x0]  }
0xde: {  	v12 =	vld [tilespmem:s24+$0x0];
	_ =	sdelay $0x3  }
0xdf: {  	v13 =	vtrunc.f32 v11  }
0xe0: {  	v14 =	vtrunc.f32 v12;
	v15 =	vcvt.f32.s32 v13  }
0xe1: {  	v16 =	vcvt.f32.s32 v14;
	vm0 =	vlt.f32 v12, v14;
	vm1 =	vlt.f32 v11, v13  }
0xe2: {  	v13 =	vsel vm0, $0xFFFFFFFF, v10;
	v14 =	vsel vm1, $0xFFFFFFFF, v10  }
0xe3: {  	v13 =	vadd.s32 v16, v13;
	v14 =	vadd.s32 v15, v14  }
0xe4: {  	v13 =	vcvt.s32.f32 v13;
	v14 =	vcvt.s32.f32 v14  }
0xe5: {  	s31 =	simm.s32 $0x0  }
0xe6: {  	v17 =	vld [tilespmem:s22+$0x0];
	s23 =	sand.u32 $0x3F0, s31;
	v15 =	vadd.f32 $1.000000000e+00, v13;
	v63 =	vadd.f32 $1.000000000e+00, v14  }
0xe7: {  	v18 =	vld [tilespmem:s23+$0xE000];
	v14 =	vsub.f32 v11, v14  }
0xe8: {  	v15 =	vsub.f32 v15, v12;
	v11 =	vsub.f32 v63, v11  }
0xe9: {  	v12 =	vsub.f32 v12, v13;
	v13 =	vld [tilespmem:s23+$0xE400]  }
0xea: {  	v16 =	vmul.f32 v11, v15;
	v15 =	vmul.f32 v14, v15  }
0xeb: {  	v19 =	vld [tilespmem:s23+$0xE800];
	v11 =	vmul.f32 v11, v12  }
0xec: {  	v16 =	vmul.f32 v16, v17;
	v15 =	vmul.f32 v15, v18;
	_ =	sdelay $0x1  }
0xed: {  	v12 =	vmul.f32 v14, v12;
	v11 =	vmul.f32 v11, v13;
	v15 =	vadd.f32 v16, v15;
	_ =	sdelay $0x1  }
0xee: {  	v12 =	vmul.f32 v12, v19;
	v11 =	vadd.f32 v15, v11;
	_ =	sdelay $0x1  }
0xef: {  	v11 =	vadd.f32 v11, v12  }
0xf0: {  	s23 =	simm.s32 $0xF800  }
0xf1: {  	s25 =	simm.s32 $0x10010;
	[tilespmem:s23+$0x0] =	vst v11  }
0xf2: {  	s26 =	simm.s32 $0xFC10;
	v11 =	vld [tilespmem:s25+$0x0]  }
0xf3: {  	s28 =	simm.s32 $0x20;
	s24 =	simm.s32 $0x10;
	v12 =	vld [tilespmem:s26+$0x0]  }
.LBB2_6:
0xf4: {  	p0 =	sne.s32 s28, $0x3F0;
	_ =	sdelay $0x2  }
0xf5: {  	v13 =	vtrunc.f32 v11  }
0xf6: {  	v14 =	vtrunc.f32 v12;
	v15 =	vcvt.f32.s32 v13  }
0xf7: {  	vm1 =	vlt.f32 v11, v13;
	v16 =	vcvt.f32.s32 v14;
	vm0 =	vlt.f32 v12, v14  }
0xf8: {  	v14 =	vsel vm1, $0xFFFFFFFF, v10;
	v13 =	vsel vm0, $0xFFFFFFFF, v10  }
0xf9: {  	v14 =	vadd.s32 v15, v14;
	v13 =	vadd.s32 v16, v13  }
0xfa: {  	v14 =	vcvt.s32.f32 v14;
	v13 =	vcvt.s32.f32 v13  }
0xfb: {  	s22 =	sadd.s32 $0x10, s22  }
0xfc: {  	s29 =	sand.u32 $0x3F0, s24;
	s24 =	smov.u32 s28;
	v16 =	vadd.f32 $1.000000000e+00, v14;
	v15 =	vadd.f32 $1.000000000e+00, v13;
	v17 =	vld [tilespmem:s22+$0x0]  }
0xfd: {  	v14 =	vsub.f32 v11, v14;
	v18 =	vld [tilespmem:s29+$0xE000]  }
0xfe: {  	v11 =	vsub.f32 v16, v11;
	v15 =	vsub.f32 v15, v12  }
0xff: {  	v12 =	vsub.f32 v12, v13;
	v13 =	vld [tilespmem:s29+$0xE400]  }
0x100: {  	v16 =	vmul.f32 v11, v15;
	v15 =	vmul.f32 v14, v15  }
0x101: {  	v11 =	vmul.f32 v11, v12;
	v19 =	vld [tilespmem:s29+$0xE800]  }
0x102: {  	v16 =	vmul.f32 v16, v17;
	v15 =	vmul.f32 v15, v18;
	_ =	sdelay $0x1  }
0x103: {  	v12 =	vmul.f32 v14, v12;
	v15 =	vadd.f32 v16, v15;
	v11 =	vmul.f32 v11, v13;
	_ =	sdelay $0x1  }
0x104: {  	v11 =	vadd.f32 v15, v11;
	v12 =	vmul.f32 v12, v19;
	_ =	sdelay $0x1  }
.Ltmp2:
0x105: {  	v11 =	vadd.f32 v11, v12;
	(pc) =	sbr.rel @p0 .LBB2_6-.Ltmp2, $4  }
0x106: {  	s23 =	sadd.s32 $0x10, s23  }
0x107: {  	s25 =	sadd.s32 $0x10, s25;
	[tilespmem:s23+$0x0] =	vst v11  }
0x108: {  	s26 =	sadd.s32 $0x10, s26;
	v11 =	vld [tilespmem:s25+$0x0]  }
0x109: {  	s28 =	sadd.s32 $0x10, s28;
	v12 =	vld [tilespmem:s26+$0x0]  }
0x10a: {  	_ =	sdelay $0x2  }
0x10b: {  	v13 =	vtrunc.f32 v11  }
0x10c: {  	v14 =	vtrunc.f32 v12;
	v15 =	vcvt.f32.s32 v13  }
0x10d: {  	vm1 =	vlt.f32 v11, v13;
	v16 =	vcvt.f32.s32 v14;
	vm0 =	vlt.f32 v12, v14  }
0x10e: {  	v59 =	vsel vm1, $0xFFFFFFFF, v10;
	v58 =	vsel vm0, $0xFFFFFFFF, v10  }
0x10f: {  	v14 =	vadd.s32 v15, v59;
	v13 =	vadd.s32 v16, v58  }
0x110: {  	v14 =	vcvt.s32.f32 v14;
	v13 =	vcvt.s32.f32 v13  }
0x111: {  	s22 =	sadd.s32 $0x10, s22  }
0x112: {  	s30 =	sand.u32 $0x3F0, s24;
	v17 =	vld [tilespmem:s22+$0x0];
	v61 =	vadd.f32 $1.000000000e+00, v14;
	v60 =	vadd.f32 $1.000000000e+00, v13  }
0x113: {  	v18 =	vld [tilespmem:s30+$0xE000];
	v14 =	vsub.f32 v11, v14  }
0x114: {  	v11 =	vsub.f32 v61, v11;
	v15 =	vsub.f32 v60, v12  }
0x115: {  	v63 =	vld [tilespmem:s30+$0xE400];
	v62 =	vsub.f32 v12, v13  }
0x116: {  	v16 =	vmul.f32 v11, v15;
	v15 =	vmul.f32 v14, v15  }
0x117: {  	v19 =	vld [tilespmem:s30+$0xE800];
	v11 =	vmul.f32 v11, v62  }
0x118: {  	v16 =	vmul.f32 v16, v17;
	v15 =	vmul.f32 v15, v18;
	_ =	sdelay $0x1  }
0x119: {  	v12 =	vmul.f32 v14, v62;
	v11 =	vmul.f32 v11, v63;
	v15 =	vadd.f32 v16, v15;
	_ =	sdelay $0x1  }
0x11a: {  	v12 =	vmul.f32 v12, v19;
	v11 =	vadd.f32 v15, v11;
	_ =	sdelay $0x1  }
0x11b: {  	v11 =	vadd.f32 v11, v12  }
0x11c: {  	s31 =	sadd.s32 $0x10, s23  }
0x11d: {  	[tilespmem:s31+$0x0] =	vst v11  }
0x11e: {  	[hbm4b:s6+s1] =	stream.linear.scatter [tilespmem:s17], [sflag:$0x2], $0x400, $0x38;
	[tilespmem:$0x10400] =	vst v63  }
0x11f: {  	_ =	swait.ge [sflag:s10], $0x400  }
0x120: {  	[sflag:s10] =	ssyncset.done $0x0  }
0x121: {  	[sflag:s10] =	ssyncadd.s32 $0xFFFFFC00  }
0x122: {  	[hbm4b:s7+s1] =	stream.linear.scatter [tilespmem:s18], [sflag:$0x2], $0x400, $0x38;
	[tilespmem:$0x10400] =	vst v63  }
0x123: {  	_ =	swait.ge [sflag:s10], $0x400  }
0x124: {  	[sflag:s10] =	ssyncset.done $0x0  }
0x125: {  	[sflag:s10] =	ssyncadd.s32 $0xFFFFFC00  }
0x126: {  	[hbm4b:s8+s1] =	stream.linear.scatter [tilespmem:s19], [sflag:$0x2], $0x400, $0x38;
	[tilespmem:$0x10400] =	vst v63  }
0x127: {  	s21 =	sadd.s32 $0x1, s21;
	_ =	swait.ge [sflag:s10], $0x400  }
0x128: {  	p0 =	sne.s32 s21, s9;
	[sflag:s10] =	ssyncset.done $0x0  }
.Ltmp3:
0x129: {  	[sflag:s10] =	ssyncadd.s32 $0xFFFFFC00;
	(pc) =	sbr.rel @p0 .LBB2_1-.Ltmp3, $4  }
0x12a: {  	[hbm4b:s4+s1] =	stream.linear.scatter [tilespmem:s20], [sflag:$0x2], $0x400, $0x38;
	[tilespmem:$0x10400] =	vst v63  }
0x12b: {  	_ =	swait.ge [sflag:s10], $0x400  }
0x12c: {  	[sflag:s10] =	ssyncset.done $0x0  }
0x12d: {  	[sflag:s10] =	ssyncadd.s32 $0xFFFFFC00  }
0x12e: {  	_ =	sfence.sel $0x180000  }
0x12f: {  	[bflag:$0x0] =	sbarrier.arrive $0xFFFF  }
0x130: {  	p0 =	sne.s32 s2, $0x0;
	_ =	strace $0x9000004D  }
0x131: {  	s0 =	sadd.s32 @!p0 $0x100000, s0;
	[bflag:$0x2] =	sbarrier.arrive $0xFFFF  }
0x132: {  	[sflag:s0] =	ssyncadd.tile.s32 @!p0 $0x1;
	_ =	shalt  }
.Lfunc_end2:
_tile_overlayer_lowered:
.L_overlay_start_2:
0x133: {  	(tag) =	ssettag $0x2  }
0x134: {  	s0 =	rddreg [dreg:$0x0];
	s2 =	stileid.u32  }
0x135: {  	s1 =	rddreg [dreg:$0x1];
	p0 =	sne.s32 s2, $0x0  }
0x136: {  	s3 =	rddreg [dreg:$0x2];
	[bflag:$0x3] =	sbarrier.arrive $0xFFFF;
	s2 =	simm.s32 @!p0 $0x1C02  }
0x137: {  	[timem:s3], [sflag:s2] =	dma.local @!p0 [hbm:s0], s1  }
0x138: {  	s0 =	simm.s32 @!p0 $0x2  }
0x139: {  	_ =	swait.ge @!p0 [sflag:s0], s1  }
0x13a: {  	s1 =	ssub.s32 @!p0 $0x0, s1;
	[sflag:s0] =	ssyncset.done @!p0 $0x0  }
0x13b: {  	[sflag:s0] =	ssyncadd.s32 @!p0 s1  }
0x13c: {  	[bflag:$0x3] =	sbarrier.arrive $0xFFFF  }
0x13d: {  	_ =	shalt  }

</sc_bundles>
